<compile_context>
chip_gen: v7x
topology: tpu7x:2x2x1
jax: 0.10.2.dev20260603
libtpu: 0.0.44.dev20260713+nightly
codegen_flags: <defaults>
</compile_context>

<pallas_src>
import functools

import jax
import jax.numpy as jnp
from jax import lax
from jax.experimental import pallas as pl
from jax.experimental.pallas import tpu as pltpu
from jax.experimental.pallas import tpu_sc as plsc

_BATCH = 16384
_DIM = 32
_V = 1000000
_NW = 32
_CW = _BATCH // _NW
_H = _CW // 2
_ROWS = _V * _DIM // 128

_mesh = plsc.VectorSubcoreMesh(core_axis_name="c", subcore_axis_name="s")


@functools.partial(
    pl.kernel,
    mesh=_mesh,
    out_type=jax.ShapeDtypeStruct((2 * _DIM * _BATCH,), jnp.float32),
    compiler_params=pltpu.CompilerParams(needs_layout_passes=False),
    scratch_types=[
        pltpu.VMEM((_CW,), jnp.int32),
        pltpu.VMEM((_H,), jnp.int32),
        pltpu.VMEM((_H, 128), jnp.float32),
        pltpu.VMEM((_H, 128), jnp.float32),
        pltpu.VMEM((_DIM * _H,), jnp.float32),
        pltpu.VMEM((_DIM * _H,), jnp.float32),
        pltpu.SemaphoreType.DMA,
    ],
)
def _rotate_lookup(re2d, im2d, idx, out, idx_c, row_v, rre, rim, vre, vim,
                   sem):
    wid = lax.axis_index("s") * 2 + lax.axis_index("c")
    c0 = wid * _CW
    pltpu.sync_copy(idx.at[pl.ds(c0, _CW)], idx_c)
    slot16 = lax.iota(jnp.int32, 16)
    for h in range(2):
        hb = h * _H
        for g in range(_H // 16):
            iv = idx_c[pl.ds(hb + g * 16, 16)]
            row_v[pl.ds(g * 16, 16)] = lax.shift_right_logical(iv, 2)
        c1 = pltpu.async_copy(re2d.at[row_v], rre, sem)
        c2 = pltpu.async_copy(im2d.at[row_v], rim, sem)
        c1.wait()
        c2.wait()

        def _extract(g, _):
            iv = idx_c[pl.ds(hb + g * 16, 16)]
            lane0 = (iv & 3) * _DIM
            rows = slot16 + g * 16
            for f in range(_DIM):
                lanes = lane0 + f
                vre[pl.ds(f * _H + g * 16, 16)] = plsc.load_gather(
                    rre, [rows, lanes])
                vim[pl.ds(f * _H + g * 16, 16)] = plsc.load_gather(
                    rim, [rows, lanes])
            return ()

        lax.fori_loop(0, _H // 16, _extract, ())
        for f in range(_DIM):
            pltpu.sync_copy(vre.at[pl.ds(f * _H, _H)],
                            out.at[pl.ds(f * _BATCH + c0 + hb, _H)])
            pltpu.sync_copy(vim.at[pl.ds(f * _H, _H)],
                            out.at[pl.ds((_DIM + f) * _BATCH + c0 + hb, _H)])


def kernel(entity_idx, ent_re, ent_im):
    idx = entity_idx.astype(jnp.int32)
    re2d = ent_re.reshape(_ROWS, 128)
    im2d = ent_im.reshape(_ROWS, 128)
    out = _rotate_lookup(re2d, im2d, idx)
    return out.reshape(2 * _DIM, _BATCH).T

# --- scband reference (transcript-rebuilt; emitter-appended) ---
"""Pipeline reference for scband-rotat-emodel-66580583023038 (READ-ONLY COPY).

The authoritative reference and input builder live on the scoring server;
editing this copy changes nothing except your own understanding.
"""

import jax, jax.numpy as jnp
import numpy as np

NUM_ENTITIES = 1000000
EMBED_DIM = 32
BATCH = 16384

def _xavier(key, shape):
    fan_in, fan_out = shape[1], shape[0]
    limit = float(np.sqrt(6.0 / (fan_in + fan_out)))
    return jax.random.uniform(key, shape, dtype=jnp.float32, minval=-limit, maxval=limit)

def setup_inputs(seed: int = 0) -> dict:
    key = jax.random.key(seed)
    k1, k2, k3 = jax.random.split(key, 3)
    entity_idx = jax.random.randint(k1, (BATCH,), 0, NUM_ENTITIES, dtype=jnp.int64) if jax.config.jax_enable_x64 else jax.random.randint(k1, (BATCH,), 0, NUM_ENTITIES, dtype=jnp.int32)
    ent_re = _xavier(k2, (NUM_ENTITIES, EMBED_DIM))
    ent_im = _xavier(k3, (NUM_ENTITIES, EMBED_DIM))
    return {"entity_idx": entity_idx, "ent_re": ent_re, "ent_im": ent_im}

def reference(entity_idx, ent_re, ent_im):
    # RotatE entity embedding lookup: gather real and imaginary parts, concat.
    re = jnp.take(ent_re, entity_idx, axis=0)
    im = jnp.take(ent_im, entity_idx, axis=0)
    return jnp.concatenate([re, im], axis=-1)

if __name__ == "__main__":
    import jax
    _d = setup_inputs()
    print(jax.jit(kernel)(*tuple(_d.values())))

</pallas_src>

<mosaic_0001>
#map = affine_map<(d0, d1) -> (0, 0)>
#map1 = affine_map<(d0, d1) -> (0)>
module attributes {stable_mosaic.version = 14 : i64} {
  func.func @_rotate_lookup(%arg0: i32, %arg1: i32, %arg2: memref<250000x128xf32, #tpu.memory_space<hbm>>, %arg3: memref<250000x128xf32, #tpu.memory_space<hbm>>, %arg4: memref<16384xi32, #tpu.memory_space<hbm>>, %arg5: memref<1048576xf32, #tpu.memory_space<hbm>>, %arg6: memref<512xi32, #tpu.memory_space<vmem>>, %arg7: memref<256xi32, #tpu.memory_space<vmem>>, %arg8: memref<256x128xf32, #tpu.memory_space<vmem>>, %arg9: memref<256x128xf32, #tpu.memory_space<vmem>>, %arg10: memref<8192xf32, #tpu.memory_space<vmem>>, %arg11: memref<8192xf32, #tpu.memory_space<vmem>>, %arg12: memref<!tpu.dma_semaphore, #tpu.memory_space<semaphore_mem>>) attributes {dimension_semantics = [#tpu.dimension_semantics<core_parallel>, #tpu.dimension_semantics<subcore_parallel>], iteration_bounds = array<i64: 2, 16>, scalar_prefetch = 0 : i64, scratch_operands = 7 : i64, tpu.core_type = #tpu.core_type<sc_vector_subcore>, window_params = [{transform_indices = #map}, {transform_indices = #map}, {transform_indices = #map1}, {transform_indices = #map1}]} {
    %mul3A = arith.constant 2 : i32
    %mul3A_0 = arith.muli %arg1, %mul3A : i32
    %add3A = arith.addi %mul3A_0, %arg0 : i32
    %mul3A_1 = arith.constant 512 : i32
    %mul3A_2 = arith.muli %add3A, %mul3A_1 : i32
    "tpu.region"() ({
      %run_scoped3A = tpu.sem_alloc : memref<!tpu.dma_semaphore, #tpu.memory_space<semaphore_mem>>
      %dma_start3A_767 = tpu.memref_slice %arg4[%mul3A_2] : memref<16384xi32, #tpu.memory_space<hbm>> -> memref<512xi32, #tpu.memory_space<hbm>>
      %dma_start3A_768 = tpu.memref_slice %arg4[%mul3A_2] : memref<16384xi32, #tpu.memory_space<hbm>> -> memref<512xi32, #tpu.memory_space<hbm>>
      tpu.enqueue_dma source(%dma_start3A_768 : memref<512xi32, #tpu.memory_space<hbm>>) target(%arg6 : memref<512xi32, #tpu.memory_space<vmem>>) target_semaphore(%run_scoped3A : memref<!tpu.dma_semaphore, #tpu.memory_space<semaphore_mem>>)
      %dma_wait3A_769 = tpu.memref_slice %arg4[%mul3A_2] : memref<16384xi32, #tpu.memory_space<hbm>> -> memref<512xi32, #tpu.memory_space<hbm>>
      %dma_wait3A_770 = tpu.memref_slice %arg4[%mul3A_2] : memref<16384xi32, #tpu.memory_space<hbm>> -> memref<512xi32, #tpu.memory_space<hbm>>
      tpu.wait_dma2 semaphore(%run_scoped3A : memref<!tpu.dma_semaphore, #tpu.memory_space<semaphore_mem>>) src(%dma_wait3A_770 : memref<512xi32, #tpu.memory_space<hbm>>) dst(%arg6 : memref<512xi32, #tpu.memory_space<vmem>>)
      tpu.yield
    }) : () -> ()
    %iota3A = tpu.iota {dimensions = array<i32: 0>} : vector<16xi32>
    %get3A = arith.constant 0 : index
    %get3A_3 = tpu.vector_load %arg6[%get3A] {strides = array<i32>} : memref<512xi32, #tpu.memory_space<vmem>>, vector<16xi32>,
    %shift_right_logical3A = arith.constant 2 : i32
    %shift_right_logical3A_4 = vector.broadcast %shift_right_logical3A : i32 to vector<16xi32>
    %shift_right_logical3A_5 = arith.shrui %get3A_3, %shift_right_logical3A_4 : vector<16xi32>
    %swap3A = arith.constant 0 : index
    %swap3A_6 = tpu.vector_load %arg7[%swap3A] {strides = array<i32>} : memref<256xi32, #tpu.memory_space<vmem>>, vector<16xi32>,
    tpu.vector_store %arg7[%swap3A], %shift_right_logical3A_5 {strides = array<i32>} : memref<256xi32, #tpu.memory_space<vmem>>, vector<16xi32>,
    %get3A_7 = arith.constant 16 : index
    %get3A_8 = tpu.vector_load %arg6[%get3A_7] {strides = array<i32>} : memref<512xi32, #tpu.memory_space<vmem>>, vector<16xi32>,
    %shift_right_logical3A_9 = arith.constant 2 : i32
    %shift_right_logical3A_10 = vector.broadcast %shift_right_logical3A_9 : i32 to vector<16xi32>
    %shift_right_logical3A_11 = arith.shrui %get3A_8, %shift_right_logical3A_10 : vector<16xi32>
    %swap3A_12 = arith.constant 16 : index
    %swap3A_13 = tpu.vector_load %arg7[%swap3A_12] {strides = array<i32>} : memref<256xi32, #tpu.memory_space<vmem>>, vector<16xi32>,
    tpu.vector_store %arg7[%swap3A_12], %shift_right_logical3A_11 {strides = array<i32>} : memref<256xi32, #tpu.memory_space<vmem>>, vector<16xi32>,
    %get3A_14 = arith.constant 32 : index
    %get3A_15 = tpu.vector_load %arg6[%get3A_14] {strides = array<i32>} : memref<512xi32, #tpu.memory_space<vmem>>, vector<16xi32>,
    %shift_right_logical3A_16 = arith.constant 2 : i32
    %shift_right_logical3A_17 = vector.broadcast %shift_right_logical3A_16 : i32 to vector<16xi32>
    %shift_right_logical3A_18 = arith.shrui %get3A_15, %shift_right_logical3A_17 : vector<16xi32>
    %swap3A_19 = arith.constant 32 : index
    %swap3A_20 = tpu.vector_load %arg7[%swap3A_19] {strides = array<i32>} : memref<256xi32, #tpu.memory_space<vmem>>, vector<16xi32>,
    tpu.vector_store %arg7[%swap3A_19], %shift_right_logical3A_18 {strides = array<i32>} : memref<256xi32, #tpu.memory_space<vmem>>, vector<16xi32>,
    %get3A_21 = arith.constant 48 : index
    %get3A_22 = tpu.vector_load %arg6[%get3A_21] {strides = array<i32>} : memref<512xi32, #tpu.memory_space<vmem>>, vector<16xi32>,
    %shift_right_logical3A_23 = arith.constant 2 : i32
    %shift_right_logical3A_24 = vector.broadcast %shift_right_logical3A_23 : i32 to vector<16xi32>
    %shift_right_logical3A_25 = arith.shrui %get3A_22, %shift_right_logical3A_24 : vector<16xi32>
    %swap3A_26 = arith.constant 48 : index
    %swap3A_27 = tpu.vector_load %arg7[%swap3A_26] {strides = array<i32>} : memref<256xi32, #tpu.memory_space<vmem>>, vector<16xi32>,
    tpu.vector_store %arg7[%swap3A_26], %shift_right_logical3A_25 {strides = array<i32>} : memref<256xi32, #tpu.memory_space<vmem>>, vector<16xi32>,
    %get3A_28 = arith.constant 64 : index
    %get3A_29 = tpu.vector_load %arg6[%get3A_28] {strides = array<i32>} : memref<512xi32, #tpu.memory_space<vmem>>, vector<16xi32>,
    %shift_right_logical3A_30 = arith.constant 2 : i32
    %shift_right_logical3A_31 = vector.broadcast %shift_right_logical3A_30 : i32 to vector<16xi32>
    %shift_right_logical3A_32 = arith.shrui %get3A_29, %shift_right_logical3A_31 : vector<16xi32>
    %swap3A_33 = arith.constant 64 : index
    %swap3A_34 = tpu.vector_load %arg7[%swap3A_33] {strides = array<i32>} : memref<256xi32, #tpu.memory_space<vmem>>, vector<16xi32>,
    tpu.vector_store %arg7[%swap3A_33], %shift_right_logical3A_32 {strides = array<i32>} : memref<256xi32, #tpu.memory_space<vmem>>, vector<16xi32>,
    %get3A_35 = arith.constant 80 : index
    %get3A_36 = tpu.vector_load %arg6[%get3A_35] {strides = array<i32>} : memref<512xi32, #tpu.memory_space<vmem>>, vector<16xi32>,
    %shift_right_logical3A_37 = arith.constant 2 : i32
    %shift_right_logical3A_38 = vector.broadcast %shift_right_logical3A_37 : i32 to vector<16xi32>
    %shift_right_logical3A_39 = arith.shrui %get3A_36, %shift_right_logical3A_38 : vector<16xi32>
    %swap3A_40 = arith.constant 80 : index
    %swap3A_41 = tpu.vector_load %arg7[%swap3A_40] {strides = array<i32>} : memref<256xi32, #tpu.memory_space<vmem>>, vector<16xi32>,
    tpu.vector_store %arg7[%swap3A_40], %shift_right_logical3A_39 {strides = array<i32>} : memref<256xi32, #tpu.memory_space<vmem>>, vector<16xi32>,
    %get3A_42 = arith.constant 96 : index
    %get3A_43 = tpu.vector_load %arg6[%get3A_42] {strides = array<i32>} : memref<512xi32, #tpu.memory_space<vmem>>, vector<16xi32>,
    %shift_right_logical3A_44 = arith.constant 2 : i32
    %shift_right_logical3A_45 = vector.broadcast %shift_right_logical3A_44 : i32 to vector<16xi32>
    %shift_right_logical3A_46 = arith.shrui %get3A_43, %shift_right_logical3A_45 : vector<16xi32>
    %swap3A_47 = arith.constant 96 : index
    %swap3A_48 = tpu.vector_load %arg7[%swap3A_47] {strides = array<i32>} : memref<256xi32, #tpu.memory_space<vmem>>, vector<16xi32>,
    tpu.vector_store %arg7[%swap3A_47], %shift_right_logical3A_46 {strides = array<i32>} : memref<256xi32, #tpu.memory_space<vmem>>, vector<16xi32>,
    %get3A_49 = arith.constant 112 : index
    %get3A_50 = tpu.vector_load %arg6[%get3A_49] {strides = array<i32>} : memref<512xi32, #tpu.memory_space<vmem>>, vector<16xi32>,
    %shift_right_logical3A_51 = arith.constant 2 : i32
    %shift_right_logical3A_52 = vector.broadcast %shift_right_logical3A_51 : i32 to vector<16xi32>
    %shift_right_logical3A_53 = arith.shrui %get3A_50, %shift_right_logical3A_52 : vector<16xi32>
    %swap3A_54 = arith.constant 112 : index
    %swap3A_55 = tpu.vector_load %arg7[%swap3A_54] {strides = array<i32>} : memref<256xi32, #tpu.memory_space<vmem>>, vector<16xi32>,
    tpu.vector_store %arg7[%swap3A_54], %shift_right_logical3A_53 {strides = array<i32>} : memref<256xi32, #tpu.memory_space<vmem>>, vector<16xi32>,
    %get3A_56 = arith.constant 128 : index
    %get3A_57 = tpu.vector_load %arg6[%get3A_56] {strides = array<i32>} : memref<512xi32, #tpu.memory_space<vmem>>, vector<16xi32>,
    %shift_right_logical3A_58 = arith.constant 2 : i32
    %shift_right_logical3A_59 = vector.broadcast %shift_right_logical3A_58 : i32 to vector<16xi32>
    %shift_right_logical3A_60 = arith.shrui %get3A_57, %shift_right_logical3A_59 : vector<16xi32>
    %swap3A_61 = arith.constant 128 : index
    %swap3A_62 = tpu.vector_load %arg7[%swap3A_61] {strides = array<i32>} : memref<256xi32, #tpu.memory_space<vmem>>, vector<16xi32>,
    tpu.vector_store %arg7[%swap3A_61], %shift_right_logical3A_60 {strides = array<i32>} : memref<256xi32, #tpu.memory_space<vmem>>, vector<16xi32>,
    %get3A_63 = arith.constant 144 : index
    %get3A_64 = tpu.vector_load %arg6[%get3A_63] {strides = array<i32>} : memref<512xi32, #tpu.memory_space<vmem>>, vector<16xi32>,
    %shift_right_logical3A_65 = arith.constant 2 : i32
    %shift_right_logical3A_66 = vector.broadcast %shift_right_logical3A_65 : i32 to vector<16xi32>
    %shift_right_logical3A_67 = arith.shrui %get3A_64, %shift_right_logical3A_66 : vector<16xi32>
    %swap3A_68 = arith.constant 144 : index
    %swap3A_69 = tpu.vector_load %arg7[%swap3A_68] {strides = array<i32>} : memref<256xi32, #tpu.memory_space<vmem>>, vector<16xi32>,
    tpu.vector_store %arg7[%swap3A_68], %shift_right_logical3A_67 {strides = array<i32>} : memref<256xi32, #tpu.memory_space<vmem>>, vector<16xi32>,
    %get3A_70 = arith.constant 160 : index
    %get3A_71 = tpu.vector_load %arg6[%get3A_70] {strides = array<i32>} : memref<512xi32, #tpu.memory_space<vmem>>, vector<16xi32>,
    %shift_right_logical3A_72 = arith.constant 2 : i32
    %shift_right_logical3A_73 = vector.broadcast %shift_right_logical3A_72 : i32 to vector<16xi32>
    %shift_right_logical3A_74 = arith.shrui %get3A_71, %shift_right_logical3A_73 : vector<16xi32>
    %swap3A_75 = arith.constant 160 : index
    %swap3A_76 = tpu.vector_load %arg7[%swap3A_75] {strides = array<i32>} : memref<256xi32, #tpu.memory_space<vmem>>, vector<16xi32>,
    tpu.vector_store %arg7[%swap3A_75], %shift_right_logical3A_74 {strides = array<i32>} : memref<256xi32, #tpu.memory_space<vmem>>, vector<16xi32>,
    %get3A_77 = arith.constant 176 : index
    %get3A_78 = tpu.vector_load %arg6[%get3A_77] {strides = array<i32>} : memref<512xi32, #tpu.memory_space<vmem>>, vector<16xi32>,
    %shift_right_logical3A_79 = arith.constant 2 : i32
    %shift_right_logical3A_80 = vector.broadcast %shift_right_logical3A_79 : i32 to vector<16xi32>
    %shift_right_logical3A_81 = arith.shrui %get3A_78, %shift_right_logical3A_80 : vector<16xi32>
    %swap3A_82 = arith.constant 176 : index
    %swap3A_83 = tpu.vector_load %arg7[%swap3A_82] {strides = array<i32>} : memref<256xi32, #tpu.memory_space<vmem>>, vector<16xi32>,
    tpu.vector_store %arg7[%swap3A_82], %shift_right_logical3A_81 {strides = array<i32>} : memref<256xi32, #tpu.memory_space<vmem>>, vector<16xi32>,
    %get3A_84 = arith.constant 192 : index
    %get3A_85 = tpu.vector_load %arg6[%get3A_84] {strides = array<i32>} : memref<512xi32, #tpu.memory_space<vmem>>, vector<16xi32>,
    %shift_right_logical3A_86 = arith.constant 2 : i32
    %shift_right_logical3A_87 = vector.broadcast %shift_right_logical3A_86 : i32 to vector<16xi32>
    %shift_right_logical3A_88 = arith.shrui %get3A_85, %shift_right_logical3A_87 : vector<16xi32>
    %swap3A_89 = arith.constant 192 : index
    %swap3A_90 = tpu.vector_load %arg7[%swap3A_89] {strides = array<i32>} : memref<256xi32, #tpu.memory_space<vmem>>, vector<16xi32>,
    tpu.vector_store %arg7[%swap3A_89], %shift_right_logical3A_88 {strides = array<i32>} : memref<256xi32, #tpu.memory_space<vmem>>, vector<16xi32>,
    %get3A_91 = arith.constant 208 : index
    %get3A_92 = tpu.vector_load %arg6[%get3A_91] {strides = array<i32>} : memref<512xi32, #tpu.memory_space<vmem>>, vector<16xi32>,
    %shift_right_logical3A_93 = arith.constant 2 : i32
    %shift_right_logical3A_94 = vector.broadcast %shift_right_logical3A_93 : i32 to vector<16xi32>
    %shift_right_logical3A_95 = arith.shrui %get3A_92, %shift_right_logical3A_94 : vector<16xi32>
    %swap3A_96 = arith.constant 208 : index
    %swap3A_97 = tpu.vector_load %arg7[%swap3A_96] {strides = array<i32>} : memref<256xi32, #tpu.memory_space<vmem>>, vector<16xi32>,
    tpu.vector_store %arg7[%swap3A_96], %shift_right_logical3A_95 {strides = array<i32>} : memref<256xi32, #tpu.memory_space<vmem>>, vector<16xi32>,
    %get3A_98 = arith.constant 224 : index
    %get3A_99 = tpu.vector_load %arg6[%get3A_98] {strides = array<i32>} : memref<512xi32, #tpu.memory_space<vmem>>, vector<16xi32>,
    %shift_right_logical3A_100 = arith.constant 2 : i32
    %shift_right_logical3A_101 = vector.broadcast %shift_right_logical3A_100 : i32 to vector<16xi32>
    %shift_right_logical3A_102 = arith.shrui %get3A_99, %shift_right_logical3A_101 : vector<16xi32>
    %swap3A_103 = arith.constant 224 : index
    %swap3A_104 = tpu.vector_load %arg7[%swap3A_103] {strides = array<i32>} : memref<256xi32, #tpu.memory_space<vmem>>, vector<16xi32>,
    tpu.vector_store %arg7[%swap3A_103], %shift_right_logical3A_102 {strides = array<i32>} : memref<256xi32, #tpu.memory_space<vmem>>, vector<16xi32>,
    %get3A_105 = arith.constant 240 : index
    %get3A_106 = tpu.vector_load %arg6[%get3A_105] {strides = array<i32>} : memref<512xi32, #tpu.memory_space<vmem>>, vector<16xi32>,
    %shift_right_logical3A_107 = arith.constant 2 : i32
    %shift_right_logical3A_108 = vector.broadcast %shift_right_logical3A_107 : i32 to vector<16xi32>
    %shift_right_logical3A_109 = arith.shrui %get3A_106, %shift_right_logical3A_108 : vector<16xi32>
    %swap3A_110 = arith.constant 240 : index
    %swap3A_111 = tpu.vector_load %arg7[%swap3A_110] {strides = array<i32>} : memref<256xi32, #tpu.memory_space<vmem>>, vector<16xi32>,
    tpu.vector_store %arg7[%swap3A_110], %shift_right_logical3A_109 {strides = array<i32>} : memref<256xi32, #tpu.memory_space<vmem>>, vector<16xi32>,
    %dma_start3A = arith.constant 0 : i32
    %dma_start3A_112 = arith.constant 0 : i32
    %dma_start3A_113 = tpu.memref_slice %arg2[%dma_start3A, %dma_start3A_112] : memref<250000x128xf32, #tpu.memory_space<hbm>> -> memref<250000x128xf32, #tpu.memory_space<hbm>>
    tpu.enqueue_indirect_dma source(%dma_start3A_113 : memref<250000x128xf32, #tpu.memory_space<hbm>>) target(%arg8 : memref<256x128xf32, #tpu.memory_space<vmem>>) offsets(%arg7 : memref<256xi32, #tpu.memory_space<vmem>>) semaphore(%arg12 : memref<!tpu.dma_semaphore, #tpu.memory_space<semaphore_mem>>)
    %dma_start3A_114 = arith.constant 0 : i32
    %dma_start3A_115 = arith.constant 0 : i32
    %dma_start3A_116 = tpu.memref_slice %arg3[%dma_start3A_114, %dma_start3A_115] : memref<250000x128xf32, #tpu.memory_space<hbm>> -> memref<250000x128xf32, #tpu.memory_space<hbm>>
    tpu.enqueue_indirect_dma source(%dma_start3A_116 : memref<250000x128xf32, #tpu.memory_space<hbm>>) target(%arg9 : memref<256x128xf32, #tpu.memory_space<vmem>>) offsets(%arg7 : memref<256xi32, #tpu.memory_space<vmem>>) semaphore(%arg12 : memref<!tpu.dma_semaphore, #tpu.memory_space<semaphore_mem>>)
    %dma_wait3A = arith.constant 0 : i32
    %dma_wait3A_117 = arith.constant 0 : i32
    %dma_wait3A_118 = tpu.memref_slice %arg2[%dma_wait3A, %dma_wait3A_117] : memref<250000x128xf32, #tpu.memory_space<hbm>> -> memref<250000x128xf32, #tpu.memory_space<hbm>>
    tpu.wait_indirect_dma semaphore(%arg12 : memref<!tpu.dma_semaphore, #tpu.memory_space<semaphore_mem>>) src(%dma_wait3A_118 : memref<250000x128xf32, #tpu.memory_space<hbm>>) dst(%arg8 : memref<256x128xf32, #tpu.memory_space<vmem>>)
    %dma_wait3A_119 = arith.constant 0 : i32
    %dma_wait3A_120 = arith.constant 0 : i32
    %dma_wait3A_121 = tpu.memref_slice %arg3[%dma_wait3A_119, %dma_wait3A_120] : memref<250000x128xf32, #tpu.memory_space<hbm>> -> memref<250000x128xf32, #tpu.memory_space<hbm>>
    tpu.wait_indirect_dma semaphore(%arg12 : memref<!tpu.dma_semaphore, #tpu.memory_space<semaphore_mem>>) src(%dma_wait3A_121 : memref<250000x128xf32, #tpu.memory_space<hbm>>) dst(%arg9 : memref<256x128xf32, #tpu.memory_space<vmem>>)
    %scan3A = arith.constant 0 : i32
    %scan3A_122 = arith.constant 16 : i32
    %scan3A_123 = arith.addi %scan3A, %scan3A_122 : i32
    %scan3A_124 = arith.constant 1 : i32
    scf.for %scan3A_767 = %scan3A to %scan3A_123 step %scan3A_124  : i32 {
      %mul3A_768 = arith.constant 16 : i32
      %mul3A_769 = arith.muli %scan3A_767, %mul3A_768 : i32
      %add3A_770 = arith.constant 0 : i32
      %add3A_771 = arith.addi %add3A_770, %mul3A_769 : i32
      %get3A_772 = arith.index_cast %add3A_771 : i32 to index
      %get3A_773 = tpu.vector_load %arg6[%get3A_772] {strides = array<i32>} : memref<512xi32, #tpu.memory_space<vmem>>, vector<16xi32>,
      %and3A = arith.constant 3 : i32
      %and3A_774 = vector.broadcast %and3A : i32 to vector<16xi32>
      %and3A_775 = arith.andi %get3A_773, %and3A_774 : vector<16xi32>
      %mul3A_776 = arith.constant 32 : i32
      %mul3A_777 = vector.broadcast %mul3A_776 : i32 to vector<16xi32>
      %mul3A_778 = arith.muli %and3A_775, %mul3A_777 : vector<16xi32>
      %mul3A_779 = arith.constant 16 : i32
      %mul3A_780 = arith.muli %scan3A_767, %mul3A_779 : i32
      %add3A_781 = vector.broadcast %mul3A_780 : i32 to vector<16xi32>
      %add3A_782 = arith.addi %iota3A, %add3A_781 : vector<16xi32>
      %add3A_783 = arith.constant 0 : i32
      %add3A_784 = vector.broadcast %add3A_783 : i32 to vector<16xi32>
      %add3A_785 = arith.addi %mul3A_778, %add3A_784 : vector<16xi32>
      %gather3A = tpu.vector_load_idx %arg8[%add3A_782, %add3A_785] : memref<256x128xf32, #tpu.memory_space<vmem>>[vector<16xi32>, vector<16xi32>], vector<16xf32>,
      %mul3A_786 = arith.constant 16 : i32
      %mul3A_787 = arith.muli %scan3A_767, %mul3A_786 : i32
      %add3A_788 = arith.constant 0 : i32
      %add3A_789 = arith.addi %add3A_788, %mul3A_787 : i32
      %swap3A_790 = arith.index_cast %add3A_789 : i32 to index
      %swap3A_791 = tpu.vector_load %arg10[%swap3A_790] {strides = array<i32>} : memref<8192xf32, #tpu.memory_space<vmem>>, vector<16xf32>,
      tpu.vector_store %arg10[%swap3A_790], %gather3A {strides = array<i32>} : memref<8192xf32, #tpu.memory_space<vmem>>, vector<16xf32>,
      %gather3A_792 = tpu.vector_load_idx %arg9[%add3A_782, %add3A_785] : memref<256x128xf32, #tpu.memory_space<vmem>>[vector<16xi32>, vector<16xi32>], vector<16xf32>,
      %mul3A_793 = arith.constant 16 : i32
      %mul3A_794 = arith.muli %scan3A_767, %mul3A_793 : i32
      %add3A_795 = arith.constant 0 : i32
      %add3A_796 = arith.addi %add3A_795, %mul3A_794 : i32
      %swap3A_797 = arith.index_cast %add3A_796 : i32 to index
      %swap3A_798 = tpu.vector_load %arg11[%swap3A_797] {strides = array<i32>} : memref<8192xf32, #tpu.memory_space<vmem>>, vector<16xf32>,
      tpu.vector_store %arg11[%swap3A_797], %gather3A_792 {strides = array<i32>} : memref<8192xf32, #tpu.memory_space<vmem>>, vector<16xf32>,
      %add3A_799 = arith.constant 1 : i32
      %add3A_800 = vector.broadcast %add3A_799 : i32 to vector<16xi32>
      %add3A_801 = arith.addi %mul3A_778, %add3A_800 : vector<16xi32>
      %gather3A_802 = tpu.vector_load_idx %arg8[%add3A_782, %add3A_801] : memref<256x128xf32, #tpu.memory_space<vmem>>[vector<16xi32>, vector<16xi32>], vector<16xf32>,
      %mul3A_803 = arith.constant 16 : i32
      %mul3A_804 = arith.muli %scan3A_767, %mul3A_803 : i32
      %add3A_805 = arith.constant 256 : i32
      %add3A_806 = arith.addi %add3A_805, %mul3A_804 : i32
      %swap3A_807 = arith.index_cast %add3A_806 : i32 to index
      %swap3A_808 = tpu.vector_load %arg10[%swap3A_807] {strides = array<i32>} : memref<8192xf32, #tpu.memory_space<vmem>>, vector<16xf32>,
      tpu.vector_store %arg10[%swap3A_807], %gather3A_802 {strides = array<i32>} : memref<8192xf32, #tpu.memory_space<vmem>>, vector<16xf32>,
      %gather3A_809 = tpu.vector_load_idx %arg9[%add3A_782, %add3A_801] : memref<256x128xf32, #tpu.memory_space<vmem>>[vector<16xi32>, vector<16xi32>], vector<16xf32>,
      %mul3A_810 = arith.constant 16 : i32
      %mul3A_811 = arith.muli %scan3A_767, %mul3A_810 : i32
      %add3A_812 = arith.constant 256 : i32
      %add3A_813 = arith.addi %add3A_812, %mul3A_811 : i32
      %swap3A_814 = arith.index_cast %add3A_813 : i32 to index
      %swap3A_815 = tpu.vector_load %arg11[%swap3A_814] {strides = array<i32>} : memref<8192xf32, #tpu.memory_space<vmem>>, vector<16xf32>,
      tpu.vector_store %arg11[%swap3A_814], %gather3A_809 {strides = array<i32>} : memref<8192xf32, #tpu.memory_space<vmem>>, vector<16xf32>,
      %add3A_816 = arith.constant 2 : i32
      %add3A_817 = vector.broadcast %add3A_816 : i32 to vector<16xi32>
      %add3A_818 = arith.addi %mul3A_778, %add3A_817 : vector<16xi32>
      %gather3A_819 = tpu.vector_load_idx %arg8[%add3A_782, %add3A_818] : memref<256x128xf32, #tpu.memory_space<vmem>>[vector<16xi32>, vector<16xi32>], vector<16xf32>,
      %mul3A_820 = arith.constant 16 : i32
      %mul3A_821 = arith.muli %scan3A_767, %mul3A_820 : i32
      %add3A_822 = arith.constant 512 : i32
      %add3A_823 = arith.addi %add3A_822, %mul3A_821 : i32
      %swap3A_824 = arith.index_cast %add3A_823 : i32 to index
      %swap3A_825 = tpu.vector_load %arg10[%swap3A_824] {strides = array<i32>} : memref<8192xf32, #tpu.memory_space<vmem>>, vector<16xf32>,
      tpu.vector_store %arg10[%swap3A_824], %gather3A_819 {strides = array<i32>} : memref<8192xf32, #tpu.memory_space<vmem>>, vector<16xf32>,
      %gather3A_826 = tpu.vector_load_idx %arg9[%add3A_782, %add3A_818] : memref<256x128xf32, #tpu.memory_space<vmem>>[vector<16xi32>, vector<16xi32>], vector<16xf32>,
      %mul3A_827 = arith.constant 16 : i32
      %mul3A_828 = arith.muli %scan3A_767, %mul3A_827 : i32
      %add3A_829 = arith.constant 512 : i32
      %add3A_830 = arith.addi %add3A_829, %mul3A_828 : i32
      %swap3A_831 = arith.index_cast %add3A_830 : i32 to index
      %swap3A_832 = tpu.vector_load %arg11[%swap3A_831] {strides = array<i32>} : memref<8192xf32, #tpu.memory_space<vmem>>, vector<16xf32>,
      tpu.vector_store %arg11[%swap3A_831], %gather3A_826 {strides = array<i32>} : memref<8192xf32, #tpu.memory_space<vmem>>, vector<16xf32>,
      %add3A_833 = arith.constant 3 : i32
      %add3A_834 = vector.broadcast %add3A_833 : i32 to vector<16xi32>
      %add3A_835 = arith.addi %mul3A_778, %add3A_834 : vector<16xi32>
      %gather3A_836 = tpu.vector_load_idx %arg8[%add3A_782, %add3A_835] : memref<256x128xf32, #tpu.memory_space<vmem>>[vector<16xi32>, vector<16xi32>], vector<16xf32>,
      %mul3A_837 = arith.constant 16 : i32
      %mul3A_838 = arith.muli %scan3A_767, %mul3A_837 : i32
      %add3A_839 = arith.constant 768 : i32
      %add3A_840 = arith.addi %add3A_839, %mul3A_838 : i32
      %swap3A_841 = arith.index_cast %add3A_840 : i32 to index
      %swap3A_842 = tpu.vector_load %arg10[%swap3A_841] {strides = array<i32>} : memref<8192xf32, #tpu.memory_space<vmem>>, vector<16xf32>,
      tpu.vector_store %arg10[%swap3A_841], %gather3A_836 {strides = array<i32>} : memref<8192xf32, #tpu.memory_space<vmem>>, vector<16xf32>,
      %gather3A_843 = tpu.vector_load_idx %arg9[%add3A_782, %add3A_835] : memref<256x128xf32, #tpu.memory_space<vmem>>[vector<16xi32>, vector<16xi32>], vector<16xf32>,
      %mul3A_844 = arith.constant 16 : i32
      %mul3A_845 = arith.muli %scan3A_767, %mul3A_844 : i32
      %add3A_846 = arith.constant 768 : i32
      %add3A_847 = arith.addi %add3A_846, %mul3A_845 : i32
      %swap3A_848 = arith.index_cast %add3A_847 : i32 to index
      %swap3A_849 = tpu.vector_load %arg11[%swap3A_848] {strides = array<i32>} : memref<8192xf32, #tpu.memory_space<vmem>>, vector<16xf32>,
      tpu.vector_store %arg11[%swap3A_848], %gather3A_843 {strides = array<i32>} : memref<8192xf32, #tpu.memory_space<vmem>>, vector<16xf32>,
      %add3A_850 = arith.constant 4 : i32
      %add3A_851 = vector.broadcast %add3A_850 : i32 to vector<16xi32>
      %add3A_852 = arith.addi %mul3A_778, %add3A_851 : vector<16xi32>
      %gather3A_853 = tpu.vector_load_idx %arg8[%add3A_782, %add3A_852] : memref<256x128xf32, #tpu.memory_space<vmem>>[vector<16xi32>, vector<16xi32>], vector<16xf32>,
      %mul3A_854 = arith.constant 16 : i32
      %mul3A_855 = arith.muli %scan3A_767, %mul3A_854 : i32
      %add3A_856 = arith.constant 1024 : i32
      %add3A_857 = arith.addi %add3A_856, %mul3A_855 : i32
      %swap3A_858 = arith.index_cast %add3A_857 : i32 to index
      %swap3A_859 = tpu.vector_load %arg10[%swap3A_858] {strides = array<i32>} : memref<8192xf32, #tpu.memory_space<vmem>>, vector<16xf32>,
      tpu.vector_store %arg10[%swap3A_858], %gather3A_853 {strides = array<i32>} : memref<8192xf32, #tpu.memory_space<vmem>>, vector<16xf32>,
      %gather3A_860 = tpu.vector_load_idx %arg9[%add3A_782, %add3A_852] : memref<256x128xf32, #tpu.memory_space<vmem>>[vector<16xi32>, vector<16xi32>], vector<16xf32>,
      %mul3A_861 = arith.constant 16 : i32
      %mul3A_862 = arith.muli %scan3A_767, %mul3A_861 : i32
      %add3A_863 = arith.constant 1024 : i32
      %add3A_864 = arith.addi %add3A_863, %mul3A_862 : i32
      %swap3A_865 = arith.index_cast %add3A_864 : i32 to index
      %swap3A_866 = tpu.vector_load %arg11[%swap3A_865] {strides = array<i32>} : memref<8192xf32, #tpu.memory_space<vmem>>, vector<16xf32>,
      tpu.vector_store %arg11[%swap3A_865], %gather3A_860 {strides = array<i32>} : memref<8192xf32, #tpu.memory_space<vmem>>, vector<16xf32>,
      %add3A_867 = arith.constant 5 : i32
      %add3A_868 = vector.broadcast %add3A_867 : i32 to vector<16xi32>
      %add3A_869 = arith.addi %mul3A_778, %add3A_868 : vector<16xi32>
      %gather3A_870 = tpu.vector_load_idx %arg8[%add3A_782, %add3A_869] : memref<256x128xf32, #tpu.memory_space<vmem>>[vector<16xi32>, vector<16xi32>], vector<16xf32>,
      %mul3A_871 = arith.constant 16 : i32
      %mul3A_872 = arith.muli %scan3A_767, %mul3A_871 : i32
      %add3A_873 = arith.constant 1280 : i32
      %add3A_874 = arith.addi %add3A_873, %mul3A_872 : i32
      %swap3A_875 = arith.index_cast %add3A_874 : i32 to index
      %swap3A_876 = tpu.vector_load %arg10[%swap3A_875] {strides = array<i32>} : memref<8192xf32, #tpu.memory_space<vmem>>, vector<16xf32>,
      tpu.vector_store %arg10[%swap3A_875], %gather3A_870 {strides = array<i32>} : memref<8192xf32, #tpu.memory_space<vmem>>, vector<16xf32>,
      %gather3A_877 = tpu.vector_load_idx %arg9[%add3A_782, %add3A_869] : memref<256x128xf32, #tpu.memory_space<vmem>>[vector<16xi32>, vector<16xi32>], vector<16xf32>,
      %mul3A_878 = arith.constant 16 : i32
      %mul3A_879 = arith.muli %scan3A_767, %mul3A_878 : i32
      %add3A_880 = arith.constant 1280 : i32
      %add3A_881 = arith.addi %add3A_880, %mul3A_879 : i32
      %swap3A_882 = arith.index_cast %add3A_881 : i32 to index
      %swap3A_883 = tpu.vector_load %arg11[%swap3A_882] {strides = array<i32>} : memref<8192xf32, #tpu.memory_space<vmem>>, vector<16xf32>,
      tpu.vector_store %arg11[%swap3A_882], %gather3A_877 {strides = array<i32>} : memref<8192xf32, #tpu.memory_space<vmem>>, vector<16xf32>,
      %add3A_884 = arith.constant 6 : i32
      %add3A_885 = vector.broadcast %add3A_884 : i32 to vector<16xi32>
      %add3A_886 = arith.addi %mul3A_778, %add3A_885 : vector<16xi32>
      %gather3A_887 = tpu.vector_load_idx %arg8[%add3A_782, %add3A_886] : memref<256x128xf32, #tpu.memory_space<vmem>>[vector<16xi32>, vector<16xi32>], vector<16xf32>,
      %mul3A_888 = arith.constant 16 : i32
      %mul3A_889 = arith.muli %scan3A_767, %mul3A_888 : i32
      %add3A_890 = arith.constant 1536 : i32
      %add3A_891 = arith.addi %add3A_890, %mul3A_889 : i32
      %swap3A_892 = arith.index_cast %add3A_891 : i32 to index
      %swap3A_893 = tpu.vector_load %arg10[%swap3A_892] {strides = array<i32>} : memref<8192xf32, #tpu.memory_space<vmem>>, vector<16xf32>,
      tpu.vector_store %arg10[%swap3A_892], %gather3A_887 {strides = array<i32>} : memref<8192xf32, #tpu.memory_space<vmem>>, vector<16xf32>,
      %gather3A_894 = tpu.vector_load_idx %arg9[%add3A_782, %add3A_886] : memref<256x128xf32, #tpu.memory_space<vmem>>[vector<16xi32>, vector<16xi32>], vector<16xf32>,
      %mul3A_895 = arith.constant 16 : i32
      %mul3A_896 = arith.muli %scan3A_767, %mul3A_895 : i32
      %add3A_897 = arith.constant 1536 : i32
      %add3A_898 = arith.addi %add3A_897, %mul3A_896 : i32
      %swap3A_899 = arith.index_cast %add3A_898 : i32 to index
      %swap3A_900 = tpu.vector_load %arg11[%swap3A_899] {strides = array<i32>} : memref<8192xf32, #tpu.memory_space<vmem>>, vector<16xf32>,
      tpu.vector_store %arg11[%swap3A_899], %gather3A_894 {strides = array<i32>} : memref<8192xf32, #tpu.memory_space<vmem>>, vector<16xf32>,
      %add3A_901 = arith.constant 7 : i32
      %add3A_902 = vector.broadcast %add3A_901 : i32 to vector<16xi32>
      %add3A_903 = arith.addi %mul3A_778, %add3A_902 : vector<16xi32>
      %gather3A_904 = tpu.vector_load_idx %arg8[%add3A_782, %add3A_903] : memref<256x128xf32, #tpu.memory_space<vmem>>[vector<16xi32>, vector<16xi32>], vector<16xf32>,
      %mul3A_905 = arith.constant 16 : i32
      %mul3A_906 = arith.muli %scan3A_767, %mul3A_905 : i32
      %add3A_907 = arith.constant 1792 : i32
      %add3A_908 = arith.addi %add3A_907, %mul3A_906 : i32
      %swap3A_909 = arith.index_cast %add3A_908 : i32 to index
      %swap3A_910 = tpu.vector_load %arg10[%swap3A_909] {strides = array<i32>} : memref<8192xf32, #tpu.memory_space<vmem>>, vector<16xf32>,
      tpu.vector_store %arg10[%swap3A_909], %gather3A_904 {strides = array<i32>} : memref<8192xf32, #tpu.memory_space<vmem>>, vector<16xf32>,
      %gather3A_911 = tpu.vector_load_idx %arg9[%add3A_782, %add3A_903] : memref<256x128xf32, #tpu.memory_space<vmem>>[vector<16xi32>, vector<16xi32>], vector<16xf32>,
      %mul3A_912 = arith.constant 16 : i32
      %mul3A_913 = arith.muli %scan3A_767, %mul3A_912 : i32
      %add3A_914 = arith.constant 1792 : i32
      %add3A_915 = arith.addi %add3A_914, %mul3A_913 : i32
      %swap3A_916 = arith.index_cast %add3A_915 : i32 to index
      %swap3A_917 = tpu.vector_load %arg11[%swap3A_916] {strides = array<i32>} : memref<8192xf32, #tpu.memory_space<vmem>>, vector<16xf32>,
      tpu.vector_store %arg11[%swap3A_916], %gather3A_911 {strides = array<i32>} : memref<8192xf32, #tpu.memory_space<vmem>>, vector<16xf32>,
      %add3A_918 = arith.constant 8 : i32
      %add3A_919 = vector.broadcast %add3A_918 : i32 to vector<16xi32>
      %add3A_920 = arith.addi %mul3A_778, %add3A_919 : vector<16xi32>
      %gather3A_921 = tpu.vector_load_idx %arg8[%add3A_782, %add3A_920] : memref<256x128xf32, #tpu.memory_space<vmem>>[vector<16xi32>, vector<16xi32>], vector<16xf32>,
      %mul3A_922 = arith.constant 16 : i32
      %mul3A_923 = arith.muli %scan3A_767, %mul3A_922 : i32
      %add3A_924 = arith.constant 2048 : i32
      %add3A_925 = arith.addi %add3A_924, %mul3A_923 : i32
      %swap3A_926 = arith.index_cast %add3A_925 : i32 to index
      %swap3A_927 = tpu.vector_load %arg10[%swap3A_926] {strides = array<i32>} : memref<8192xf32, #tpu.memory_space<vmem>>, vector<16xf32>,
      tpu.vector_store %arg10[%swap3A_926], %gather3A_921 {strides = array<i32>} : memref<8192xf32, #tpu.memory_space<vmem>>, vector<16xf32>,
      %gather3A_928 = tpu.vector_load_idx %arg9[%add3A_782, %add3A_920] : memref<256x128xf32, #tpu.memory_space<vmem>>[vector<16xi32>, vector<16xi32>], vector<16xf32>,
      %mul3A_929 = arith.constant 16 : i32
      %mul3A_930 = arith.muli %scan3A_767, %mul3A_929 : i32
      %add3A_931 = arith.constant 2048 : i32
      %add3A_932 = arith.addi %add3A_931, %mul3A_930 : i32
      %swap3A_933 = arith.index_cast %add3A_932 : i32 to index
      %swap3A_934 = tpu.vector_load %arg11[%swap3A_933] {strides = array<i32>} : memref<8192xf32, #tpu.memory_space<vmem>>, vector<16xf32>,
      tpu.vector_store %arg11[%swap3A_933], %gather3A_928 {strides = array<i32>} : memref<8192xf32, #tpu.memory_space<vmem>>, vector<16xf32>,
      %add3A_935 = arith.constant 9 : i32
      %add3A_936 = vector.broadcast %add3A_935 : i32 to vector<16xi32>
      %add3A_937 = arith.addi %mul3A_778, %add3A_936 : vector<16xi32>
      %gather3A_938 = tpu.vector_load_idx %arg8[%add3A_782, %add3A_937] : memref<256x128xf32, #tpu.memory_space<vmem>>[vector<16xi32>, vector<16xi32>], vector<16xf32>,
      %mul3A_939 = arith.constant 16 : i32
      %mul3A_940 = arith.muli %scan3A_767, %mul3A_939 : i32
      %add3A_941 = arith.constant 2304 : i32
      %add3A_942 = arith.addi %add3A_941, %mul3A_940 : i32
      %swap3A_943 = arith.index_cast %add3A_942 : i32 to index
      %swap3A_944 = tpu.vector_load %arg10[%swap3A_943] {strides = array<i32>} : memref<8192xf32, #tpu.memory_space<vmem>>, vector<16xf32>,
      tpu.vector_store %arg10[%swap3A_943], %gather3A_938 {strides = array<i32>} : memref<8192xf32, #tpu.memory_space<vmem>>, vector<16xf32>,
      %gather3A_945 = tpu.vector_load_idx %arg9[%add3A_782, %add3A_937] : memref<256x128xf32, #tpu.memory_space<vmem>>[vector<16xi32>, vector<16xi32>], vector<16xf32>,
      %mul3A_946 = arith.constant 16 : i32
      %mul3A_947 = arith.muli %scan3A_767, %mul3A_946 : i32
      %add3A_948 = arith.constant 2304 : i32
      %add3A_949 = arith.addi %add3A_948, %mul3A_947 : i32
      %swap3A_950 = arith.index_cast %add3A_949 : i32 to index
      %swap3A_951 = tpu.vector_load %arg11[%swap3A_950] {strides = array<i32>} : memref<8192xf32, #tpu.memory_space<vmem>>, vector<16xf32>,
      tpu.vector_store %arg11[%swap3A_950], %gather3A_945 {strides = array<i32>} : memref<8192xf32, #tpu.memory_space<vmem>>, vector<16xf32>,
      %add3A_952 = arith.constant 10 : i32
      %add3A_953 = vector.broadcast %add3A_952 : i32 to vector<16xi32>
      %add3A_954 = arith.addi %mul3A_778, %add3A_953 : vector<16xi32>
      %gather3A_955 = tpu.vector_load_idx %arg8[%add3A_782, %add3A_954] : memref<256x128xf32, #tpu.memory_space<vmem>>[vector<16xi32>, vector<16xi32>], vector<16xf32>,
      %mul3A_956 = arith.constant 16 : i32
      %mul3A_957 = arith.muli %scan3A_767, %mul3A_956 : i32
      %add3A_958 = arith.constant 2560 : i32
      %add3A_959 = arith.addi %add3A_958, %mul3A_957 : i32
      %swap3A_960 = arith.index_cast %add3A_959 : i32 to index
      %swap3A_961 = tpu.vector_load %arg10[%swap3A_960] {strides = array<i32>} : memref<8192xf32, #tpu.memory_space<vmem>>, vector<16xf32>,
      tpu.vector_store %arg10[%swap3A_960], %gather3A_955 {strides = array<i32>} : memref<8192xf32, #tpu.memory_space<vmem>>, vector<16xf32>,
      %gather3A_962 = tpu.vector_load_idx %arg9[%add3A_782, %add3A_954] : memref<256x128xf32, #tpu.memory_space<vmem>>[vector<16xi32>, vector<16xi32>], vector<16xf32>,
      %mul3A_963 = arith.constant 16 : i32
      %mul3A_964 = arith.muli %scan3A_767, %mul3A_963 : i32
      %add3A_965 = arith.constant 2560 : i32
      %add3A_966 = arith.addi %add3A_965, %mul3A_964 : i32
      %swap3A_967 = arith.index_cast %add3A_966 : i32 to index
      %swap3A_968 = tpu.vector_load %arg11[%swap3A_967] {strides = array<i32>} : memref<8192xf32, #tpu.memory_space<vmem>>, vector<16xf32>,
      tpu.vector_store %arg11[%swap3A_967], %gather3A_962 {strides = array<i32>} : memref<8192xf32, #tpu.memory_space<vmem>>, vector<16xf32>,
      %add3A_969 = arith.constant 11 : i32
      %add3A_970 = vector.broadcast %add3A_969 : i32 to vector<16xi32>
      %add3A_971 = arith.addi %mul3A_778, %add3A_970 : vector<16xi32>
      %gather3A_972 = tpu.vector_load_idx %arg8[%add3A_782, %add3A_971] : memref<256x128xf32, #tpu.memory_space<vmem>>[vector<16xi32>, vector<16xi32>], vector<16xf32>,
      %mul3A_973 = arith.constant 16 : i32
      %mul3A_974 = arith.muli %scan3A_767, %mul3A_973 : i32
      %add3A_975 = arith.constant 2816 : i32
      %add3A_976 = arith.addi %add3A_975, %mul3A_974 : i32
      %swap3A_977 = arith.index_cast %add3A_976 : i32 to index
      %swap3A_978 = tpu.vector_load %arg10[%swap3A_977] {strides = array<i32>} : memref<8192xf32, #tpu.memory_space<vmem>>, vector<16xf32>,
      tpu.vector_store %arg10[%swap3A_977], %gather3A_972 {strides = array<i32>} : memref<8192xf32, #tpu.memory_space<vmem>>, vector<16xf32>,
      %gather3A_979 = tpu.vector_load_idx %arg9[%add3A_782, %add3A_971] : memref<256x128xf32, #tpu.memory_space<vmem>>[vector<16xi32>, vector<16xi32>], vector<16xf32>,
      %mul3A_980 = arith.constant 16 : i32
      %mul3A_981 = arith.muli %scan3A_767, %mul3A_980 : i32
      %add3A_982 = arith.constant 2816 : i32
      %add3A_983 = arith.addi %add3A_982, %mul3A_981 : i32
      %swap3A_984 = arith.index_cast %add3A_983 : i32 to index
      %swap3A_985 = tpu.vector_load %arg11[%swap3A_984] {strides = array<i32>} : memref<8192xf32, #tpu.memory_space<vmem>>, vector<16xf32>,
      tpu.vector_store %arg11[%swap3A_984], %gather3A_979 {strides = array<i32>} : memref<8192xf32, #tpu.memory_space<vmem>>, vector<16xf32>,
      %add3A_986 = arith.constant 12 : i32
      %add3A_987 = vector.broadcast %add3A_986 : i32 to vector<16xi32>
      %add3A_988 = arith.addi %mul3A_778, %add3A_987 : vector<16xi32>
      %gather3A_989 = tpu.vector_load_idx %arg8[%add3A_782, %add3A_988] : memref<256x128xf32, #tpu.memory_space<vmem>>[vector<16xi32>, vector<16xi32>], vector<16xf32>,
      %mul3A_990 = arith.constant 16 : i32
      %mul3A_991 = arith.muli %scan3A_767, %mul3A_990 : i32
      %add3A_992 = arith.constant 3072 : i32
      %add3A_993 = arith.addi %add3A_992, %mul3A_991 : i32
      %swap3A_994 = arith.index_cast %add3A_993 : i32 to index
      %swap3A_995 = tpu.vector_load %arg10[%swap3A_994] {strides = array<i32>} : memref<8192xf32, #tpu.memory_space<vmem>>, vector<16xf32>,
      tpu.vector_store %arg10[%swap3A_994], %gather3A_989 {strides = array<i32>} : memref<8192xf32, #tpu.memory_space<vmem>>, vector<16xf32>,
      %gather3A_996 = tpu.vector_load_idx %arg9[%add3A_782, %add3A_988] : memref<256x128xf32, #tpu.memory_space<vmem>>[vector<16xi32>, vector<16xi32>], vector<16xf32>,
      %mul3A_997 = arith.constant 16 : i32
      %mul3A_998 = arith.muli %scan3A_767, %mul3A_997 : i32
      %add3A_999 = arith.constant 3072 : i32
      %add3A_1000 = arith.addi %add3A_999, %mul3A_998 : i32
      %swap3A_1001 = arith.index_cast %add3A_1000 : i32 to index
      %swap3A_1002 = tpu.vector_load %arg11[%swap3A_1001] {strides = array<i32>} : memref<8192xf32, #tpu.memory_space<vmem>>, vector<16xf32>,
      tpu.vector_store %arg11[%swap3A_1001], %gather3A_996 {strides = array<i32>} : memref<8192xf32, #tpu.memory_space<vmem>>, vector<16xf32>,
      %add3A_1003 = arith.constant 13 : i32
      %add3A_1004 = vector.broadcast %add3A_1003 : i32 to vector<16xi32>
      %add3A_1005 = arith.addi %mul3A_778, %add3A_1004 : vector<16xi32>
      %gather3A_1006 = tpu.vector_load_idx %arg8[%add3A_782, %add3A_1005] : memref<256x128xf32, #tpu.memory_space<vmem>>[vector<16xi32>, vector<16xi32>], vector<16xf32>,
      %mul3A_1007 = arith.constant 16 : i32
      %mul3A_1008 = arith.muli %scan3A_767, %mul3A_1007 : i32
      %add3A_1009 = arith.constant 3328 : i32
      %add3A_1010 = arith.addi %add3A_1009, %mul3A_1008 : i32
      %swap3A_1011 = arith.index_cast %add3A_1010 : i32 to index
      %swap3A_1012 = tpu.vector_load %arg10[%swap3A_1011] {strides = array<i32>} : memref<8192xf32, #tpu.memory_space<vmem>>, vector<16xf32>,
      tpu.vector_store %arg10[%swap3A_1011], %gather3A_1006 {strides = array<i32>} : memref<8192xf32, #tpu.memory_space<vmem>>, vector<16xf32>,
      %gather3A_1013 = tpu.vector_load_idx %arg9[%add3A_782, %add3A_1005] : memref<256x128xf32, #tpu.memory_space<vmem>>[vector<16xi32>, vector<16xi32>], vector<16xf32>,
      %mul3A_1014 = arith.constant 16 : i32
      %mul3A_1015 = arith.muli %scan3A_767, %mul3A_1014 : i32
      %add3A_1016 = arith.constant 3328 : i32
      %add3A_1017 = arith.addi %add3A_1016, %mul3A_1015 : i32
      %swap3A_1018 = arith.index_cast %add3A_1017 : i32 to index
      %swap3A_1019 = tpu.vector_load %arg11[%swap3A_1018] {strides = array<i32>} : memref<8192xf32, #tpu.memory_space<vmem>>, vector<16xf32>,
      tpu.vector_store %arg11[%swap3A_1018], %gather3A_1013 {strides = array<i32>} : memref<8192xf32, #tpu.memory_space<vmem>>, vector<16xf32>,
      %add3A_1020 = arith.constant 14 : i32
      %add3A_1021 = vector.broadcast %add3A_1020 : i32 to vector<16xi32>
      %add3A_1022 = arith.addi %mul3A_778, %add3A_1021 : vector<16xi32>
      %gather3A_1023 = tpu.vector_load_idx %arg8[%add3A_782, %add3A_1022] : memref<256x128xf32, #tpu.memory_space<vmem>>[vector<16xi32>, vector<16xi32>], vector<16xf32>,
      %mul3A_1024 = arith.constant 16 : i32
      %mul3A_1025 = arith.muli %scan3A_767, %mul3A_1024 : i32
      %add3A_1026 = arith.constant 3584 : i32
      %add3A_1027 = arith.addi %add3A_1026, %mul3A_1025 : i32
      %swap3A_1028 = arith.index_cast %add3A_1027 : i32 to index
      %swap3A_1029 = tpu.vector_load %arg10[%swap3A_1028] {strides = array<i32>} : memref<8192xf32, #tpu.memory_space<vmem>>, vector<16xf32>,
      tpu.vector_store %arg10[%swap3A_1028], %gather3A_1023 {strides = array<i32>} : memref<8192xf32, #tpu.memory_space<vmem>>, vector<16xf32>,
      %gather3A_1030 = tpu.vector_load_idx %arg9[%add3A_782, %add3A_1022] : memref<256x128xf32, #tpu.memory_space<vmem>>[vector<16xi32>, vector<16xi32>], vector<16xf32>,
      %mul3A_1031 = arith.constant 16 : i32
      %mul3A_1032 = arith.muli %scan3A_767, %mul3A_1031 : i32
      %add3A_1033 = arith.constant 3584 : i32
      %add3A_1034 = arith.addi %add3A_1033, %mul3A_1032 : i32
      %swap3A_1035 = arith.index_cast %add3A_1034 : i32 to index
      %swap3A_1036 = tpu.vector_load %arg11[%swap3A_1035] {strides = array<i32>} : memref<8192xf32, #tpu.memory_space<vmem>>, vector<16xf32>,
      tpu.vector_store %arg11[%swap3A_1035], %gather3A_1030 {strides = array<i32>} : memref<8192xf32, #tpu.memory_space<vmem>>, vector<16xf32>,
      %add3A_1037 = arith.constant 15 : i32
      %add3A_1038 = vector.broadcast %add3A_1037 : i32 to vector<16xi32>
      %add3A_1039 = arith.addi %mul3A_778, %add3A_1038 : vector<16xi32>
      %gather3A_1040 = tpu.vector_load_idx %arg8[%add3A_782, %add3A_1039] : memref<256x128xf32, #tpu.memory_space<vmem>>[vector<16xi32>, vector<16xi32>], vector<16xf32>,
      %mul3A_1041 = arith.constant 16 : i32
      %mul3A_1042 = arith.muli %scan3A_767, %mul3A_1041 : i32
      %add3A_1043 = arith.constant 3840 : i32
      %add3A_1044 = arith.addi %add3A_1043, %mul3A_1042 : i32
      %swap3A_1045 = arith.index_cast %add3A_1044 : i32 to index
      %swap3A_1046 = tpu.vector_load %arg10[%swap3A_1045] {strides = array<i32>} : memref<8192xf32, #tpu.memory_space<vmem>>, vector<16xf32>,
      tpu.vector_store %arg10[%swap3A_1045], %gather3A_1040 {strides = array<i32>} : memref<8192xf32, #tpu.memory_space<vmem>>, vector<16xf32>,
      %gather3A_1047 = tpu.vector_load_idx %arg9[%add3A_782, %add3A_1039] : memref<256x128xf32, #tpu.memory_space<vmem>>[vector<16xi32>, vector<16xi32>], vector<16xf32>,
      %mul3A_1048 = arith.constant 16 : i32
      %mul3A_1049 = arith.muli %scan3A_767, %mul3A_1048 : i32
      %add3A_1050 = arith.constant 3840 : i32
      %add3A_1051 = arith.addi %add3A_1050, %mul3A_1049 : i32
      %swap3A_1052 = arith.index_cast %add3A_1051 : i32 to index
      %swap3A_1053 = tpu.vector_load %arg11[%swap3A_1052] {strides = array<i32>} : memref<8192xf32, #tpu.memory_space<vmem>>, vector<16xf32>,
      tpu.vector_store %arg11[%swap3A_1052], %gather3A_1047 {strides = array<i32>} : memref<8192xf32, #tpu.memory_space<vmem>>, vector<16xf32>,
      %add3A_1054 = arith.constant 16 : i32
      %add3A_1055 = vector.broadcast %add3A_1054 : i32 to vector<16xi32>
      %add3A_1056 = arith.addi %mul3A_778, %add3A_1055 : vector<16xi32>
      %gather3A_1057 = tpu.vector_load_idx %arg8[%add3A_782, %add3A_1056] : memref<256x128xf32, #tpu.memory_space<vmem>>[vector<16xi32>, vector<16xi32>], vector<16xf32>,
      %mul3A_1058 = arith.constant 16 : i32
      %mul3A_1059 = arith.muli %scan3A_767, %mul3A_1058 : i32
      %add3A_1060 = arith.constant 4096 : i32
      %add3A_1061 = arith.addi %add3A_1060, %mul3A_1059 : i32
      %swap3A_1062 = arith.index_cast %add3A_1061 : i32 to index
      %swap3A_1063 = tpu.vector_load %arg10[%swap3A_1062] {strides = array<i32>} : memref<8192xf32, #tpu.memory_space<vmem>>, vector<16xf32>,
      tpu.vector_store %arg10[%swap3A_1062], %gather3A_1057 {strides = array<i32>} : memref<8192xf32, #tpu.memory_space<vmem>>, vector<16xf32>,
      %gather3A_1064 = tpu.vector_load_idx %arg9[%add3A_782, %add3A_1056] : memref<256x128xf32, #tpu.memory_space<vmem>>[vector<16xi32>, vector<16xi32>], vector<16xf32>,
      %mul3A_1065 = arith.constant 16 : i32
      %mul3A_1066 = arith.muli %scan3A_767, %mul3A_1065 : i32
      %add3A_1067 = arith.constant 4096 : i32
      %add3A_1068 = arith.addi %add3A_1067, %mul3A_1066 : i32
      %swap3A_1069 = arith.index_cast %add3A_1068 : i32 to index
      %swap3A_1070 = tpu.vector_load %arg11[%swap3A_1069] {strides = array<i32>} : memref<8192xf32, #tpu.memory_space<vmem>>, vector<16xf32>,
      tpu.vector_store %arg11[%swap3A_1069], %gather3A_1064 {strides = array<i32>} : memref<8192xf32, #tpu.memory_space<vmem>>, vector<16xf32>,
      %add3A_1071 = arith.constant 17 : i32
      %add3A_1072 = vector.broadcast %add3A_1071 : i32 to vector<16xi32>
      %add3A_1073 = arith.addi %mul3A_778, %add3A_1072 : vector<16xi32>
      %gather3A_1074 = tpu.vector_load_idx %arg8[%add3A_782, %add3A_1073] : memref<256x128xf32, #tpu.memory_space<vmem>>[vector<16xi32>, vector<16xi32>], vector<16xf32>,
      %mul3A_1075 = arith.constant 16 : i32
      %mul3A_1076 = arith.muli %scan3A_767, %mul3A_1075 : i32
      %add3A_1077 = arith.constant 4352 : i32
      %add3A_1078 = arith.addi %add3A_1077, %mul3A_1076 : i32
      %swap3A_1079 = arith.index_cast %add3A_1078 : i32 to index
      %swap3A_1080 = tpu.vector_load %arg10[%swap3A_1079] {strides = array<i32>} : memref<8192xf32, #tpu.memory_space<vmem>>, vector<16xf32>,
      tpu.vector_store %arg10[%swap3A_1079], %gather3A_1074 {strides = array<i32>} : memref<8192xf32, #tpu.memory_space<vmem>>, vector<16xf32>,
      %gather3A_1081 = tpu.vector_load_idx %arg9[%add3A_782, %add3A_1073] : memref<256x128xf32, #tpu.memory_space<vmem>>[vector<16xi32>, vector<16xi32>], vector<16xf32>,
      %mul3A_1082 = arith.constant 16 : i32
      %mul3A_1083 = arith.muli %scan3A_767, %mul3A_1082 : i32
      %add3A_1084 = arith.constant 4352 : i32
      %add3A_1085 = arith.addi %add3A_1084, %mul3A_1083 : i32
      %swap3A_1086 = arith.index_cast %add3A_1085 : i32 to index
      %swap3A_1087 = tpu.vector_load %arg11[%swap3A_1086] {strides = array<i32>} : memref<8192xf32, #tpu.memory_space<vmem>>, vector<16xf32>,
      tpu.vector_store %arg11[%swap3A_1086], %gather3A_1081 {strides = array<i32>} : memref<8192xf32, #tpu.memory_space<vmem>>, vector<16xf32>,
      %add3A_1088 = arith.constant 18 : i32
      %add3A_1089 = vector.broadcast %add3A_1088 : i32 to vector<16xi32>
      %add3A_1090 = arith.addi %mul3A_778, %add3A_1089 : vector<16xi32>
      %gather3A_1091 = tpu.vector_load_idx %arg8[%add3A_782, %add3A_1090] : memref<256x128xf32, #tpu.memory_space<vmem>>[vector<16xi32>, vector<16xi32>], vector<16xf32>,
      %mul3A_1092 = arith.constant 16 : i32
      %mul3A_1093 = arith.muli %scan3A_767, %mul3A_1092 : i32
      %add3A_1094 = arith.constant 4608 : i32
      %add3A_1095 = arith.addi %add3A_1094, %mul3A_1093 : i32
      %swap3A_1096 = arith.index_cast %add3A_1095 : i32 to index
      %swap3A_1097 = tpu.vector_load %arg10[%swap3A_1096] {strides = array<i32>} : memref<8192xf32, #tpu.memory_space<vmem>>, vector<16xf32>,
      tpu.vector_store %arg10[%swap3A_1096], %gather3A_1091 {strides = array<i32>} : memref<8192xf32, #tpu.memory_space<vmem>>, vector<16xf32>,
      %gather3A_1098 = tpu.vector_load_idx %arg9[%add3A_782, %add3A_1090] : memref<256x128xf32, #tpu.memory_space<vmem>>[vector<16xi32>, vector<16xi32>], vector<16xf32>,
      %mul3A_1099 = arith.constant 16 : i32
      %mul3A_1100 = arith.muli %scan3A_767, %mul3A_1099 : i32
      %add3A_1101 = arith.constant 4608 : i32
      %add3A_1102 = arith.addi %add3A_1101, %mul3A_1100 : i32
      %swap3A_1103 = arith.index_cast %add3A_1102 : i32 to index
      %swap3A_1104 = tpu.vector_load %arg11[%swap3A_1103] {strides = array<i32>} : memref<8192xf32, #tpu.memory_space<vmem>>, vector<16xf32>,
      tpu.vector_store %arg11[%swap3A_1103], %gather3A_1098 {strides = array<i32>} : memref<8192xf32, #tpu.memory_space<vmem>>, vector<16xf32>,
      %add3A_1105 = arith.constant 19 : i32
      %add3A_1106 = vector.broadcast %add3A_1105 : i32 to vector<16xi32>
      %add3A_1107 = arith.addi %mul3A_778, %add3A_1106 : vector<16xi32>
      %gather3A_1108 = tpu.vector_load_idx %arg8[%add3A_782, %add3A_1107] : memref<256x128xf32, #tpu.memory_space<vmem>>[vector<16xi32>, vector<16xi32>], vector<16xf32>,
      %mul3A_1109 = arith.constant 16 : i32
      %mul3A_1110 = arith.muli %scan3A_767, %mul3A_1109 : i32
      %add3A_1111 = arith.constant 4864 : i32
      %add3A_1112 = arith.addi %add3A_1111, %mul3A_1110 : i32
      %swap3A_1113 = arith.index_cast %add3A_1112 : i32 to index
      %swap3A_1114 = tpu.vector_load %arg10[%swap3A_1113] {strides = array<i32>} : memref<8192xf32, #tpu.memory_space<vmem>>, vector<16xf32>,
      tpu.vector_store %arg10[%swap3A_1113], %gather3A_1108 {strides = array<i32>} : memref<8192xf32, #tpu.memory_space<vmem>>, vector<16xf32>,
      %gather3A_1115 = tpu.vector_load_idx %arg9[%add3A_782, %add3A_1107] : memref<256x128xf32, #tpu.memory_space<vmem>>[vector<16xi32>, vector<16xi32>], vector<16xf32>,
      %mul3A_1116 = arith.constant 16 : i32
      %mul3A_1117 = arith.muli %scan3A_767, %mul3A_1116 : i32
      %add3A_1118 = arith.constant 4864 : i32
      %add3A_1119 = arith.addi %add3A_1118, %mul3A_1117 : i32
      %swap3A_1120 = arith.index_cast %add3A_1119 : i32 to index
      %swap3A_1121 = tpu.vector_load %arg11[%swap3A_1120] {strides = array<i32>} : memref<8192xf32, #tpu.memory_space<vmem>>, vector<16xf32>,
      tpu.vector_store %arg11[%swap3A_1120], %gather3A_1115 {strides = array<i32>} : memref<8192xf32, #tpu.memory_space<vmem>>, vector<16xf32>,
      %add3A_1122 = arith.constant 20 : i32
      %add3A_1123 = vector.broadcast %add3A_1122 : i32 to vector<16xi32>
      %add3A_1124 = arith.addi %mul3A_778, %add3A_1123 : vector<16xi32>
      %gather3A_1125 = tpu.vector_load_idx %arg8[%add3A_782, %add3A_1124] : memref<256x128xf32, #tpu.memory_space<vmem>>[vector<16xi32>, vector<16xi32>], vector<16xf32>,
      %mul3A_1126 = arith.constant 16 : i32
      %mul3A_1127 = arith.muli %scan3A_767, %mul3A_1126 : i32
      %add3A_1128 = arith.constant 5120 : i32
      %add3A_1129 = arith.addi %add3A_1128, %mul3A_1127 : i32
      %swap3A_1130 = arith.index_cast %add3A_1129 : i32 to index
      %swap3A_1131 = tpu.vector_load %arg10[%swap3A_1130] {strides = array<i32>} : memref<8192xf32, #tpu.memory_space<vmem>>, vector<16xf32>,
      tpu.vector_store %arg10[%swap3A_1130], %gather3A_1125 {strides = array<i32>} : memref<8192xf32, #tpu.memory_space<vmem>>, vector<16xf32>,
      %gather3A_1132 = tpu.vector_load_idx %arg9[%add3A_782, %add3A_1124] : memref<256x128xf32, #tpu.memory_space<vmem>>[vector<16xi32>, vector<16xi32>], vector<16xf32>,
      %mul3A_1133 = arith.constant 16 : i32
      %mul3A_1134 = arith.muli %scan3A_767, %mul3A_1133 : i32
      %add3A_1135 = arith.constant 5120 : i32
      %add3A_1136 = arith.addi %add3A_1135, %mul3A_1134 : i32
      %swap3A_1137 = arith.index_cast %add3A_1136 : i32 to index
      %swap3A_1138 = tpu.vector_load %arg11[%swap3A_1137] {strides = array<i32>} : memref<8192xf32, #tpu.memory_space<vmem>>, vector<16xf32>,
      tpu.vector_store %arg11[%swap3A_1137], %gather3A_1132 {strides = array<i32>} : memref<8192xf32, #tpu.memory_space<vmem>>, vector<16xf32>,
      %add3A_1139 = arith.constant 21 : i32
      %add3A_1140 = vector.broadcast %add3A_1139 : i32 to vector<16xi32>
      %add3A_1141 = arith.addi %mul3A_778, %add3A_1140 : vector<16xi32>
      %gather3A_1142 = tpu.vector_load_idx %arg8[%add3A_782, %add3A_1141] : memref<256x128xf32, #tpu.memory_space<vmem>>[vector<16xi32>, vector<16xi32>], vector<16xf32>,
      %mul3A_1143 = arith.constant 16 : i32
      %mul3A_1144 = arith.muli %scan3A_767, %mul3A_1143 : i32
      %add3A_1145 = arith.constant 5376 : i32
      %add3A_1146 = arith.addi %add3A_1145, %mul3A_1144 : i32
      %swap3A_1147 = arith.index_cast %add3A_1146 : i32 to index
      %swap3A_1148 = tpu.vector_load %arg10[%swap3A_1147] {strides = array<i32>} : memref<8192xf32, #tpu.memory_space<vmem>>, vector<16xf32>,
      tpu.vector_store %arg10[%swap3A_1147], %gather3A_1142 {strides = array<i32>} : memref<8192xf32, #tpu.memory_space<vmem>>, vector<16xf32>,
      %gather3A_1149 = tpu.vector_load_idx %arg9[%add3A_782, %add3A_1141] : memref<256x128xf32, #tpu.memory_space<vmem>>[vector<16xi32>, vector<16xi32>], vector<16xf32>,
      %mul3A_1150 = arith.constant 16 : i32
      %mul3A_1151 = arith.muli %scan3A_767, %mul3A_1150 : i32
      %add3A_1152 = arith.constant 5376 : i32
      %add3A_1153 = arith.addi %add3A_1152, %mul3A_1151 : i32
      %swap3A_1154 = arith.index_cast %add3A_1153 : i32 to index
      %swap3A_1155 = tpu.vector_load %arg11[%swap3A_1154] {strides = array<i32>} : memref<8192xf32, #tpu.memory_space<vmem>>, vector<16xf32>,
      tpu.vector_store %arg11[%swap3A_1154], %gather3A_1149 {strides = array<i32>} : memref<8192xf32, #tpu.memory_space<vmem>>, vector<16xf32>,
      %add3A_1156 = arith.constant 22 : i32
      %add3A_1157 = vector.broadcast %add3A_1156 : i32 to vector<16xi32>
      %add3A_1158 = arith.addi %mul3A_778, %add3A_1157 : vector<16xi32>
      %gather3A_1159 = tpu.vector_load_idx %arg8[%add3A_782, %add3A_1158] : memref<256x128xf32, #tpu.memory_space<vmem>>[vector<16xi32>, vector<16xi32>], vector<16xf32>,
      %mul3A_1160 = arith.constant 16 : i32
      %mul3A_1161 = arith.muli %scan3A_767, %mul3A_1160 : i32
      %add3A_1162 = arith.constant 5632 : i32
      %add3A_1163 = arith.addi %add3A_1162, %mul3A_1161 : i32
      %swap3A_1164 = arith.index_cast %add3A_1163 : i32 to index
      %swap3A_1165 = tpu.vector_load %arg10[%swap3A_1164] {strides = array<i32>} : memref<8192xf32, #tpu.memory_space<vmem>>, vector<16xf32>,
      tpu.vector_store %arg10[%swap3A_1164], %gather3A_1159 {strides = array<i32>} : memref<8192xf32, #tpu.memory_space<vmem>>, vector<16xf32>,
      %gather3A_1166 = tpu.vector_load_idx %arg9[%add3A_782, %add3A_1158] : memref<256x128xf32, #tpu.memory_space<vmem>>[vector<16xi32>, vector<16xi32>], vector<16xf32>,
      %mul3A_1167 = arith.constant 16 : i32
      %mul3A_1168 = arith.muli %scan3A_767, %mul3A_1167 : i32
      %add3A_1169 = arith.constant 5632 : i32
      %add3A_1170 = arith.addi %add3A_1169, %mul3A_1168 : i32
      %swap3A_1171 = arith.index_cast %add3A_1170 : i32 to index
      %swap3A_1172 = tpu.vector_load %arg11[%swap3A_1171] {strides = array<i32>} : memref<8192xf32, #tpu.memory_space<vmem>>, vector<16xf32>,
      tpu.vector_store %arg11[%swap3A_1171], %gather3A_1166 {strides = array<i32>} : memref<8192xf32, #tpu.memory_space<vmem>>, vector<16xf32>,
      %add3A_1173 = arith.constant 23 : i32
      %add3A_1174 = vector.broadcast %add3A_1173 : i32 to vector<16xi32>
      %add3A_1175 = arith.addi %mul3A_778, %add3A_1174 : vector<16xi32>
      %gather3A_1176 = tpu.vector_load_idx %arg8[%add3A_782, %add3A_1175] : memref<256x128xf32, #tpu.memory_space<vmem>>[vector<16xi32>, vector<16xi32>], vector<16xf32>,
      %mul3A_1177 = arith.constant 16 : i32
      %mul3A_1178 = arith.muli %scan3A_767, %mul3A_1177 : i32
      %add3A_1179 = arith.constant 5888 : i32
      %add3A_1180 = arith.addi %add3A_1179, %mul3A_1178 : i32
      %swap3A_1181 = arith.index_cast %add3A_1180 : i32 to index
      %swap3A_1182 = tpu.vector_load %arg10[%swap3A_1181] {strides = array<i32>} : memref<8192xf32, #tpu.memory_space<vmem>>, vector<16xf32>,
      tpu.vector_store %arg10[%swap3A_1181], %gather3A_1176 {strides = array<i32>} : memref<8192xf32, #tpu.memory_space<vmem>>, vector<16xf32>,
      %gather3A_1183 = tpu.vector_load_idx %arg9[%add3A_782, %add3A_1175] : memref<256x128xf32, #tpu.memory_space<vmem>>[vector<16xi32>, vector<16xi32>], vector<16xf32>,
      %mul3A_1184 = arith.constant 16 : i32
      %mul3A_1185 = arith.muli %scan3A_767, %mul3A_1184 : i32
      %add3A_1186 = arith.constant 5888 : i32
      %add3A_1187 = arith.addi %add3A_1186, %mul3A_1185 : i32
      %swap3A_1188 = arith.index_cast %add3A_1187 : i32 to index
      %swap3A_1189 = tpu.vector_load %arg11[%swap3A_1188] {strides = array<i32>} : memref<8192xf32, #tpu.memory_space<vmem>>, vector<16xf32>,
      tpu.vector_store %arg11[%swap3A_1188], %gather3A_1183 {strides = array<i32>} : memref<8192xf32, #tpu.memory_space<vmem>>, vector<16xf32>,
      %add3A_1190 = arith.constant 24 : i32
      %add3A_1191 = vector.broadcast %add3A_1190 : i32 to vector<16xi32>
      %add3A_1192 = arith.addi %mul3A_778, %add3A_1191 : vector<16xi32>
      %gather3A_1193 = tpu.vector_load_idx %arg8[%add3A_782, %add3A_1192] : memref<256x128xf32, #tpu.memory_space<vmem>>[vector<16xi32>, vector<16xi32>], vector<16xf32>,
      %mul3A_1194 = arith.constant 16 : i32
      %mul3A_1195 = arith.muli %scan3A_767, %mul3A_1194 : i32
      %add3A_1196 = arith.constant 6144 : i32
      %add3A_1197 = arith.addi %add3A_1196, %mul3A_1195 : i32
      %swap3A_1198 = arith.index_cast %add3A_1197 : i32 to index
      %swap3A_1199 = tpu.vector_load %arg10[%swap3A_1198] {strides = array<i32>} : memref<8192xf32, #tpu.memory_space<vmem>>, vector<16xf32>,
      tpu.vector_store %arg10[%swap3A_1198], %gather3A_1193 {strides = array<i32>} : memref<8192xf32, #tpu.memory_space<vmem>>, vector<16xf32>,
      %gather3A_1200 = tpu.vector_load_idx %arg9[%add3A_782, %add3A_1192] : memref<256x128xf32, #tpu.memory_space<vmem>>[vector<16xi32>, vector<16xi32>], vector<16xf32>,
      %mul3A_1201 = arith.constant 16 : i32
      %mul3A_1202 = arith.muli %scan3A_767, %mul3A_1201 : i32
      %add3A_1203 = arith.constant 6144 : i32
      %add3A_1204 = arith.addi %add3A_1203, %mul3A_1202 : i32
      %swap3A_1205 = arith.index_cast %add3A_1204 : i32 to index
      %swap3A_1206 = tpu.vector_load %arg11[%swap3A_1205] {strides = array<i32>} : memref<8192xf32, #tpu.memory_space<vmem>>, vector<16xf32>,
      tpu.vector_store %arg11[%swap3A_1205], %gather3A_1200 {strides = array<i32>} : memref<8192xf32, #tpu.memory_space<vmem>>, vector<16xf32>,
      %add3A_1207 = arith.constant 25 : i32
      %add3A_1208 = vector.broadcast %add3A_1207 : i32 to vector<16xi32>
      %add3A_1209 = arith.addi %mul3A_778, %add3A_1208 : vector<16xi32>
      %gather3A_1210 = tpu.vector_load_idx %arg8[%add3A_782, %add3A_1209] : memref<256x128xf32, #tpu.memory_space<vmem>>[vector<16xi32>, vector<16xi32>], vector<16xf32>,
      %mul3A_1211 = arith.constant 16 : i32
      %mul3A_1212 = arith.muli %scan3A_767, %mul3A_1211 : i32
      %add3A_1213 = arith.constant 6400 : i32
      %add3A_1214 = arith.addi %add3A_1213, %mul3A_1212 : i32
      %swap3A_1215 = arith.index_cast %add3A_1214 : i32 to index
      %swap3A_1216 = tpu.vector_load %arg10[%swap3A_1215] {strides = array<i32>} : memref<8192xf32, #tpu.memory_space<vmem>>, vector<16xf32>,
      tpu.vector_store %arg10[%swap3A_1215], %gather3A_1210 {strides = array<i32>} : memref<8192xf32, #tpu.memory_space<vmem>>, vector<16xf32>,
      %gather3A_1217 = tpu.vector_load_idx %arg9[%add3A_782, %add3A_1209] : memref<256x128xf32, #tpu.memory_space<vmem>>[vector<16xi32>, vector<16xi32>], vector<16xf32>,
      %mul3A_1218 = arith.constant 16 : i32
      %mul3A_1219 = arith.muli %scan3A_767, %mul3A_1218 : i32
      %add3A_1220 = arith.constant 6400 : i32
      %add3A_1221 = arith.addi %add3A_1220, %mul3A_1219 : i32
      %swap3A_1222 = arith.index_cast %add3A_1221 : i32 to index
      %swap3A_1223 = tpu.vector_load %arg11[%swap3A_1222] {strides = array<i32>} : memref<8192xf32, #tpu.memory_space<vmem>>, vector<16xf32>,
      tpu.vector_store %arg11[%swap3A_1222], %gather3A_1217 {strides = array<i32>} : memref<8192xf32, #tpu.memory_space<vmem>>, vector<16xf32>,
      %add3A_1224 = arith.constant 26 : i32
      %add3A_1225 = vector.broadcast %add3A_1224 : i32 to vector<16xi32>
      %add3A_1226 = arith.addi %mul3A_778, %add3A_1225 : vector<16xi32>
      %gather3A_1227 = tpu.vector_load_idx %arg8[%add3A_782, %add3A_1226] : memref<256x128xf32, #tpu.memory_space<vmem>>[vector<16xi32>, vector<16xi32>], vector<16xf32>,
      %mul3A_1228 = arith.constant 16 : i32
      %mul3A_1229 = arith.muli %scan3A_767, %mul3A_1228 : i32
      %add3A_1230 = arith.constant 6656 : i32
      %add3A_1231 = arith.addi %add3A_1230, %mul3A_1229 : i32
      %swap3A_1232 = arith.index_cast %add3A_1231 : i32 to index
      %swap3A_1233 = tpu.vector_load %arg10[%swap3A_1232] {strides = array<i32>} : memref<8192xf32, #tpu.memory_space<vmem>>, vector<16xf32>,
      tpu.vector_store %arg10[%swap3A_1232], %gather3A_1227 {strides = array<i32>} : memref<8192xf32, #tpu.memory_space<vmem>>, vector<16xf32>,
      %gather3A_1234 = tpu.vector_load_idx %arg9[%add3A_782, %add3A_1226] : memref<256x128xf32, #tpu.memory_space<vmem>>[vector<16xi32>, vector<16xi32>], vector<16xf32>,
      %mul3A_1235 = arith.constant 16 : i32
      %mul3A_1236 = arith.muli %scan3A_767, %mul3A_1235 : i32
      %add3A_1237 = arith.constant 6656 : i32
      %add3A_1238 = arith.addi %add3A_1237, %mul3A_1236 : i32
      %swap3A_1239 = arith.index_cast %add3A_1238 : i32 to index
      %swap3A_1240 = tpu.vector_load %arg11[%swap3A_1239] {strides = array<i32>} : memref<8192xf32, #tpu.memory_space<vmem>>, vector<16xf32>,
      tpu.vector_store %arg11[%swap3A_1239], %gather3A_1234 {strides = array<i32>} : memref<8192xf32, #tpu.memory_space<vmem>>, vector<16xf32>,
      %add3A_1241 = arith.constant 27 : i32
      %add3A_1242 = vector.broadcast %add3A_1241 : i32 to vector<16xi32>
      %add3A_1243 = arith.addi %mul3A_778, %add3A_1242 : vector<16xi32>
      %gather3A_1244 = tpu.vector_load_idx %arg8[%add3A_782, %add3A_1243] : memref<256x128xf32, #tpu.memory_space<vmem>>[vector<16xi32>, vector<16xi32>], vector<16xf32>,
      %mul3A_1245 = arith.constant 16 : i32
      %mul3A_1246 = arith.muli %scan3A_767, %mul3A_1245 : i32
      %add3A_1247 = arith.constant 6912 : i32
      %add3A_1248 = arith.addi %add3A_1247, %mul3A_1246 : i32
      %swap3A_1249 = arith.index_cast %add3A_1248 : i32 to index
      %swap3A_1250 = tpu.vector_load %arg10[%swap3A_1249] {strides = array<i32>} : memref<8192xf32, #tpu.memory_space<vmem>>, vector<16xf32>,
      tpu.vector_store %arg10[%swap3A_1249], %gather3A_1244 {strides = array<i32>} : memref<8192xf32, #tpu.memory_space<vmem>>, vector<16xf32>,
      %gather3A_1251 = tpu.vector_load_idx %arg9[%add3A_782, %add3A_1243] : memref<256x128xf32, #tpu.memory_space<vmem>>[vector<16xi32>, vector<16xi32>], vector<16xf32>,
      %mul3A_1252 = arith.constant 16 : i32
      %mul3A_1253 = arith.muli %scan3A_767, %mul3A_1252 : i32
      %add3A_1254 = arith.constant 6912 : i32
      %add3A_1255 = arith.addi %add3A_1254, %mul3A_1253 : i32
      %swap3A_1256 = arith.index_cast %add3A_1255 : i32 to index
      %swap3A_1257 = tpu.vector_load %arg11[%swap3A_1256] {strides = array<i32>} : memref<8192xf32, #tpu.memory_space<vmem>>, vector<16xf32>,
      tpu.vector_store %arg11[%swap3A_1256], %gather3A_1251 {strides = array<i32>} : memref<8192xf32, #tpu.memory_space<vmem>>, vector<16xf32>,
      %add3A_1258 = arith.constant 28 : i32
      %add3A_1259 = vector.broadcast %add3A_1258 : i32 to vector<16xi32>
      %add3A_1260 = arith.addi %mul3A_778, %add3A_1259 : vector<16xi32>
      %gather3A_1261 = tpu.vector_load_idx %arg8[%add3A_782, %add3A_1260] : memref<256x128xf32, #tpu.memory_space<vmem>>[vector<16xi32>, vector<16xi32>], vector<16xf32>,
      %mul3A_1262 = arith.constant 16 : i32
      %mul3A_1263 = arith.muli %scan3A_767, %mul3A_1262 : i32
      %add3A_1264 = arith.constant 7168 : i32
      %add3A_1265 = arith.addi %add3A_1264, %mul3A_1263 : i32
      %swap3A_1266 = arith.index_cast %add3A_1265 : i32 to index
      %swap3A_1267 = tpu.vector_load %arg10[%swap3A_1266] {strides = array<i32>} : memref<8192xf32, #tpu.memory_space<vmem>>, vector<16xf32>,
      tpu.vector_store %arg10[%swap3A_1266], %gather3A_1261 {strides = array<i32>} : memref<8192xf32, #tpu.memory_space<vmem>>, vector<16xf32>,
      %gather3A_1268 = tpu.vector_load_idx %arg9[%add3A_782, %add3A_1260] : memref<256x128xf32, #tpu.memory_space<vmem>>[vector<16xi32>, vector<16xi32>], vector<16xf32>,
      %mul3A_1269 = arith.constant 16 : i32
      %mul3A_1270 = arith.muli %scan3A_767, %mul3A_1269 : i32
      %add3A_1271 = arith.constant 7168 : i32
      %add3A_1272 = arith.addi %add3A_1271, %mul3A_1270 : i32
      %swap3A_1273 = arith.index_cast %add3A_1272 : i32 to index
      %swap3A_1274 = tpu.vector_load %arg11[%swap3A_1273] {strides = array<i32>} : memref<8192xf32, #tpu.memory_space<vmem>>, vector<16xf32>,
      tpu.vector_store %arg11[%swap3A_1273], %gather3A_1268 {strides = array<i32>} : memref<8192xf32, #tpu.memory_space<vmem>>, vector<16xf32>,
      %add3A_1275 = arith.constant 29 : i32
      %add3A_1276 = vector.broadcast %add3A_1275 : i32 to vector<16xi32>
      %add3A_1277 = arith.addi %mul3A_778, %add3A_1276 : vector<16xi32>
      %gather3A_1278 = tpu.vector_load_idx %arg8[%add3A_782, %add3A_1277] : memref<256x128xf32, #tpu.memory_space<vmem>>[vector<16xi32>, vector<16xi32>], vector<16xf32>,
      %mul3A_1279 = arith.constant 16 : i32
      %mul3A_1280 = arith.muli %scan3A_767, %mul3A_1279 : i32
      %add3A_1281 = arith.constant 7424 : i32
      %add3A_1282 = arith.addi %add3A_1281, %mul3A_1280 : i32
      %swap3A_1283 = arith.index_cast %add3A_1282 : i32 to index
      %swap3A_1284 = tpu.vector_load %arg10[%swap3A_1283] {strides = array<i32>} : memref<8192xf32, #tpu.memory_space<vmem>>, vector<16xf32>,
      tpu.vector_store %arg10[%swap3A_1283], %gather3A_1278 {strides = array<i32>} : memref<8192xf32, #tpu.memory_space<vmem>>, vector<16xf32>,
      %gather3A_1285 = tpu.vector_load_idx %arg9[%add3A_782, %add3A_1277] : memref<256x128xf32, #tpu.memory_space<vmem>>[vector<16xi32>, vector<16xi32>], vector<16xf32>,
      %mul3A_1286 = arith.constant 16 : i32
      %mul3A_1287 = arith.muli %scan3A_767, %mul3A_1286 : i32
      %add3A_1288 = arith.constant 7424 : i32
      %add3A_1289 = arith.addi %add3A_1288, %mul3A_1287 : i32
      %swap3A_1290 = arith.index_cast %add3A_1289 : i32 to index
      %swap3A_1291 = tpu.vector_load %arg11[%swap3A_1290] {strides = array<i32>} : memref<8192xf32, #tpu.memory_space<vmem>>, vector<16xf32>,
      tpu.vector_store %arg11[%swap3A_1290], %gather3A_1285 {strides = array<i32>} : memref<8192xf32, #tpu.memory_space<vmem>>, vector<16xf32>,
      %add3A_1292 = arith.constant 30 : i32
      %add3A_1293 = vector.broadcast %add3A_1292 : i32 to vector<16xi32>
      %add3A_1294 = arith.addi %mul3A_778, %add3A_1293 : vector<16xi32>
      %gather3A_1295 = tpu.vector_load_idx %arg8[%add3A_782, %add3A_1294] : memref<256x128xf32, #tpu.memory_space<vmem>>[vector<16xi32>, vector<16xi32>], vector<16xf32>,
      %mul3A_1296 = arith.constant 16 : i32
      %mul3A_1297 = arith.muli %scan3A_767, %mul3A_1296 : i32
      %add3A_1298 = arith.constant 7680 : i32
      %add3A_1299 = arith.addi %add3A_1298, %mul3A_1297 : i32
      %swap3A_1300 = arith.index_cast %add3A_1299 : i32 to index
      %swap3A_1301 = tpu.vector_load %arg10[%swap3A_1300] {strides = array<i32>} : memref<8192xf32, #tpu.memory_space<vmem>>, vector<16xf32>,
      tpu.vector_store %arg10[%swap3A_1300], %gather3A_1295 {strides = array<i32>} : memref<8192xf32, #tpu.memory_space<vmem>>, vector<16xf32>,
      %gather3A_1302 = tpu.vector_load_idx %arg9[%add3A_782, %add3A_1294] : memref<256x128xf32, #tpu.memory_space<vmem>>[vector<16xi32>, vector<16xi32>], vector<16xf32>,
      %mul3A_1303 = arith.constant 16 : i32
      %mul3A_1304 = arith.muli %scan3A_767, %mul3A_1303 : i32
      %add3A_1305 = arith.constant 7680 : i32
      %add3A_1306 = arith.addi %add3A_1305, %mul3A_1304 : i32
      %swap3A_1307 = arith.index_cast %add3A_1306 : i32 to index
      %swap3A_1308 = tpu.vector_load %arg11[%swap3A_1307] {strides = array<i32>} : memref<8192xf32, #tpu.memory_space<vmem>>, vector<16xf32>,
      tpu.vector_store %arg11[%swap3A_1307], %gather3A_1302 {strides = array<i32>} : memref<8192xf32, #tpu.memory_space<vmem>>, vector<16xf32>,
      %add3A_1309 = arith.constant 31 : i32
      %add3A_1310 = vector.broadcast %add3A_1309 : i32 to vector<16xi32>
      %add3A_1311 = arith.addi %mul3A_778, %add3A_1310 : vector<16xi32>
      %gather3A_1312 = tpu.vector_load_idx %arg8[%add3A_782, %add3A_1311] : memref<256x128xf32, #tpu.memory_space<vmem>>[vector<16xi32>, vector<16xi32>], vector<16xf32>,
      %mul3A_1313 = arith.constant 16 : i32
      %mul3A_1314 = arith.muli %scan3A_767, %mul3A_1313 : i32
      %add3A_1315 = arith.constant 7936 : i32
      %add3A_1316 = arith.addi %add3A_1315, %mul3A_1314 : i32
      %swap3A_1317 = arith.index_cast %add3A_1316 : i32 to index
      %swap3A_1318 = tpu.vector_load %arg10[%swap3A_1317] {strides = array<i32>} : memref<8192xf32, #tpu.memory_space<vmem>>, vector<16xf32>,
      tpu.vector_store %arg10[%swap3A_1317], %gather3A_1312 {strides = array<i32>} : memref<8192xf32, #tpu.memory_space<vmem>>, vector<16xf32>,
      %gather3A_1319 = tpu.vector_load_idx %arg9[%add3A_782, %add3A_1311] : memref<256x128xf32, #tpu.memory_space<vmem>>[vector<16xi32>, vector<16xi32>], vector<16xf32>,
      %mul3A_1320 = arith.constant 16 : i32
      %mul3A_1321 = arith.muli %scan3A_767, %mul3A_1320 : i32
      %add3A_1322 = arith.constant 7936 : i32
      %add3A_1323 = arith.addi %add3A_1322, %mul3A_1321 : i32
      %swap3A_1324 = arith.index_cast %add3A_1323 : i32 to index
      %swap3A_1325 = tpu.vector_load %arg11[%swap3A_1324] {strides = array<i32>} : memref<8192xf32, #tpu.memory_space<vmem>>, vector<16xf32>,
      tpu.vector_store %arg11[%swap3A_1324], %gather3A_1319 {strides = array<i32>} : memref<8192xf32, #tpu.memory_space<vmem>>, vector<16xf32>,
    }
    %scan3A_125 = arith.constant 16 : i32
    %add3A_126 = arith.constant 0 : i32
    %add3A_127 = arith.addi %add3A_126, %mul3A_2 : i32
    %add3A_128 = arith.constant 0 : i32
    %add3A_129 = arith.addi %add3A_127, %add3A_128 : i32
    "tpu.region"() ({
      %run_scoped3A = tpu.sem_alloc : memref<!tpu.dma_semaphore, #tpu.memory_space<semaphore_mem>>
      %dma_start3A_767 = arith.constant 0 : i32
      %dma_start3A_768 = tpu.memref_slice %arg10[%dma_start3A_767] : memref<8192xf32, #tpu.memory_space<vmem>> -> memref<256xf32, #tpu.memory_space<vmem>>
      %dma_start3A_769 = tpu.memref_slice %arg5[%add3A_129] : memref<1048576xf32, #tpu.memory_space<hbm>> -> memref<256xf32, #tpu.memory_space<hbm>>
      %dma_start3A_770 = tpu.memref_slice %arg5[%add3A_129] : memref<1048576xf32, #tpu.memory_space<hbm>> -> memref<256xf32, #tpu.memory_space<hbm>>
      %dma_start3A_771 = arith.constant 0 : i32
      %dma_start3A_772 = tpu.memref_slice %arg10[%dma_start3A_771] : memref<8192xf32, #tpu.memory_space<vmem>> -> memref<256xf32, #tpu.memory_space<vmem>>
      tpu.enqueue_dma source(%dma_start3A_772 : memref<256xf32, #tpu.memory_space<vmem>>) target(%dma_start3A_770 : memref<256xf32, #tpu.memory_space<hbm>>) target_semaphore(%run_scoped3A : memref<!tpu.dma_semaphore, #tpu.memory_space<semaphore_mem>>)
      %dma_wait3A_773 = arith.constant 0 : i32
      %dma_wait3A_774 = tpu.memref_slice %arg10[%dma_wait3A_773] : memref<8192xf32, #tpu.memory_space<vmem>> -> memref<256xf32, #tpu.memory_space<vmem>>
      %dma_wait3A_775 = tpu.memref_slice %arg5[%add3A_129] : memref<1048576xf32, #tpu.memory_space<hbm>> -> memref<256xf32, #tpu.memory_space<hbm>>
      %dma_wait3A_776 = tpu.memref_slice %arg5[%add3A_129] : memref<1048576xf32, #tpu.memory_space<hbm>> -> memref<256xf32, #tpu.memory_space<hbm>>
      %dma_wait3A_777 = arith.constant 0 : i32
      %dma_wait3A_778 = tpu.memref_slice %arg10[%dma_wait3A_777] : memref<8192xf32, #tpu.memory_space<vmem>> -> memref<256xf32, #tpu.memory_space<vmem>>
      tpu.wait_dma2 semaphore(%run_scoped3A : memref<!tpu.dma_semaphore, #tpu.memory_space<semaphore_mem>>) src(%dma_wait3A_778 : memref<256xf32, #tpu.memory_space<vmem>>) dst(%dma_wait3A_776 : memref<256xf32, #tpu.memory_space<hbm>>)
      tpu.yield
    }) : () -> ()
    %add3A_130 = arith.constant 524288 : i32
    %add3A_131 = arith.addi %add3A_130, %mul3A_2 : i32
    %add3A_132 = arith.constant 0 : i32
    %add3A_133 = arith.addi %add3A_131, %add3A_132 : i32
    "tpu.region"() ({
      %run_scoped3A = tpu.sem_alloc : memref<!tpu.dma_semaphore, #tpu.memory_space<semaphore_mem>>
      %dma_start3A_767 = arith.constant 0 : i32
      %dma_start3A_768 = tpu.memref_slice %arg11[%dma_start3A_767] : memref<8192xf32, #tpu.memory_space<vmem>> -> memref<256xf32, #tpu.memory_space<vmem>>
      %dma_start3A_769 = tpu.memref_slice %arg5[%add3A_133] : memref<1048576xf32, #tpu.memory_space<hbm>> -> memref<256xf32, #tpu.memory_space<hbm>>
      %dma_start3A_770 = tpu.memref_slice %arg5[%add3A_133] : memref<1048576xf32, #tpu.memory_space<hbm>> -> memref<256xf32, #tpu.memory_space<hbm>>
      %dma_start3A_771 = arith.constant 0 : i32
      %dma_start3A_772 = tpu.memref_slice %arg11[%dma_start3A_771] : memref<8192xf32, #tpu.memory_space<vmem>> -> memref<256xf32, #tpu.memory_space<vmem>>
      tpu.enqueue_dma source(%dma_start3A_772 : memref<256xf32, #tpu.memory_space<vmem>>) target(%dma_start3A_770 : memref<256xf32, #tpu.memory_space<hbm>>) target_semaphore(%run_scoped3A : memref<!tpu.dma_semaphore, #tpu.memory_space<semaphore_mem>>)
      %dma_wait3A_773 = arith.constant 0 : i32
      %dma_wait3A_774 = tpu.memref_slice %arg11[%dma_wait3A_773] : memref<8192xf32, #tpu.memory_space<vmem>> -> memref<256xf32, #tpu.memory_space<vmem>>
      %dma_wait3A_775 = tpu.memref_slice %arg5[%add3A_133] : memref<1048576xf32, #tpu.memory_space<hbm>> -> memref<256xf32, #tpu.memory_space<hbm>>
      %dma_wait3A_776 = tpu.memref_slice %arg5[%add3A_133] : memref<1048576xf32, #tpu.memory_space<hbm>> -> memref<256xf32, #tpu.memory_space<hbm>>
      %dma_wait3A_777 = arith.constant 0 : i32
      %dma_wait3A_778 = tpu.memref_slice %arg11[%dma_wait3A_777] : memref<8192xf32, #tpu.memory_space<vmem>> -> memref<256xf32, #tpu.memory_space<vmem>>
      tpu.wait_dma2 semaphore(%run_scoped3A : memref<!tpu.dma_semaphore, #tpu.memory_space<semaphore_mem>>) src(%dma_wait3A_778 : memref<256xf32, #tpu.memory_space<vmem>>) dst(%dma_wait3A_776 : memref<256xf32, #tpu.memory_space<hbm>>)
      tpu.yield
    }) : () -> ()
    %add3A_134 = arith.constant 16384 : i32
    %add3A_135 = arith.addi %add3A_134, %mul3A_2 : i32
    %add3A_136 = arith.constant 0 : i32
    %add3A_137 = arith.addi %add3A_135, %add3A_136 : i32
    "tpu.region"() ({
      %run_scoped3A = tpu.sem_alloc : memref<!tpu.dma_semaphore, #tpu.memory_space<semaphore_mem>>
      %dma_start3A_767 = arith.constant 256 : i32
      %dma_start3A_768 = tpu.memref_slice %arg10[%dma_start3A_767] : memref<8192xf32, #tpu.memory_space<vmem>> -> memref<256xf32, #tpu.memory_space<vmem>>
      %dma_start3A_769 = tpu.memref_slice %arg5[%add3A_137] : memref<1048576xf32, #tpu.memory_space<hbm>> -> memref<256xf32, #tpu.memory_space<hbm>>
      %dma_start3A_770 = tpu.memref_slice %arg5[%add3A_137] : memref<1048576xf32, #tpu.memory_space<hbm>> -> memref<256xf32, #tpu.memory_space<hbm>>
      %dma_start3A_771 = arith.constant 256 : i32
      %dma_start3A_772 = tpu.memref_slice %arg10[%dma_start3A_771] : memref<8192xf32, #tpu.memory_space<vmem>> -> memref<256xf32, #tpu.memory_space<vmem>>
      tpu.enqueue_dma source(%dma_start3A_772 : memref<256xf32, #tpu.memory_space<vmem>>) target(%dma_start3A_770 : memref<256xf32, #tpu.memory_space<hbm>>) target_semaphore(%run_scoped3A : memref<!tpu.dma_semaphore, #tpu.memory_space<semaphore_mem>>)
      %dma_wait3A_773 = arith.constant 256 : i32
      %dma_wait3A_774 = tpu.memref_slice %arg10[%dma_wait3A_773] : memref<8192xf32, #tpu.memory_space<vmem>> -> memref<256xf32, #tpu.memory_space<vmem>>
      %dma_wait3A_775 = tpu.memref_slice %arg5[%add3A_137] : memref<1048576xf32, #tpu.memory_space<hbm>> -> memref<256xf32, #tpu.memory_space<hbm>>
      %dma_wait3A_776 = tpu.memref_slice %arg5[%add3A_137] : memref<1048576xf32, #tpu.memory_space<hbm>> -> memref<256xf32, #tpu.memory_space<hbm>>
      %dma_wait3A_777 = arith.constant 256 : i32
      %dma_wait3A_778 = tpu.memref_slice %arg10[%dma_wait3A_777] : memref<8192xf32, #tpu.memory_space<vmem>> -> memref<256xf32, #tpu.memory_space<vmem>>
      tpu.wait_dma2 semaphore(%run_scoped3A : memref<!tpu.dma_semaphore, #tpu.memory_space<semaphore_mem>>) src(%dma_wait3A_778 : memref<256xf32, #tpu.memory_space<vmem>>) dst(%dma_wait3A_776 : memref<256xf32, #tpu.memory_space<hbm>>)
      tpu.yield
    }) : () -> ()
    %add3A_138 = arith.constant 540672 : i32
    %add3A_139 = arith.addi %add3A_138, %mul3A_2 : i32
    %add3A_140 = arith.constant 0 : i32
    %add3A_141 = arith.addi %add3A_139, %add3A_140 : i32
    "tpu.region"() ({
      %run_scoped3A = tpu.sem_alloc : memref<!tpu.dma_semaphore, #tpu.memory_space<semaphore_mem>>
      %dma_start3A_767 = arith.constant 256 : i32
      %dma_start3A_768 = tpu.memref_slice %arg11[%dma_start3A_767] : memref<8192xf32, #tpu.memory_space<vmem>> -> memref<256xf32, #tpu.memory_space<vmem>>
      %dma_start3A_769 = tpu.memref_slice %arg5[%add3A_141] : memref<1048576xf32, #tpu.memory_space<hbm>> -> memref<256xf32, #tpu.memory_space<hbm>>
      %dma_start3A_770 = tpu.memref_slice %arg5[%add3A_141] : memref<1048576xf32, #tpu.memory_space<hbm>> -> memref<256xf32, #tpu.memory_space<hbm>>
      %dma_start3A_771 = arith.constant 256 : i32
      %dma_start3A_772 = tpu.memref_slice %arg11[%dma_start3A_771] : memref<8192xf32, #tpu.memory_space<vmem>> -> memref<256xf32, #tpu.memory_space<vmem>>
      tpu.enqueue_dma source(%dma_start3A_772 : memref<256xf32, #tpu.memory_space<vmem>>) target(%dma_start3A_770 : memref<256xf32, #tpu.memory_space<hbm>>) target_semaphore(%run_scoped3A : memref<!tpu.dma_semaphore, #tpu.memory_space<semaphore_mem>>)
      %dma_wait3A_773 = arith.constant 256 : i32
      %dma_wait3A_774 = tpu.memref_slice %arg11[%dma_wait3A_773] : memref<8192xf32, #tpu.memory_space<vmem>> -> memref<256xf32, #tpu.memory_space<vmem>>
      %dma_wait3A_775 = tpu.memref_slice %arg5[%add3A_141] : memref<1048576xf32, #tpu.memory_space<hbm>> -> memref<256xf32, #tpu.memory_space<hbm>>
      %dma_wait3A_776 = tpu.memref_slice %arg5[%add3A_141] : memref<1048576xf32, #tpu.memory_space<hbm>> -> memref<256xf32, #tpu.memory_space<hbm>>
      %dma_wait3A_777 = arith.constant 256 : i32
      %dma_wait3A_778 = tpu.memref_slice %arg11[%dma_wait3A_777] : memref<8192xf32, #tpu.memory_space<vmem>> -> memref<256xf32, #tpu.memory_space<vmem>>
      tpu.wait_dma2 semaphore(%run_scoped3A : memref<!tpu.dma_semaphore, #tpu.memory_space<semaphore_mem>>) src(%dma_wait3A_778 : memref<256xf32, #tpu.memory_space<vmem>>) dst(%dma_wait3A_776 : memref<256xf32, #tpu.memory_space<hbm>>)
      tpu.yield
    }) : () -> ()
    %add3A_142 = arith.constant 32768 : i32
    %add3A_143 = arith.addi %add3A_142, %mul3A_2 : i32
    %add3A_144 = arith.constant 0 : i32
    %add3A_145 = arith.addi %add3A_143, %add3A_144 : i32
    "tpu.region"() ({
      %run_scoped3A = tpu.sem_alloc : memref<!tpu.dma_semaphore, #tpu.memory_space<semaphore_mem>>
      %dma_start3A_767 = arith.constant 512 : i32
      %dma_start3A_768 = tpu.memref_slice %arg10[%dma_start3A_767] : memref<8192xf32, #tpu.memory_space<vmem>> -> memref<256xf32, #tpu.memory_space<vmem>>
      %dma_start3A_769 = tpu.memref_slice %arg5[%add3A_145] : memref<1048576xf32, #tpu.memory_space<hbm>> -> memref<256xf32, #tpu.memory_space<hbm>>
      %dma_start3A_770 = tpu.memref_slice %arg5[%add3A_145] : memref<1048576xf32, #tpu.memory_space<hbm>> -> memref<256xf32, #tpu.memory_space<hbm>>
      %dma_start3A_771 = arith.constant 512 : i32
      %dma_start3A_772 = tpu.memref_slice %arg10[%dma_start3A_771] : memref<8192xf32, #tpu.memory_space<vmem>> -> memref<256xf32, #tpu.memory_space<vmem>>
      tpu.enqueue_dma source(%dma_start3A_772 : memref<256xf32, #tpu.memory_space<vmem>>) target(%dma_start3A_770 : memref<256xf32, #tpu.memory_space<hbm>>) target_semaphore(%run_scoped3A : memref<!tpu.dma_semaphore, #tpu.memory_space<semaphore_mem>>)
      %dma_wait3A_773 = arith.constant 512 : i32
      %dma_wait3A_774 = tpu.memref_slice %arg10[%dma_wait3A_773] : memref<8192xf32, #tpu.memory_space<vmem>> -> memref<256xf32, #tpu.memory_space<vmem>>
      %dma_wait3A_775 = tpu.memref_slice %arg5[%add3A_145] : memref<1048576xf32, #tpu.memory_space<hbm>> -> memref<256xf32, #tpu.memory_space<hbm>>
      %dma_wait3A_776 = tpu.memref_slice %arg5[%add3A_145] : memref<1048576xf32, #tpu.memory_space<hbm>> -> memref<256xf32, #tpu.memory_space<hbm>>
      %dma_wait3A_777 = arith.constant 512 : i32
      %dma_wait3A_778 = tpu.memref_slice %arg10[%dma_wait3A_777] : memref<8192xf32, #tpu.memory_space<vmem>> -> memref<256xf32, #tpu.memory_space<vmem>>
      tpu.wait_dma2 semaphore(%run_scoped3A : memref<!tpu.dma_semaphore, #tpu.memory_space<semaphore_mem>>) src(%dma_wait3A_778 : memref<256xf32, #tpu.memory_space<vmem>>) dst(%dma_wait3A_776 : memref<256xf32, #tpu.memory_space<hbm>>)
      tpu.yield
    }) : () -> ()
    %add3A_146 = arith.constant 557056 : i32
    %add3A_147 = arith.addi %add3A_146, %mul3A_2 : i32
    %add3A_148 = arith.constant 0 : i32
    %add3A_149 = arith.addi %add3A_147, %add3A_148 : i32
    "tpu.region"() ({
      %run_scoped3A = tpu.sem_alloc : memref<!tpu.dma_semaphore, #tpu.memory_space<semaphore_mem>>
      %dma_start3A_767 = arith.constant 512 : i32
      %dma_start3A_768 = tpu.memref_slice %arg11[%dma_start3A_767] : memref<8192xf32, #tpu.memory_space<vmem>> -> memref<256xf32, #tpu.memory_space<vmem>>
      %dma_start3A_769 = tpu.memref_slice %arg5[%add3A_149] : memref<1048576xf32, #tpu.memory_space<hbm>> -> memref<256xf32, #tpu.memory_space<hbm>>
      %dma_start3A_770 = tpu.memref_slice %arg5[%add3A_149] : memref<1048576xf32, #tpu.memory_space<hbm>> -> memref<256xf32, #tpu.memory_space<hbm>>
      %dma_start3A_771 = arith.constant 512 : i32
      %dma_start3A_772 = tpu.memref_slice %arg11[%dma_start3A_771] : memref<8192xf32, #tpu.memory_space<vmem>> -> memref<256xf32, #tpu.memory_space<vmem>>
      tpu.enqueue_dma source(%dma_start3A_772 : memref<256xf32, #tpu.memory_space<vmem>>) target(%dma_start3A_770 : memref<256xf32, #tpu.memory_space<hbm>>) target_semaphore(%run_scoped3A : memref<!tpu.dma_semaphore, #tpu.memory_space<semaphore_mem>>)
      %dma_wait3A_773 = arith.constant 512 : i32
      %dma_wait3A_774 = tpu.memref_slice %arg11[%dma_wait3A_773] : memref<8192xf32, #tpu.memory_space<vmem>> -> memref<256xf32, #tpu.memory_space<vmem>>
      %dma_wait3A_775 = tpu.memref_slice %arg5[%add3A_149] : memref<1048576xf32, #tpu.memory_space<hbm>> -> memref<256xf32, #tpu.memory_space<hbm>>
      %dma_wait3A_776 = tpu.memref_slice %arg5[%add3A_149] : memref<1048576xf32, #tpu.memory_space<hbm>> -> memref<256xf32, #tpu.memory_space<hbm>>
      %dma_wait3A_777 = arith.constant 512 : i32
      %dma_wait3A_778 = tpu.memref_slice %arg11[%dma_wait3A_777] : memref<8192xf32, #tpu.memory_space<vmem>> -> memref<256xf32, #tpu.memory_space<vmem>>
      tpu.wait_dma2 semaphore(%run_scoped3A : memref<!tpu.dma_semaphore, #tpu.memory_space<semaphore_mem>>) src(%dma_wait3A_778 : memref<256xf32, #tpu.memory_space<vmem>>) dst(%dma_wait3A_776 : memref<256xf32, #tpu.memory_space<hbm>>)
      tpu.yield
    }) : () -> ()
    %add3A_150 = arith.constant 49152 : i32
    %add3A_151 = arith.addi %add3A_150, %mul3A_2 : i32
    %add3A_152 = arith.constant 0 : i32
    %add3A_153 = arith.addi %add3A_151, %add3A_152 : i32
    "tpu.region"() ({
      %run_scoped3A = tpu.sem_alloc : memref<!tpu.dma_semaphore, #tpu.memory_space<semaphore_mem>>
      %dma_start3A_767 = arith.constant 768 : i32
      %dma_start3A_768 = tpu.memref_slice %arg10[%dma_start3A_767] : memref<8192xf32, #tpu.memory_space<vmem>> -> memref<256xf32, #tpu.memory_space<vmem>>
      %dma_start3A_769 = tpu.memref_slice %arg5[%add3A_153] : memref<1048576xf32, #tpu.memory_space<hbm>> -> memref<256xf32, #tpu.memory_space<hbm>>
      %dma_start3A_770 = tpu.memref_slice %arg5[%add3A_153] : memref<1048576xf32, #tpu.memory_space<hbm>> -> memref<256xf32, #tpu.memory_space<hbm>>
      %dma_start3A_771 = arith.constant 768 : i32
      %dma_start3A_772 = tpu.memref_slice %arg10[%dma_start3A_771] : memref<8192xf32, #tpu.memory_space<vmem>> -> memref<256xf32, #tpu.memory_space<vmem>>
      tpu.enqueue_dma source(%dma_start3A_772 : memref<256xf32, #tpu.memory_space<vmem>>) target(%dma_start3A_770 : memref<256xf32, #tpu.memory_space<hbm>>) target_semaphore(%run_scoped3A : memref<!tpu.dma_semaphore, #tpu.memory_space<semaphore_mem>>)
      %dma_wait3A_773 = arith.constant 768 : i32
      %dma_wait3A_774 = tpu.memref_slice %arg10[%dma_wait3A_773] : memref<8192xf32, #tpu.memory_space<vmem>> -> memref<256xf32, #tpu.memory_space<vmem>>
      %dma_wait3A_775 = tpu.memref_slice %arg5[%add3A_153] : memref<1048576xf32, #tpu.memory_space<hbm>> -> memref<256xf32, #tpu.memory_space<hbm>>
      %dma_wait3A_776 = tpu.memref_slice %arg5[%add3A_153] : memref<1048576xf32, #tpu.memory_space<hbm>> -> memref<256xf32, #tpu.memory_space<hbm>>
      %dma_wait3A_777 = arith.constant 768 : i32
      %dma_wait3A_778 = tpu.memref_slice %arg10[%dma_wait3A_777] : memref<8192xf32, #tpu.memory_space<vmem>> -> memref<256xf32, #tpu.memory_space<vmem>>
      tpu.wait_dma2 semaphore(%run_scoped3A : memref<!tpu.dma_semaphore, #tpu.memory_space<semaphore_mem>>) src(%dma_wait3A_778 : memref<256xf32, #tpu.memory_space<vmem>>) dst(%dma_wait3A_776 : memref<256xf32, #tpu.memory_space<hbm>>)
      tpu.yield
    }) : () -> ()
    %add3A_154 = arith.constant 573440 : i32
    %add3A_155 = arith.addi %add3A_154, %mul3A_2 : i32
    %add3A_156 = arith.constant 0 : i32
    %add3A_157 = arith.addi %add3A_155, %add3A_156 : i32
    "tpu.region"() ({
      %run_scoped3A = tpu.sem_alloc : memref<!tpu.dma_semaphore, #tpu.memory_space<semaphore_mem>>
      %dma_start3A_767 = arith.constant 768 : i32
      %dma_start3A_768 = tpu.memref_slice %arg11[%dma_start3A_767] : memref<8192xf32, #tpu.memory_space<vmem>> -> memref<256xf32, #tpu.memory_space<vmem>>
      %dma_start3A_769 = tpu.memref_slice %arg5[%add3A_157] : memref<1048576xf32, #tpu.memory_space<hbm>> -> memref<256xf32, #tpu.memory_space<hbm>>
      %dma_start3A_770 = tpu.memref_slice %arg5[%add3A_157] : memref<1048576xf32, #tpu.memory_space<hbm>> -> memref<256xf32, #tpu.memory_space<hbm>>
      %dma_start3A_771 = arith.constant 768 : i32
      %dma_start3A_772 = tpu.memref_slice %arg11[%dma_start3A_771] : memref<8192xf32, #tpu.memory_space<vmem>> -> memref<256xf32, #tpu.memory_space<vmem>>
      tpu.enqueue_dma source(%dma_start3A_772 : memref<256xf32, #tpu.memory_space<vmem>>) target(%dma_start3A_770 : memref<256xf32, #tpu.memory_space<hbm>>) target_semaphore(%run_scoped3A : memref<!tpu.dma_semaphore, #tpu.memory_space<semaphore_mem>>)
      %dma_wait3A_773 = arith.constant 768 : i32
      %dma_wait3A_774 = tpu.memref_slice %arg11[%dma_wait3A_773] : memref<8192xf32, #tpu.memory_space<vmem>> -> memref<256xf32, #tpu.memory_space<vmem>>
      %dma_wait3A_775 = tpu.memref_slice %arg5[%add3A_157] : memref<1048576xf32, #tpu.memory_space<hbm>> -> memref<256xf32, #tpu.memory_space<hbm>>
      %dma_wait3A_776 = tpu.memref_slice %arg5[%add3A_157] : memref<1048576xf32, #tpu.memory_space<hbm>> -> memref<256xf32, #tpu.memory_space<hbm>>
      %dma_wait3A_777 = arith.constant 768 : i32
      %dma_wait3A_778 = tpu.memref_slice %arg11[%dma_wait3A_777] : memref<8192xf32, #tpu.memory_space<vmem>> -> memref<256xf32, #tpu.memory_space<vmem>>
      tpu.wait_dma2 semaphore(%run_scoped3A : memref<!tpu.dma_semaphore, #tpu.memory_space<semaphore_mem>>) src(%dma_wait3A_778 : memref<256xf32, #tpu.memory_space<vmem>>) dst(%dma_wait3A_776 : memref<256xf32, #tpu.memory_space<hbm>>)
      tpu.yield
    }) : () -> ()
    %add3A_158 = arith.constant 65536 : i32
    %add3A_159 = arith.addi %add3A_158, %mul3A_2 : i32
    %add3A_160 = arith.constant 0 : i32
    %add3A_161 = arith.addi %add3A_159, %add3A_160 : i32
    "tpu.region"() ({
      %run_scoped3A = tpu.sem_alloc : memref<!tpu.dma_semaphore, #tpu.memory_space<semaphore_mem>>
      %dma_start3A_767 = arith.constant 1024 : i32
      %dma_start3A_768 = tpu.memref_slice %arg10[%dma_start3A_767] : memref<8192xf32, #tpu.memory_space<vmem>> -> memref<256xf32, #tpu.memory_space<vmem>>
      %dma_start3A_769 = tpu.memref_slice %arg5[%add3A_161] : memref<1048576xf32, #tpu.memory_space<hbm>> -> memref<256xf32, #tpu.memory_space<hbm>>
      %dma_start3A_770 = tpu.memref_slice %arg5[%add3A_161] : memref<1048576xf32, #tpu.memory_space<hbm>> -> memref<256xf32, #tpu.memory_space<hbm>>
      %dma_start3A_771 = arith.constant 1024 : i32
      %dma_start3A_772 = tpu.memref_slice %arg10[%dma_start3A_771] : memref<8192xf32, #tpu.memory_space<vmem>> -> memref<256xf32, #tpu.memory_space<vmem>>
      tpu.enqueue_dma source(%dma_start3A_772 : memref<256xf32, #tpu.memory_space<vmem>>) target(%dma_start3A_770 : memref<256xf32, #tpu.memory_space<hbm>>) target_semaphore(%run_scoped3A : memref<!tpu.dma_semaphore, #tpu.memory_space<semaphore_mem>>)
      %dma_wait3A_773 = arith.constant 1024 : i32
      %dma_wait3A_774 = tpu.memref_slice %arg10[%dma_wait3A_773] : memref<8192xf32, #tpu.memory_space<vmem>> -> memref<256xf32, #tpu.memory_space<vmem>>
      %dma_wait3A_775 = tpu.memref_slice %arg5[%add3A_161] : memref<1048576xf32, #tpu.memory_space<hbm>> -> memref<256xf32, #tpu.memory_space<hbm>>
      %dma_wait3A_776 = tpu.memref_slice %arg5[%add3A_161] : memref<1048576xf32, #tpu.memory_space<hbm>> -> memref<256xf32, #tpu.memory_space<hbm>>
      %dma_wait3A_777 = arith.constant 1024 : i32
      %dma_wait3A_778 = tpu.memref_slice %arg10[%dma_wait3A_777] : memref<8192xf32, #tpu.memory_space<vmem>> -> memref<256xf32, #tpu.memory_space<vmem>>
      tpu.wait_dma2 semaphore(%run_scoped3A : memref<!tpu.dma_semaphore, #tpu.memory_space<semaphore_mem>>) src(%dma_wait3A_778 : memref<256xf32, #tpu.memory_space<vmem>>) dst(%dma_wait3A_776 : memref<256xf32, #tpu.memory_space<hbm>>)
      tpu.yield
    }) : () -> ()
    %add3A_162 = arith.constant 589824 : i32
    %add3A_163 = arith.addi %add3A_162, %mul3A_2 : i32
    %add3A_164 = arith.constant 0 : i32
    %add3A_165 = arith.addi %add3A_163, %add3A_164 : i32
    "tpu.region"() ({
      %run_scoped3A = tpu.sem_alloc : memref<!tpu.dma_semaphore, #tpu.memory_space<semaphore_mem>>
      %dma_start3A_767 = arith.constant 1024 : i32
      %dma_start3A_768 = tpu.memref_slice %arg11[%dma_start3A_767] : memref<8192xf32, #tpu.memory_space<vmem>> -> memref<256xf32, #tpu.memory_space<vmem>>
      %dma_start3A_769 = tpu.memref_slice %arg5[%add3A_165] : memref<1048576xf32, #tpu.memory_space<hbm>> -> memref<256xf32, #tpu.memory_space<hbm>>
      %dma_start3A_770 = tpu.memref_slice %arg5[%add3A_165] : memref<1048576xf32, #tpu.memory_space<hbm>> -> memref<256xf32, #tpu.memory_space<hbm>>
      %dma_start3A_771 = arith.constant 1024 : i32
      %dma_start3A_772 = tpu.memref_slice %arg11[%dma_start3A_771] : memref<8192xf32, #tpu.memory_space<vmem>> -> memref<256xf32, #tpu.memory_space<vmem>>
      tpu.enqueue_dma source(%dma_start3A_772 : memref<256xf32, #tpu.memory_space<vmem>>) target(%dma_start3A_770 : memref<256xf32, #tpu.memory_space<hbm>>) target_semaphore(%run_scoped3A : memref<!tpu.dma_semaphore, #tpu.memory_space<semaphore_mem>>)
      %dma_wait3A_773 = arith.constant 1024 : i32
      %dma_wait3A_774 = tpu.memref_slice %arg11[%dma_wait3A_773] : memref<8192xf32, #tpu.memory_space<vmem>> -> memref<256xf32, #tpu.memory_space<vmem>>
      %dma_wait3A_775 = tpu.memref_slice %arg5[%add3A_165] : memref<1048576xf32, #tpu.memory_space<hbm>> -> memref<256xf32, #tpu.memory_space<hbm>>
      %dma_wait3A_776 = tpu.memref_slice %arg5[%add3A_165] : memref<1048576xf32, #tpu.memory_space<hbm>> -> memref<256xf32, #tpu.memory_space<hbm>>
      %dma_wait3A_777 = arith.constant 1024 : i32
      %dma_wait3A_778 = tpu.memref_slice %arg11[%dma_wait3A_777] : memref<8192xf32, #tpu.memory_space<vmem>> -> memref<256xf32, #tpu.memory_space<vmem>>
      tpu.wait_dma2 semaphore(%run_scoped3A : memref<!tpu.dma_semaphore, #tpu.memory_space<semaphore_mem>>) src(%dma_wait3A_778 : memref<256xf32, #tpu.memory_space<vmem>>) dst(%dma_wait3A_776 : memref<256xf32, #tpu.memory_space<hbm>>)
      tpu.yield
    }) : () -> ()
    %add3A_166 = arith.constant 81920 : i32
    %add3A_167 = arith.addi %add3A_166, %mul3A_2 : i32
    %add3A_168 = arith.constant 0 : i32
    %add3A_169 = arith.addi %add3A_167, %add3A_168 : i32
    "tpu.region"() ({
      %run_scoped3A = tpu.sem_alloc : memref<!tpu.dma_semaphore, #tpu.memory_space<semaphore_mem>>
      %dma_start3A_767 = arith.constant 1280 : i32
      %dma_start3A_768 = tpu.memref_slice %arg10[%dma_start3A_767] : memref<8192xf32, #tpu.memory_space<vmem>> -> memref<256xf32, #tpu.memory_space<vmem>>
      %dma_start3A_769 = tpu.memref_slice %arg5[%add3A_169] : memref<1048576xf32, #tpu.memory_space<hbm>> -> memref<256xf32, #tpu.memory_space<hbm>>
      %dma_start3A_770 = tpu.memref_slice %arg5[%add3A_169] : memref<1048576xf32, #tpu.memory_space<hbm>> -> memref<256xf32, #tpu.memory_space<hbm>>
      %dma_start3A_771 = arith.constant 1280 : i32
      %dma_start3A_772 = tpu.memref_slice %arg10[%dma_start3A_771] : memref<8192xf32, #tpu.memory_space<vmem>> -> memref<256xf32, #tpu.memory_space<vmem>>
      tpu.enqueue_dma source(%dma_start3A_772 : memref<256xf32, #tpu.memory_space<vmem>>) target(%dma_start3A_770 : memref<256xf32, #tpu.memory_space<hbm>>) target_semaphore(%run_scoped3A : memref<!tpu.dma_semaphore, #tpu.memory_space<semaphore_mem>>)
      %dma_wait3A_773 = arith.constant 1280 : i32
      %dma_wait3A_774 = tpu.memref_slice %arg10[%dma_wait3A_773] : memref<8192xf32, #tpu.memory_space<vmem>> -> memref<256xf32, #tpu.memory_space<vmem>>
      %dma_wait3A_775 = tpu.memref_slice %arg5[%add3A_169] : memref<1048576xf32, #tpu.memory_space<hbm>> -> memref<256xf32, #tpu.memory_space<hbm>>
      %dma_wait3A_776 = tpu.memref_slice %arg5[%add3A_169] : memref<1048576xf32, #tpu.memory_space<hbm>> -> memref<256xf32, #tpu.memory_space<hbm>>
      %dma_wait3A_777 = arith.constant 1280 : i32
      %dma_wait3A_778 = tpu.memref_slice %arg10[%dma_wait3A_777] : memref<8192xf32, #tpu.memory_space<vmem>> -> memref<256xf32, #tpu.memory_space<vmem>>
      tpu.wait_dma2 semaphore(%run_scoped3A : memref<!tpu.dma_semaphore, #tpu.memory_space<semaphore_mem>>) src(%dma_wait3A_778 : memref<256xf32, #tpu.memory_space<vmem>>) dst(%dma_wait3A_776 : memref<256xf32, #tpu.memory_space<hbm>>)
      tpu.yield
    }) : () -> ()
    %add3A_170 = arith.constant 606208 : i32
    %add3A_171 = arith.addi %add3A_170, %mul3A_2 : i32
    %add3A_172 = arith.constant 0 : i32
    %add3A_173 = arith.addi %add3A_171, %add3A_172 : i32
    "tpu.region"() ({
      %run_scoped3A = tpu.sem_alloc : memref<!tpu.dma_semaphore, #tpu.memory_space<semaphore_mem>>
      %dma_start3A_767 = arith.constant 1280 : i32
      %dma_start3A_768 = tpu.memref_slice %arg11[%dma_start3A_767] : memref<8192xf32, #tpu.memory_space<vmem>> -> memref<256xf32, #tpu.memory_space<vmem>>
      %dma_start3A_769 = tpu.memref_slice %arg5[%add3A_173] : memref<1048576xf32, #tpu.memory_space<hbm>> -> memref<256xf32, #tpu.memory_space<hbm>>
      %dma_start3A_770 = tpu.memref_slice %arg5[%add3A_173] : memref<1048576xf32, #tpu.memory_space<hbm>> -> memref<256xf32, #tpu.memory_space<hbm>>
      %dma_start3A_771 = arith.constant 1280 : i32
      %dma_start3A_772 = tpu.memref_slice %arg11[%dma_start3A_771] : memref<8192xf32, #tpu.memory_space<vmem>> -> memref<256xf32, #tpu.memory_space<vmem>>
      tpu.enqueue_dma source(%dma_start3A_772 : memref<256xf32, #tpu.memory_space<vmem>>) target(%dma_start3A_770 : memref<256xf32, #tpu.memory_space<hbm>>) target_semaphore(%run_scoped3A : memref<!tpu.dma_semaphore, #tpu.memory_space<semaphore_mem>>)
      %dma_wait3A_773 = arith.constant 1280 : i32
      %dma_wait3A_774 = tpu.memref_slice %arg11[%dma_wait3A_773] : memref<8192xf32, #tpu.memory_space<vmem>> -> memref<256xf32, #tpu.memory_space<vmem>>
      %dma_wait3A_775 = tpu.memref_slice %arg5[%add3A_173] : memref<1048576xf32, #tpu.memory_space<hbm>> -> memref<256xf32, #tpu.memory_space<hbm>>
      %dma_wait3A_776 = tpu.memref_slice %arg5[%add3A_173] : memref<1048576xf32, #tpu.memory_space<hbm>> -> memref<256xf32, #tpu.memory_space<hbm>>
      %dma_wait3A_777 = arith.constant 1280 : i32
      %dma_wait3A_778 = tpu.memref_slice %arg11[%dma_wait3A_777] : memref<8192xf32, #tpu.memory_space<vmem>> -> memref<256xf32, #tpu.memory_space<vmem>>
      tpu.wait_dma2 semaphore(%run_scoped3A : memref<!tpu.dma_semaphore, #tpu.memory_space<semaphore_mem>>) src(%dma_wait3A_778 : memref<256xf32, #tpu.memory_space<vmem>>) dst(%dma_wait3A_776 : memref<256xf32, #tpu.memory_space<hbm>>)
      tpu.yield
    }) : () -> ()
    %add3A_174 = arith.constant 98304 : i32
    %add3A_175 = arith.addi %add3A_174, %mul3A_2 : i32
    %add3A_176 = arith.constant 0 : i32
    %add3A_177 = arith.addi %add3A_175, %add3A_176 : i32
    "tpu.region"() ({
      %run_scoped3A = tpu.sem_alloc : memref<!tpu.dma_semaphore, #tpu.memory_space<semaphore_mem>>
      %dma_start3A_767 = arith.constant 1536 : i32
      %dma_start3A_768 = tpu.memref_slice %arg10[%dma_start3A_767] : memref<8192xf32, #tpu.memory_space<vmem>> -> memref<256xf32, #tpu.memory_space<vmem>>
      %dma_start3A_769 = tpu.memref_slice %arg5[%add3A_177] : memref<1048576xf32, #tpu.memory_space<hbm>> -> memref<256xf32, #tpu.memory_space<hbm>>
      %dma_start3A_770 = tpu.memref_slice %arg5[%add3A_177] : memref<1048576xf32, #tpu.memory_space<hbm>> -> memref<256xf32, #tpu.memory_space<hbm>>
      %dma_start3A_771 = arith.constant 1536 : i32
      %dma_start3A_772 = tpu.memref_slice %arg10[%dma_start3A_771] : memref<8192xf32, #tpu.memory_space<vmem>> -> memref<256xf32, #tpu.memory_space<vmem>>
      tpu.enqueue_dma source(%dma_start3A_772 : memref<256xf32, #tpu.memory_space<vmem>>) target(%dma_start3A_770 : memref<256xf32, #tpu.memory_space<hbm>>) target_semaphore(%run_scoped3A : memref<!tpu.dma_semaphore, #tpu.memory_space<semaphore_mem>>)
      %dma_wait3A_773 = arith.constant 1536 : i32
      %dma_wait3A_774 = tpu.memref_slice %arg10[%dma_wait3A_773] : memref<8192xf32, #tpu.memory_space<vmem>> -> memref<256xf32, #tpu.memory_space<vmem>>
      %dma_wait3A_775 = tpu.memref_slice %arg5[%add3A_177] : memref<1048576xf32, #tpu.memory_space<hbm>> -> memref<256xf32, #tpu.memory_space<hbm>>
      %dma_wait3A_776 = tpu.memref_slice %arg5[%add3A_177] : memref<1048576xf32, #tpu.memory_space<hbm>> -> memref<256xf32, #tpu.memory_space<hbm>>
      %dma_wait3A_777 = arith.constant 1536 : i32
      %dma_wait3A_778 = tpu.memref_slice %arg10[%dma_wait3A_777] : memref<8192xf32, #tpu.memory_space<vmem>> -> memref<256xf32, #tpu.memory_space<vmem>>
      tpu.wait_dma2 semaphore(%run_scoped3A : memref<!tpu.dma_semaphore, #tpu.memory_space<semaphore_mem>>) src(%dma_wait3A_778 : memref<256xf32, #tpu.memory_space<vmem>>) dst(%dma_wait3A_776 : memref<256xf32, #tpu.memory_space<hbm>>)
      tpu.yield
    }) : () -> ()
    %add3A_178 = arith.constant 622592 : i32
    %add3A_179 = arith.addi %add3A_178, %mul3A_2 : i32
    %add3A_180 = arith.constant 0 : i32
    %add3A_181 = arith.addi %add3A_179, %add3A_180 : i32
    "tpu.region"() ({
      %run_scoped3A = tpu.sem_alloc : memref<!tpu.dma_semaphore, #tpu.memory_space<semaphore_mem>>
      %dma_start3A_767 = arith.constant 1536 : i32
      %dma_start3A_768 = tpu.memref_slice %arg11[%dma_start3A_767] : memref<8192xf32, #tpu.memory_space<vmem>> -> memref<256xf32, #tpu.memory_space<vmem>>
      %dma_start3A_769 = tpu.memref_slice %arg5[%add3A_181] : memref<1048576xf32, #tpu.memory_space<hbm>> -> memref<256xf32, #tpu.memory_space<hbm>>
      %dma_start3A_770 = tpu.memref_slice %arg5[%add3A_181] : memref<1048576xf32, #tpu.memory_space<hbm>> -> memref<256xf32, #tpu.memory_space<hbm>>
      %dma_start3A_771 = arith.constant 1536 : i32
      %dma_start3A_772 = tpu.memref_slice %arg11[%dma_start3A_771] : memref<8192xf32, #tpu.memory_space<vmem>> -> memref<256xf32, #tpu.memory_space<vmem>>
      tpu.enqueue_dma source(%dma_start3A_772 : memref<256xf32, #tpu.memory_space<vmem>>) target(%dma_start3A_770 : memref<256xf32, #tpu.memory_space<hbm>>) target_semaphore(%run_scoped3A : memref<!tpu.dma_semaphore, #tpu.memory_space<semaphore_mem>>)
      %dma_wait3A_773 = arith.constant 1536 : i32
      %dma_wait3A_774 = tpu.memref_slice %arg11[%dma_wait3A_773] : memref<8192xf32, #tpu.memory_space<vmem>> -> memref<256xf32, #tpu.memory_space<vmem>>
      %dma_wait3A_775 = tpu.memref_slice %arg5[%add3A_181] : memref<1048576xf32, #tpu.memory_space<hbm>> -> memref<256xf32, #tpu.memory_space<hbm>>
      %dma_wait3A_776 = tpu.memref_slice %arg5[%add3A_181] : memref<1048576xf32, #tpu.memory_space<hbm>> -> memref<256xf32, #tpu.memory_space<hbm>>
      %dma_wait3A_777 = arith.constant 1536 : i32
      %dma_wait3A_778 = tpu.memref_slice %arg11[%dma_wait3A_777] : memref<8192xf32, #tpu.memory_space<vmem>> -> memref<256xf32, #tpu.memory_space<vmem>>
      tpu.wait_dma2 semaphore(%run_scoped3A : memref<!tpu.dma_semaphore, #tpu.memory_space<semaphore_mem>>) src(%dma_wait3A_778 : memref<256xf32, #tpu.memory_space<vmem>>) dst(%dma_wait3A_776 : memref<256xf32, #tpu.memory_space<hbm>>)
      tpu.yield
    }) : () -> ()
    %add3A_182 = arith.constant 114688 : i32
    %add3A_183 = arith.addi %add3A_182, %mul3A_2 : i32
    %add3A_184 = arith.constant 0 : i32
    %add3A_185 = arith.addi %add3A_183, %add3A_184 : i32
    "tpu.region"() ({
      %run_scoped3A = tpu.sem_alloc : memref<!tpu.dma_semaphore, #tpu.memory_space<semaphore_mem>>
      %dma_start3A_767 = arith.constant 1792 : i32
      %dma_start3A_768 = tpu.memref_slice %arg10[%dma_start3A_767] : memref<8192xf32, #tpu.memory_space<vmem>> -> memref<256xf32, #tpu.memory_space<vmem>>
      %dma_start3A_769 = tpu.memref_slice %arg5[%add3A_185] : memref<1048576xf32, #tpu.memory_space<hbm>> -> memref<256xf32, #tpu.memory_space<hbm>>
      %dma_start3A_770 = tpu.memref_slice %arg5[%add3A_185] : memref<1048576xf32, #tpu.memory_space<hbm>> -> memref<256xf32, #tpu.memory_space<hbm>>
      %dma_start3A_771 = arith.constant 1792 : i32
      %dma_start3A_772 = tpu.memref_slice %arg10[%dma_start3A_771] : memref<8192xf32, #tpu.memory_space<vmem>> -> memref<256xf32, #tpu.memory_space<vmem>>
      tpu.enqueue_dma source(%dma_start3A_772 : memref<256xf32, #tpu.memory_space<vmem>>) target(%dma_start3A_770 : memref<256xf32, #tpu.memory_space<hbm>>) target_semaphore(%run_scoped3A : memref<!tpu.dma_semaphore, #tpu.memory_space<semaphore_mem>>)
      %dma_wait3A_773 = arith.constant 1792 : i32
      %dma_wait3A_774 = tpu.memref_slice %arg10[%dma_wait3A_773] : memref<8192xf32, #tpu.memory_space<vmem>> -> memref<256xf32, #tpu.memory_space<vmem>>
      %dma_wait3A_775 = tpu.memref_slice %arg5[%add3A_185] : memref<1048576xf32, #tpu.memory_space<hbm>> -> memref<256xf32, #tpu.memory_space<hbm>>
      %dma_wait3A_776 = tpu.memref_slice %arg5[%add3A_185] : memref<1048576xf32, #tpu.memory_space<hbm>> -> memref<256xf32, #tpu.memory_space<hbm>>
      %dma_wait3A_777 = arith.constant 1792 : i32
      %dma_wait3A_778 = tpu.memref_slice %arg10[%dma_wait3A_777] : memref<8192xf32, #tpu.memory_space<vmem>> -> memref<256xf32, #tpu.memory_space<vmem>>
      tpu.wait_dma2 semaphore(%run_scoped3A : memref<!tpu.dma_semaphore, #tpu.memory_space<semaphore_mem>>) src(%dma_wait3A_778 : memref<256xf32, #tpu.memory_space<vmem>>) dst(%dma_wait3A_776 : memref<256xf32, #tpu.memory_space<hbm>>)
      tpu.yield
    }) : () -> ()
    %add3A_186 = arith.constant 638976 : i32
    %add3A_187 = arith.addi %add3A_186, %mul3A_2 : i32
    %add3A_188 = arith.constant 0 : i32
    %add3A_189 = arith.addi %add3A_187, %add3A_188 : i32
    "tpu.region"() ({
      %run_scoped3A = tpu.sem_alloc : memref<!tpu.dma_semaphore, #tpu.memory_space<semaphore_mem>>
      %dma_start3A_767 = arith.constant 1792 : i32
      %dma_start3A_768 = tpu.memref_slice %arg11[%dma_start3A_767] : memref<8192xf32, #tpu.memory_space<vmem>> -> memref<256xf32, #tpu.memory_space<vmem>>
      %dma_start3A_769 = tpu.memref_slice %arg5[%add3A_189] : memref<1048576xf32, #tpu.memory_space<hbm>> -> memref<256xf32, #tpu.memory_space<hbm>>
      %dma_start3A_770 = tpu.memref_slice %arg5[%add3A_189] : memref<1048576xf32, #tpu.memory_space<hbm>> -> memref<256xf32, #tpu.memory_space<hbm>>
      %dma_start3A_771 = arith.constant 1792 : i32
      %dma_start3A_772 = tpu.memref_slice %arg11[%dma_start3A_771] : memref<8192xf32, #tpu.memory_space<vmem>> -> memref<256xf32, #tpu.memory_space<vmem>>
      tpu.enqueue_dma source(%dma_start3A_772 : memref<256xf32, #tpu.memory_space<vmem>>) target(%dma_start3A_770 : memref<256xf32, #tpu.memory_space<hbm>>) target_semaphore(%run_scoped3A : memref<!tpu.dma_semaphore, #tpu.memory_space<semaphore_mem>>)
      %dma_wait3A_773 = arith.constant 1792 : i32
      %dma_wait3A_774 = tpu.memref_slice %arg11[%dma_wait3A_773] : memref<8192xf32, #tpu.memory_space<vmem>> -> memref<256xf32, #tpu.memory_space<vmem>>
      %dma_wait3A_775 = tpu.memref_slice %arg5[%add3A_189] : memref<1048576xf32, #tpu.memory_space<hbm>> -> memref<256xf32, #tpu.memory_space<hbm>>
      %dma_wait3A_776 = tpu.memref_slice %arg5[%add3A_189] : memref<1048576xf32, #tpu.memory_space<hbm>> -> memref<256xf32, #tpu.memory_space<hbm>>
      %dma_wait3A_777 = arith.constant 1792 : i32
      %dma_wait3A_778 = tpu.memref_slice %arg11[%dma_wait3A_777] : memref<8192xf32, #tpu.memory_space<vmem>> -> memref<256xf32, #tpu.memory_space<vmem>>
      tpu.wait_dma2 semaphore(%run_scoped3A : memref<!tpu.dma_semaphore, #tpu.memory_space<semaphore_mem>>) src(%dma_wait3A_778 : memref<256xf32, #tpu.memory_space<vmem>>) dst(%dma_wait3A_776 : memref<256xf32, #tpu.memory_space<hbm>>)
      tpu.yield
    }) : () -> ()
    %add3A_190 = arith.constant 131072 : i32
    %add3A_191 = arith.addi %add3A_190, %mul3A_2 : i32
    %add3A_192 = arith.constant 0 : i32
    %add3A_193 = arith.addi %add3A_191, %add3A_192 : i32
    "tpu.region"() ({
      %run_scoped3A = tpu.sem_alloc : memref<!tpu.dma_semaphore, #tpu.memory_space<semaphore_mem>>
      %dma_start3A_767 = arith.constant 2048 : i32
      %dma_start3A_768 = tpu.memref_slice %arg10[%dma_start3A_767] : memref<8192xf32, #tpu.memory_space<vmem>> -> memref<256xf32, #tpu.memory_space<vmem>>
      %dma_start3A_769 = tpu.memref_slice %arg5[%add3A_193] : memref<1048576xf32, #tpu.memory_space<hbm>> -> memref<256xf32, #tpu.memory_space<hbm>>
      %dma_start3A_770 = tpu.memref_slice %arg5[%add3A_193] : memref<1048576xf32, #tpu.memory_space<hbm>> -> memref<256xf32, #tpu.memory_space<hbm>>
      %dma_start3A_771 = arith.constant 2048 : i32
      %dma_start3A_772 = tpu.memref_slice %arg10[%dma_start3A_771] : memref<8192xf32, #tpu.memory_space<vmem>> -> memref<256xf32, #tpu.memory_space<vmem>>
      tpu.enqueue_dma source(%dma_start3A_772 : memref<256xf32, #tpu.memory_space<vmem>>) target(%dma_start3A_770 : memref<256xf32, #tpu.memory_space<hbm>>) target_semaphore(%run_scoped3A : memref<!tpu.dma_semaphore, #tpu.memory_space<semaphore_mem>>)
      %dma_wait3A_773 = arith.constant 2048 : i32
      %dma_wait3A_774 = tpu.memref_slice %arg10[%dma_wait3A_773] : memref<8192xf32, #tpu.memory_space<vmem>> -> memref<256xf32, #tpu.memory_space<vmem>>
      %dma_wait3A_775 = tpu.memref_slice %arg5[%add3A_193] : memref<1048576xf32, #tpu.memory_space<hbm>> -> memref<256xf32, #tpu.memory_space<hbm>>
      %dma_wait3A_776 = tpu.memref_slice %arg5[%add3A_193] : memref<1048576xf32, #tpu.memory_space<hbm>> -> memref<256xf32, #tpu.memory_space<hbm>>
      %dma_wait3A_777 = arith.constant 2048 : i32
      %dma_wait3A_778 = tpu.memref_slice %arg10[%dma_wait3A_777] : memref<8192xf32, #tpu.memory_space<vmem>> -> memref<256xf32, #tpu.memory_space<vmem>>
      tpu.wait_dma2 semaphore(%run_scoped3A : memref<!tpu.dma_semaphore, #tpu.memory_space<semaphore_mem>>) src(%dma_wait3A_778 : memref<256xf32, #tpu.memory_space<vmem>>) dst(%dma_wait3A_776 : memref<256xf32, #tpu.memory_space<hbm>>)
      tpu.yield
    }) : () -> ()
    %add3A_194 = arith.constant 655360 : i32
    %add3A_195 = arith.addi %add3A_194, %mul3A_2 : i32
    %add3A_196 = arith.constant 0 : i32
    %add3A_197 = arith.addi %add3A_195, %add3A_196 : i32
    "tpu.region"() ({
      %run_scoped3A = tpu.sem_alloc : memref<!tpu.dma_semaphore, #tpu.memory_space<semaphore_mem>>
      %dma_start3A_767 = arith.constant 2048 : i32
      %dma_start3A_768 = tpu.memref_slice %arg11[%dma_start3A_767] : memref<8192xf32, #tpu.memory_space<vmem>> -> memref<256xf32, #tpu.memory_space<vmem>>
      %dma_start3A_769 = tpu.memref_slice %arg5[%add3A_197] : memref<1048576xf32, #tpu.memory_space<hbm>> -> memref<256xf32, #tpu.memory_space<hbm>>
      %dma_start3A_770 = tpu.memref_slice %arg5[%add3A_197] : memref<1048576xf32, #tpu.memory_space<hbm>> -> memref<256xf32, #tpu.memory_space<hbm>>
      %dma_start3A_771 = arith.constant 2048 : i32
      %dma_start3A_772 = tpu.memref_slice %arg11[%dma_start3A_771] : memref<8192xf32, #tpu.memory_space<vmem>> -> memref<256xf32, #tpu.memory_space<vmem>>
      tpu.enqueue_dma source(%dma_start3A_772 : memref<256xf32, #tpu.memory_space<vmem>>) target(%dma_start3A_770 : memref<256xf32, #tpu.memory_space<hbm>>) target_semaphore(%run_scoped3A : memref<!tpu.dma_semaphore, #tpu.memory_space<semaphore_mem>>)
      %dma_wait3A_773 = arith.constant 2048 : i32
      %dma_wait3A_774 = tpu.memref_slice %arg11[%dma_wait3A_773] : memref<8192xf32, #tpu.memory_space<vmem>> -> memref<256xf32, #tpu.memory_space<vmem>>
      %dma_wait3A_775 = tpu.memref_slice %arg5[%add3A_197] : memref<1048576xf32, #tpu.memory_space<hbm>> -> memref<256xf32, #tpu.memory_space<hbm>>
      %dma_wait3A_776 = tpu.memref_slice %arg5[%add3A_197] : memref<1048576xf32, #tpu.memory_space<hbm>> -> memref<256xf32, #tpu.memory_space<hbm>>
      %dma_wait3A_777 = arith.constant 2048 : i32
      %dma_wait3A_778 = tpu.memref_slice %arg11[%dma_wait3A_777] : memref<8192xf32, #tpu.memory_space<vmem>> -> memref<256xf32, #tpu.memory_space<vmem>>
      tpu.wait_dma2 semaphore(%run_scoped3A : memref<!tpu.dma_semaphore, #tpu.memory_space<semaphore_mem>>) src(%dma_wait3A_778 : memref<256xf32, #tpu.memory_space<vmem>>) dst(%dma_wait3A_776 : memref<256xf32, #tpu.memory_space<hbm>>)
      tpu.yield
    }) : () -> ()
    %add3A_198 = arith.constant 147456 : i32
    %add3A_199 = arith.addi %add3A_198, %mul3A_2 : i32
    %add3A_200 = arith.constant 0 : i32
    %add3A_201 = arith.addi %add3A_199, %add3A_200 : i32
    "tpu.region"() ({
      %run_scoped3A = tpu.sem_alloc : memref<!tpu.dma_semaphore, #tpu.memory_space<semaphore_mem>>
      %dma_start3A_767 = arith.constant 2304 : i32
      %dma_start3A_768 = tpu.memref_slice %arg10[%dma_start3A_767] : memref<8192xf32, #tpu.memory_space<vmem>> -> memref<256xf32, #tpu.memory_space<vmem>>
      %dma_start3A_769 = tpu.memref_slice %arg5[%add3A_201] : memref<1048576xf32, #tpu.memory_space<hbm>> -> memref<256xf32, #tpu.memory_space<hbm>>
      %dma_start3A_770 = tpu.memref_slice %arg5[%add3A_201] : memref<1048576xf32, #tpu.memory_space<hbm>> -> memref<256xf32, #tpu.memory_space<hbm>>
      %dma_start3A_771 = arith.constant 2304 : i32
      %dma_start3A_772 = tpu.memref_slice %arg10[%dma_start3A_771] : memref<8192xf32, #tpu.memory_space<vmem>> -> memref<256xf32, #tpu.memory_space<vmem>>
      tpu.enqueue_dma source(%dma_start3A_772 : memref<256xf32, #tpu.memory_space<vmem>>) target(%dma_start3A_770 : memref<256xf32, #tpu.memory_space<hbm>>) target_semaphore(%run_scoped3A : memref<!tpu.dma_semaphore, #tpu.memory_space<semaphore_mem>>)
      %dma_wait3A_773 = arith.constant 2304 : i32
      %dma_wait3A_774 = tpu.memref_slice %arg10[%dma_wait3A_773] : memref<8192xf32, #tpu.memory_space<vmem>> -> memref<256xf32, #tpu.memory_space<vmem>>
      %dma_wait3A_775 = tpu.memref_slice %arg5[%add3A_201] : memref<1048576xf32, #tpu.memory_space<hbm>> -> memref<256xf32, #tpu.memory_space<hbm>>
      %dma_wait3A_776 = tpu.memref_slice %arg5[%add3A_201] : memref<1048576xf32, #tpu.memory_space<hbm>> -> memref<256xf32, #tpu.memory_space<hbm>>
      %dma_wait3A_777 = arith.constant 2304 : i32
      %dma_wait3A_778 = tpu.memref_slice %arg10[%dma_wait3A_777] : memref<8192xf32, #tpu.memory_space<vmem>> -> memref<256xf32, #tpu.memory_space<vmem>>
      tpu.wait_dma2 semaphore(%run_scoped3A : memref<!tpu.dma_semaphore, #tpu.memory_space<semaphore_mem>>) src(%dma_wait3A_778 : memref<256xf32, #tpu.memory_space<vmem>>) dst(%dma_wait3A_776 : memref<256xf32, #tpu.memory_space<hbm>>)
      tpu.yield
    }) : () -> ()
    %add3A_202 = arith.constant 671744 : i32
    %add3A_203 = arith.addi %add3A_202, %mul3A_2 : i32
    %add3A_204 = arith.constant 0 : i32
    %add3A_205 = arith.addi %add3A_203, %add3A_204 : i32
    "tpu.region"() ({
      %run_scoped3A = tpu.sem_alloc : memref<!tpu.dma_semaphore, #tpu.memory_space<semaphore_mem>>
      %dma_start3A_767 = arith.constant 2304 : i32
      %dma_start3A_768 = tpu.memref_slice %arg11[%dma_start3A_767] : memref<8192xf32, #tpu.memory_space<vmem>> -> memref<256xf32, #tpu.memory_space<vmem>>
      %dma_start3A_769 = tpu.memref_slice %arg5[%add3A_205] : memref<1048576xf32, #tpu.memory_space<hbm>> -> memref<256xf32, #tpu.memory_space<hbm>>
      %dma_start3A_770 = tpu.memref_slice %arg5[%add3A_205] : memref<1048576xf32, #tpu.memory_space<hbm>> -> memref<256xf32, #tpu.memory_space<hbm>>
      %dma_start3A_771 = arith.constant 2304 : i32
      %dma_start3A_772 = tpu.memref_slice %arg11[%dma_start3A_771] : memref<8192xf32, #tpu.memory_space<vmem>> -> memref<256xf32, #tpu.memory_space<vmem>>
      tpu.enqueue_dma source(%dma_start3A_772 : memref<256xf32, #tpu.memory_space<vmem>>) target(%dma_start3A_770 : memref<256xf32, #tpu.memory_space<hbm>>) target_semaphore(%run_scoped3A : memref<!tpu.dma_semaphore, #tpu.memory_space<semaphore_mem>>)
      %dma_wait3A_773 = arith.constant 2304 : i32
      %dma_wait3A_774 = tpu.memref_slice %arg11[%dma_wait3A_773] : memref<8192xf32, #tpu.memory_space<vmem>> -> memref<256xf32, #tpu.memory_space<vmem>>
      %dma_wait3A_775 = tpu.memref_slice %arg5[%add3A_205] : memref<1048576xf32, #tpu.memory_space<hbm>> -> memref<256xf32, #tpu.memory_space<hbm>>
      %dma_wait3A_776 = tpu.memref_slice %arg5[%add3A_205] : memref<1048576xf32, #tpu.memory_space<hbm>> -> memref<256xf32, #tpu.memory_space<hbm>>
      %dma_wait3A_777 = arith.constant 2304 : i32
      %dma_wait3A_778 = tpu.memref_slice %arg11[%dma_wait3A_777] : memref<8192xf32, #tpu.memory_space<vmem>> -> memref<256xf32, #tpu.memory_space<vmem>>
      tpu.wait_dma2 semaphore(%run_scoped3A : memref<!tpu.dma_semaphore, #tpu.memory_space<semaphore_mem>>) src(%dma_wait3A_778 : memref<256xf32, #tpu.memory_space<vmem>>) dst(%dma_wait3A_776 : memref<256xf32, #tpu.memory_space<hbm>>)
      tpu.yield
    }) : () -> ()
    %add3A_206 = arith.constant 163840 : i32
    %add3A_207 = arith.addi %add3A_206, %mul3A_2 : i32
    %add3A_208 = arith.constant 0 : i32
    %add3A_209 = arith.addi %add3A_207, %add3A_208 : i32
    "tpu.region"() ({
      %run_scoped3A = tpu.sem_alloc : memref<!tpu.dma_semaphore, #tpu.memory_space<semaphore_mem>>
      %dma_start3A_767 = arith.constant 2560 : i32
      %dma_start3A_768 = tpu.memref_slice %arg10[%dma_start3A_767] : memref<8192xf32, #tpu.memory_space<vmem>> -> memref<256xf32, #tpu.memory_space<vmem>>
      %dma_start3A_769 = tpu.memref_slice %arg5[%add3A_209] : memref<1048576xf32, #tpu.memory_space<hbm>> -> memref<256xf32, #tpu.memory_space<hbm>>
      %dma_start3A_770 = tpu.memref_slice %arg5[%add3A_209] : memref<1048576xf32, #tpu.memory_space<hbm>> -> memref<256xf32, #tpu.memory_space<hbm>>
      %dma_start3A_771 = arith.constant 2560 : i32
      %dma_start3A_772 = tpu.memref_slice %arg10[%dma_start3A_771] : memref<8192xf32, #tpu.memory_space<vmem>> -> memref<256xf32, #tpu.memory_space<vmem>>
      tpu.enqueue_dma source(%dma_start3A_772 : memref<256xf32, #tpu.memory_space<vmem>>) target(%dma_start3A_770 : memref<256xf32, #tpu.memory_space<hbm>>) target_semaphore(%run_scoped3A : memref<!tpu.dma_semaphore, #tpu.memory_space<semaphore_mem>>)
      %dma_wait3A_773 = arith.constant 2560 : i32
      %dma_wait3A_774 = tpu.memref_slice %arg10[%dma_wait3A_773] : memref<8192xf32, #tpu.memory_space<vmem>> -> memref<256xf32, #tpu.memory_space<vmem>>
      %dma_wait3A_775 = tpu.memref_slice %arg5[%add3A_209] : memref<1048576xf32, #tpu.memory_space<hbm>> -> memref<256xf32, #tpu.memory_space<hbm>>
      %dma_wait3A_776 = tpu.memref_slice %arg5[%add3A_209] : memref<1048576xf32, #tpu.memory_space<hbm>> -> memref<256xf32, #tpu.memory_space<hbm>>
      %dma_wait3A_777 = arith.constant 2560 : i32
      %dma_wait3A_778 = tpu.memref_slice %arg10[%dma_wait3A_777] : memref<8192xf32, #tpu.memory_space<vmem>> -> memref<256xf32, #tpu.memory_space<vmem>>
      tpu.wait_dma2 semaphore(%run_scoped3A : memref<!tpu.dma_semaphore, #tpu.memory_space<semaphore_mem>>) src(%dma_wait3A_778 : memref<256xf32, #tpu.memory_space<vmem>>) dst(%dma_wait3A_776 : memref<256xf32, #tpu.memory_space<hbm>>)
      tpu.yield
    }) : () -> ()
    %add3A_210 = arith.constant 688128 : i32
    %add3A_211 = arith.addi %add3A_210, %mul3A_2 : i32
    %add3A_212 = arith.constant 0 : i32
    %add3A_213 = arith.addi %add3A_211, %add3A_212 : i32
    "tpu.region"() ({
      %run_scoped3A = tpu.sem_alloc : memref<!tpu.dma_semaphore, #tpu.memory_space<semaphore_mem>>
      %dma_start3A_767 = arith.constant 2560 : i32
      %dma_start3A_768 = tpu.memref_slice %arg11[%dma_start3A_767] : memref<8192xf32, #tpu.memory_space<vmem>> -> memref<256xf32, #tpu.memory_space<vmem>>
      %dma_start3A_769 = tpu.memref_slice %arg5[%add3A_213] : memref<1048576xf32, #tpu.memory_space<hbm>> -> memref<256xf32, #tpu.memory_space<hbm>>
      %dma_start3A_770 = tpu.memref_slice %arg5[%add3A_213] : memref<1048576xf32, #tpu.memory_space<hbm>> -> memref<256xf32, #tpu.memory_space<hbm>>
      %dma_start3A_771 = arith.constant 2560 : i32
      %dma_start3A_772 = tpu.memref_slice %arg11[%dma_start3A_771] : memref<8192xf32, #tpu.memory_space<vmem>> -> memref<256xf32, #tpu.memory_space<vmem>>
      tpu.enqueue_dma source(%dma_start3A_772 : memref<256xf32, #tpu.memory_space<vmem>>) target(%dma_start3A_770 : memref<256xf32, #tpu.memory_space<hbm>>) target_semaphore(%run_scoped3A : memref<!tpu.dma_semaphore, #tpu.memory_space<semaphore_mem>>)
      %dma_wait3A_773 = arith.constant 2560 : i32
      %dma_wait3A_774 = tpu.memref_slice %arg11[%dma_wait3A_773] : memref<8192xf32, #tpu.memory_space<vmem>> -> memref<256xf32, #tpu.memory_space<vmem>>
      %dma_wait3A_775 = tpu.memref_slice %arg5[%add3A_213] : memref<1048576xf32, #tpu.memory_space<hbm>> -> memref<256xf32, #tpu.memory_space<hbm>>
      %dma_wait3A_776 = tpu.memref_slice %arg5[%add3A_213] : memref<1048576xf32, #tpu.memory_space<hbm>> -> memref<256xf32, #tpu.memory_space<hbm>>
      %dma_wait3A_777 = arith.constant 2560 : i32
      %dma_wait3A_778 = tpu.memref_slice %arg11[%dma_wait3A_777] : memref<8192xf32, #tpu.memory_space<vmem>> -> memref<256xf32, #tpu.memory_space<vmem>>
      tpu.wait_dma2 semaphore(%run_scoped3A : memref<!tpu.dma_semaphore, #tpu.memory_space<semaphore_mem>>) src(%dma_wait3A_778 : memref<256xf32, #tpu.memory_space<vmem>>) dst(%dma_wait3A_776 : memref<256xf32, #tpu.memory_space<hbm>>)
      tpu.yield
    }) : () -> ()
    %add3A_214 = arith.constant 180224 : i32
    %add3A_215 = arith.addi %add3A_214, %mul3A_2 : i32
    %add3A_216 = arith.constant 0 : i32
    %add3A_217 = arith.addi %add3A_215, %add3A_216 : i32
    "tpu.region"() ({
      %run_scoped3A = tpu.sem_alloc : memref<!tpu.dma_semaphore, #tpu.memory_space<semaphore_mem>>
      %dma_start3A_767 = arith.constant 2816 : i32
      %dma_start3A_768 = tpu.memref_slice %arg10[%dma_start3A_767] : memref<8192xf32, #tpu.memory_space<vmem>> -> memref<256xf32, #tpu.memory_space<vmem>>
      %dma_start3A_769 = tpu.memref_slice %arg5[%add3A_217] : memref<1048576xf32, #tpu.memory_space<hbm>> -> memref<256xf32, #tpu.memory_space<hbm>>
      %dma_start3A_770 = tpu.memref_slice %arg5[%add3A_217] : memref<1048576xf32, #tpu.memory_space<hbm>> -> memref<256xf32, #tpu.memory_space<hbm>>
      %dma_start3A_771 = arith.constant 2816 : i32
      %dma_start3A_772 = tpu.memref_slice %arg10[%dma_start3A_771] : memref<8192xf32, #tpu.memory_space<vmem>> -> memref<256xf32, #tpu.memory_space<vmem>>
      tpu.enqueue_dma source(%dma_start3A_772 : memref<256xf32, #tpu.memory_space<vmem>>) target(%dma_start3A_770 : memref<256xf32, #tpu.memory_space<hbm>>) target_semaphore(%run_scoped3A : memref<!tpu.dma_semaphore, #tpu.memory_space<semaphore_mem>>)
      %dma_wait3A_773 = arith.constant 2816 : i32
      %dma_wait3A_774 = tpu.memref_slice %arg10[%dma_wait3A_773] : memref<8192xf32, #tpu.memory_space<vmem>> -> memref<256xf32, #tpu.memory_space<vmem>>
      %dma_wait3A_775 = tpu.memref_slice %arg5[%add3A_217] : memref<1048576xf32, #tpu.memory_space<hbm>> -> memref<256xf32, #tpu.memory_space<hbm>>
      %dma_wait3A_776 = tpu.memref_slice %arg5[%add3A_217] : memref<1048576xf32, #tpu.memory_space<hbm>> -> memref<256xf32, #tpu.memory_space<hbm>>
      %dma_wait3A_777 = arith.constant 2816 : i32
      %dma_wait3A_778 = tpu.memref_slice %arg10[%dma_wait3A_777] : memref<8192xf32, #tpu.memory_space<vmem>> -> memref<256xf32, #tpu.memory_space<vmem>>
      tpu.wait_dma2 semaphore(%run_scoped3A : memref<!tpu.dma_semaphore, #tpu.memory_space<semaphore_mem>>) src(%dma_wait3A_778 : memref<256xf32, #tpu.memory_space<vmem>>) dst(%dma_wait3A_776 : memref<256xf32, #tpu.memory_space<hbm>>)
      tpu.yield
    }) : () -> ()
    %add3A_218 = arith.constant 704512 : i32
    %add3A_219 = arith.addi %add3A_218, %mul3A_2 : i32
    %add3A_220 = arith.constant 0 : i32
    %add3A_221 = arith.addi %add3A_219, %add3A_220 : i32
    "tpu.region"() ({
      %run_scoped3A = tpu.sem_alloc : memref<!tpu.dma_semaphore, #tpu.memory_space<semaphore_mem>>
      %dma_start3A_767 = arith.constant 2816 : i32
      %dma_start3A_768 = tpu.memref_slice %arg11[%dma_start3A_767] : memref<8192xf32, #tpu.memory_space<vmem>> -> memref<256xf32, #tpu.memory_space<vmem>>
      %dma_start3A_769 = tpu.memref_slice %arg5[%add3A_221] : memref<1048576xf32, #tpu.memory_space<hbm>> -> memref<256xf32, #tpu.memory_space<hbm>>
      %dma_start3A_770 = tpu.memref_slice %arg5[%add3A_221] : memref<1048576xf32, #tpu.memory_space<hbm>> -> memref<256xf32, #tpu.memory_space<hbm>>
      %dma_start3A_771 = arith.constant 2816 : i32
      %dma_start3A_772 = tpu.memref_slice %arg11[%dma_start3A_771] : memref<8192xf32, #tpu.memory_space<vmem>> -> memref<256xf32, #tpu.memory_space<vmem>>
      tpu.enqueue_dma source(%dma_start3A_772 : memref<256xf32, #tpu.memory_space<vmem>>) target(%dma_start3A_770 : memref<256xf32, #tpu.memory_space<hbm>>) target_semaphore(%run_scoped3A : memref<!tpu.dma_semaphore, #tpu.memory_space<semaphore_mem>>)
      %dma_wait3A_773 = arith.constant 2816 : i32
      %dma_wait3A_774 = tpu.memref_slice %arg11[%dma_wait3A_773] : memref<8192xf32, #tpu.memory_space<vmem>> -> memref<256xf32, #tpu.memory_space<vmem>>
      %dma_wait3A_775 = tpu.memref_slice %arg5[%add3A_221] : memref<1048576xf32, #tpu.memory_space<hbm>> -> memref<256xf32, #tpu.memory_space<hbm>>
      %dma_wait3A_776 = tpu.memref_slice %arg5[%add3A_221] : memref<1048576xf32, #tpu.memory_space<hbm>> -> memref<256xf32, #tpu.memory_space<hbm>>
      %dma_wait3A_777 = arith.constant 2816 : i32
      %dma_wait3A_778 = tpu.memref_slice %arg11[%dma_wait3A_777] : memref<8192xf32, #tpu.memory_space<vmem>> -> memref<256xf32, #tpu.memory_space<vmem>>
      tpu.wait_dma2 semaphore(%run_scoped3A : memref<!tpu.dma_semaphore, #tpu.memory_space<semaphore_mem>>) src(%dma_wait3A_778 : memref<256xf32, #tpu.memory_space<vmem>>) dst(%dma_wait3A_776 : memref<256xf32, #tpu.memory_space<hbm>>)
      tpu.yield
    }) : () -> ()
    %add3A_222 = arith.constant 196608 : i32
    %add3A_223 = arith.addi %add3A_222, %mul3A_2 : i32
    %add3A_224 = arith.constant 0 : i32
    %add3A_225 = arith.addi %add3A_223, %add3A_224 : i32
    "tpu.region"() ({
      %run_scoped3A = tpu.sem_alloc : memref<!tpu.dma_semaphore, #tpu.memory_space<semaphore_mem>>
      %dma_start3A_767 = arith.constant 3072 : i32
      %dma_start3A_768 = tpu.memref_slice %arg10[%dma_start3A_767] : memref<8192xf32, #tpu.memory_space<vmem>> -> memref<256xf32, #tpu.memory_space<vmem>>
      %dma_start3A_769 = tpu.memref_slice %arg5[%add3A_225] : memref<1048576xf32, #tpu.memory_space<hbm>> -> memref<256xf32, #tpu.memory_space<hbm>>
      %dma_start3A_770 = tpu.memref_slice %arg5[%add3A_225] : memref<1048576xf32, #tpu.memory_space<hbm>> -> memref<256xf32, #tpu.memory_space<hbm>>
      %dma_start3A_771 = arith.constant 3072 : i32
      %dma_start3A_772 = tpu.memref_slice %arg10[%dma_start3A_771] : memref<8192xf32, #tpu.memory_space<vmem>> -> memref<256xf32, #tpu.memory_space<vmem>>
      tpu.enqueue_dma source(%dma_start3A_772 : memref<256xf32, #tpu.memory_space<vmem>>) target(%dma_start3A_770 : memref<256xf32, #tpu.memory_space<hbm>>) target_semaphore(%run_scoped3A : memref<!tpu.dma_semaphore, #tpu.memory_space<semaphore_mem>>)
      %dma_wait3A_773 = arith.constant 3072 : i32
      %dma_wait3A_774 = tpu.memref_slice %arg10[%dma_wait3A_773] : memref<8192xf32, #tpu.memory_space<vmem>> -> memref<256xf32, #tpu.memory_space<vmem>>
      %dma_wait3A_775 = tpu.memref_slice %arg5[%add3A_225] : memref<1048576xf32, #tpu.memory_space<hbm>> -> memref<256xf32, #tpu.memory_space<hbm>>
      %dma_wait3A_776 = tpu.memref_slice %arg5[%add3A_225] : memref<1048576xf32, #tpu.memory_space<hbm>> -> memref<256xf32, #tpu.memory_space<hbm>>
      %dma_wait3A_777 = arith.constant 3072 : i32
      %dma_wait3A_778 = tpu.memref_slice %arg10[%dma_wait3A_777] : memref<8192xf32, #tpu.memory_space<vmem>> -> memref<256xf32, #tpu.memory_space<vmem>>
      tpu.wait_dma2 semaphore(%run_scoped3A : memref<!tpu.dma_semaphore, #tpu.memory_space<semaphore_mem>>) src(%dma_wait3A_778 : memref<256xf32, #tpu.memory_space<vmem>>) dst(%dma_wait3A_776 : memref<256xf32, #tpu.memory_space<hbm>>)
      tpu.yield
    }) : () -> ()
    %add3A_226 = arith.constant 720896 : i32
    %add3A_227 = arith.addi %add3A_226, %mul3A_2 : i32
    %add3A_228 = arith.constant 0 : i32
    %add3A_229 = arith.addi %add3A_227, %add3A_228 : i32
    "tpu.region"() ({
      %run_scoped3A = tpu.sem_alloc : memref<!tpu.dma_semaphore, #tpu.memory_space<semaphore_mem>>
      %dma_start3A_767 = arith.constant 3072 : i32
      %dma_start3A_768 = tpu.memref_slice %arg11[%dma_start3A_767] : memref<8192xf32, #tpu.memory_space<vmem>> -> memref<256xf32, #tpu.memory_space<vmem>>
      %dma_start3A_769 = tpu.memref_slice %arg5[%add3A_229] : memref<1048576xf32, #tpu.memory_space<hbm>> -> memref<256xf32, #tpu.memory_space<hbm>>
      %dma_start3A_770 = tpu.memref_slice %arg5[%add3A_229] : memref<1048576xf32, #tpu.memory_space<hbm>> -> memref<256xf32, #tpu.memory_space<hbm>>
      %dma_start3A_771 = arith.constant 3072 : i32
      %dma_start3A_772 = tpu.memref_slice %arg11[%dma_start3A_771] : memref<8192xf32, #tpu.memory_space<vmem>> -> memref<256xf32, #tpu.memory_space<vmem>>
      tpu.enqueue_dma source(%dma_start3A_772 : memref<256xf32, #tpu.memory_space<vmem>>) target(%dma_start3A_770 : memref<256xf32, #tpu.memory_space<hbm>>) target_semaphore(%run_scoped3A : memref<!tpu.dma_semaphore, #tpu.memory_space<semaphore_mem>>)
      %dma_wait3A_773 = arith.constant 3072 : i32
      %dma_wait3A_774 = tpu.memref_slice %arg11[%dma_wait3A_773] : memref<8192xf32, #tpu.memory_space<vmem>> -> memref<256xf32, #tpu.memory_space<vmem>>
      %dma_wait3A_775 = tpu.memref_slice %arg5[%add3A_229] : memref<1048576xf32, #tpu.memory_space<hbm>> -> memref<256xf32, #tpu.memory_space<hbm>>
      %dma_wait3A_776 = tpu.memref_slice %arg5[%add3A_229] : memref<1048576xf32, #tpu.memory_space<hbm>> -> memref<256xf32, #tpu.memory_space<hbm>>
      %dma_wait3A_777 = arith.constant 3072 : i32
      %dma_wait3A_778 = tpu.memref_slice %arg11[%dma_wait3A_777] : memref<8192xf32, #tpu.memory_space<vmem>> -> memref<256xf32, #tpu.memory_space<vmem>>
      tpu.wait_dma2 semaphore(%run_scoped3A : memref<!tpu.dma_semaphore, #tpu.memory_space<semaphore_mem>>) src(%dma_wait3A_778 : memref<256xf32, #tpu.memory_space<vmem>>) dst(%dma_wait3A_776 : memref<256xf32, #tpu.memory_space<hbm>>)
      tpu.yield
    }) : () -> ()
    %add3A_230 = arith.constant 212992 : i32
    %add3A_231 = arith.addi %add3A_230, %mul3A_2 : i32
    %add3A_232 = arith.constant 0 : i32
    %add3A_233 = arith.addi %add3A_231, %add3A_232 : i32
    "tpu.region"() ({
      %run_scoped3A = tpu.sem_alloc : memref<!tpu.dma_semaphore, #tpu.memory_space<semaphore_mem>>
      %dma_start3A_767 = arith.constant 3328 : i32
      %dma_start3A_768 = tpu.memref_slice %arg10[%dma_start3A_767] : memref<8192xf32, #tpu.memory_space<vmem>> -> memref<256xf32, #tpu.memory_space<vmem>>
      %dma_start3A_769 = tpu.memref_slice %arg5[%add3A_233] : memref<1048576xf32, #tpu.memory_space<hbm>> -> memref<256xf32, #tpu.memory_space<hbm>>
      %dma_start3A_770 = tpu.memref_slice %arg5[%add3A_233] : memref<1048576xf32, #tpu.memory_space<hbm>> -> memref<256xf32, #tpu.memory_space<hbm>>
      %dma_start3A_771 = arith.constant 3328 : i32
      %dma_start3A_772 = tpu.memref_slice %arg10[%dma_start3A_771] : memref<8192xf32, #tpu.memory_space<vmem>> -> memref<256xf32, #tpu.memory_space<vmem>>
      tpu.enqueue_dma source(%dma_start3A_772 : memref<256xf32, #tpu.memory_space<vmem>>) target(%dma_start3A_770 : memref<256xf32, #tpu.memory_space<hbm>>) target_semaphore(%run_scoped3A : memref<!tpu.dma_semaphore, #tpu.memory_space<semaphore_mem>>)
      %dma_wait3A_773 = arith.constant 3328 : i32
      %dma_wait3A_774 = tpu.memref_slice %arg10[%dma_wait3A_773] : memref<8192xf32, #tpu.memory_space<vmem>> -> memref<256xf32, #tpu.memory_space<vmem>>
      %dma_wait3A_775 = tpu.memref_slice %arg5[%add3A_233] : memref<1048576xf32, #tpu.memory_space<hbm>> -> memref<256xf32, #tpu.memory_space<hbm>>
      %dma_wait3A_776 = tpu.memref_slice %arg5[%add3A_233] : memref<1048576xf32, #tpu.memory_space<hbm>> -> memref<256xf32, #tpu.memory_space<hbm>>
      %dma_wait3A_777 = arith.constant 3328 : i32
      %dma_wait3A_778 = tpu.memref_slice %arg10[%dma_wait3A_777] : memref<8192xf32, #tpu.memory_space<vmem>> -> memref<256xf32, #tpu.memory_space<vmem>>
      tpu.wait_dma2 semaphore(%run_scoped3A : memref<!tpu.dma_semaphore, #tpu.memory_space<semaphore_mem>>) src(%dma_wait3A_778 : memref<256xf32, #tpu.memory_space<vmem>>) dst(%dma_wait3A_776 : memref<256xf32, #tpu.memory_space<hbm>>)
      tpu.yield
    }) : () -> ()
    %add3A_234 = arith.constant 737280 : i32
    %add3A_235 = arith.addi %add3A_234, %mul3A_2 : i32
    %add3A_236 = arith.constant 0 : i32
    %add3A_237 = arith.addi %add3A_235, %add3A_236 : i32
    "tpu.region"() ({
      %run_scoped3A = tpu.sem_alloc : memref<!tpu.dma_semaphore, #tpu.memory_space<semaphore_mem>>
      %dma_start3A_767 = arith.constant 3328 : i32
      %dma_start3A_768 = tpu.memref_slice %arg11[%dma_start3A_767] : memref<8192xf32, #tpu.memory_space<vmem>> -> memref<256xf32, #tpu.memory_space<vmem>>
      %dma_start3A_769 = tpu.memref_slice %arg5[%add3A_237] : memref<1048576xf32, #tpu.memory_space<hbm>> -> memref<256xf32, #tpu.memory_space<hbm>>
      %dma_start3A_770 = tpu.memref_slice %arg5[%add3A_237] : memref<1048576xf32, #tpu.memory_space<hbm>> -> memref<256xf32, #tpu.memory_space<hbm>>
      %dma_start3A_771 = arith.constant 3328 : i32
      %dma_start3A_772 = tpu.memref_slice %arg11[%dma_start3A_771] : memref<8192xf32, #tpu.memory_space<vmem>> -> memref<256xf32, #tpu.memory_space<vmem>>
      tpu.enqueue_dma source(%dma_start3A_772 : memref<256xf32, #tpu.memory_space<vmem>>) target(%dma_start3A_770 : memref<256xf32, #tpu.memory_space<hbm>>) target_semaphore(%run_scoped3A : memref<!tpu.dma_semaphore, #tpu.memory_space<semaphore_mem>>)
      %dma_wait3A_773 = arith.constant 3328 : i32
      %dma_wait3A_774 = tpu.memref_slice %arg11[%dma_wait3A_773] : memref<8192xf32, #tpu.memory_space<vmem>> -> memref<256xf32, #tpu.memory_space<vmem>>
      %dma_wait3A_775 = tpu.memref_slice %arg5[%add3A_237] : memref<1048576xf32, #tpu.memory_space<hbm>> -> memref<256xf32, #tpu.memory_space<hbm>>
      %dma_wait3A_776 = tpu.memref_slice %arg5[%add3A_237] : memref<1048576xf32, #tpu.memory_space<hbm>> -> memref<256xf32, #tpu.memory_space<hbm>>
      %dma_wait3A_777 = arith.constant 3328 : i32
      %dma_wait3A_778 = tpu.memref_slice %arg11[%dma_wait3A_777] : memref<8192xf32, #tpu.memory_space<vmem>> -> memref<256xf32, #tpu.memory_space<vmem>>
      tpu.wait_dma2 semaphore(%run_scoped3A : memref<!tpu.dma_semaphore, #tpu.memory_space<semaphore_mem>>) src(%dma_wait3A_778 : memref<256xf32, #tpu.memory_space<vmem>>) dst(%dma_wait3A_776 : memref<256xf32, #tpu.memory_space<hbm>>)
      tpu.yield
    }) : () -> ()
    %add3A_238 = arith.constant 229376 : i32
    %add3A_239 = arith.addi %add3A_238, %mul3A_2 : i32
    %add3A_240 = arith.constant 0 : i32
    %add3A_241 = arith.addi %add3A_239, %add3A_240 : i32
    "tpu.region"() ({
      %run_scoped3A = tpu.sem_alloc : memref<!tpu.dma_semaphore, #tpu.memory_space<semaphore_mem>>
      %dma_start3A_767 = arith.constant 3584 : i32
      %dma_start3A_768 = tpu.memref_slice %arg10[%dma_start3A_767] : memref<8192xf32, #tpu.memory_space<vmem>> -> memref<256xf32, #tpu.memory_space<vmem>>
      %dma_start3A_769 = tpu.memref_slice %arg5[%add3A_241] : memref<1048576xf32, #tpu.memory_space<hbm>> -> memref<256xf32, #tpu.memory_space<hbm>>
      %dma_start3A_770 = tpu.memref_slice %arg5[%add3A_241] : memref<1048576xf32, #tpu.memory_space<hbm>> -> memref<256xf32, #tpu.memory_space<hbm>>
      %dma_start3A_771 = arith.constant 3584 : i32
      %dma_start3A_772 = tpu.memref_slice %arg10[%dma_start3A_771] : memref<8192xf32, #tpu.memory_space<vmem>> -> memref<256xf32, #tpu.memory_space<vmem>>
      tpu.enqueue_dma source(%dma_start3A_772 : memref<256xf32, #tpu.memory_space<vmem>>) target(%dma_start3A_770 : memref<256xf32, #tpu.memory_space<hbm>>) target_semaphore(%run_scoped3A : memref<!tpu.dma_semaphore, #tpu.memory_space<semaphore_mem>>)
      %dma_wait3A_773 = arith.constant 3584 : i32
      %dma_wait3A_774 = tpu.memref_slice %arg10[%dma_wait3A_773] : memref<8192xf32, #tpu.memory_space<vmem>> -> memref<256xf32, #tpu.memory_space<vmem>>
      %dma_wait3A_775 = tpu.memref_slice %arg5[%add3A_241] : memref<1048576xf32, #tpu.memory_space<hbm>> -> memref<256xf32, #tpu.memory_space<hbm>>
      %dma_wait3A_776 = tpu.memref_slice %arg5[%add3A_241] : memref<1048576xf32, #tpu.memory_space<hbm>> -> memref<256xf32, #tpu.memory_space<hbm>>
      %dma_wait3A_777 = arith.constant 3584 : i32
      %dma_wait3A_778 = tpu.memref_slice %arg10[%dma_wait3A_777] : memref<8192xf32, #tpu.memory_space<vmem>> -> memref<256xf32, #tpu.memory_space<vmem>>
      tpu.wait_dma2 semaphore(%run_scoped3A : memref<!tpu.dma_semaphore, #tpu.memory_space<semaphore_mem>>) src(%dma_wait3A_778 : memref<256xf32, #tpu.memory_space<vmem>>) dst(%dma_wait3A_776 : memref<256xf32, #tpu.memory_space<hbm>>)
      tpu.yield
    }) : () -> ()
    %add3A_242 = arith.constant 753664 : i32
    %add3A_243 = arith.addi %add3A_242, %mul3A_2 : i32
    %add3A_244 = arith.constant 0 : i32
    %add3A_245 = arith.addi %add3A_243, %add3A_244 : i32
    "tpu.region"() ({
      %run_scoped3A = tpu.sem_alloc : memref<!tpu.dma_semaphore, #tpu.memory_space<semaphore_mem>>
      %dma_start3A_767 = arith.constant 3584 : i32
      %dma_start3A_768 = tpu.memref_slice %arg11[%dma_start3A_767] : memref<8192xf32, #tpu.memory_space<vmem>> -> memref<256xf32, #tpu.memory_space<vmem>>
      %dma_start3A_769 = tpu.memref_slice %arg5[%add3A_245] : memref<1048576xf32, #tpu.memory_space<hbm>> -> memref<256xf32, #tpu.memory_space<hbm>>
      %dma_start3A_770 = tpu.memref_slice %arg5[%add3A_245] : memref<1048576xf32, #tpu.memory_space<hbm>> -> memref<256xf32, #tpu.memory_space<hbm>>
      %dma_start3A_771 = arith.constant 3584 : i32
      %dma_start3A_772 = tpu.memref_slice %arg11[%dma_start3A_771] : memref<8192xf32, #tpu.memory_space<vmem>> -> memref<256xf32, #tpu.memory_space<vmem>>
      tpu.enqueue_dma source(%dma_start3A_772 : memref<256xf32, #tpu.memory_space<vmem>>) target(%dma_start3A_770 : memref<256xf32, #tpu.memory_space<hbm>>) target_semaphore(%run_scoped3A : memref<!tpu.dma_semaphore, #tpu.memory_space<semaphore_mem>>)
      %dma_wait3A_773 = arith.constant 3584 : i32
      %dma_wait3A_774 = tpu.memref_slice %arg11[%dma_wait3A_773] : memref<8192xf32, #tpu.memory_space<vmem>> -> memref<256xf32, #tpu.memory_space<vmem>>
      %dma_wait3A_775 = tpu.memref_slice %arg5[%add3A_245] : memref<1048576xf32, #tpu.memory_space<hbm>> -> memref<256xf32, #tpu.memory_space<hbm>>
      %dma_wait3A_776 = tpu.memref_slice %arg5[%add3A_245] : memref<1048576xf32, #tpu.memory_space<hbm>> -> memref<256xf32, #tpu.memory_space<hbm>>
      %dma_wait3A_777 = arith.constant 3584 : i32
      %dma_wait3A_778 = tpu.memref_slice %arg11[%dma_wait3A_777] : memref<8192xf32, #tpu.memory_space<vmem>> -> memref<256xf32, #tpu.memory_space<vmem>>
      tpu.wait_dma2 semaphore(%run_scoped3A : memref<!tpu.dma_semaphore, #tpu.memory_space<semaphore_mem>>) src(%dma_wait3A_778 : memref<256xf32, #tpu.memory_space<vmem>>) dst(%dma_wait3A_776 : memref<256xf32, #tpu.memory_space<hbm>>)
      tpu.yield
    }) : () -> ()
    %add3A_246 = arith.constant 245760 : i32
    %add3A_247 = arith.addi %add3A_246, %mul3A_2 : i32
    %add3A_248 = arith.constant 0 : i32
    %add3A_249 = arith.addi %add3A_247, %add3A_248 : i32
    "tpu.region"() ({
      %run_scoped3A = tpu.sem_alloc : memref<!tpu.dma_semaphore, #tpu.memory_space<semaphore_mem>>
      %dma_start3A_767 = arith.constant 3840 : i32
      %dma_start3A_768 = tpu.memref_slice %arg10[%dma_start3A_767] : memref<8192xf32, #tpu.memory_space<vmem>> -> memref<256xf32, #tpu.memory_space<vmem>>
      %dma_start3A_769 = tpu.memref_slice %arg5[%add3A_249] : memref<1048576xf32, #tpu.memory_space<hbm>> -> memref<256xf32, #tpu.memory_space<hbm>>
      %dma_start3A_770 = tpu.memref_slice %arg5[%add3A_249] : memref<1048576xf32, #tpu.memory_space<hbm>> -> memref<256xf32, #tpu.memory_space<hbm>>
      %dma_start3A_771 = arith.constant 3840 : i32
      %dma_start3A_772 = tpu.memref_slice %arg10[%dma_start3A_771] : memref<8192xf32, #tpu.memory_space<vmem>> -> memref<256xf32, #tpu.memory_space<vmem>>
      tpu.enqueue_dma source(%dma_start3A_772 : memref<256xf32, #tpu.memory_space<vmem>>) target(%dma_start3A_770 : memref<256xf32, #tpu.memory_space<hbm>>) target_semaphore(%run_scoped3A : memref<!tpu.dma_semaphore, #tpu.memory_space<semaphore_mem>>)
      %dma_wait3A_773 = arith.constant 3840 : i32
      %dma_wait3A_774 = tpu.memref_slice %arg10[%dma_wait3A_773] : memref<8192xf32, #tpu.memory_space<vmem>> -> memref<256xf32, #tpu.memory_space<vmem>>
      %dma_wait3A_775 = tpu.memref_slice %arg5[%add3A_249] : memref<1048576xf32, #tpu.memory_space<hbm>> -> memref<256xf32, #tpu.memory_space<hbm>>
      %dma_wait3A_776 = tpu.memref_slice %arg5[%add3A_249] : memref<1048576xf32, #tpu.memory_space<hbm>> -> memref<256xf32, #tpu.memory_space<hbm>>
      %dma_wait3A_777 = arith.constant 3840 : i32
      %dma_wait3A_778 = tpu.memref_slice %arg10[%dma_wait3A_777] : memref<8192xf32, #tpu.memory_space<vmem>> -> memref<256xf32, #tpu.memory_space<vmem>>
      tpu.wait_dma2 semaphore(%run_scoped3A : memref<!tpu.dma_semaphore, #tpu.memory_space<semaphore_mem>>) src(%dma_wait3A_778 : memref<256xf32, #tpu.memory_space<vmem>>) dst(%dma_wait3A_776 : memref<256xf32, #tpu.memory_space<hbm>>)
      tpu.yield
    }) : () -> ()
    %add3A_250 = arith.constant 770048 : i32
    %add3A_251 = arith.addi %add3A_250, %mul3A_2 : i32
    %add3A_252 = arith.constant 0 : i32
    %add3A_253 = arith.addi %add3A_251, %add3A_252 : i32
    "tpu.region"() ({
      %run_scoped3A = tpu.sem_alloc : memref<!tpu.dma_semaphore, #tpu.memory_space<semaphore_mem>>
      %dma_start3A_767 = arith.constant 3840 : i32
      %dma_start3A_768 = tpu.memref_slice %arg11[%dma_start3A_767] : memref<8192xf32, #tpu.memory_space<vmem>> -> memref<256xf32, #tpu.memory_space<vmem>>
      %dma_start3A_769 = tpu.memref_slice %arg5[%add3A_253] : memref<1048576xf32, #tpu.memory_space<hbm>> -> memref<256xf32, #tpu.memory_space<hbm>>
      %dma_start3A_770 = tpu.memref_slice %arg5[%add3A_253] : memref<1048576xf32, #tpu.memory_space<hbm>> -> memref<256xf32, #tpu.memory_space<hbm>>
      %dma_start3A_771 = arith.constant 3840 : i32
      %dma_start3A_772 = tpu.memref_slice %arg11[%dma_start3A_771] : memref<8192xf32, #tpu.memory_space<vmem>> -> memref<256xf32, #tpu.memory_space<vmem>>
      tpu.enqueue_dma source(%dma_start3A_772 : memref<256xf32, #tpu.memory_space<vmem>>) target(%dma_start3A_770 : memref<256xf32, #tpu.memory_space<hbm>>) target_semaphore(%run_scoped3A : memref<!tpu.dma_semaphore, #tpu.memory_space<semaphore_mem>>)
      %dma_wait3A_773 = arith.constant 3840 : i32
      %dma_wait3A_774 = tpu.memref_slice %arg11[%dma_wait3A_773] : memref<8192xf32, #tpu.memory_space<vmem>> -> memref<256xf32, #tpu.memory_space<vmem>>
      %dma_wait3A_775 = tpu.memref_slice %arg5[%add3A_253] : memref<1048576xf32, #tpu.memory_space<hbm>> -> memref<256xf32, #tpu.memory_space<hbm>>
      %dma_wait3A_776 = tpu.memref_slice %arg5[%add3A_253] : memref<1048576xf32, #tpu.memory_space<hbm>> -> memref<256xf32, #tpu.memory_space<hbm>>
      %dma_wait3A_777 = arith.constant 3840 : i32
      %dma_wait3A_778 = tpu.memref_slice %arg11[%dma_wait3A_777] : memref<8192xf32, #tpu.memory_space<vmem>> -> memref<256xf32, #tpu.memory_space<vmem>>
      tpu.wait_dma2 semaphore(%run_scoped3A : memref<!tpu.dma_semaphore, #tpu.memory_space<semaphore_mem>>) src(%dma_wait3A_778 : memref<256xf32, #tpu.memory_space<vmem>>) dst(%dma_wait3A_776 : memref<256xf32, #tpu.memory_space<hbm>>)
      tpu.yield
    }) : () -> ()
    %add3A_254 = arith.constant 262144 : i32
    %add3A_255 = arith.addi %add3A_254, %mul3A_2 : i32
    %add3A_256 = arith.constant 0 : i32
    %add3A_257 = arith.addi %add3A_255, %add3A_256 : i32
    "tpu.region"() ({
      %run_scoped3A = tpu.sem_alloc : memref<!tpu.dma_semaphore, #tpu.memory_space<semaphore_mem>>
      %dma_start3A_767 = arith.constant 4096 : i32
      %dma_start3A_768 = tpu.memref_slice %arg10[%dma_start3A_767] : memref<8192xf32, #tpu.memory_space<vmem>> -> memref<256xf32, #tpu.memory_space<vmem>>
      %dma_start3A_769 = tpu.memref_slice %arg5[%add3A_257] : memref<1048576xf32, #tpu.memory_space<hbm>> -> memref<256xf32, #tpu.memory_space<hbm>>
      %dma_start3A_770 = tpu.memref_slice %arg5[%add3A_257] : memref<1048576xf32, #tpu.memory_space<hbm>> -> memref<256xf32, #tpu.memory_space<hbm>>
      %dma_start3A_771 = arith.constant 4096 : i32
      %dma_start3A_772 = tpu.memref_slice %arg10[%dma_start3A_771] : memref<8192xf32, #tpu.memory_space<vmem>> -> memref<256xf32, #tpu.memory_space<vmem>>
      tpu.enqueue_dma source(%dma_start3A_772 : memref<256xf32, #tpu.memory_space<vmem>>) target(%dma_start3A_770 : memref<256xf32, #tpu.memory_space<hbm>>) target_semaphore(%run_scoped3A : memref<!tpu.dma_semaphore, #tpu.memory_space<semaphore_mem>>)
      %dma_wait3A_773 = arith.constant 4096 : i32
      %dma_wait3A_774 = tpu.memref_slice %arg10[%dma_wait3A_773] : memref<8192xf32, #tpu.memory_space<vmem>> -> memref<256xf32, #tpu.memory_space<vmem>>
      %dma_wait3A_775 = tpu.memref_slice %arg5[%add3A_257] : memref<1048576xf32, #tpu.memory_space<hbm>> -> memref<256xf32, #tpu.memory_space<hbm>>
      %dma_wait3A_776 = tpu.memref_slice %arg5[%add3A_257] : memref<1048576xf32, #tpu.memory_space<hbm>> -> memref<256xf32, #tpu.memory_space<hbm>>
      %dma_wait3A_777 = arith.constant 4096 : i32
      %dma_wait3A_778 = tpu.memref_slice %arg10[%dma_wait3A_777] : memref<8192xf32, #tpu.memory_space<vmem>> -> memref<256xf32, #tpu.memory_space<vmem>>
      tpu.wait_dma2 semaphore(%run_scoped3A : memref<!tpu.dma_semaphore, #tpu.memory_space<semaphore_mem>>) src(%dma_wait3A_778 : memref<256xf32, #tpu.memory_space<vmem>>) dst(%dma_wait3A_776 : memref<256xf32, #tpu.memory_space<hbm>>)
      tpu.yield
    }) : () -> ()
    %add3A_258 = arith.constant 786432 : i32
    %add3A_259 = arith.addi %add3A_258, %mul3A_2 : i32
    %add3A_260 = arith.constant 0 : i32
    %add3A_261 = arith.addi %add3A_259, %add3A_260 : i32
    "tpu.region"() ({
      %run_scoped3A = tpu.sem_alloc : memref<!tpu.dma_semaphore, #tpu.memory_space<semaphore_mem>>
      %dma_start3A_767 = arith.constant 4096 : i32
      %dma_start3A_768 = tpu.memref_slice %arg11[%dma_start3A_767] : memref<8192xf32, #tpu.memory_space<vmem>> -> memref<256xf32, #tpu.memory_space<vmem>>
      %dma_start3A_769 = tpu.memref_slice %arg5[%add3A_261] : memref<1048576xf32, #tpu.memory_space<hbm>> -> memref<256xf32, #tpu.memory_space<hbm>>
      %dma_start3A_770 = tpu.memref_slice %arg5[%add3A_261] : memref<1048576xf32, #tpu.memory_space<hbm>> -> memref<256xf32, #tpu.memory_space<hbm>>
      %dma_start3A_771 = arith.constant 4096 : i32
      %dma_start3A_772 = tpu.memref_slice %arg11[%dma_start3A_771] : memref<8192xf32, #tpu.memory_space<vmem>> -> memref<256xf32, #tpu.memory_space<vmem>>
      tpu.enqueue_dma source(%dma_start3A_772 : memref<256xf32, #tpu.memory_space<vmem>>) target(%dma_start3A_770 : memref<256xf32, #tpu.memory_space<hbm>>) target_semaphore(%run_scoped3A : memref<!tpu.dma_semaphore, #tpu.memory_space<semaphore_mem>>)
      %dma_wait3A_773 = arith.constant 4096 : i32
      %dma_wait3A_774 = tpu.memref_slice %arg11[%dma_wait3A_773] : memref<8192xf32, #tpu.memory_space<vmem>> -> memref<256xf32, #tpu.memory_space<vmem>>
      %dma_wait3A_775 = tpu.memref_slice %arg5[%add3A_261] : memref<1048576xf32, #tpu.memory_space<hbm>> -> memref<256xf32, #tpu.memory_space<hbm>>
      %dma_wait3A_776 = tpu.memref_slice %arg5[%add3A_261] : memref<1048576xf32, #tpu.memory_space<hbm>> -> memref<256xf32, #tpu.memory_space<hbm>>
      %dma_wait3A_777 = arith.constant 4096 : i32
      %dma_wait3A_778 = tpu.memref_slice %arg11[%dma_wait3A_777] : memref<8192xf32, #tpu.memory_space<vmem>> -> memref<256xf32, #tpu.memory_space<vmem>>
      tpu.wait_dma2 semaphore(%run_scoped3A : memref<!tpu.dma_semaphore, #tpu.memory_space<semaphore_mem>>) src(%dma_wait3A_778 : memref<256xf32, #tpu.memory_space<vmem>>) dst(%dma_wait3A_776 : memref<256xf32, #tpu.memory_space<hbm>>)
      tpu.yield
    }) : () -> ()
    %add3A_262 = arith.constant 278528 : i32
    %add3A_263 = arith.addi %add3A_262, %mul3A_2 : i32
    %add3A_264 = arith.constant 0 : i32
    %add3A_265 = arith.addi %add3A_263, %add3A_264 : i32
    "tpu.region"() ({
      %run_scoped3A = tpu.sem_alloc : memref<!tpu.dma_semaphore, #tpu.memory_space<semaphore_mem>>
      %dma_start3A_767 = arith.constant 4352 : i32
      %dma_start3A_768 = tpu.memref_slice %arg10[%dma_start3A_767] : memref<8192xf32, #tpu.memory_space<vmem>> -> memref<256xf32, #tpu.memory_space<vmem>>
      %dma_start3A_769 = tpu.memref_slice %arg5[%add3A_265] : memref<1048576xf32, #tpu.memory_space<hbm>> -> memref<256xf32, #tpu.memory_space<hbm>>
      %dma_start3A_770 = tpu.memref_slice %arg5[%add3A_265] : memref<1048576xf32, #tpu.memory_space<hbm>> -> memref<256xf32, #tpu.memory_space<hbm>>
      %dma_start3A_771 = arith.constant 4352 : i32
      %dma_start3A_772 = tpu.memref_slice %arg10[%dma_start3A_771] : memref<8192xf32, #tpu.memory_space<vmem>> -> memref<256xf32, #tpu.memory_space<vmem>>
      tpu.enqueue_dma source(%dma_start3A_772 : memref<256xf32, #tpu.memory_space<vmem>>) target(%dma_start3A_770 : memref<256xf32, #tpu.memory_space<hbm>>) target_semaphore(%run_scoped3A : memref<!tpu.dma_semaphore, #tpu.memory_space<semaphore_mem>>)
      %dma_wait3A_773 = arith.constant 4352 : i32
      %dma_wait3A_774 = tpu.memref_slice %arg10[%dma_wait3A_773] : memref<8192xf32, #tpu.memory_space<vmem>> -> memref<256xf32, #tpu.memory_space<vmem>>
      %dma_wait3A_775 = tpu.memref_slice %arg5[%add3A_265] : memref<1048576xf32, #tpu.memory_space<hbm>> -> memref<256xf32, #tpu.memory_space<hbm>>
      %dma_wait3A_776 = tpu.memref_slice %arg5[%add3A_265] : memref<1048576xf32, #tpu.memory_space<hbm>> -> memref<256xf32, #tpu.memory_space<hbm>>
      %dma_wait3A_777 = arith.constant 4352 : i32
      %dma_wait3A_778 = tpu.memref_slice %arg10[%dma_wait3A_777] : memref<8192xf32, #tpu.memory_space<vmem>> -> memref<256xf32, #tpu.memory_space<vmem>>
      tpu.wait_dma2 semaphore(%run_scoped3A : memref<!tpu.dma_semaphore, #tpu.memory_space<semaphore_mem>>) src(%dma_wait3A_778 : memref<256xf32, #tpu.memory_space<vmem>>) dst(%dma_wait3A_776 : memref<256xf32, #tpu.memory_space<hbm>>)
      tpu.yield
    }) : () -> ()
    %add3A_266 = arith.constant 802816 : i32
    %add3A_267 = arith.addi %add3A_266, %mul3A_2 : i32
    %add3A_268 = arith.constant 0 : i32
    %add3A_269 = arith.addi %add3A_267, %add3A_268 : i32
    "tpu.region"() ({
      %run_scoped3A = tpu.sem_alloc : memref<!tpu.dma_semaphore, #tpu.memory_space<semaphore_mem>>
      %dma_start3A_767 = arith.constant 4352 : i32
      %dma_start3A_768 = tpu.memref_slice %arg11[%dma_start3A_767] : memref<8192xf32, #tpu.memory_space<vmem>> -> memref<256xf32, #tpu.memory_space<vmem>>
      %dma_start3A_769 = tpu.memref_slice %arg5[%add3A_269] : memref<1048576xf32, #tpu.memory_space<hbm>> -> memref<256xf32, #tpu.memory_space<hbm>>
      %dma_start3A_770 = tpu.memref_slice %arg5[%add3A_269] : memref<1048576xf32, #tpu.memory_space<hbm>> -> memref<256xf32, #tpu.memory_space<hbm>>
      %dma_start3A_771 = arith.constant 4352 : i32
      %dma_start3A_772 = tpu.memref_slice %arg11[%dma_start3A_771] : memref<8192xf32, #tpu.memory_space<vmem>> -> memref<256xf32, #tpu.memory_space<vmem>>
      tpu.enqueue_dma source(%dma_start3A_772 : memref<256xf32, #tpu.memory_space<vmem>>) target(%dma_start3A_770 : memref<256xf32, #tpu.memory_space<hbm>>) target_semaphore(%run_scoped3A : memref<!tpu.dma_semaphore, #tpu.memory_space<semaphore_mem>>)
      %dma_wait3A_773 = arith.constant 4352 : i32
      %dma_wait3A_774 = tpu.memref_slice %arg11[%dma_wait3A_773] : memref<8192xf32, #tpu.memory_space<vmem>> -> memref<256xf32, #tpu.memory_space<vmem>>
      %dma_wait3A_775 = tpu.memref_slice %arg5[%add3A_269] : memref<1048576xf32, #tpu.memory_space<hbm>> -> memref<256xf32, #tpu.memory_space<hbm>>
      %dma_wait3A_776 = tpu.memref_slice %arg5[%add3A_269] : memref<1048576xf32, #tpu.memory_space<hbm>> -> memref<256xf32, #tpu.memory_space<hbm>>
      %dma_wait3A_777 = arith.constant 4352 : i32
      %dma_wait3A_778 = tpu.memref_slice %arg11[%dma_wait3A_777] : memref<8192xf32, #tpu.memory_space<vmem>> -> memref<256xf32, #tpu.memory_space<vmem>>
      tpu.wait_dma2 semaphore(%run_scoped3A : memref<!tpu.dma_semaphore, #tpu.memory_space<semaphore_mem>>) src(%dma_wait3A_778 : memref<256xf32, #tpu.memory_space<vmem>>) dst(%dma_wait3A_776 : memref<256xf32, #tpu.memory_space<hbm>>)
      tpu.yield
    }) : () -> ()
    %add3A_270 = arith.constant 294912 : i32
    %add3A_271 = arith.addi %add3A_270, %mul3A_2 : i32
    %add3A_272 = arith.constant 0 : i32
    %add3A_273 = arith.addi %add3A_271, %add3A_272 : i32
    "tpu.region"() ({
      %run_scoped3A = tpu.sem_alloc : memref<!tpu.dma_semaphore, #tpu.memory_space<semaphore_mem>>
      %dma_start3A_767 = arith.constant 4608 : i32
      %dma_start3A_768 = tpu.memref_slice %arg10[%dma_start3A_767] : memref<8192xf32, #tpu.memory_space<vmem>> -> memref<256xf32, #tpu.memory_space<vmem>>
      %dma_start3A_769 = tpu.memref_slice %arg5[%add3A_273] : memref<1048576xf32, #tpu.memory_space<hbm>> -> memref<256xf32, #tpu.memory_space<hbm>>
      %dma_start3A_770 = tpu.memref_slice %arg5[%add3A_273] : memref<1048576xf32, #tpu.memory_space<hbm>> -> memref<256xf32, #tpu.memory_space<hbm>>
      %dma_start3A_771 = arith.constant 4608 : i32
      %dma_start3A_772 = tpu.memref_slice %arg10[%dma_start3A_771] : memref<8192xf32, #tpu.memory_space<vmem>> -> memref<256xf32, #tpu.memory_space<vmem>>
      tpu.enqueue_dma source(%dma_start3A_772 : memref<256xf32, #tpu.memory_space<vmem>>) target(%dma_start3A_770 : memref<256xf32, #tpu.memory_space<hbm>>) target_semaphore(%run_scoped3A : memref<!tpu.dma_semaphore, #tpu.memory_space<semaphore_mem>>)
      %dma_wait3A_773 = arith.constant 4608 : i32
      %dma_wait3A_774 = tpu.memref_slice %arg10[%dma_wait3A_773] : memref<8192xf32, #tpu.memory_space<vmem>> -> memref<256xf32, #tpu.memory_space<vmem>>
      %dma_wait3A_775 = tpu.memref_slice %arg5[%add3A_273] : memref<1048576xf32, #tpu.memory_space<hbm>> -> memref<256xf32, #tpu.memory_space<hbm>>
      %dma_wait3A_776 = tpu.memref_slice %arg5[%add3A_273] : memref<1048576xf32, #tpu.memory_space<hbm>> -> memref<256xf32, #tpu.memory_space<hbm>>
      %dma_wait3A_777 = arith.constant 4608 : i32
      %dma_wait3A_778 = tpu.memref_slice %arg10[%dma_wait3A_777] : memref<8192xf32, #tpu.memory_space<vmem>> -> memref<256xf32, #tpu.memory_space<vmem>>
      tpu.wait_dma2 semaphore(%run_scoped3A : memref<!tpu.dma_semaphore, #tpu.memory_space<semaphore_mem>>) src(%dma_wait3A_778 : memref<256xf32, #tpu.memory_space<vmem>>) dst(%dma_wait3A_776 : memref<256xf32, #tpu.memory_space<hbm>>)
      tpu.yield
    }) : () -> ()
    %add3A_274 = arith.constant 819200 : i32
    %add3A_275 = arith.addi %add3A_274, %mul3A_2 : i32
    %add3A_276 = arith.constant 0 : i32
    %add3A_277 = arith.addi %add3A_275, %add3A_276 : i32
    "tpu.region"() ({
      %run_scoped3A = tpu.sem_alloc : memref<!tpu.dma_semaphore, #tpu.memory_space<semaphore_mem>>
      %dma_start3A_767 = arith.constant 4608 : i32
      %dma_start3A_768 = tpu.memref_slice %arg11[%dma_start3A_767] : memref<8192xf32, #tpu.memory_space<vmem>> -> memref<256xf32, #tpu.memory_space<vmem>>
      %dma_start3A_769 = tpu.memref_slice %arg5[%add3A_277] : memref<1048576xf32, #tpu.memory_space<hbm>> -> memref<256xf32, #tpu.memory_space<hbm>>
      %dma_start3A_770 = tpu.memref_slice %arg5[%add3A_277] : memref<1048576xf32, #tpu.memory_space<hbm>> -> memref<256xf32, #tpu.memory_space<hbm>>
      %dma_start3A_771 = arith.constant 4608 : i32
      %dma_start3A_772 = tpu.memref_slice %arg11[%dma_start3A_771] : memref<8192xf32, #tpu.memory_space<vmem>> -> memref<256xf32, #tpu.memory_space<vmem>>
      tpu.enqueue_dma source(%dma_start3A_772 : memref<256xf32, #tpu.memory_space<vmem>>) target(%dma_start3A_770 : memref<256xf32, #tpu.memory_space<hbm>>) target_semaphore(%run_scoped3A : memref<!tpu.dma_semaphore, #tpu.memory_space<semaphore_mem>>)
      %dma_wait3A_773 = arith.constant 4608 : i32
      %dma_wait3A_774 = tpu.memref_slice %arg11[%dma_wait3A_773] : memref<8192xf32, #tpu.memory_space<vmem>> -> memref<256xf32, #tpu.memory_space<vmem>>
      %dma_wait3A_775 = tpu.memref_slice %arg5[%add3A_277] : memref<1048576xf32, #tpu.memory_space<hbm>> -> memref<256xf32, #tpu.memory_space<hbm>>
      %dma_wait3A_776 = tpu.memref_slice %arg5[%add3A_277] : memref<1048576xf32, #tpu.memory_space<hbm>> -> memref<256xf32, #tpu.memory_space<hbm>>
      %dma_wait3A_777 = arith.constant 4608 : i32
      %dma_wait3A_778 = tpu.memref_slice %arg11[%dma_wait3A_777] : memref<8192xf32, #tpu.memory_space<vmem>> -> memref<256xf32, #tpu.memory_space<vmem>>
      tpu.wait_dma2 semaphore(%run_scoped3A : memref<!tpu.dma_semaphore, #tpu.memory_space<semaphore_mem>>) src(%dma_wait3A_778 : memref<256xf32, #tpu.memory_space<vmem>>) dst(%dma_wait3A_776 : memref<256xf32, #tpu.memory_space<hbm>>)
      tpu.yield
    }) : () -> ()
    %add3A_278 = arith.constant 311296 : i32
    %add3A_279 = arith.addi %add3A_278, %mul3A_2 : i32
    %add3A_280 = arith.constant 0 : i32
    %add3A_281 = arith.addi %add3A_279, %add3A_280 : i32
    "tpu.region"() ({
      %run_scoped3A = tpu.sem_alloc : memref<!tpu.dma_semaphore, #tpu.memory_space<semaphore_mem>>
      %dma_start3A_767 = arith.constant 4864 : i32
      %dma_start3A_768 = tpu.memref_slice %arg10[%dma_start3A_767] : memref<8192xf32, #tpu.memory_space<vmem>> -> memref<256xf32, #tpu.memory_space<vmem>>
      %dma_start3A_769 = tpu.memref_slice %arg5[%add3A_281] : memref<1048576xf32, #tpu.memory_space<hbm>> -> memref<256xf32, #tpu.memory_space<hbm>>
      %dma_start3A_770 = tpu.memref_slice %arg5[%add3A_281] : memref<1048576xf32, #tpu.memory_space<hbm>> -> memref<256xf32, #tpu.memory_space<hbm>>
      %dma_start3A_771 = arith.constant 4864 : i32
      %dma_start3A_772 = tpu.memref_slice %arg10[%dma_start3A_771] : memref<8192xf32, #tpu.memory_space<vmem>> -> memref<256xf32, #tpu.memory_space<vmem>>
      tpu.enqueue_dma source(%dma_start3A_772 : memref<256xf32, #tpu.memory_space<vmem>>) target(%dma_start3A_770 : memref<256xf32, #tpu.memory_space<hbm>>) target_semaphore(%run_scoped3A : memref<!tpu.dma_semaphore, #tpu.memory_space<semaphore_mem>>)
      %dma_wait3A_773 = arith.constant 4864 : i32
      %dma_wait3A_774 = tpu.memref_slice %arg10[%dma_wait3A_773] : memref<8192xf32, #tpu.memory_space<vmem>> -> memref<256xf32, #tpu.memory_space<vmem>>
      %dma_wait3A_775 = tpu.memref_slice %arg5[%add3A_281] : memref<1048576xf32, #tpu.memory_space<hbm>> -> memref<256xf32, #tpu.memory_space<hbm>>
      %dma_wait3A_776 = tpu.memref_slice %arg5[%add3A_281] : memref<1048576xf32, #tpu.memory_space<hbm>> -> memref<256xf32, #tpu.memory_space<hbm>>
      %dma_wait3A_777 = arith.constant 4864 : i32
      %dma_wait3A_778 = tpu.memref_slice %arg10[%dma_wait3A_777] : memref<8192xf32, #tpu.memory_space<vmem>> -> memref<256xf32, #tpu.memory_space<vmem>>
      tpu.wait_dma2 semaphore(%run_scoped3A : memref<!tpu.dma_semaphore, #tpu.memory_space<semaphore_mem>>) src(%dma_wait3A_778 : memref<256xf32, #tpu.memory_space<vmem>>) dst(%dma_wait3A_776 : memref<256xf32, #tpu.memory_space<hbm>>)
      tpu.yield
    }) : () -> ()
    %add3A_282 = arith.constant 835584 : i32
    %add3A_283 = arith.addi %add3A_282, %mul3A_2 : i32
    %add3A_284 = arith.constant 0 : i32
    %add3A_285 = arith.addi %add3A_283, %add3A_284 : i32
    "tpu.region"() ({
      %run_scoped3A = tpu.sem_alloc : memref<!tpu.dma_semaphore, #tpu.memory_space<semaphore_mem>>
      %dma_start3A_767 = arith.constant 4864 : i32
      %dma_start3A_768 = tpu.memref_slice %arg11[%dma_start3A_767] : memref<8192xf32, #tpu.memory_space<vmem>> -> memref<256xf32, #tpu.memory_space<vmem>>
      %dma_start3A_769 = tpu.memref_slice %arg5[%add3A_285] : memref<1048576xf32, #tpu.memory_space<hbm>> -> memref<256xf32, #tpu.memory_space<hbm>>
      %dma_start3A_770 = tpu.memref_slice %arg5[%add3A_285] : memref<1048576xf32, #tpu.memory_space<hbm>> -> memref<256xf32, #tpu.memory_space<hbm>>
      %dma_start3A_771 = arith.constant 4864 : i32
      %dma_start3A_772 = tpu.memref_slice %arg11[%dma_start3A_771] : memref<8192xf32, #tpu.memory_space<vmem>> -> memref<256xf32, #tpu.memory_space<vmem>>
      tpu.enqueue_dma source(%dma_start3A_772 : memref<256xf32, #tpu.memory_space<vmem>>) target(%dma_start3A_770 : memref<256xf32, #tpu.memory_space<hbm>>) target_semaphore(%run_scoped3A : memref<!tpu.dma_semaphore, #tpu.memory_space<semaphore_mem>>)
      %dma_wait3A_773 = arith.constant 4864 : i32
      %dma_wait3A_774 = tpu.memref_slice %arg11[%dma_wait3A_773] : memref<8192xf32, #tpu.memory_space<vmem>> -> memref<256xf32, #tpu.memory_space<vmem>>
      %dma_wait3A_775 = tpu.memref_slice %arg5[%add3A_285] : memref<1048576xf32, #tpu.memory_space<hbm>> -> memref<256xf32, #tpu.memory_space<hbm>>
      %dma_wait3A_776 = tpu.memref_slice %arg5[%add3A_285] : memref<1048576xf32, #tpu.memory_space<hbm>> -> memref<256xf32, #tpu.memory_space<hbm>>
      %dma_wait3A_777 = arith.constant 4864 : i32
      %dma_wait3A_778 = tpu.memref_slice %arg11[%dma_wait3A_777] : memref<8192xf32, #tpu.memory_space<vmem>> -> memref<256xf32, #tpu.memory_space<vmem>>
      tpu.wait_dma2 semaphore(%run_scoped3A : memref<!tpu.dma_semaphore, #tpu.memory_space<semaphore_mem>>) src(%dma_wait3A_778 : memref<256xf32, #tpu.memory_space<vmem>>) dst(%dma_wait3A_776 : memref<256xf32, #tpu.memory_space<hbm>>)
      tpu.yield
    }) : () -> ()
    %add3A_286 = arith.constant 327680 : i32
    %add3A_287 = arith.addi %add3A_286, %mul3A_2 : i32
    %add3A_288 = arith.constant 0 : i32
    %add3A_289 = arith.addi %add3A_287, %add3A_288 : i32
    "tpu.region"() ({
      %run_scoped3A = tpu.sem_alloc : memref<!tpu.dma_semaphore, #tpu.memory_space<semaphore_mem>>
      %dma_start3A_767 = arith.constant 5120 : i32
      %dma_start3A_768 = tpu.memref_slice %arg10[%dma_start3A_767] : memref<8192xf32, #tpu.memory_space<vmem>> -> memref<256xf32, #tpu.memory_space<vmem>>
      %dma_start3A_769 = tpu.memref_slice %arg5[%add3A_289] : memref<1048576xf32, #tpu.memory_space<hbm>> -> memref<256xf32, #tpu.memory_space<hbm>>
      %dma_start3A_770 = tpu.memref_slice %arg5[%add3A_289] : memref<1048576xf32, #tpu.memory_space<hbm>> -> memref<256xf32, #tpu.memory_space<hbm>>
      %dma_start3A_771 = arith.constant 5120 : i32
      %dma_start3A_772 = tpu.memref_slice %arg10[%dma_start3A_771] : memref<8192xf32, #tpu.memory_space<vmem>> -> memref<256xf32, #tpu.memory_space<vmem>>
      tpu.enqueue_dma source(%dma_start3A_772 : memref<256xf32, #tpu.memory_space<vmem>>) target(%dma_start3A_770 : memref<256xf32, #tpu.memory_space<hbm>>) target_semaphore(%run_scoped3A : memref<!tpu.dma_semaphore, #tpu.memory_space<semaphore_mem>>)
      %dma_wait3A_773 = arith.constant 5120 : i32
      %dma_wait3A_774 = tpu.memref_slice %arg10[%dma_wait3A_773] : memref<8192xf32, #tpu.memory_space<vmem>> -> memref<256xf32, #tpu.memory_space<vmem>>
      %dma_wait3A_775 = tpu.memref_slice %arg5[%add3A_289] : memref<1048576xf32, #tpu.memory_space<hbm>> -> memref<256xf32, #tpu.memory_space<hbm>>
      %dma_wait3A_776 = tpu.memref_slice %arg5[%add3A_289] : memref<1048576xf32, #tpu.memory_space<hbm>> -> memref<256xf32, #tpu.memory_space<hbm>>
      %dma_wait3A_777 = arith.constant 5120 : i32
      %dma_wait3A_778 = tpu.memref_slice %arg10[%dma_wait3A_777] : memref<8192xf32, #tpu.memory_space<vmem>> -> memref<256xf32, #tpu.memory_space<vmem>>
      tpu.wait_dma2 semaphore(%run_scoped3A : memref<!tpu.dma_semaphore, #tpu.memory_space<semaphore_mem>>) src(%dma_wait3A_778 : memref<256xf32, #tpu.memory_space<vmem>>) dst(%dma_wait3A_776 : memref<256xf32, #tpu.memory_space<hbm>>)
      tpu.yield
    }) : () -> ()
    %add3A_290 = arith.constant 851968 : i32
    %add3A_291 = arith.addi %add3A_290, %mul3A_2 : i32
    %add3A_292 = arith.constant 0 : i32
    %add3A_293 = arith.addi %add3A_291, %add3A_292 : i32
    "tpu.region"() ({
      %run_scoped3A = tpu.sem_alloc : memref<!tpu.dma_semaphore, #tpu.memory_space<semaphore_mem>>
      %dma_start3A_767 = arith.constant 5120 : i32
      %dma_start3A_768 = tpu.memref_slice %arg11[%dma_start3A_767] : memref<8192xf32, #tpu.memory_space<vmem>> -> memref<256xf32, #tpu.memory_space<vmem>>
      %dma_start3A_769 = tpu.memref_slice %arg5[%add3A_293] : memref<1048576xf32, #tpu.memory_space<hbm>> -> memref<256xf32, #tpu.memory_space<hbm>>
      %dma_start3A_770 = tpu.memref_slice %arg5[%add3A_293] : memref<1048576xf32, #tpu.memory_space<hbm>> -> memref<256xf32, #tpu.memory_space<hbm>>
      %dma_start3A_771 = arith.constant 5120 : i32
      %dma_start3A_772 = tpu.memref_slice %arg11[%dma_start3A_771] : memref<8192xf32, #tpu.memory_space<vmem>> -> memref<256xf32, #tpu.memory_space<vmem>>
      tpu.enqueue_dma source(%dma_start3A_772 : memref<256xf32, #tpu.memory_space<vmem>>) target(%dma_start3A_770 : memref<256xf32, #tpu.memory_space<hbm>>) target_semaphore(%run_scoped3A : memref<!tpu.dma_semaphore, #tpu.memory_space<semaphore_mem>>)
      %dma_wait3A_773 = arith.constant 5120 : i32
      %dma_wait3A_774 = tpu.memref_slice %arg11[%dma_wait3A_773] : memref<8192xf32, #tpu.memory_space<vmem>> -> memref<256xf32, #tpu.memory_space<vmem>>
      %dma_wait3A_775 = tpu.memref_slice %arg5[%add3A_293] : memref<1048576xf32, #tpu.memory_space<hbm>> -> memref<256xf32, #tpu.memory_space<hbm>>
      %dma_wait3A_776 = tpu.memref_slice %arg5[%add3A_293] : memref<1048576xf32, #tpu.memory_space<hbm>> -> memref<256xf32, #tpu.memory_space<hbm>>
      %dma_wait3A_777 = arith.constant 5120 : i32
      %dma_wait3A_778 = tpu.memref_slice %arg11[%dma_wait3A_777] : memref<8192xf32, #tpu.memory_space<vmem>> -> memref<256xf32, #tpu.memory_space<vmem>>
      tpu.wait_dma2 semaphore(%run_scoped3A : memref<!tpu.dma_semaphore, #tpu.memory_space<semaphore_mem>>) src(%dma_wait3A_778 : memref<256xf32, #tpu.memory_space<vmem>>) dst(%dma_wait3A_776 : memref<256xf32, #tpu.memory_space<hbm>>)
      tpu.yield
    }) : () -> ()
    %add3A_294 = arith.constant 344064 : i32
    %add3A_295 = arith.addi %add3A_294, %mul3A_2 : i32
    %add3A_296 = arith.constant 0 : i32
    %add3A_297 = arith.addi %add3A_295, %add3A_296 : i32
    "tpu.region"() ({
      %run_scoped3A = tpu.sem_alloc : memref<!tpu.dma_semaphore, #tpu.memory_space<semaphore_mem>>
      %dma_start3A_767 = arith.constant 5376 : i32
      %dma_start3A_768 = tpu.memref_slice %arg10[%dma_start3A_767] : memref<8192xf32, #tpu.memory_space<vmem>> -> memref<256xf32, #tpu.memory_space<vmem>>
      %dma_start3A_769 = tpu.memref_slice %arg5[%add3A_297] : memref<1048576xf32, #tpu.memory_space<hbm>> -> memref<256xf32, #tpu.memory_space<hbm>>
      %dma_start3A_770 = tpu.memref_slice %arg5[%add3A_297] : memref<1048576xf32, #tpu.memory_space<hbm>> -> memref<256xf32, #tpu.memory_space<hbm>>
      %dma_start3A_771 = arith.constant 5376 : i32
      %dma_start3A_772 = tpu.memref_slice %arg10[%dma_start3A_771] : memref<8192xf32, #tpu.memory_space<vmem>> -> memref<256xf32, #tpu.memory_space<vmem>>
      tpu.enqueue_dma source(%dma_start3A_772 : memref<256xf32, #tpu.memory_space<vmem>>) target(%dma_start3A_770 : memref<256xf32, #tpu.memory_space<hbm>>) target_semaphore(%run_scoped3A : memref<!tpu.dma_semaphore, #tpu.memory_space<semaphore_mem>>)
      %dma_wait3A_773 = arith.constant 5376 : i32
      %dma_wait3A_774 = tpu.memref_slice %arg10[%dma_wait3A_773] : memref<8192xf32, #tpu.memory_space<vmem>> -> memref<256xf32, #tpu.memory_space<vmem>>
      %dma_wait3A_775 = tpu.memref_slice %arg5[%add3A_297] : memref<1048576xf32, #tpu.memory_space<hbm>> -> memref<256xf32, #tpu.memory_space<hbm>>
      %dma_wait3A_776 = tpu.memref_slice %arg5[%add3A_297] : memref<1048576xf32, #tpu.memory_space<hbm>> -> memref<256xf32, #tpu.memory_space<hbm>>
      %dma_wait3A_777 = arith.constant 5376 : i32
      %dma_wait3A_778 = tpu.memref_slice %arg10[%dma_wait3A_777] : memref<8192xf32, #tpu.memory_space<vmem>> -> memref<256xf32, #tpu.memory_space<vmem>>
      tpu.wait_dma2 semaphore(%run_scoped3A : memref<!tpu.dma_semaphore, #tpu.memory_space<semaphore_mem>>) src(%dma_wait3A_778 : memref<256xf32, #tpu.memory_space<vmem>>) dst(%dma_wait3A_776 : memref<256xf32, #tpu.memory_space<hbm>>)
      tpu.yield
    }) : () -> ()
    %add3A_298 = arith.constant 868352 : i32
    %add3A_299 = arith.addi %add3A_298, %mul3A_2 : i32
    %add3A_300 = arith.constant 0 : i32
    %add3A_301 = arith.addi %add3A_299, %add3A_300 : i32
    "tpu.region"() ({
      %run_scoped3A = tpu.sem_alloc : memref<!tpu.dma_semaphore, #tpu.memory_space<semaphore_mem>>
      %dma_start3A_767 = arith.constant 5376 : i32
      %dma_start3A_768 = tpu.memref_slice %arg11[%dma_start3A_767] : memref<8192xf32, #tpu.memory_space<vmem>> -> memref<256xf32, #tpu.memory_space<vmem>>
      %dma_start3A_769 = tpu.memref_slice %arg5[%add3A_301] : memref<1048576xf32, #tpu.memory_space<hbm>> -> memref<256xf32, #tpu.memory_space<hbm>>
      %dma_start3A_770 = tpu.memref_slice %arg5[%add3A_301] : memref<1048576xf32, #tpu.memory_space<hbm>> -> memref<256xf32, #tpu.memory_space<hbm>>
      %dma_start3A_771 = arith.constant 5376 : i32
      %dma_start3A_772 = tpu.memref_slice %arg11[%dma_start3A_771] : memref<8192xf32, #tpu.memory_space<vmem>> -> memref<256xf32, #tpu.memory_space<vmem>>
      tpu.enqueue_dma source(%dma_start3A_772 : memref<256xf32, #tpu.memory_space<vmem>>) target(%dma_start3A_770 : memref<256xf32, #tpu.memory_space<hbm>>) target_semaphore(%run_scoped3A : memref<!tpu.dma_semaphore, #tpu.memory_space<semaphore_mem>>)
      %dma_wait3A_773 = arith.constant 5376 : i32
      %dma_wait3A_774 = tpu.memref_slice %arg11[%dma_wait3A_773] : memref<8192xf32, #tpu.memory_space<vmem>> -> memref<256xf32, #tpu.memory_space<vmem>>
      %dma_wait3A_775 = tpu.memref_slice %arg5[%add3A_301] : memref<1048576xf32, #tpu.memory_space<hbm>> -> memref<256xf32, #tpu.memory_space<hbm>>
      %dma_wait3A_776 = tpu.memref_slice %arg5[%add3A_301] : memref<1048576xf32, #tpu.memory_space<hbm>> -> memref<256xf32, #tpu.memory_space<hbm>>
      %dma_wait3A_777 = arith.constant 5376 : i32
      %dma_wait3A_778 = tpu.memref_slice %arg11[%dma_wait3A_777] : memref<8192xf32, #tpu.memory_space<vmem>> -> memref<256xf32, #tpu.memory_space<vmem>>
      tpu.wait_dma2 semaphore(%run_scoped3A : memref<!tpu.dma_semaphore, #tpu.memory_space<semaphore_mem>>) src(%dma_wait3A_778 : memref<256xf32, #tpu.memory_space<vmem>>) dst(%dma_wait3A_776 : memref<256xf32, #tpu.memory_space<hbm>>)
      tpu.yield
    }) : () -> ()
    %add3A_302 = arith.constant 360448 : i32
    %add3A_303 = arith.addi %add3A_302, %mul3A_2 : i32
    %add3A_304 = arith.constant 0 : i32
    %add3A_305 = arith.addi %add3A_303, %add3A_304 : i32
    "tpu.region"() ({
      %run_scoped3A = tpu.sem_alloc : memref<!tpu.dma_semaphore, #tpu.memory_space<semaphore_mem>>
      %dma_start3A_767 = arith.constant 5632 : i32
      %dma_start3A_768 = tpu.memref_slice %arg10[%dma_start3A_767] : memref<8192xf32, #tpu.memory_space<vmem>> -> memref<256xf32, #tpu.memory_space<vmem>>
      %dma_start3A_769 = tpu.memref_slice %arg5[%add3A_305] : memref<1048576xf32, #tpu.memory_space<hbm>> -> memref<256xf32, #tpu.memory_space<hbm>>
      %dma_start3A_770 = tpu.memref_slice %arg5[%add3A_305] : memref<1048576xf32, #tpu.memory_space<hbm>> -> memref<256xf32, #tpu.memory_space<hbm>>
      %dma_start3A_771 = arith.constant 5632 : i32
      %dma_start3A_772 = tpu.memref_slice %arg10[%dma_start3A_771] : memref<8192xf32, #tpu.memory_space<vmem>> -> memref<256xf32, #tpu.memory_space<vmem>>
      tpu.enqueue_dma source(%dma_start3A_772 : memref<256xf32, #tpu.memory_space<vmem>>) target(%dma_start3A_770 : memref<256xf32, #tpu.memory_space<hbm>>) target_semaphore(%run_scoped3A : memref<!tpu.dma_semaphore, #tpu.memory_space<semaphore_mem>>)
      %dma_wait3A_773 = arith.constant 5632 : i32
      %dma_wait3A_774 = tpu.memref_slice %arg10[%dma_wait3A_773] : memref<8192xf32, #tpu.memory_space<vmem>> -> memref<256xf32, #tpu.memory_space<vmem>>
      %dma_wait3A_775 = tpu.memref_slice %arg5[%add3A_305] : memref<1048576xf32, #tpu.memory_space<hbm>> -> memref<256xf32, #tpu.memory_space<hbm>>
      %dma_wait3A_776 = tpu.memref_slice %arg5[%add3A_305] : memref<1048576xf32, #tpu.memory_space<hbm>> -> memref<256xf32, #tpu.memory_space<hbm>>
      %dma_wait3A_777 = arith.constant 5632 : i32
      %dma_wait3A_778 = tpu.memref_slice %arg10[%dma_wait3A_777] : memref<8192xf32, #tpu.memory_space<vmem>> -> memref<256xf32, #tpu.memory_space<vmem>>
      tpu.wait_dma2 semaphore(%run_scoped3A : memref<!tpu.dma_semaphore, #tpu.memory_space<semaphore_mem>>) src(%dma_wait3A_778 : memref<256xf32, #tpu.memory_space<vmem>>) dst(%dma_wait3A_776 : memref<256xf32, #tpu.memory_space<hbm>>)
      tpu.yield
    }) : () -> ()
    %add3A_306 = arith.constant 884736 : i32
    %add3A_307 = arith.addi %add3A_306, %mul3A_2 : i32
    %add3A_308 = arith.constant 0 : i32
    %add3A_309 = arith.addi %add3A_307, %add3A_308 : i32
    "tpu.region"() ({
      %run_scoped3A = tpu.sem_alloc : memref<!tpu.dma_semaphore, #tpu.memory_space<semaphore_mem>>
      %dma_start3A_767 = arith.constant 5632 : i32
      %dma_start3A_768 = tpu.memref_slice %arg11[%dma_start3A_767] : memref<8192xf32, #tpu.memory_space<vmem>> -> memref<256xf32, #tpu.memory_space<vmem>>
      %dma_start3A_769 = tpu.memref_slice %arg5[%add3A_309] : memref<1048576xf32, #tpu.memory_space<hbm>> -> memref<256xf32, #tpu.memory_space<hbm>>
      %dma_start3A_770 = tpu.memref_slice %arg5[%add3A_309] : memref<1048576xf32, #tpu.memory_space<hbm>> -> memref<256xf32, #tpu.memory_space<hbm>>
      %dma_start3A_771 = arith.constant 5632 : i32
      %dma_start3A_772 = tpu.memref_slice %arg11[%dma_start3A_771] : memref<8192xf32, #tpu.memory_space<vmem>> -> memref<256xf32, #tpu.memory_space<vmem>>
      tpu.enqueue_dma source(%dma_start3A_772 : memref<256xf32, #tpu.memory_space<vmem>>) target(%dma_start3A_770 : memref<256xf32, #tpu.memory_space<hbm>>) target_semaphore(%run_scoped3A : memref<!tpu.dma_semaphore, #tpu.memory_space<semaphore_mem>>)
      %dma_wait3A_773 = arith.constant 5632 : i32
      %dma_wait3A_774 = tpu.memref_slice %arg11[%dma_wait3A_773] : memref<8192xf32, #tpu.memory_space<vmem>> -> memref<256xf32, #tpu.memory_space<vmem>>
      %dma_wait3A_775 = tpu.memref_slice %arg5[%add3A_309] : memref<1048576xf32, #tpu.memory_space<hbm>> -> memref<256xf32, #tpu.memory_space<hbm>>
      %dma_wait3A_776 = tpu.memref_slice %arg5[%add3A_309] : memref<1048576xf32, #tpu.memory_space<hbm>> -> memref<256xf32, #tpu.memory_space<hbm>>
      %dma_wait3A_777 = arith.constant 5632 : i32
      %dma_wait3A_778 = tpu.memref_slice %arg11[%dma_wait3A_777] : memref<8192xf32, #tpu.memory_space<vmem>> -> memref<256xf32, #tpu.memory_space<vmem>>
      tpu.wait_dma2 semaphore(%run_scoped3A : memref<!tpu.dma_semaphore, #tpu.memory_space<semaphore_mem>>) src(%dma_wait3A_778 : memref<256xf32, #tpu.memory_space<vmem>>) dst(%dma_wait3A_776 : memref<256xf32, #tpu.memory_space<hbm>>)
      tpu.yield
    }) : () -> ()
    %add3A_310 = arith.constant 376832 : i32
    %add3A_311 = arith.addi %add3A_310, %mul3A_2 : i32
    %add3A_312 = arith.constant 0 : i32
    %add3A_313 = arith.addi %add3A_311, %add3A_312 : i32
    "tpu.region"() ({
      %run_scoped3A = tpu.sem_alloc : memref<!tpu.dma_semaphore, #tpu.memory_space<semaphore_mem>>
      %dma_start3A_767 = arith.constant 5888 : i32
      %dma_start3A_768 = tpu.memref_slice %arg10[%dma_start3A_767] : memref<8192xf32, #tpu.memory_space<vmem>> -> memref<256xf32, #tpu.memory_space<vmem>>
      %dma_start3A_769 = tpu.memref_slice %arg5[%add3A_313] : memref<1048576xf32, #tpu.memory_space<hbm>> -> memref<256xf32, #tpu.memory_space<hbm>>
      %dma_start3A_770 = tpu.memref_slice %arg5[%add3A_313] : memref<1048576xf32, #tpu.memory_space<hbm>> -> memref<256xf32, #tpu.memory_space<hbm>>
      %dma_start3A_771 = arith.constant 5888 : i32
      %dma_start3A_772 = tpu.memref_slice %arg10[%dma_start3A_771] : memref<8192xf32, #tpu.memory_space<vmem>> -> memref<256xf32, #tpu.memory_space<vmem>>
      tpu.enqueue_dma source(%dma_start3A_772 : memref<256xf32, #tpu.memory_space<vmem>>) target(%dma_start3A_770 : memref<256xf32, #tpu.memory_space<hbm>>) target_semaphore(%run_scoped3A : memref<!tpu.dma_semaphore, #tpu.memory_space<semaphore_mem>>)
      %dma_wait3A_773 = arith.constant 5888 : i32
      %dma_wait3A_774 = tpu.memref_slice %arg10[%dma_wait3A_773] : memref<8192xf32, #tpu.memory_space<vmem>> -> memref<256xf32, #tpu.memory_space<vmem>>
      %dma_wait3A_775 = tpu.memref_slice %arg5[%add3A_313] : memref<1048576xf32, #tpu.memory_space<hbm>> -> memref<256xf32, #tpu.memory_space<hbm>>
      %dma_wait3A_776 = tpu.memref_slice %arg5[%add3A_313] : memref<1048576xf32, #tpu.memory_space<hbm>> -> memref<256xf32, #tpu.memory_space<hbm>>
      %dma_wait3A_777 = arith.constant 5888 : i32
      %dma_wait3A_778 = tpu.memref_slice %arg10[%dma_wait3A_777] : memref<8192xf32, #tpu.memory_space<vmem>> -> memref<256xf32, #tpu.memory_space<vmem>>
      tpu.wait_dma2 semaphore(%run_scoped3A : memref<!tpu.dma_semaphore, #tpu.memory_space<semaphore_mem>>) src(%dma_wait3A_778 : memref<256xf32, #tpu.memory_space<vmem>>) dst(%dma_wait3A_776 : memref<256xf32, #tpu.memory_space<hbm>>)
      tpu.yield
    }) : () -> ()
    %add3A_314 = arith.constant 901120 : i32
    %add3A_315 = arith.addi %add3A_314, %mul3A_2 : i32
    %add3A_316 = arith.constant 0 : i32
    %add3A_317 = arith.addi %add3A_315, %add3A_316 : i32
    "tpu.region"() ({
      %run_scoped3A = tpu.sem_alloc : memref<!tpu.dma_semaphore, #tpu.memory_space<semaphore_mem>>
      %dma_start3A_767 = arith.constant 5888 : i32
      %dma_start3A_768 = tpu.memref_slice %arg11[%dma_start3A_767] : memref<8192xf32, #tpu.memory_space<vmem>> -> memref<256xf32, #tpu.memory_space<vmem>>
      %dma_start3A_769 = tpu.memref_slice %arg5[%add3A_317] : memref<1048576xf32, #tpu.memory_space<hbm>> -> memref<256xf32, #tpu.memory_space<hbm>>
      %dma_start3A_770 = tpu.memref_slice %arg5[%add3A_317] : memref<1048576xf32, #tpu.memory_space<hbm>> -> memref<256xf32, #tpu.memory_space<hbm>>
      %dma_start3A_771 = arith.constant 5888 : i32
      %dma_start3A_772 = tpu.memref_slice %arg11[%dma_start3A_771] : memref<8192xf32, #tpu.memory_space<vmem>> -> memref<256xf32, #tpu.memory_space<vmem>>
      tpu.enqueue_dma source(%dma_start3A_772 : memref<256xf32, #tpu.memory_space<vmem>>) target(%dma_start3A_770 : memref<256xf32, #tpu.memory_space<hbm>>) target_semaphore(%run_scoped3A : memref<!tpu.dma_semaphore, #tpu.memory_space<semaphore_mem>>)
      %dma_wait3A_773 = arith.constant 5888 : i32
      %dma_wait3A_774 = tpu.memref_slice %arg11[%dma_wait3A_773] : memref<8192xf32, #tpu.memory_space<vmem>> -> memref<256xf32, #tpu.memory_space<vmem>>
      %dma_wait3A_775 = tpu.memref_slice %arg5[%add3A_317] : memref<1048576xf32, #tpu.memory_space<hbm>> -> memref<256xf32, #tpu.memory_space<hbm>>
      %dma_wait3A_776 = tpu.memref_slice %arg5[%add3A_317] : memref<1048576xf32, #tpu.memory_space<hbm>> -> memref<256xf32, #tpu.memory_space<hbm>>
      %dma_wait3A_777 = arith.constant 5888 : i32
      %dma_wait3A_778 = tpu.memref_slice %arg11[%dma_wait3A_777] : memref<8192xf32, #tpu.memory_space<vmem>> -> memref<256xf32, #tpu.memory_space<vmem>>
      tpu.wait_dma2 semaphore(%run_scoped3A : memref<!tpu.dma_semaphore, #tpu.memory_space<semaphore_mem>>) src(%dma_wait3A_778 : memref<256xf32, #tpu.memory_space<vmem>>) dst(%dma_wait3A_776 : memref<256xf32, #tpu.memory_space<hbm>>)
      tpu.yield
    }) : () -> ()
    %add3A_318 = arith.constant 393216 : i32
    %add3A_319 = arith.addi %add3A_318, %mul3A_2 : i32
    %add3A_320 = arith.constant 0 : i32
    %add3A_321 = arith.addi %add3A_319, %add3A_320 : i32
    "tpu.region"() ({
      %run_scoped3A = tpu.sem_alloc : memref<!tpu.dma_semaphore, #tpu.memory_space<semaphore_mem>>
      %dma_start3A_767 = arith.constant 6144 : i32
      %dma_start3A_768 = tpu.memref_slice %arg10[%dma_start3A_767] : memref<8192xf32, #tpu.memory_space<vmem>> -> memref<256xf32, #tpu.memory_space<vmem>>
      %dma_start3A_769 = tpu.memref_slice %arg5[%add3A_321] : memref<1048576xf32, #tpu.memory_space<hbm>> -> memref<256xf32, #tpu.memory_space<hbm>>
      %dma_start3A_770 = tpu.memref_slice %arg5[%add3A_321] : memref<1048576xf32, #tpu.memory_space<hbm>> -> memref<256xf32, #tpu.memory_space<hbm>>
      %dma_start3A_771 = arith.constant 6144 : i32
      %dma_start3A_772 = tpu.memref_slice %arg10[%dma_start3A_771] : memref<8192xf32, #tpu.memory_space<vmem>> -> memref<256xf32, #tpu.memory_space<vmem>>
      tpu.enqueue_dma source(%dma_start3A_772 : memref<256xf32, #tpu.memory_space<vmem>>) target(%dma_start3A_770 : memref<256xf32, #tpu.memory_space<hbm>>) target_semaphore(%run_scoped3A : memref<!tpu.dma_semaphore, #tpu.memory_space<semaphore_mem>>)
      %dma_wait3A_773 = arith.constant 6144 : i32
      %dma_wait3A_774 = tpu.memref_slice %arg10[%dma_wait3A_773] : memref<8192xf32, #tpu.memory_space<vmem>> -> memref<256xf32, #tpu.memory_space<vmem>>
      %dma_wait3A_775 = tpu.memref_slice %arg5[%add3A_321] : memref<1048576xf32, #tpu.memory_space<hbm>> -> memref<256xf32, #tpu.memory_space<hbm>>
      %dma_wait3A_776 = tpu.memref_slice %arg5[%add3A_321] : memref<1048576xf32, #tpu.memory_space<hbm>> -> memref<256xf32, #tpu.memory_space<hbm>>
      %dma_wait3A_777 = arith.constant 6144 : i32
      %dma_wait3A_778 = tpu.memref_slice %arg10[%dma_wait3A_777] : memref<8192xf32, #tpu.memory_space<vmem>> -> memref<256xf32, #tpu.memory_space<vmem>>
      tpu.wait_dma2 semaphore(%run_scoped3A : memref<!tpu.dma_semaphore, #tpu.memory_space<semaphore_mem>>) src(%dma_wait3A_778 : memref<256xf32, #tpu.memory_space<vmem>>) dst(%dma_wait3A_776 : memref<256xf32, #tpu.memory_space<hbm>>)
      tpu.yield
    }) : () -> ()
    %add3A_322 = arith.constant 917504 : i32
    %add3A_323 = arith.addi %add3A_322, %mul3A_2 : i32
    %add3A_324 = arith.constant 0 : i32
    %add3A_325 = arith.addi %add3A_323, %add3A_324 : i32
    "tpu.region"() ({
      %run_scoped3A = tpu.sem_alloc : memref<!tpu.dma_semaphore, #tpu.memory_space<semaphore_mem>>
      %dma_start3A_767 = arith.constant 6144 : i32
      %dma_start3A_768 = tpu.memref_slice %arg11[%dma_start3A_767] : memref<8192xf32, #tpu.memory_space<vmem>> -> memref<256xf32, #tpu.memory_space<vmem>>
      %dma_start3A_769 = tpu.memref_slice %arg5[%add3A_325] : memref<1048576xf32, #tpu.memory_space<hbm>> -> memref<256xf32, #tpu.memory_space<hbm>>
      %dma_start3A_770 = tpu.memref_slice %arg5[%add3A_325] : memref<1048576xf32, #tpu.memory_space<hbm>> -> memref<256xf32, #tpu.memory_space<hbm>>
      %dma_start3A_771 = arith.constant 6144 : i32
      %dma_start3A_772 = tpu.memref_slice %arg11[%dma_start3A_771] : memref<8192xf32, #tpu.memory_space<vmem>> -> memref<256xf32, #tpu.memory_space<vmem>>
      tpu.enqueue_dma source(%dma_start3A_772 : memref<256xf32, #tpu.memory_space<vmem>>) target(%dma_start3A_770 : memref<256xf32, #tpu.memory_space<hbm>>) target_semaphore(%run_scoped3A : memref<!tpu.dma_semaphore, #tpu.memory_space<semaphore_mem>>)
      %dma_wait3A_773 = arith.constant 6144 : i32
      %dma_wait3A_774 = tpu.memref_slice %arg11[%dma_wait3A_773] : memref<8192xf32, #tpu.memory_space<vmem>> -> memref<256xf32, #tpu.memory_space<vmem>>
      %dma_wait3A_775 = tpu.memref_slice %arg5[%add3A_325] : memref<1048576xf32, #tpu.memory_space<hbm>> -> memref<256xf32, #tpu.memory_space<hbm>>
      %dma_wait3A_776 = tpu.memref_slice %arg5[%add3A_325] : memref<1048576xf32, #tpu.memory_space<hbm>> -> memref<256xf32, #tpu.memory_space<hbm>>
      %dma_wait3A_777 = arith.constant 6144 : i32
      %dma_wait3A_778 = tpu.memref_slice %arg11[%dma_wait3A_777] : memref<8192xf32, #tpu.memory_space<vmem>> -> memref<256xf32, #tpu.memory_space<vmem>>
      tpu.wait_dma2 semaphore(%run_scoped3A : memref<!tpu.dma_semaphore, #tpu.memory_space<semaphore_mem>>) src(%dma_wait3A_778 : memref<256xf32, #tpu.memory_space<vmem>>) dst(%dma_wait3A_776 : memref<256xf32, #tpu.memory_space<hbm>>)
      tpu.yield
    }) : () -> ()
    %add3A_326 = arith.constant 409600 : i32
    %add3A_327 = arith.addi %add3A_326, %mul3A_2 : i32
    %add3A_328 = arith.constant 0 : i32
    %add3A_329 = arith.addi %add3A_327, %add3A_328 : i32
    "tpu.region"() ({
      %run_scoped3A = tpu.sem_alloc : memref<!tpu.dma_semaphore, #tpu.memory_space<semaphore_mem>>
      %dma_start3A_767 = arith.constant 6400 : i32
      %dma_start3A_768 = tpu.memref_slice %arg10[%dma_start3A_767] : memref<8192xf32, #tpu.memory_space<vmem>> -> memref<256xf32, #tpu.memory_space<vmem>>
      %dma_start3A_769 = tpu.memref_slice %arg5[%add3A_329] : memref<1048576xf32, #tpu.memory_space<hbm>> -> memref<256xf32, #tpu.memory_space<hbm>>
      %dma_start3A_770 = tpu.memref_slice %arg5[%add3A_329] : memref<1048576xf32, #tpu.memory_space<hbm>> -> memref<256xf32, #tpu.memory_space<hbm>>
      %dma_start3A_771 = arith.constant 6400 : i32
      %dma_start3A_772 = tpu.memref_slice %arg10[%dma_start3A_771] : memref<8192xf32, #tpu.memory_space<vmem>> -> memref<256xf32, #tpu.memory_space<vmem>>
      tpu.enqueue_dma source(%dma_start3A_772 : memref<256xf32, #tpu.memory_space<vmem>>) target(%dma_start3A_770 : memref<256xf32, #tpu.memory_space<hbm>>) target_semaphore(%run_scoped3A : memref<!tpu.dma_semaphore, #tpu.memory_space<semaphore_mem>>)
      %dma_wait3A_773 = arith.constant 6400 : i32
      %dma_wait3A_774 = tpu.memref_slice %arg10[%dma_wait3A_773] : memref<8192xf32, #tpu.memory_space<vmem>> -> memref<256xf32, #tpu.memory_space<vmem>>
      %dma_wait3A_775 = tpu.memref_slice %arg5[%add3A_329] : memref<1048576xf32, #tpu.memory_space<hbm>> -> memref<256xf32, #tpu.memory_space<hbm>>
      %dma_wait3A_776 = tpu.memref_slice %arg5[%add3A_329] : memref<1048576xf32, #tpu.memory_space<hbm>> -> memref<256xf32, #tpu.memory_space<hbm>>
      %dma_wait3A_777 = arith.constant 6400 : i32
      %dma_wait3A_778 = tpu.memref_slice %arg10[%dma_wait3A_777] : memref<8192xf32, #tpu.memory_space<vmem>> -> memref<256xf32, #tpu.memory_space<vmem>>
      tpu.wait_dma2 semaphore(%run_scoped3A : memref<!tpu.dma_semaphore, #tpu.memory_space<semaphore_mem>>) src(%dma_wait3A_778 : memref<256xf32, #tpu.memory_space<vmem>>) dst(%dma_wait3A_776 : memref<256xf32, #tpu.memory_space<hbm>>)
      tpu.yield
    }) : () -> ()
    %add3A_330 = arith.constant 933888 : i32
    %add3A_331 = arith.addi %add3A_330, %mul3A_2 : i32
    %add3A_332 = arith.constant 0 : i32
    %add3A_333 = arith.addi %add3A_331, %add3A_332 : i32
    "tpu.region"() ({
      %run_scoped3A = tpu.sem_alloc : memref<!tpu.dma_semaphore, #tpu.memory_space<semaphore_mem>>
      %dma_start3A_767 = arith.constant 6400 : i32
      %dma_start3A_768 = tpu.memref_slice %arg11[%dma_start3A_767] : memref<8192xf32, #tpu.memory_space<vmem>> -> memref<256xf32, #tpu.memory_space<vmem>>
      %dma_start3A_769 = tpu.memref_slice %arg5[%add3A_333] : memref<1048576xf32, #tpu.memory_space<hbm>> -> memref<256xf32, #tpu.memory_space<hbm>>
      %dma_start3A_770 = tpu.memref_slice %arg5[%add3A_333] : memref<1048576xf32, #tpu.memory_space<hbm>> -> memref<256xf32, #tpu.memory_space<hbm>>
      %dma_start3A_771 = arith.constant 6400 : i32
      %dma_start3A_772 = tpu.memref_slice %arg11[%dma_start3A_771] : memref<8192xf32, #tpu.memory_space<vmem>> -> memref<256xf32, #tpu.memory_space<vmem>>
      tpu.enqueue_dma source(%dma_start3A_772 : memref<256xf32, #tpu.memory_space<vmem>>) target(%dma_start3A_770 : memref<256xf32, #tpu.memory_space<hbm>>) target_semaphore(%run_scoped3A : memref<!tpu.dma_semaphore, #tpu.memory_space<semaphore_mem>>)
      %dma_wait3A_773 = arith.constant 6400 : i32
      %dma_wait3A_774 = tpu.memref_slice %arg11[%dma_wait3A_773] : memref<8192xf32, #tpu.memory_space<vmem>> -> memref<256xf32, #tpu.memory_space<vmem>>
      %dma_wait3A_775 = tpu.memref_slice %arg5[%add3A_333] : memref<1048576xf32, #tpu.memory_space<hbm>> -> memref<256xf32, #tpu.memory_space<hbm>>
      %dma_wait3A_776 = tpu.memref_slice %arg5[%add3A_333] : memref<1048576xf32, #tpu.memory_space<hbm>> -> memref<256xf32, #tpu.memory_space<hbm>>
      %dma_wait3A_777 = arith.constant 6400 : i32
      %dma_wait3A_778 = tpu.memref_slice %arg11[%dma_wait3A_777] : memref<8192xf32, #tpu.memory_space<vmem>> -> memref<256xf32, #tpu.memory_space<vmem>>
      tpu.wait_dma2 semaphore(%run_scoped3A : memref<!tpu.dma_semaphore, #tpu.memory_space<semaphore_mem>>) src(%dma_wait3A_778 : memref<256xf32, #tpu.memory_space<vmem>>) dst(%dma_wait3A_776 : memref<256xf32, #tpu.memory_space<hbm>>)
      tpu.yield
    }) : () -> ()
    %add3A_334 = arith.constant 425984 : i32
    %add3A_335 = arith.addi %add3A_334, %mul3A_2 : i32
    %add3A_336 = arith.constant 0 : i32
    %add3A_337 = arith.addi %add3A_335, %add3A_336 : i32
    "tpu.region"() ({
      %run_scoped3A = tpu.sem_alloc : memref<!tpu.dma_semaphore, #tpu.memory_space<semaphore_mem>>
      %dma_start3A_767 = arith.constant 6656 : i32
      %dma_start3A_768 = tpu.memref_slice %arg10[%dma_start3A_767] : memref<8192xf32, #tpu.memory_space<vmem>> -> memref<256xf32, #tpu.memory_space<vmem>>
      %dma_start3A_769 = tpu.memref_slice %arg5[%add3A_337] : memref<1048576xf32, #tpu.memory_space<hbm>> -> memref<256xf32, #tpu.memory_space<hbm>>
      %dma_start3A_770 = tpu.memref_slice %arg5[%add3A_337] : memref<1048576xf32, #tpu.memory_space<hbm>> -> memref<256xf32, #tpu.memory_space<hbm>>
      %dma_start3A_771 = arith.constant 6656 : i32
      %dma_start3A_772 = tpu.memref_slice %arg10[%dma_start3A_771] : memref<8192xf32, #tpu.memory_space<vmem>> -> memref<256xf32, #tpu.memory_space<vmem>>
      tpu.enqueue_dma source(%dma_start3A_772 : memref<256xf32, #tpu.memory_space<vmem>>) target(%dma_start3A_770 : memref<256xf32, #tpu.memory_space<hbm>>) target_semaphore(%run_scoped3A : memref<!tpu.dma_semaphore, #tpu.memory_space<semaphore_mem>>)
      %dma_wait3A_773 = arith.constant 6656 : i32
      %dma_wait3A_774 = tpu.memref_slice %arg10[%dma_wait3A_773] : memref<8192xf32, #tpu.memory_space<vmem>> -> memref<256xf32, #tpu.memory_space<vmem>>
      %dma_wait3A_775 = tpu.memref_slice %arg5[%add3A_337] : memref<1048576xf32, #tpu.memory_space<hbm>> -> memref<256xf32, #tpu.memory_space<hbm>>
      %dma_wait3A_776 = tpu.memref_slice %arg5[%add3A_337] : memref<1048576xf32, #tpu.memory_space<hbm>> -> memref<256xf32, #tpu.memory_space<hbm>>
      %dma_wait3A_777 = arith.constant 6656 : i32
      %dma_wait3A_778 = tpu.memref_slice %arg10[%dma_wait3A_777] : memref<8192xf32, #tpu.memory_space<vmem>> -> memref<256xf32, #tpu.memory_space<vmem>>
      tpu.wait_dma2 semaphore(%run_scoped3A : memref<!tpu.dma_semaphore, #tpu.memory_space<semaphore_mem>>) src(%dma_wait3A_778 : memref<256xf32, #tpu.memory_space<vmem>>) dst(%dma_wait3A_776 : memref<256xf32, #tpu.memory_space<hbm>>)
      tpu.yield
    }) : () -> ()
    %add3A_338 = arith.constant 950272 : i32
    %add3A_339 = arith.addi %add3A_338, %mul3A_2 : i32
    %add3A_340 = arith.constant 0 : i32
    %add3A_341 = arith.addi %add3A_339, %add3A_340 : i32
    "tpu.region"() ({
      %run_scoped3A = tpu.sem_alloc : memref<!tpu.dma_semaphore, #tpu.memory_space<semaphore_mem>>
      %dma_start3A_767 = arith.constant 6656 : i32
      %dma_start3A_768 = tpu.memref_slice %arg11[%dma_start3A_767] : memref<8192xf32, #tpu.memory_space<vmem>> -> memref<256xf32, #tpu.memory_space<vmem>>
      %dma_start3A_769 = tpu.memref_slice %arg5[%add3A_341] : memref<1048576xf32, #tpu.memory_space<hbm>> -> memref<256xf32, #tpu.memory_space<hbm>>
      %dma_start3A_770 = tpu.memref_slice %arg5[%add3A_341] : memref<1048576xf32, #tpu.memory_space<hbm>> -> memref<256xf32, #tpu.memory_space<hbm>>
      %dma_start3A_771 = arith.constant 6656 : i32
      %dma_start3A_772 = tpu.memref_slice %arg11[%dma_start3A_771] : memref<8192xf32, #tpu.memory_space<vmem>> -> memref<256xf32, #tpu.memory_space<vmem>>
      tpu.enqueue_dma source(%dma_start3A_772 : memref<256xf32, #tpu.memory_space<vmem>>) target(%dma_start3A_770 : memref<256xf32, #tpu.memory_space<hbm>>) target_semaphore(%run_scoped3A : memref<!tpu.dma_semaphore, #tpu.memory_space<semaphore_mem>>)
      %dma_wait3A_773 = arith.constant 6656 : i32
      %dma_wait3A_774 = tpu.memref_slice %arg11[%dma_wait3A_773] : memref<8192xf32, #tpu.memory_space<vmem>> -> memref<256xf32, #tpu.memory_space<vmem>>
      %dma_wait3A_775 = tpu.memref_slice %arg5[%add3A_341] : memref<1048576xf32, #tpu.memory_space<hbm>> -> memref<256xf32, #tpu.memory_space<hbm>>
      %dma_wait3A_776 = tpu.memref_slice %arg5[%add3A_341] : memref<1048576xf32, #tpu.memory_space<hbm>> -> memref<256xf32, #tpu.memory_space<hbm>>
      %dma_wait3A_777 = arith.constant 6656 : i32
      %dma_wait3A_778 = tpu.memref_slice %arg11[%dma_wait3A_777] : memref<8192xf32, #tpu.memory_space<vmem>> -> memref<256xf32, #tpu.memory_space<vmem>>
      tpu.wait_dma2 semaphore(%run_scoped3A : memref<!tpu.dma_semaphore, #tpu.memory_space<semaphore_mem>>) src(%dma_wait3A_778 : memref<256xf32, #tpu.memory_space<vmem>>) dst(%dma_wait3A_776 : memref<256xf32, #tpu.memory_space<hbm>>)
      tpu.yield
    }) : () -> ()
    %add3A_342 = arith.constant 442368 : i32
    %add3A_343 = arith.addi %add3A_342, %mul3A_2 : i32
    %add3A_344 = arith.constant 0 : i32
    %add3A_345 = arith.addi %add3A_343, %add3A_344 : i32
    "tpu.region"() ({
      %run_scoped3A = tpu.sem_alloc : memref<!tpu.dma_semaphore, #tpu.memory_space<semaphore_mem>>
      %dma_start3A_767 = arith.constant 6912 : i32
      %dma_start3A_768 = tpu.memref_slice %arg10[%dma_start3A_767] : memref<8192xf32, #tpu.memory_space<vmem>> -> memref<256xf32, #tpu.memory_space<vmem>>
      %dma_start3A_769 = tpu.memref_slice %arg5[%add3A_345] : memref<1048576xf32, #tpu.memory_space<hbm>> -> memref<256xf32, #tpu.memory_space<hbm>>
      %dma_start3A_770 = tpu.memref_slice %arg5[%add3A_345] : memref<1048576xf32, #tpu.memory_space<hbm>> -> memref<256xf32, #tpu.memory_space<hbm>>
      %dma_start3A_771 = arith.constant 6912 : i32
      %dma_start3A_772 = tpu.memref_slice %arg10[%dma_start3A_771] : memref<8192xf32, #tpu.memory_space<vmem>> -> memref<256xf32, #tpu.memory_space<vmem>>
      tpu.enqueue_dma source(%dma_start3A_772 : memref<256xf32, #tpu.memory_space<vmem>>) target(%dma_start3A_770 : memref<256xf32, #tpu.memory_space<hbm>>) target_semaphore(%run_scoped3A : memref<!tpu.dma_semaphore, #tpu.memory_space<semaphore_mem>>)
      %dma_wait3A_773 = arith.constant 6912 : i32
      %dma_wait3A_774 = tpu.memref_slice %arg10[%dma_wait3A_773] : memref<8192xf32, #tpu.memory_space<vmem>> -> memref<256xf32, #tpu.memory_space<vmem>>
      %dma_wait3A_775 = tpu.memref_slice %arg5[%add3A_345] : memref<1048576xf32, #tpu.memory_space<hbm>> -> memref<256xf32, #tpu.memory_space<hbm>>
      %dma_wait3A_776 = tpu.memref_slice %arg5[%add3A_345] : memref<1048576xf32, #tpu.memory_space<hbm>> -> memref<256xf32, #tpu.memory_space<hbm>>
      %dma_wait3A_777 = arith.constant 6912 : i32
      %dma_wait3A_778 = tpu.memref_slice %arg10[%dma_wait3A_777] : memref<8192xf32, #tpu.memory_space<vmem>> -> memref<256xf32, #tpu.memory_space<vmem>>
      tpu.wait_dma2 semaphore(%run_scoped3A : memref<!tpu.dma_semaphore, #tpu.memory_space<semaphore_mem>>) src(%dma_wait3A_778 : memref<256xf32, #tpu.memory_space<vmem>>) dst(%dma_wait3A_776 : memref<256xf32, #tpu.memory_space<hbm>>)
      tpu.yield
    }) : () -> ()
    %add3A_346 = arith.constant 966656 : i32
    %add3A_347 = arith.addi %add3A_346, %mul3A_2 : i32
    %add3A_348 = arith.constant 0 : i32
    %add3A_349 = arith.addi %add3A_347, %add3A_348 : i32
    "tpu.region"() ({
      %run_scoped3A = tpu.sem_alloc : memref<!tpu.dma_semaphore, #tpu.memory_space<semaphore_mem>>
      %dma_start3A_767 = arith.constant 6912 : i32
      %dma_start3A_768 = tpu.memref_slice %arg11[%dma_start3A_767] : memref<8192xf32, #tpu.memory_space<vmem>> -> memref<256xf32, #tpu.memory_space<vmem>>
      %dma_start3A_769 = tpu.memref_slice %arg5[%add3A_349] : memref<1048576xf32, #tpu.memory_space<hbm>> -> memref<256xf32, #tpu.memory_space<hbm>>
      %dma_start3A_770 = tpu.memref_slice %arg5[%add3A_349] : memref<1048576xf32, #tpu.memory_space<hbm>> -> memref<256xf32, #tpu.memory_space<hbm>>
      %dma_start3A_771 = arith.constant 6912 : i32
      %dma_start3A_772 = tpu.memref_slice %arg11[%dma_start3A_771] : memref<8192xf32, #tpu.memory_space<vmem>> -> memref<256xf32, #tpu.memory_space<vmem>>
      tpu.enqueue_dma source(%dma_start3A_772 : memref<256xf32, #tpu.memory_space<vmem>>) target(%dma_start3A_770 : memref<256xf32, #tpu.memory_space<hbm>>) target_semaphore(%run_scoped3A : memref<!tpu.dma_semaphore, #tpu.memory_space<semaphore_mem>>)
      %dma_wait3A_773 = arith.constant 6912 : i32
      %dma_wait3A_774 = tpu.memref_slice %arg11[%dma_wait3A_773] : memref<8192xf32, #tpu.memory_space<vmem>> -> memref<256xf32, #tpu.memory_space<vmem>>
      %dma_wait3A_775 = tpu.memref_slice %arg5[%add3A_349] : memref<1048576xf32, #tpu.memory_space<hbm>> -> memref<256xf32, #tpu.memory_space<hbm>>
      %dma_wait3A_776 = tpu.memref_slice %arg5[%add3A_349] : memref<1048576xf32, #tpu.memory_space<hbm>> -> memref<256xf32, #tpu.memory_space<hbm>>
      %dma_wait3A_777 = arith.constant 6912 : i32
      %dma_wait3A_778 = tpu.memref_slice %arg11[%dma_wait3A_777] : memref<8192xf32, #tpu.memory_space<vmem>> -> memref<256xf32, #tpu.memory_space<vmem>>
      tpu.wait_dma2 semaphore(%run_scoped3A : memref<!tpu.dma_semaphore, #tpu.memory_space<semaphore_mem>>) src(%dma_wait3A_778 : memref<256xf32, #tpu.memory_space<vmem>>) dst(%dma_wait3A_776 : memref<256xf32, #tpu.memory_space<hbm>>)
      tpu.yield
    }) : () -> ()
    %add3A_350 = arith.constant 458752 : i32
    %add3A_351 = arith.addi %add3A_350, %mul3A_2 : i32
    %add3A_352 = arith.constant 0 : i32
    %add3A_353 = arith.addi %add3A_351, %add3A_352 : i32
    "tpu.region"() ({
      %run_scoped3A = tpu.sem_alloc : memref<!tpu.dma_semaphore, #tpu.memory_space<semaphore_mem>>
      %dma_start3A_767 = arith.constant 7168 : i32
      %dma_start3A_768 = tpu.memref_slice %arg10[%dma_start3A_767] : memref<8192xf32, #tpu.memory_space<vmem>> -> memref<256xf32, #tpu.memory_space<vmem>>
      %dma_start3A_769 = tpu.memref_slice %arg5[%add3A_353] : memref<1048576xf32, #tpu.memory_space<hbm>> -> memref<256xf32, #tpu.memory_space<hbm>>
      %dma_start3A_770 = tpu.memref_slice %arg5[%add3A_353] : memref<1048576xf32, #tpu.memory_space<hbm>> -> memref<256xf32, #tpu.memory_space<hbm>>
      %dma_start3A_771 = arith.constant 7168 : i32
      %dma_start3A_772 = tpu.memref_slice %arg10[%dma_start3A_771] : memref<8192xf32, #tpu.memory_space<vmem>> -> memref<256xf32, #tpu.memory_space<vmem>>
      tpu.enqueue_dma source(%dma_start3A_772 : memref<256xf32, #tpu.memory_space<vmem>>) target(%dma_start3A_770 : memref<256xf32, #tpu.memory_space<hbm>>) target_semaphore(%run_scoped3A : memref<!tpu.dma_semaphore, #tpu.memory_space<semaphore_mem>>)
      %dma_wait3A_773 = arith.constant 7168 : i32
      %dma_wait3A_774 = tpu.memref_slice %arg10[%dma_wait3A_773] : memref<8192xf32, #tpu.memory_space<vmem>> -> memref<256xf32, #tpu.memory_space<vmem>>
      %dma_wait3A_775 = tpu.memref_slice %arg5[%add3A_353] : memref<1048576xf32, #tpu.memory_space<hbm>> -> memref<256xf32, #tpu.memory_space<hbm>>
      %dma_wait3A_776 = tpu.memref_slice %arg5[%add3A_353] : memref<1048576xf32, #tpu.memory_space<hbm>> -> memref<256xf32, #tpu.memory_space<hbm>>
      %dma_wait3A_777 = arith.constant 7168 : i32
      %dma_wait3A_778 = tpu.memref_slice %arg10[%dma_wait3A_777] : memref<8192xf32, #tpu.memory_space<vmem>> -> memref<256xf32, #tpu.memory_space<vmem>>
      tpu.wait_dma2 semaphore(%run_scoped3A : memref<!tpu.dma_semaphore, #tpu.memory_space<semaphore_mem>>) src(%dma_wait3A_778 : memref<256xf32, #tpu.memory_space<vmem>>) dst(%dma_wait3A_776 : memref<256xf32, #tpu.memory_space<hbm>>)
      tpu.yield
    }) : () -> ()
    %add3A_354 = arith.constant 983040 : i32
    %add3A_355 = arith.addi %add3A_354, %mul3A_2 : i32
    %add3A_356 = arith.constant 0 : i32
    %add3A_357 = arith.addi %add3A_355, %add3A_356 : i32
    "tpu.region"() ({
      %run_scoped3A = tpu.sem_alloc : memref<!tpu.dma_semaphore, #tpu.memory_space<semaphore_mem>>
      %dma_start3A_767 = arith.constant 7168 : i32
      %dma_start3A_768 = tpu.memref_slice %arg11[%dma_start3A_767] : memref<8192xf32, #tpu.memory_space<vmem>> -> memref<256xf32, #tpu.memory_space<vmem>>
      %dma_start3A_769 = tpu.memref_slice %arg5[%add3A_357] : memref<1048576xf32, #tpu.memory_space<hbm>> -> memref<256xf32, #tpu.memory_space<hbm>>
      %dma_start3A_770 = tpu.memref_slice %arg5[%add3A_357] : memref<1048576xf32, #tpu.memory_space<hbm>> -> memref<256xf32, #tpu.memory_space<hbm>>
      %dma_start3A_771 = arith.constant 7168 : i32
      %dma_start3A_772 = tpu.memref_slice %arg11[%dma_start3A_771] : memref<8192xf32, #tpu.memory_space<vmem>> -> memref<256xf32, #tpu.memory_space<vmem>>
      tpu.enqueue_dma source(%dma_start3A_772 : memref<256xf32, #tpu.memory_space<vmem>>) target(%dma_start3A_770 : memref<256xf32, #tpu.memory_space<hbm>>) target_semaphore(%run_scoped3A : memref<!tpu.dma_semaphore, #tpu.memory_space<semaphore_mem>>)
      %dma_wait3A_773 = arith.constant 7168 : i32
      %dma_wait3A_774 = tpu.memref_slice %arg11[%dma_wait3A_773] : memref<8192xf32, #tpu.memory_space<vmem>> -> memref<256xf32, #tpu.memory_space<vmem>>
      %dma_wait3A_775 = tpu.memref_slice %arg5[%add3A_357] : memref<1048576xf32, #tpu.memory_space<hbm>> -> memref<256xf32, #tpu.memory_space<hbm>>
      %dma_wait3A_776 = tpu.memref_slice %arg5[%add3A_357] : memref<1048576xf32, #tpu.memory_space<hbm>> -> memref<256xf32, #tpu.memory_space<hbm>>
      %dma_wait3A_777 = arith.constant 7168 : i32
      %dma_wait3A_778 = tpu.memref_slice %arg11[%dma_wait3A_777] : memref<8192xf32, #tpu.memory_space<vmem>> -> memref<256xf32, #tpu.memory_space<vmem>>
      tpu.wait_dma2 semaphore(%run_scoped3A : memref<!tpu.dma_semaphore, #tpu.memory_space<semaphore_mem>>) src(%dma_wait3A_778 : memref<256xf32, #tpu.memory_space<vmem>>) dst(%dma_wait3A_776 : memref<256xf32, #tpu.memory_space<hbm>>)
      tpu.yield
    }) : () -> ()
    %add3A_358 = arith.constant 475136 : i32
    %add3A_359 = arith.addi %add3A_358, %mul3A_2 : i32
    %add3A_360 = arith.constant 0 : i32
    %add3A_361 = arith.addi %add3A_359, %add3A_360 : i32
    "tpu.region"() ({
      %run_scoped3A = tpu.sem_alloc : memref<!tpu.dma_semaphore, #tpu.memory_space<semaphore_mem>>
      %dma_start3A_767 = arith.constant 7424 : i32
      %dma_start3A_768 = tpu.memref_slice %arg10[%dma_start3A_767] : memref<8192xf32, #tpu.memory_space<vmem>> -> memref<256xf32, #tpu.memory_space<vmem>>
      %dma_start3A_769 = tpu.memref_slice %arg5[%add3A_361] : memref<1048576xf32, #tpu.memory_space<hbm>> -> memref<256xf32, #tpu.memory_space<hbm>>
      %dma_start3A_770 = tpu.memref_slice %arg5[%add3A_361] : memref<1048576xf32, #tpu.memory_space<hbm>> -> memref<256xf32, #tpu.memory_space<hbm>>
      %dma_start3A_771 = arith.constant 7424 : i32
      %dma_start3A_772 = tpu.memref_slice %arg10[%dma_start3A_771] : memref<8192xf32, #tpu.memory_space<vmem>> -> memref<256xf32, #tpu.memory_space<vmem>>
      tpu.enqueue_dma source(%dma_start3A_772 : memref<256xf32, #tpu.memory_space<vmem>>) target(%dma_start3A_770 : memref<256xf32, #tpu.memory_space<hbm>>) target_semaphore(%run_scoped3A : memref<!tpu.dma_semaphore, #tpu.memory_space<semaphore_mem>>)
      %dma_wait3A_773 = arith.constant 7424 : i32
      %dma_wait3A_774 = tpu.memref_slice %arg10[%dma_wait3A_773] : memref<8192xf32, #tpu.memory_space<vmem>> -> memref<256xf32, #tpu.memory_space<vmem>>
      %dma_wait3A_775 = tpu.memref_slice %arg5[%add3A_361] : memref<1048576xf32, #tpu.memory_space<hbm>> -> memref<256xf32, #tpu.memory_space<hbm>>
      %dma_wait3A_776 = tpu.memref_slice %arg5[%add3A_361] : memref<1048576xf32, #tpu.memory_space<hbm>> -> memref<256xf32, #tpu.memory_space<hbm>>
      %dma_wait3A_777 = arith.constant 7424 : i32
      %dma_wait3A_778 = tpu.memref_slice %arg10[%dma_wait3A_777] : memref<8192xf32, #tpu.memory_space<vmem>> -> memref<256xf32, #tpu.memory_space<vmem>>
      tpu.wait_dma2 semaphore(%run_scoped3A : memref<!tpu.dma_semaphore, #tpu.memory_space<semaphore_mem>>) src(%dma_wait3A_778 : memref<256xf32, #tpu.memory_space<vmem>>) dst(%dma_wait3A_776 : memref<256xf32, #tpu.memory_space<hbm>>)
      tpu.yield
    }) : () -> ()
    %add3A_362 = arith.constant 999424 : i32
    %add3A_363 = arith.addi %add3A_362, %mul3A_2 : i32
    %add3A_364 = arith.constant 0 : i32
    %add3A_365 = arith.addi %add3A_363, %add3A_364 : i32
    "tpu.region"() ({
      %run_scoped3A = tpu.sem_alloc : memref<!tpu.dma_semaphore, #tpu.memory_space<semaphore_mem>>
      %dma_start3A_767 = arith.constant 7424 : i32
      %dma_start3A_768 = tpu.memref_slice %arg11[%dma_start3A_767] : memref<8192xf32, #tpu.memory_space<vmem>> -> memref<256xf32, #tpu.memory_space<vmem>>
      %dma_start3A_769 = tpu.memref_slice %arg5[%add3A_365] : memref<1048576xf32, #tpu.memory_space<hbm>> -> memref<256xf32, #tpu.memory_space<hbm>>
      %dma_start3A_770 = tpu.memref_slice %arg5[%add3A_365] : memref<1048576xf32, #tpu.memory_space<hbm>> -> memref<256xf32, #tpu.memory_space<hbm>>
      %dma_start3A_771 = arith.constant 7424 : i32
      %dma_start3A_772 = tpu.memref_slice %arg11[%dma_start3A_771] : memref<8192xf32, #tpu.memory_space<vmem>> -> memref<256xf32, #tpu.memory_space<vmem>>
      tpu.enqueue_dma source(%dma_start3A_772 : memref<256xf32, #tpu.memory_space<vmem>>) target(%dma_start3A_770 : memref<256xf32, #tpu.memory_space<hbm>>) target_semaphore(%run_scoped3A : memref<!tpu.dma_semaphore, #tpu.memory_space<semaphore_mem>>)
      %dma_wait3A_773 = arith.constant 7424 : i32
      %dma_wait3A_774 = tpu.memref_slice %arg11[%dma_wait3A_773] : memref<8192xf32, #tpu.memory_space<vmem>> -> memref<256xf32, #tpu.memory_space<vmem>>
      %dma_wait3A_775 = tpu.memref_slice %arg5[%add3A_365] : memref<1048576xf32, #tpu.memory_space<hbm>> -> memref<256xf32, #tpu.memory_space<hbm>>
      %dma_wait3A_776 = tpu.memref_slice %arg5[%add3A_365] : memref<1048576xf32, #tpu.memory_space<hbm>> -> memref<256xf32, #tpu.memory_space<hbm>>
      %dma_wait3A_777 = arith.constant 7424 : i32
      %dma_wait3A_778 = tpu.memref_slice %arg11[%dma_wait3A_777] : memref<8192xf32, #tpu.memory_space<vmem>> -> memref<256xf32, #tpu.memory_space<vmem>>
      tpu.wait_dma2 semaphore(%run_scoped3A : memref<!tpu.dma_semaphore, #tpu.memory_space<semaphore_mem>>) src(%dma_wait3A_778 : memref<256xf32, #tpu.memory_space<vmem>>) dst(%dma_wait3A_776 : memref<256xf32, #tpu.memory_space<hbm>>)
      tpu.yield
    }) : () -> ()
    %add3A_366 = arith.constant 491520 : i32
    %add3A_367 = arith.addi %add3A_366, %mul3A_2 : i32
    %add3A_368 = arith.constant 0 : i32
    %add3A_369 = arith.addi %add3A_367, %add3A_368 : i32
    "tpu.region"() ({
      %run_scoped3A = tpu.sem_alloc : memref<!tpu.dma_semaphore, #tpu.memory_space<semaphore_mem>>
      %dma_start3A_767 = arith.constant 7680 : i32
      %dma_start3A_768 = tpu.memref_slice %arg10[%dma_start3A_767] : memref<8192xf32, #tpu.memory_space<vmem>> -> memref<256xf32, #tpu.memory_space<vmem>>
      %dma_start3A_769 = tpu.memref_slice %arg5[%add3A_369] : memref<1048576xf32, #tpu.memory_space<hbm>> -> memref<256xf32, #tpu.memory_space<hbm>>
      %dma_start3A_770 = tpu.memref_slice %arg5[%add3A_369] : memref<1048576xf32, #tpu.memory_space<hbm>> -> memref<256xf32, #tpu.memory_space<hbm>>
      %dma_start3A_771 = arith.constant 7680 : i32
      %dma_start3A_772 = tpu.memref_slice %arg10[%dma_start3A_771] : memref<8192xf32, #tpu.memory_space<vmem>> -> memref<256xf32, #tpu.memory_space<vmem>>
      tpu.enqueue_dma source(%dma_start3A_772 : memref<256xf32, #tpu.memory_space<vmem>>) target(%dma_start3A_770 : memref<256xf32, #tpu.memory_space<hbm>>) target_semaphore(%run_scoped3A : memref<!tpu.dma_semaphore, #tpu.memory_space<semaphore_mem>>)
      %dma_wait3A_773 = arith.constant 7680 : i32
      %dma_wait3A_774 = tpu.memref_slice %arg10[%dma_wait3A_773] : memref<8192xf32, #tpu.memory_space<vmem>> -> memref<256xf32, #tpu.memory_space<vmem>>
      %dma_wait3A_775 = tpu.memref_slice %arg5[%add3A_369] : memref<1048576xf32, #tpu.memory_space<hbm>> -> memref<256xf32, #tpu.memory_space<hbm>>
      %dma_wait3A_776 = tpu.memref_slice %arg5[%add3A_369] : memref<1048576xf32, #tpu.memory_space<hbm>> -> memref<256xf32, #tpu.memory_space<hbm>>
      %dma_wait3A_777 = arith.constant 7680 : i32
      %dma_wait3A_778 = tpu.memref_slice %arg10[%dma_wait3A_777] : memref<8192xf32, #tpu.memory_space<vmem>> -> memref<256xf32, #tpu.memory_space<vmem>>
      tpu.wait_dma2 semaphore(%run_scoped3A : memref<!tpu.dma_semaphore, #tpu.memory_space<semaphore_mem>>) src(%dma_wait3A_778 : memref<256xf32, #tpu.memory_space<vmem>>) dst(%dma_wait3A_776 : memref<256xf32, #tpu.memory_space<hbm>>)
      tpu.yield
    }) : () -> ()
    %add3A_370 = arith.constant 1015808 : i32
    %add3A_371 = arith.addi %add3A_370, %mul3A_2 : i32
    %add3A_372 = arith.constant 0 : i32
    %add3A_373 = arith.addi %add3A_371, %add3A_372 : i32
    "tpu.region"() ({
      %run_scoped3A = tpu.sem_alloc : memref<!tpu.dma_semaphore, #tpu.memory_space<semaphore_mem>>
      %dma_start3A_767 = arith.constant 7680 : i32
      %dma_start3A_768 = tpu.memref_slice %arg11[%dma_start3A_767] : memref<8192xf32, #tpu.memory_space<vmem>> -> memref<256xf32, #tpu.memory_space<vmem>>
      %dma_start3A_769 = tpu.memref_slice %arg5[%add3A_373] : memref<1048576xf32, #tpu.memory_space<hbm>> -> memref<256xf32, #tpu.memory_space<hbm>>
      %dma_start3A_770 = tpu.memref_slice %arg5[%add3A_373] : memref<1048576xf32, #tpu.memory_space<hbm>> -> memref<256xf32, #tpu.memory_space<hbm>>
      %dma_start3A_771 = arith.constant 7680 : i32
      %dma_start3A_772 = tpu.memref_slice %arg11[%dma_start3A_771] : memref<8192xf32, #tpu.memory_space<vmem>> -> memref<256xf32, #tpu.memory_space<vmem>>
      tpu.enqueue_dma source(%dma_start3A_772 : memref<256xf32, #tpu.memory_space<vmem>>) target(%dma_start3A_770 : memref<256xf32, #tpu.memory_space<hbm>>) target_semaphore(%run_scoped3A : memref<!tpu.dma_semaphore, #tpu.memory_space<semaphore_mem>>)
      %dma_wait3A_773 = arith.constant 7680 : i32
      %dma_wait3A_774 = tpu.memref_slice %arg11[%dma_wait3A_773] : memref<8192xf32, #tpu.memory_space<vmem>> -> memref<256xf32, #tpu.memory_space<vmem>>
      %dma_wait3A_775 = tpu.memref_slice %arg5[%add3A_373] : memref<1048576xf32, #tpu.memory_space<hbm>> -> memref<256xf32, #tpu.memory_space<hbm>>
      %dma_wait3A_776 = tpu.memref_slice %arg5[%add3A_373] : memref<1048576xf32, #tpu.memory_space<hbm>> -> memref<256xf32, #tpu.memory_space<hbm>>
      %dma_wait3A_777 = arith.constant 7680 : i32
      %dma_wait3A_778 = tpu.memref_slice %arg11[%dma_wait3A_777] : memref<8192xf32, #tpu.memory_space<vmem>> -> memref<256xf32, #tpu.memory_space<vmem>>
      tpu.wait_dma2 semaphore(%run_scoped3A : memref<!tpu.dma_semaphore, #tpu.memory_space<semaphore_mem>>) src(%dma_wait3A_778 : memref<256xf32, #tpu.memory_space<vmem>>) dst(%dma_wait3A_776 : memref<256xf32, #tpu.memory_space<hbm>>)
      tpu.yield
    }) : () -> ()
    %add3A_374 = arith.constant 507904 : i32
    %add3A_375 = arith.addi %add3A_374, %mul3A_2 : i32
    %add3A_376 = arith.constant 0 : i32
    %add3A_377 = arith.addi %add3A_375, %add3A_376 : i32
    "tpu.region"() ({
      %run_scoped3A = tpu.sem_alloc : memref<!tpu.dma_semaphore, #tpu.memory_space<semaphore_mem>>
      %dma_start3A_767 = arith.constant 7936 : i32
      %dma_start3A_768 = tpu.memref_slice %arg10[%dma_start3A_767] : memref<8192xf32, #tpu.memory_space<vmem>> -> memref<256xf32, #tpu.memory_space<vmem>>
      %dma_start3A_769 = tpu.memref_slice %arg5[%add3A_377] : memref<1048576xf32, #tpu.memory_space<hbm>> -> memref<256xf32, #tpu.memory_space<hbm>>
      %dma_start3A_770 = tpu.memref_slice %arg5[%add3A_377] : memref<1048576xf32, #tpu.memory_space<hbm>> -> memref<256xf32, #tpu.memory_space<hbm>>
      %dma_start3A_771 = arith.constant 7936 : i32
      %dma_start3A_772 = tpu.memref_slice %arg10[%dma_start3A_771] : memref<8192xf32, #tpu.memory_space<vmem>> -> memref<256xf32, #tpu.memory_space<vmem>>
      tpu.enqueue_dma source(%dma_start3A_772 : memref<256xf32, #tpu.memory_space<vmem>>) target(%dma_start3A_770 : memref<256xf32, #tpu.memory_space<hbm>>) target_semaphore(%run_scoped3A : memref<!tpu.dma_semaphore, #tpu.memory_space<semaphore_mem>>)
      %dma_wait3A_773 = arith.constant 7936 : i32
      %dma_wait3A_774 = tpu.memref_slice %arg10[%dma_wait3A_773] : memref<8192xf32, #tpu.memory_space<vmem>> -> memref<256xf32, #tpu.memory_space<vmem>>
      %dma_wait3A_775 = tpu.memref_slice %arg5[%add3A_377] : memref<1048576xf32, #tpu.memory_space<hbm>> -> memref<256xf32, #tpu.memory_space<hbm>>
      %dma_wait3A_776 = tpu.memref_slice %arg5[%add3A_377] : memref<1048576xf32, #tpu.memory_space<hbm>> -> memref<256xf32, #tpu.memory_space<hbm>>
      %dma_wait3A_777 = arith.constant 7936 : i32
      %dma_wait3A_778 = tpu.memref_slice %arg10[%dma_wait3A_777] : memref<8192xf32, #tpu.memory_space<vmem>> -> memref<256xf32, #tpu.memory_space<vmem>>
      tpu.wait_dma2 semaphore(%run_scoped3A : memref<!tpu.dma_semaphore, #tpu.memory_space<semaphore_mem>>) src(%dma_wait3A_778 : memref<256xf32, #tpu.memory_space<vmem>>) dst(%dma_wait3A_776 : memref<256xf32, #tpu.memory_space<hbm>>)
      tpu.yield
    }) : () -> ()
    %add3A_378 = arith.constant 1032192 : i32
    %add3A_379 = arith.addi %add3A_378, %mul3A_2 : i32
    %add3A_380 = arith.constant 0 : i32
    %add3A_381 = arith.addi %add3A_379, %add3A_380 : i32
    "tpu.region"() ({
      %run_scoped3A = tpu.sem_alloc : memref<!tpu.dma_semaphore, #tpu.memory_space<semaphore_mem>>
      %dma_start3A_767 = arith.constant 7936 : i32
      %dma_start3A_768 = tpu.memref_slice %arg11[%dma_start3A_767] : memref<8192xf32, #tpu.memory_space<vmem>> -> memref<256xf32, #tpu.memory_space<vmem>>
      %dma_start3A_769 = tpu.memref_slice %arg5[%add3A_381] : memref<1048576xf32, #tpu.memory_space<hbm>> -> memref<256xf32, #tpu.memory_space<hbm>>
      %dma_start3A_770 = tpu.memref_slice %arg5[%add3A_381] : memref<1048576xf32, #tpu.memory_space<hbm>> -> memref<256xf32, #tpu.memory_space<hbm>>
      %dma_start3A_771 = arith.constant 7936 : i32
      %dma_start3A_772 = tpu.memref_slice %arg11[%dma_start3A_771] : memref<8192xf32, #tpu.memory_space<vmem>> -> memref<256xf32, #tpu.memory_space<vmem>>
      tpu.enqueue_dma source(%dma_start3A_772 : memref<256xf32, #tpu.memory_space<vmem>>) target(%dma_start3A_770 : memref<256xf32, #tpu.memory_space<hbm>>) target_semaphore(%run_scoped3A : memref<!tpu.dma_semaphore, #tpu.memory_space<semaphore_mem>>)
      %dma_wait3A_773 = arith.constant 7936 : i32
      %dma_wait3A_774 = tpu.memref_slice %arg11[%dma_wait3A_773] : memref<8192xf32, #tpu.memory_space<vmem>> -> memref<256xf32, #tpu.memory_space<vmem>>
      %dma_wait3A_775 = tpu.memref_slice %arg5[%add3A_381] : memref<1048576xf32, #tpu.memory_space<hbm>> -> memref<256xf32, #tpu.memory_space<hbm>>
      %dma_wait3A_776 = tpu.memref_slice %arg5[%add3A_381] : memref<1048576xf32, #tpu.memory_space<hbm>> -> memref<256xf32, #tpu.memory_space<hbm>>
      %dma_wait3A_777 = arith.constant 7936 : i32
      %dma_wait3A_778 = tpu.memref_slice %arg11[%dma_wait3A_777] : memref<8192xf32, #tpu.memory_space<vmem>> -> memref<256xf32, #tpu.memory_space<vmem>>
      tpu.wait_dma2 semaphore(%run_scoped3A : memref<!tpu.dma_semaphore, #tpu.memory_space<semaphore_mem>>) src(%dma_wait3A_778 : memref<256xf32, #tpu.memory_space<vmem>>) dst(%dma_wait3A_776 : memref<256xf32, #tpu.memory_space<hbm>>)
      tpu.yield
    }) : () -> ()
    %get3A_382 = arith.constant 256 : index
    %get3A_383 = tpu.vector_load %arg6[%get3A_382] {strides = array<i32>} : memref<512xi32, #tpu.memory_space<vmem>>, vector<16xi32>,
    %shift_right_logical3A_384 = arith.constant 2 : i32
    %shift_right_logical3A_385 = vector.broadcast %shift_right_logical3A_384 : i32 to vector<16xi32>
    %shift_right_logical3A_386 = arith.shrui %get3A_383, %shift_right_logical3A_385 : vector<16xi32>
    %swap3A_387 = arith.constant 0 : index
    %swap3A_388 = tpu.vector_load %arg7[%swap3A_387] {strides = array<i32>} : memref<256xi32, #tpu.memory_space<vmem>>, vector<16xi32>,
    tpu.vector_store %arg7[%swap3A_387], %shift_right_logical3A_386 {strides = array<i32>} : memref<256xi32, #tpu.memory_space<vmem>>, vector<16xi32>,
    %get3A_389 = arith.constant 272 : index
    %get3A_390 = tpu.vector_load %arg6[%get3A_389] {strides = array<i32>} : memref<512xi32, #tpu.memory_space<vmem>>, vector<16xi32>,
    %shift_right_logical3A_391 = arith.constant 2 : i32
    %shift_right_logical3A_392 = vector.broadcast %shift_right_logical3A_391 : i32 to vector<16xi32>
    %shift_right_logical3A_393 = arith.shrui %get3A_390, %shift_right_logical3A_392 : vector<16xi32>
    %swap3A_394 = arith.constant 16 : index
    %swap3A_395 = tpu.vector_load %arg7[%swap3A_394] {strides = array<i32>} : memref<256xi32, #tpu.memory_space<vmem>>, vector<16xi32>,
    tpu.vector_store %arg7[%swap3A_394], %shift_right_logical3A_393 {strides = array<i32>} : memref<256xi32, #tpu.memory_space<vmem>>, vector<16xi32>,
    %get3A_396 = arith.constant 288 : index
    %get3A_397 = tpu.vector_load %arg6[%get3A_396] {strides = array<i32>} : memref<512xi32, #tpu.memory_space<vmem>>, vector<16xi32>,
    %shift_right_logical3A_398 = arith.constant 2 : i32
    %shift_right_logical3A_399 = vector.broadcast %shift_right_logical3A_398 : i32 to vector<16xi32>
    %shift_right_logical3A_400 = arith.shrui %get3A_397, %shift_right_logical3A_399 : vector<16xi32>
    %swap3A_401 = arith.constant 32 : index
    %swap3A_402 = tpu.vector_load %arg7[%swap3A_401] {strides = array<i32>} : memref<256xi32, #tpu.memory_space<vmem>>, vector<16xi32>,
    tpu.vector_store %arg7[%swap3A_401], %shift_right_logical3A_400 {strides = array<i32>} : memref<256xi32, #tpu.memory_space<vmem>>, vector<16xi32>,
    %get3A_403 = arith.constant 304 : index
    %get3A_404 = tpu.vector_load %arg6[%get3A_403] {strides = array<i32>} : memref<512xi32, #tpu.memory_space<vmem>>, vector<16xi32>,
    %shift_right_logical3A_405 = arith.constant 2 : i32
    %shift_right_logical3A_406 = vector.broadcast %shift_right_logical3A_405 : i32 to vector<16xi32>
    %shift_right_logical3A_407 = arith.shrui %get3A_404, %shift_right_logical3A_406 : vector<16xi32>
    %swap3A_408 = arith.constant 48 : index
    %swap3A_409 = tpu.vector_load %arg7[%swap3A_408] {strides = array<i32>} : memref<256xi32, #tpu.memory_space<vmem>>, vector<16xi32>,
    tpu.vector_store %arg7[%swap3A_408], %shift_right_logical3A_407 {strides = array<i32>} : memref<256xi32, #tpu.memory_space<vmem>>, vector<16xi32>,
    %get3A_410 = arith.constant 320 : index
    %get3A_411 = tpu.vector_load %arg6[%get3A_410] {strides = array<i32>} : memref<512xi32, #tpu.memory_space<vmem>>, vector<16xi32>,
    %shift_right_logical3A_412 = arith.constant 2 : i32
    %shift_right_logical3A_413 = vector.broadcast %shift_right_logical3A_412 : i32 to vector<16xi32>
    %shift_right_logical3A_414 = arith.shrui %get3A_411, %shift_right_logical3A_413 : vector<16xi32>
    %swap3A_415 = arith.constant 64 : index
    %swap3A_416 = tpu.vector_load %arg7[%swap3A_415] {strides = array<i32>} : memref<256xi32, #tpu.memory_space<vmem>>, vector<16xi32>,
    tpu.vector_store %arg7[%swap3A_415], %shift_right_logical3A_414 {strides = array<i32>} : memref<256xi32, #tpu.memory_space<vmem>>, vector<16xi32>,
    %get3A_417 = arith.constant 336 : index
    %get3A_418 = tpu.vector_load %arg6[%get3A_417] {strides = array<i32>} : memref<512xi32, #tpu.memory_space<vmem>>, vector<16xi32>,
    %shift_right_logical3A_419 = arith.constant 2 : i32
    %shift_right_logical3A_420 = vector.broadcast %shift_right_logical3A_419 : i32 to vector<16xi32>
    %shift_right_logical3A_421 = arith.shrui %get3A_418, %shift_right_logical3A_420 : vector<16xi32>
    %swap3A_422 = arith.constant 80 : index
    %swap3A_423 = tpu.vector_load %arg7[%swap3A_422] {strides = array<i32>} : memref<256xi32, #tpu.memory_space<vmem>>, vector<16xi32>,
    tpu.vector_store %arg7[%swap3A_422], %shift_right_logical3A_421 {strides = array<i32>} : memref<256xi32, #tpu.memory_space<vmem>>, vector<16xi32>,
    %get3A_424 = arith.constant 352 : index
    %get3A_425 = tpu.vector_load %arg6[%get3A_424] {strides = array<i32>} : memref<512xi32, #tpu.memory_space<vmem>>, vector<16xi32>,
    %shift_right_logical3A_426 = arith.constant 2 : i32
    %shift_right_logical3A_427 = vector.broadcast %shift_right_logical3A_426 : i32 to vector<16xi32>
    %shift_right_logical3A_428 = arith.shrui %get3A_425, %shift_right_logical3A_427 : vector<16xi32>
    %swap3A_429 = arith.constant 96 : index
    %swap3A_430 = tpu.vector_load %arg7[%swap3A_429] {strides = array<i32>} : memref<256xi32, #tpu.memory_space<vmem>>, vector<16xi32>,
    tpu.vector_store %arg7[%swap3A_429], %shift_right_logical3A_428 {strides = array<i32>} : memref<256xi32, #tpu.memory_space<vmem>>, vector<16xi32>,
    %get3A_431 = arith.constant 368 : index
    %get3A_432 = tpu.vector_load %arg6[%get3A_431] {strides = array<i32>} : memref<512xi32, #tpu.memory_space<vmem>>, vector<16xi32>,
    %shift_right_logical3A_433 = arith.constant 2 : i32
    %shift_right_logical3A_434 = vector.broadcast %shift_right_logical3A_433 : i32 to vector<16xi32>
    %shift_right_logical3A_435 = arith.shrui %get3A_432, %shift_right_logical3A_434 : vector<16xi32>
    %swap3A_436 = arith.constant 112 : index
    %swap3A_437 = tpu.vector_load %arg7[%swap3A_436] {strides = array<i32>} : memref<256xi32, #tpu.memory_space<vmem>>, vector<16xi32>,
    tpu.vector_store %arg7[%swap3A_436], %shift_right_logical3A_435 {strides = array<i32>} : memref<256xi32, #tpu.memory_space<vmem>>, vector<16xi32>,
    %get3A_438 = arith.constant 384 : index
    %get3A_439 = tpu.vector_load %arg6[%get3A_438] {strides = array<i32>} : memref<512xi32, #tpu.memory_space<vmem>>, vector<16xi32>,
    %shift_right_logical3A_440 = arith.constant 2 : i32
    %shift_right_logical3A_441 = vector.broadcast %shift_right_logical3A_440 : i32 to vector<16xi32>
    %shift_right_logical3A_442 = arith.shrui %get3A_439, %shift_right_logical3A_441 : vector<16xi32>
    %swap3A_443 = arith.constant 128 : index
    %swap3A_444 = tpu.vector_load %arg7[%swap3A_443] {strides = array<i32>} : memref<256xi32, #tpu.memory_space<vmem>>, vector<16xi32>,
    tpu.vector_store %arg7[%swap3A_443], %shift_right_logical3A_442 {strides = array<i32>} : memref<256xi32, #tpu.memory_space<vmem>>, vector<16xi32>,
    %get3A_445 = arith.constant 400 : index
    %get3A_446 = tpu.vector_load %arg6[%get3A_445] {strides = array<i32>} : memref<512xi32, #tpu.memory_space<vmem>>, vector<16xi32>,
    %shift_right_logical3A_447 = arith.constant 2 : i32
    %shift_right_logical3A_448 = vector.broadcast %shift_right_logical3A_447 : i32 to vector<16xi32>
    %shift_right_logical3A_449 = arith.shrui %get3A_446, %shift_right_logical3A_448 : vector<16xi32>
    %swap3A_450 = arith.constant 144 : index
    %swap3A_451 = tpu.vector_load %arg7[%swap3A_450] {strides = array<i32>} : memref<256xi32, #tpu.memory_space<vmem>>, vector<16xi32>,
    tpu.vector_store %arg7[%swap3A_450], %shift_right_logical3A_449 {strides = array<i32>} : memref<256xi32, #tpu.memory_space<vmem>>, vector<16xi32>,
    %get3A_452 = arith.constant 416 : index
    %get3A_453 = tpu.vector_load %arg6[%get3A_452] {strides = array<i32>} : memref<512xi32, #tpu.memory_space<vmem>>, vector<16xi32>,
    %shift_right_logical3A_454 = arith.constant 2 : i32
    %shift_right_logical3A_455 = vector.broadcast %shift_right_logical3A_454 : i32 to vector<16xi32>
    %shift_right_logical3A_456 = arith.shrui %get3A_453, %shift_right_logical3A_455 : vector<16xi32>
    %swap3A_457 = arith.constant 160 : index
    %swap3A_458 = tpu.vector_load %arg7[%swap3A_457] {strides = array<i32>} : memref<256xi32, #tpu.memory_space<vmem>>, vector<16xi32>,
    tpu.vector_store %arg7[%swap3A_457], %shift_right_logical3A_456 {strides = array<i32>} : memref<256xi32, #tpu.memory_space<vmem>>, vector<16xi32>,
    %get3A_459 = arith.constant 432 : index
    %get3A_460 = tpu.vector_load %arg6[%get3A_459] {strides = array<i32>} : memref<512xi32, #tpu.memory_space<vmem>>, vector<16xi32>,
    %shift_right_logical3A_461 = arith.constant 2 : i32
    %shift_right_logical3A_462 = vector.broadcast %shift_right_logical3A_461 : i32 to vector<16xi32>
    %shift_right_logical3A_463 = arith.shrui %get3A_460, %shift_right_logical3A_462 : vector<16xi32>
    %swap3A_464 = arith.constant 176 : index
    %swap3A_465 = tpu.vector_load %arg7[%swap3A_464] {strides = array<i32>} : memref<256xi32, #tpu.memory_space<vmem>>, vector<16xi32>,
    tpu.vector_store %arg7[%swap3A_464], %shift_right_logical3A_463 {strides = array<i32>} : memref<256xi32, #tpu.memory_space<vmem>>, vector<16xi32>,
    %get3A_466 = arith.constant 448 : index
    %get3A_467 = tpu.vector_load %arg6[%get3A_466] {strides = array<i32>} : memref<512xi32, #tpu.memory_space<vmem>>, vector<16xi32>,
    %shift_right_logical3A_468 = arith.constant 2 : i32
    %shift_right_logical3A_469 = vector.broadcast %shift_right_logical3A_468 : i32 to vector<16xi32>
    %shift_right_logical3A_470 = arith.shrui %get3A_467, %shift_right_logical3A_469 : vector<16xi32>
    %swap3A_471 = arith.constant 192 : index
    %swap3A_472 = tpu.vector_load %arg7[%swap3A_471] {strides = array<i32>} : memref<256xi32, #tpu.memory_space<vmem>>, vector<16xi32>,
    tpu.vector_store %arg7[%swap3A_471], %shift_right_logical3A_470 {strides = array<i32>} : memref<256xi32, #tpu.memory_space<vmem>>, vector<16xi32>,
    %get3A_473 = arith.constant 464 : index
    %get3A_474 = tpu.vector_load %arg6[%get3A_473] {strides = array<i32>} : memref<512xi32, #tpu.memory_space<vmem>>, vector<16xi32>,
    %shift_right_logical3A_475 = arith.constant 2 : i32
    %shift_right_logical3A_476 = vector.broadcast %shift_right_logical3A_475 : i32 to vector<16xi32>
    %shift_right_logical3A_477 = arith.shrui %get3A_474, %shift_right_logical3A_476 : vector<16xi32>
    %swap3A_478 = arith.constant 208 : index
    %swap3A_479 = tpu.vector_load %arg7[%swap3A_478] {strides = array<i32>} : memref<256xi32, #tpu.memory_space<vmem>>, vector<16xi32>,
    tpu.vector_store %arg7[%swap3A_478], %shift_right_logical3A_477 {strides = array<i32>} : memref<256xi32, #tpu.memory_space<vmem>>, vector<16xi32>,
    %get3A_480 = arith.constant 480 : index
    %get3A_481 = tpu.vector_load %arg6[%get3A_480] {strides = array<i32>} : memref<512xi32, #tpu.memory_space<vmem>>, vector<16xi32>,
    %shift_right_logical3A_482 = arith.constant 2 : i32
    %shift_right_logical3A_483 = vector.broadcast %shift_right_logical3A_482 : i32 to vector<16xi32>
    %shift_right_logical3A_484 = arith.shrui %get3A_481, %shift_right_logical3A_483 : vector<16xi32>
    %swap3A_485 = arith.constant 224 : index
    %swap3A_486 = tpu.vector_load %arg7[%swap3A_485] {strides = array<i32>} : memref<256xi32, #tpu.memory_space<vmem>>, vector<16xi32>,
    tpu.vector_store %arg7[%swap3A_485], %shift_right_logical3A_484 {strides = array<i32>} : memref<256xi32, #tpu.memory_space<vmem>>, vector<16xi32>,
    %get3A_487 = arith.constant 496 : index
    %get3A_488 = tpu.vector_load %arg6[%get3A_487] {strides = array<i32>} : memref<512xi32, #tpu.memory_space<vmem>>, vector<16xi32>,
    %shift_right_logical3A_489 = arith.constant 2 : i32
    %shift_right_logical3A_490 = vector.broadcast %shift_right_logical3A_489 : i32 to vector<16xi32>
    %shift_right_logical3A_491 = arith.shrui %get3A_488, %shift_right_logical3A_490 : vector<16xi32>
    %swap3A_492 = arith.constant 240 : index
    %swap3A_493 = tpu.vector_load %arg7[%swap3A_492] {strides = array<i32>} : memref<256xi32, #tpu.memory_space<vmem>>, vector<16xi32>,
    tpu.vector_store %arg7[%swap3A_492], %shift_right_logical3A_491 {strides = array<i32>} : memref<256xi32, #tpu.memory_space<vmem>>, vector<16xi32>,
    %dma_start3A_494 = arith.constant 0 : i32
    %dma_start3A_495 = arith.constant 0 : i32
    %dma_start3A_496 = tpu.memref_slice %arg2[%dma_start3A_494, %dma_start3A_495] : memref<250000x128xf32, #tpu.memory_space<hbm>> -> memref<250000x128xf32, #tpu.memory_space<hbm>>
    tpu.enqueue_indirect_dma source(%dma_start3A_496 : memref<250000x128xf32, #tpu.memory_space<hbm>>) target(%arg8 : memref<256x128xf32, #tpu.memory_space<vmem>>) offsets(%arg7 : memref<256xi32, #tpu.memory_space<vmem>>) semaphore(%arg12 : memref<!tpu.dma_semaphore, #tpu.memory_space<semaphore_mem>>)
    %dma_start3A_497 = arith.constant 0 : i32
    %dma_start3A_498 = arith.constant 0 : i32
    %dma_start3A_499 = tpu.memref_slice %arg3[%dma_start3A_497, %dma_start3A_498] : memref<250000x128xf32, #tpu.memory_space<hbm>> -> memref<250000x128xf32, #tpu.memory_space<hbm>>
    tpu.enqueue_indirect_dma source(%dma_start3A_499 : memref<250000x128xf32, #tpu.memory_space<hbm>>) target(%arg9 : memref<256x128xf32, #tpu.memory_space<vmem>>) offsets(%arg7 : memref<256xi32, #tpu.memory_space<vmem>>) semaphore(%arg12 : memref<!tpu.dma_semaphore, #tpu.memory_space<semaphore_mem>>)
    %dma_wait3A_500 = arith.constant 0 : i32
    %dma_wait3A_501 = arith.constant 0 : i32
    %dma_wait3A_502 = tpu.memref_slice %arg2[%dma_wait3A_500, %dma_wait3A_501] : memref<250000x128xf32, #tpu.memory_space<hbm>> -> memref<250000x128xf32, #tpu.memory_space<hbm>>
    tpu.wait_indirect_dma semaphore(%arg12 : memref<!tpu.dma_semaphore, #tpu.memory_space<semaphore_mem>>) src(%dma_wait3A_502 : memref<250000x128xf32, #tpu.memory_space<hbm>>) dst(%arg8 : memref<256x128xf32, #tpu.memory_space<vmem>>)
    %dma_wait3A_503 = arith.constant 0 : i32
    %dma_wait3A_504 = arith.constant 0 : i32
    %dma_wait3A_505 = tpu.memref_slice %arg3[%dma_wait3A_503, %dma_wait3A_504] : memref<250000x128xf32, #tpu.memory_space<hbm>> -> memref<250000x128xf32, #tpu.memory_space<hbm>>
    tpu.wait_indirect_dma semaphore(%arg12 : memref<!tpu.dma_semaphore, #tpu.memory_space<semaphore_mem>>) src(%dma_wait3A_505 : memref<250000x128xf32, #tpu.memory_space<hbm>>) dst(%arg9 : memref<256x128xf32, #tpu.memory_space<vmem>>)
    %scan3A_506 = arith.constant 0 : i32
    %scan3A_507 = arith.constant 16 : i32
    %scan3A_508 = arith.addi %scan3A_506, %scan3A_507 : i32
    %scan3A_509 = arith.constant 1 : i32
    scf.for %scan3A_767 = %scan3A_506 to %scan3A_508 step %scan3A_509  : i32 {
      %mul3A_768 = arith.constant 16 : i32
      %mul3A_769 = arith.muli %scan3A_767, %mul3A_768 : i32
      %add3A_770 = arith.constant 256 : i32
      %add3A_771 = arith.addi %add3A_770, %mul3A_769 : i32
      %get3A_772 = arith.index_cast %add3A_771 : i32 to index
      %get3A_773 = tpu.vector_load %arg6[%get3A_772] {strides = array<i32>} : memref<512xi32, #tpu.memory_space<vmem>>, vector<16xi32>,
      %and3A = arith.constant 3 : i32
      %and3A_774 = vector.broadcast %and3A : i32 to vector<16xi32>
      %and3A_775 = arith.andi %get3A_773, %and3A_774 : vector<16xi32>
      %mul3A_776 = arith.constant 32 : i32
      %mul3A_777 = vector.broadcast %mul3A_776 : i32 to vector<16xi32>
      %mul3A_778 = arith.muli %and3A_775, %mul3A_777 : vector<16xi32>
      %mul3A_779 = arith.constant 16 : i32
      %mul3A_780 = arith.muli %scan3A_767, %mul3A_779 : i32
      %add3A_781 = vector.broadcast %mul3A_780 : i32 to vector<16xi32>
      %add3A_782 = arith.addi %iota3A, %add3A_781 : vector<16xi32>
      %add3A_783 = arith.constant 0 : i32
      %add3A_784 = vector.broadcast %add3A_783 : i32 to vector<16xi32>
      %add3A_785 = arith.addi %mul3A_778, %add3A_784 : vector<16xi32>
      %gather3A = tpu.vector_load_idx %arg8[%add3A_782, %add3A_785] : memref<256x128xf32, #tpu.memory_space<vmem>>[vector<16xi32>, vector<16xi32>], vector<16xf32>,
      %mul3A_786 = arith.constant 16 : i32
      %mul3A_787 = arith.muli %scan3A_767, %mul3A_786 : i32
      %add3A_788 = arith.constant 0 : i32
      %add3A_789 = arith.addi %add3A_788, %mul3A_787 : i32
      %swap3A_790 = arith.index_cast %add3A_789 : i32 to index
      %swap3A_791 = tpu.vector_load %arg10[%swap3A_790] {strides = array<i32>} : memref<8192xf32, #tpu.memory_space<vmem>>, vector<16xf32>,
      tpu.vector_store %arg10[%swap3A_790], %gather3A {strides = array<i32>} : memref<8192xf32, #tpu.memory_space<vmem>>, vector<16xf32>,
      %gather3A_792 = tpu.vector_load_idx %arg9[%add3A_782, %add3A_785] : memref<256x128xf32, #tpu.memory_space<vmem>>[vector<16xi32>, vector<16xi32>], vector<16xf32>,
      %mul3A_793 = arith.constant 16 : i32
      %mul3A_794 = arith.muli %scan3A_767, %mul3A_793 : i32
      %add3A_795 = arith.constant 0 : i32
      %add3A_796 = arith.addi %add3A_795, %mul3A_794 : i32
      %swap3A_797 = arith.index_cast %add3A_796 : i32 to index
      %swap3A_798 = tpu.vector_load %arg11[%swap3A_797] {strides = array<i32>} : memref<8192xf32, #tpu.memory_space<vmem>>, vector<16xf32>,
      tpu.vector_store %arg11[%swap3A_797], %gather3A_792 {strides = array<i32>} : memref<8192xf32, #tpu.memory_space<vmem>>, vector<16xf32>,
      %add3A_799 = arith.constant 1 : i32
      %add3A_800 = vector.broadcast %add3A_799 : i32 to vector<16xi32>
      %add3A_801 = arith.addi %mul3A_778, %add3A_800 : vector<16xi32>
      %gather3A_802 = tpu.vector_load_idx %arg8[%add3A_782, %add3A_801] : memref<256x128xf32, #tpu.memory_space<vmem>>[vector<16xi32>, vector<16xi32>], vector<16xf32>,
      %mul3A_803 = arith.constant 16 : i32
      %mul3A_804 = arith.muli %scan3A_767, %mul3A_803 : i32
      %add3A_805 = arith.constant 256 : i32
      %add3A_806 = arith.addi %add3A_805, %mul3A_804 : i32
      %swap3A_807 = arith.index_cast %add3A_806 : i32 to index
      %swap3A_808 = tpu.vector_load %arg10[%swap3A_807] {strides = array<i32>} : memref<8192xf32, #tpu.memory_space<vmem>>, vector<16xf32>,
      tpu.vector_store %arg10[%swap3A_807], %gather3A_802 {strides = array<i32>} : memref<8192xf32, #tpu.memory_space<vmem>>, vector<16xf32>,
      %gather3A_809 = tpu.vector_load_idx %arg9[%add3A_782, %add3A_801] : memref<256x128xf32, #tpu.memory_space<vmem>>[vector<16xi32>, vector<16xi32>], vector<16xf32>,
      %mul3A_810 = arith.constant 16 : i32
      %mul3A_811 = arith.muli %scan3A_767, %mul3A_810 : i32
      %add3A_812 = arith.constant 256 : i32
      %add3A_813 = arith.addi %add3A_812, %mul3A_811 : i32
      %swap3A_814 = arith.index_cast %add3A_813 : i32 to index
      %swap3A_815 = tpu.vector_load %arg11[%swap3A_814] {strides = array<i32>} : memref<8192xf32, #tpu.memory_space<vmem>>, vector<16xf32>,
      tpu.vector_store %arg11[%swap3A_814], %gather3A_809 {strides = array<i32>} : memref<8192xf32, #tpu.memory_space<vmem>>, vector<16xf32>,
      %add3A_816 = arith.constant 2 : i32
      %add3A_817 = vector.broadcast %add3A_816 : i32 to vector<16xi32>
      %add3A_818 = arith.addi %mul3A_778, %add3A_817 : vector<16xi32>
      %gather3A_819 = tpu.vector_load_idx %arg8[%add3A_782, %add3A_818] : memref<256x128xf32, #tpu.memory_space<vmem>>[vector<16xi32>, vector<16xi32>], vector<16xf32>,
      %mul3A_820 = arith.constant 16 : i32
      %mul3A_821 = arith.muli %scan3A_767, %mul3A_820 : i32
      %add3A_822 = arith.constant 512 : i32
      %add3A_823 = arith.addi %add3A_822, %mul3A_821 : i32
      %swap3A_824 = arith.index_cast %add3A_823 : i32 to index
      %swap3A_825 = tpu.vector_load %arg10[%swap3A_824] {strides = array<i32>} : memref<8192xf32, #tpu.memory_space<vmem>>, vector<16xf32>,
      tpu.vector_store %arg10[%swap3A_824], %gather3A_819 {strides = array<i32>} : memref<8192xf32, #tpu.memory_space<vmem>>, vector<16xf32>,
      %gather3A_826 = tpu.vector_load_idx %arg9[%add3A_782, %add3A_818] : memref<256x128xf32, #tpu.memory_space<vmem>>[vector<16xi32>, vector<16xi32>], vector<16xf32>,
      %mul3A_827 = arith.constant 16 : i32
      %mul3A_828 = arith.muli %scan3A_767, %mul3A_827 : i32
      %add3A_829 = arith.constant 512 : i32
      %add3A_830 = arith.addi %add3A_829, %mul3A_828 : i32
      %swap3A_831 = arith.index_cast %add3A_830 : i32 to index
      %swap3A_832 = tpu.vector_load %arg11[%swap3A_831] {strides = array<i32>} : memref<8192xf32, #tpu.memory_space<vmem>>, vector<16xf32>,
      tpu.vector_store %arg11[%swap3A_831], %gather3A_826 {strides = array<i32>} : memref<8192xf32, #tpu.memory_space<vmem>>, vector<16xf32>,
      %add3A_833 = arith.constant 3 : i32
      %add3A_834 = vector.broadcast %add3A_833 : i32 to vector<16xi32>
      %add3A_835 = arith.addi %mul3A_778, %add3A_834 : vector<16xi32>
      %gather3A_836 = tpu.vector_load_idx %arg8[%add3A_782, %add3A_835] : memref<256x128xf32, #tpu.memory_space<vmem>>[vector<16xi32>, vector<16xi32>], vector<16xf32>,
      %mul3A_837 = arith.constant 16 : i32
      %mul3A_838 = arith.muli %scan3A_767, %mul3A_837 : i32
      %add3A_839 = arith.constant 768 : i32
      %add3A_840 = arith.addi %add3A_839, %mul3A_838 : i32
      %swap3A_841 = arith.index_cast %add3A_840 : i32 to index
      %swap3A_842 = tpu.vector_load %arg10[%swap3A_841] {strides = array<i32>} : memref<8192xf32, #tpu.memory_space<vmem>>, vector<16xf32>,
      tpu.vector_store %arg10[%swap3A_841], %gather3A_836 {strides = array<i32>} : memref<8192xf32, #tpu.memory_space<vmem>>, vector<16xf32>,
      %gather3A_843 = tpu.vector_load_idx %arg9[%add3A_782, %add3A_835] : memref<256x128xf32, #tpu.memory_space<vmem>>[vector<16xi32>, vector<16xi32>], vector<16xf32>,
      %mul3A_844 = arith.constant 16 : i32
      %mul3A_845 = arith.muli %scan3A_767, %mul3A_844 : i32
      %add3A_846 = arith.constant 768 : i32
      %add3A_847 = arith.addi %add3A_846, %mul3A_845 : i32
      %swap3A_848 = arith.index_cast %add3A_847 : i32 to index
      %swap3A_849 = tpu.vector_load %arg11[%swap3A_848] {strides = array<i32>} : memref<8192xf32, #tpu.memory_space<vmem>>, vector<16xf32>,
      tpu.vector_store %arg11[%swap3A_848], %gather3A_843 {strides = array<i32>} : memref<8192xf32, #tpu.memory_space<vmem>>, vector<16xf32>,
      %add3A_850 = arith.constant 4 : i32
      %add3A_851 = vector.broadcast %add3A_850 : i32 to vector<16xi32>
      %add3A_852 = arith.addi %mul3A_778, %add3A_851 : vector<16xi32>
      %gather3A_853 = tpu.vector_load_idx %arg8[%add3A_782, %add3A_852] : memref<256x128xf32, #tpu.memory_space<vmem>>[vector<16xi32>, vector<16xi32>], vector<16xf32>,
      %mul3A_854 = arith.constant 16 : i32
      %mul3A_855 = arith.muli %scan3A_767, %mul3A_854 : i32
      %add3A_856 = arith.constant 1024 : i32
      %add3A_857 = arith.addi %add3A_856, %mul3A_855 : i32
      %swap3A_858 = arith.index_cast %add3A_857 : i32 to index
      %swap3A_859 = tpu.vector_load %arg10[%swap3A_858] {strides = array<i32>} : memref<8192xf32, #tpu.memory_space<vmem>>, vector<16xf32>,
      tpu.vector_store %arg10[%swap3A_858], %gather3A_853 {strides = array<i32>} : memref<8192xf32, #tpu.memory_space<vmem>>, vector<16xf32>,
      %gather3A_860 = tpu.vector_load_idx %arg9[%add3A_782, %add3A_852] : memref<256x128xf32, #tpu.memory_space<vmem>>[vector<16xi32>, vector<16xi32>], vector<16xf32>,
      %mul3A_861 = arith.constant 16 : i32
      %mul3A_862 = arith.muli %scan3A_767, %mul3A_861 : i32
      %add3A_863 = arith.constant 1024 : i32
      %add3A_864 = arith.addi %add3A_863, %mul3A_862 : i32
      %swap3A_865 = arith.index_cast %add3A_864 : i32 to index
      %swap3A_866 = tpu.vector_load %arg11[%swap3A_865] {strides = array<i32>} : memref<8192xf32, #tpu.memory_space<vmem>>, vector<16xf32>,
      tpu.vector_store %arg11[%swap3A_865], %gather3A_860 {strides = array<i32>} : memref<8192xf32, #tpu.memory_space<vmem>>, vector<16xf32>,
      %add3A_867 = arith.constant 5 : i32
      %add3A_868 = vector.broadcast %add3A_867 : i32 to vector<16xi32>
      %add3A_869 = arith.addi %mul3A_778, %add3A_868 : vector<16xi32>
      %gather3A_870 = tpu.vector_load_idx %arg8[%add3A_782, %add3A_869] : memref<256x128xf32, #tpu.memory_space<vmem>>[vector<16xi32>, vector<16xi32>], vector<16xf32>,
      %mul3A_871 = arith.constant 16 : i32
      %mul3A_872 = arith.muli %scan3A_767, %mul3A_871 : i32
      %add3A_873 = arith.constant 1280 : i32
      %add3A_874 = arith.addi %add3A_873, %mul3A_872 : i32
      %swap3A_875 = arith.index_cast %add3A_874 : i32 to index
      %swap3A_876 = tpu.vector_load %arg10[%swap3A_875] {strides = array<i32>} : memref<8192xf32, #tpu.memory_space<vmem>>, vector<16xf32>,
      tpu.vector_store %arg10[%swap3A_875], %gather3A_870 {strides = array<i32>} : memref<8192xf32, #tpu.memory_space<vmem>>, vector<16xf32>,
      %gather3A_877 = tpu.vector_load_idx %arg9[%add3A_782, %add3A_869] : memref<256x128xf32, #tpu.memory_space<vmem>>[vector<16xi32>, vector<16xi32>], vector<16xf32>,
      %mul3A_878 = arith.constant 16 : i32
      %mul3A_879 = arith.muli %scan3A_767, %mul3A_878 : i32
      %add3A_880 = arith.constant 1280 : i32
      %add3A_881 = arith.addi %add3A_880, %mul3A_879 : i32
      %swap3A_882 = arith.index_cast %add3A_881 : i32 to index
      %swap3A_883 = tpu.vector_load %arg11[%swap3A_882] {strides = array<i32>} : memref<8192xf32, #tpu.memory_space<vmem>>, vector<16xf32>,
      tpu.vector_store %arg11[%swap3A_882], %gather3A_877 {strides = array<i32>} : memref<8192xf32, #tpu.memory_space<vmem>>, vector<16xf32>,
      %add3A_884 = arith.constant 6 : i32
      %add3A_885 = vector.broadcast %add3A_884 : i32 to vector<16xi32>
      %add3A_886 = arith.addi %mul3A_778, %add3A_885 : vector<16xi32>
      %gather3A_887 = tpu.vector_load_idx %arg8[%add3A_782, %add3A_886] : memref<256x128xf32, #tpu.memory_space<vmem>>[vector<16xi32>, vector<16xi32>], vector<16xf32>,
      %mul3A_888 = arith.constant 16 : i32
      %mul3A_889 = arith.muli %scan3A_767, %mul3A_888 : i32
      %add3A_890 = arith.constant 1536 : i32
      %add3A_891 = arith.addi %add3A_890, %mul3A_889 : i32
      %swap3A_892 = arith.index_cast %add3A_891 : i32 to index
      %swap3A_893 = tpu.vector_load %arg10[%swap3A_892] {strides = array<i32>} : memref<8192xf32, #tpu.memory_space<vmem>>, vector<16xf32>,
      tpu.vector_store %arg10[%swap3A_892], %gather3A_887 {strides = array<i32>} : memref<8192xf32, #tpu.memory_space<vmem>>, vector<16xf32>,
      %gather3A_894 = tpu.vector_load_idx %arg9[%add3A_782, %add3A_886] : memref<256x128xf32, #tpu.memory_space<vmem>>[vector<16xi32>, vector<16xi32>], vector<16xf32>,
      %mul3A_895 = arith.constant 16 : i32
      %mul3A_896 = arith.muli %scan3A_767, %mul3A_895 : i32
      %add3A_897 = arith.constant 1536 : i32
      %add3A_898 = arith.addi %add3A_897, %mul3A_896 : i32
      %swap3A_899 = arith.index_cast %add3A_898 : i32 to index
      %swap3A_900 = tpu.vector_load %arg11[%swap3A_899] {strides = array<i32>} : memref<8192xf32, #tpu.memory_space<vmem>>, vector<16xf32>,
      tpu.vector_store %arg11[%swap3A_899], %gather3A_894 {strides = array<i32>} : memref<8192xf32, #tpu.memory_space<vmem>>, vector<16xf32>,
      %add3A_901 = arith.constant 7 : i32
      %add3A_902 = vector.broadcast %add3A_901 : i32 to vector<16xi32>
      %add3A_903 = arith.addi %mul3A_778, %add3A_902 : vector<16xi32>
      %gather3A_904 = tpu.vector_load_idx %arg8[%add3A_782, %add3A_903] : memref<256x128xf32, #tpu.memory_space<vmem>>[vector<16xi32>, vector<16xi32>], vector<16xf32>,
      %mul3A_905 = arith.constant 16 : i32
      %mul3A_906 = arith.muli %scan3A_767, %mul3A_905 : i32
      %add3A_907 = arith.constant 1792 : i32
      %add3A_908 = arith.addi %add3A_907, %mul3A_906 : i32
      %swap3A_909 = arith.index_cast %add3A_908 : i32 to index
      %swap3A_910 = tpu.vector_load %arg10[%swap3A_909] {strides = array<i32>} : memref<8192xf32, #tpu.memory_space<vmem>>, vector<16xf32>,
      tpu.vector_store %arg10[%swap3A_909], %gather3A_904 {strides = array<i32>} : memref<8192xf32, #tpu.memory_space<vmem>>, vector<16xf32>,
      %gather3A_911 = tpu.vector_load_idx %arg9[%add3A_782, %add3A_903] : memref<256x128xf32, #tpu.memory_space<vmem>>[vector<16xi32>, vector<16xi32>], vector<16xf32>,
      %mul3A_912 = arith.constant 16 : i32
      %mul3A_913 = arith.muli %scan3A_767, %mul3A_912 : i32
      %add3A_914 = arith.constant 1792 : i32
      %add3A_915 = arith.addi %add3A_914, %mul3A_913 : i32
      %swap3A_916 = arith.index_cast %add3A_915 : i32 to index
      %swap3A_917 = tpu.vector_load %arg11[%swap3A_916] {strides = array<i32>} : memref<8192xf32, #tpu.memory_space<vmem>>, vector<16xf32>,
      tpu.vector_store %arg11[%swap3A_916], %gather3A_911 {strides = array<i32>} : memref<8192xf32, #tpu.memory_space<vmem>>, vector<16xf32>,
      %add3A_918 = arith.constant 8 : i32
      %add3A_919 = vector.broadcast %add3A_918 : i32 to vector<16xi32>
      %add3A_920 = arith.addi %mul3A_778, %add3A_919 : vector<16xi32>
      %gather3A_921 = tpu.vector_load_idx %arg8[%add3A_782, %add3A_920] : memref<256x128xf32, #tpu.memory_space<vmem>>[vector<16xi32>, vector<16xi32>], vector<16xf32>,
      %mul3A_922 = arith.constant 16 : i32
      %mul3A_923 = arith.muli %scan3A_767, %mul3A_922 : i32
      %add3A_924 = arith.constant 2048 : i32
      %add3A_925 = arith.addi %add3A_924, %mul3A_923 : i32
      %swap3A_926 = arith.index_cast %add3A_925 : i32 to index
      %swap3A_927 = tpu.vector_load %arg10[%swap3A_926] {strides = array<i32>} : memref<8192xf32, #tpu.memory_space<vmem>>, vector<16xf32>,
      tpu.vector_store %arg10[%swap3A_926], %gather3A_921 {strides = array<i32>} : memref<8192xf32, #tpu.memory_space<vmem>>, vector<16xf32>,
      %gather3A_928 = tpu.vector_load_idx %arg9[%add3A_782, %add3A_920] : memref<256x128xf32, #tpu.memory_space<vmem>>[vector<16xi32>, vector<16xi32>], vector<16xf32>,
      %mul3A_929 = arith.constant 16 : i32
      %mul3A_930 = arith.muli %scan3A_767, %mul3A_929 : i32
      %add3A_931 = arith.constant 2048 : i32
      %add3A_932 = arith.addi %add3A_931, %mul3A_930 : i32
      %swap3A_933 = arith.index_cast %add3A_932 : i32 to index
      %swap3A_934 = tpu.vector_load %arg11[%swap3A_933] {strides = array<i32>} : memref<8192xf32, #tpu.memory_space<vmem>>, vector<16xf32>,
      tpu.vector_store %arg11[%swap3A_933], %gather3A_928 {strides = array<i32>} : memref<8192xf32, #tpu.memory_space<vmem>>, vector<16xf32>,
      %add3A_935 = arith.constant 9 : i32
      %add3A_936 = vector.broadcast %add3A_935 : i32 to vector<16xi32>
      %add3A_937 = arith.addi %mul3A_778, %add3A_936 : vector<16xi32>
      %gather3A_938 = tpu.vector_load_idx %arg8[%add3A_782, %add3A_937] : memref<256x128xf32, #tpu.memory_space<vmem>>[vector<16xi32>, vector<16xi32>], vector<16xf32>,
      %mul3A_939 = arith.constant 16 : i32
      %mul3A_940 = arith.muli %scan3A_767, %mul3A_939 : i32
      %add3A_941 = arith.constant 2304 : i32
      %add3A_942 = arith.addi %add3A_941, %mul3A_940 : i32
      %swap3A_943 = arith.index_cast %add3A_942 : i32 to index
      %swap3A_944 = tpu.vector_load %arg10[%swap3A_943] {strides = array<i32>} : memref<8192xf32, #tpu.memory_space<vmem>>, vector<16xf32>,
      tpu.vector_store %arg10[%swap3A_943], %gather3A_938 {strides = array<i32>} : memref<8192xf32, #tpu.memory_space<vmem>>, vector<16xf32>,
      %gather3A_945 = tpu.vector_load_idx %arg9[%add3A_782, %add3A_937] : memref<256x128xf32, #tpu.memory_space<vmem>>[vector<16xi32>, vector<16xi32>], vector<16xf32>,
      %mul3A_946 = arith.constant 16 : i32
      %mul3A_947 = arith.muli %scan3A_767, %mul3A_946 : i32
      %add3A_948 = arith.constant 2304 : i32
      %add3A_949 = arith.addi %add3A_948, %mul3A_947 : i32
      %swap3A_950 = arith.index_cast %add3A_949 : i32 to index
      %swap3A_951 = tpu.vector_load %arg11[%swap3A_950] {strides = array<i32>} : memref<8192xf32, #tpu.memory_space<vmem>>, vector<16xf32>,
      tpu.vector_store %arg11[%swap3A_950], %gather3A_945 {strides = array<i32>} : memref<8192xf32, #tpu.memory_space<vmem>>, vector<16xf32>,
      %add3A_952 = arith.constant 10 : i32
      %add3A_953 = vector.broadcast %add3A_952 : i32 to vector<16xi32>
      %add3A_954 = arith.addi %mul3A_778, %add3A_953 : vector<16xi32>
      %gather3A_955 = tpu.vector_load_idx %arg8[%add3A_782, %add3A_954] : memref<256x128xf32, #tpu.memory_space<vmem>>[vector<16xi32>, vector<16xi32>], vector<16xf32>,
      %mul3A_956 = arith.constant 16 : i32
      %mul3A_957 = arith.muli %scan3A_767, %mul3A_956 : i32
      %add3A_958 = arith.constant 2560 : i32
      %add3A_959 = arith.addi %add3A_958, %mul3A_957 : i32
      %swap3A_960 = arith.index_cast %add3A_959 : i32 to index
      %swap3A_961 = tpu.vector_load %arg10[%swap3A_960] {strides = array<i32>} : memref<8192xf32, #tpu.memory_space<vmem>>, vector<16xf32>,
      tpu.vector_store %arg10[%swap3A_960], %gather3A_955 {strides = array<i32>} : memref<8192xf32, #tpu.memory_space<vmem>>, vector<16xf32>,
      %gather3A_962 = tpu.vector_load_idx %arg9[%add3A_782, %add3A_954] : memref<256x128xf32, #tpu.memory_space<vmem>>[vector<16xi32>, vector<16xi32>], vector<16xf32>,
      %mul3A_963 = arith.constant 16 : i32
      %mul3A_964 = arith.muli %scan3A_767, %mul3A_963 : i32
      %add3A_965 = arith.constant 2560 : i32
      %add3A_966 = arith.addi %add3A_965, %mul3A_964 : i32
      %swap3A_967 = arith.index_cast %add3A_966 : i32 to index
      %swap3A_968 = tpu.vector_load %arg11[%swap3A_967] {strides = array<i32>} : memref<8192xf32, #tpu.memory_space<vmem>>, vector<16xf32>,
      tpu.vector_store %arg11[%swap3A_967], %gather3A_962 {strides = array<i32>} : memref<8192xf32, #tpu.memory_space<vmem>>, vector<16xf32>,
      %add3A_969 = arith.constant 11 : i32
      %add3A_970 = vector.broadcast %add3A_969 : i32 to vector<16xi32>
      %add3A_971 = arith.addi %mul3A_778, %add3A_970 : vector<16xi32>
      %gather3A_972 = tpu.vector_load_idx %arg8[%add3A_782, %add3A_971] : memref<256x128xf32, #tpu.memory_space<vmem>>[vector<16xi32>, vector<16xi32>], vector<16xf32>,
      %mul3A_973 = arith.constant 16 : i32
      %mul3A_974 = arith.muli %scan3A_767, %mul3A_973 : i32
      %add3A_975 = arith.constant 2816 : i32
      %add3A_976 = arith.addi %add3A_975, %mul3A_974 : i32
      %swap3A_977 = arith.index_cast %add3A_976 : i32 to index
      %swap3A_978 = tpu.vector_load %arg10[%swap3A_977] {strides = array<i32>} : memref<8192xf32, #tpu.memory_space<vmem>>, vector<16xf32>,
      tpu.vector_store %arg10[%swap3A_977], %gather3A_972 {strides = array<i32>} : memref<8192xf32, #tpu.memory_space<vmem>>, vector<16xf32>,
      %gather3A_979 = tpu.vector_load_idx %arg9[%add3A_782, %add3A_971] : memref<256x128xf32, #tpu.memory_space<vmem>>[vector<16xi32>, vector<16xi32>], vector<16xf32>,
      %mul3A_980 = arith.constant 16 : i32
      %mul3A_981 = arith.muli %scan3A_767, %mul3A_980 : i32
      %add3A_982 = arith.constant 2816 : i32
      %add3A_983 = arith.addi %add3A_982, %mul3A_981 : i32
      %swap3A_984 = arith.index_cast %add3A_983 : i32 to index
      %swap3A_985 = tpu.vector_load %arg11[%swap3A_984] {strides = array<i32>} : memref<8192xf32, #tpu.memory_space<vmem>>, vector<16xf32>,
      tpu.vector_store %arg11[%swap3A_984], %gather3A_979 {strides = array<i32>} : memref<8192xf32, #tpu.memory_space<vmem>>, vector<16xf32>,
      %add3A_986 = arith.constant 12 : i32
      %add3A_987 = vector.broadcast %add3A_986 : i32 to vector<16xi32>
      %add3A_988 = arith.addi %mul3A_778, %add3A_987 : vector<16xi32>
      %gather3A_989 = tpu.vector_load_idx %arg8[%add3A_782, %add3A_988] : memref<256x128xf32, #tpu.memory_space<vmem>>[vector<16xi32>, vector<16xi32>], vector<16xf32>,
      %mul3A_990 = arith.constant 16 : i32
      %mul3A_991 = arith.muli %scan3A_767, %mul3A_990 : i32
      %add3A_992 = arith.constant 3072 : i32
      %add3A_993 = arith.addi %add3A_992, %mul3A_991 : i32
      %swap3A_994 = arith.index_cast %add3A_993 : i32 to index
      %swap3A_995 = tpu.vector_load %arg10[%swap3A_994] {strides = array<i32>} : memref<8192xf32, #tpu.memory_space<vmem>>, vector<16xf32>,
      tpu.vector_store %arg10[%swap3A_994], %gather3A_989 {strides = array<i32>} : memref<8192xf32, #tpu.memory_space<vmem>>, vector<16xf32>,
      %gather3A_996 = tpu.vector_load_idx %arg9[%add3A_782, %add3A_988] : memref<256x128xf32, #tpu.memory_space<vmem>>[vector<16xi32>, vector<16xi32>], vector<16xf32>,
      %mul3A_997 = arith.constant 16 : i32
      %mul3A_998 = arith.muli %scan3A_767, %mul3A_997 : i32
      %add3A_999 = arith.constant 3072 : i32
      %add3A_1000 = arith.addi %add3A_999, %mul3A_998 : i32
      %swap3A_1001 = arith.index_cast %add3A_1000 : i32 to index
      %swap3A_1002 = tpu.vector_load %arg11[%swap3A_1001] {strides = array<i32>} : memref<8192xf32, #tpu.memory_space<vmem>>, vector<16xf32>,
      tpu.vector_store %arg11[%swap3A_1001], %gather3A_996 {strides = array<i32>} : memref<8192xf32, #tpu.memory_space<vmem>>, vector<16xf32>,
      %add3A_1003 = arith.constant 13 : i32
      %add3A_1004 = vector.broadcast %add3A_1003 : i32 to vector<16xi32>
      %add3A_1005 = arith.addi %mul3A_778, %add3A_1004 : vector<16xi32>
      %gather3A_1006 = tpu.vector_load_idx %arg8[%add3A_782, %add3A_1005] : memref<256x128xf32, #tpu.memory_space<vmem>>[vector<16xi32>, vector<16xi32>], vector<16xf32>,
      %mul3A_1007 = arith.constant 16 : i32
      %mul3A_1008 = arith.muli %scan3A_767, %mul3A_1007 : i32
      %add3A_1009 = arith.constant 3328 : i32
      %add3A_1010 = arith.addi %add3A_1009, %mul3A_1008 : i32
      %swap3A_1011 = arith.index_cast %add3A_1010 : i32 to index
      %swap3A_1012 = tpu.vector_load %arg10[%swap3A_1011] {strides = array<i32>} : memref<8192xf32, #tpu.memory_space<vmem>>, vector<16xf32>,
      tpu.vector_store %arg10[%swap3A_1011], %gather3A_1006 {strides = array<i32>} : memref<8192xf32, #tpu.memory_space<vmem>>, vector<16xf32>,
      %gather3A_1013 = tpu.vector_load_idx %arg9[%add3A_782, %add3A_1005] : memref<256x128xf32, #tpu.memory_space<vmem>>[vector<16xi32>, vector<16xi32>], vector<16xf32>,
      %mul3A_1014 = arith.constant 16 : i32
      %mul3A_1015 = arith.muli %scan3A_767, %mul3A_1014 : i32
      %add3A_1016 = arith.constant 3328 : i32
      %add3A_1017 = arith.addi %add3A_1016, %mul3A_1015 : i32
      %swap3A_1018 = arith.index_cast %add3A_1017 : i32 to index
      %swap3A_1019 = tpu.vector_load %arg11[%swap3A_1018] {strides = array<i32>} : memref<8192xf32, #tpu.memory_space<vmem>>, vector<16xf32>,
      tpu.vector_store %arg11[%swap3A_1018], %gather3A_1013 {strides = array<i32>} : memref<8192xf32, #tpu.memory_space<vmem>>, vector<16xf32>,
      %add3A_1020 = arith.constant 14 : i32
      %add3A_1021 = vector.broadcast %add3A_1020 : i32 to vector<16xi32>
      %add3A_1022 = arith.addi %mul3A_778, %add3A_1021 : vector<16xi32>
      %gather3A_1023 = tpu.vector_load_idx %arg8[%add3A_782, %add3A_1022] : memref<256x128xf32, #tpu.memory_space<vmem>>[vector<16xi32>, vector<16xi32>], vector<16xf32>,
      %mul3A_1024 = arith.constant 16 : i32
      %mul3A_1025 = arith.muli %scan3A_767, %mul3A_1024 : i32
      %add3A_1026 = arith.constant 3584 : i32
      %add3A_1027 = arith.addi %add3A_1026, %mul3A_1025 : i32
      %swap3A_1028 = arith.index_cast %add3A_1027 : i32 to index
      %swap3A_1029 = tpu.vector_load %arg10[%swap3A_1028] {strides = array<i32>} : memref<8192xf32, #tpu.memory_space<vmem>>, vector<16xf32>,
      tpu.vector_store %arg10[%swap3A_1028], %gather3A_1023 {strides = array<i32>} : memref<8192xf32, #tpu.memory_space<vmem>>, vector<16xf32>,
      %gather3A_1030 = tpu.vector_load_idx %arg9[%add3A_782, %add3A_1022] : memref<256x128xf32, #tpu.memory_space<vmem>>[vector<16xi32>, vector<16xi32>], vector<16xf32>,
      %mul3A_1031 = arith.constant 16 : i32
      %mul3A_1032 = arith.muli %scan3A_767, %mul3A_1031 : i32
      %add3A_1033 = arith.constant 3584 : i32
      %add3A_1034 = arith.addi %add3A_1033, %mul3A_1032 : i32
      %swap3A_1035 = arith.index_cast %add3A_1034 : i32 to index
      %swap3A_1036 = tpu.vector_load %arg11[%swap3A_1035] {strides = array<i32>} : memref<8192xf32, #tpu.memory_space<vmem>>, vector<16xf32>,
      tpu.vector_store %arg11[%swap3A_1035], %gather3A_1030 {strides = array<i32>} : memref<8192xf32, #tpu.memory_space<vmem>>, vector<16xf32>,
      %add3A_1037 = arith.constant 15 : i32
      %add3A_1038 = vector.broadcast %add3A_1037 : i32 to vector<16xi32>
      %add3A_1039 = arith.addi %mul3A_778, %add3A_1038 : vector<16xi32>
      %gather3A_1040 = tpu.vector_load_idx %arg8[%add3A_782, %add3A_1039] : memref<256x128xf32, #tpu.memory_space<vmem>>[vector<16xi32>, vector<16xi32>], vector<16xf32>,
      %mul3A_1041 = arith.constant 16 : i32
      %mul3A_1042 = arith.muli %scan3A_767, %mul3A_1041 : i32
      %add3A_1043 = arith.constant 3840 : i32
      %add3A_1044 = arith.addi %add3A_1043, %mul3A_1042 : i32
      %swap3A_1045 = arith.index_cast %add3A_1044 : i32 to index
      %swap3A_1046 = tpu.vector_load %arg10[%swap3A_1045] {strides = array<i32>} : memref<8192xf32, #tpu.memory_space<vmem>>, vector<16xf32>,
      tpu.vector_store %arg10[%swap3A_1045], %gather3A_1040 {strides = array<i32>} : memref<8192xf32, #tpu.memory_space<vmem>>, vector<16xf32>,
      %gather3A_1047 = tpu.vector_load_idx %arg9[%add3A_782, %add3A_1039] : memref<256x128xf32, #tpu.memory_space<vmem>>[vector<16xi32>, vector<16xi32>], vector<16xf32>,
      %mul3A_1048 = arith.constant 16 : i32
      %mul3A_1049 = arith.muli %scan3A_767, %mul3A_1048 : i32
      %add3A_1050 = arith.constant 3840 : i32
      %add3A_1051 = arith.addi %add3A_1050, %mul3A_1049 : i32
      %swap3A_1052 = arith.index_cast %add3A_1051 : i32 to index
      %swap3A_1053 = tpu.vector_load %arg11[%swap3A_1052] {strides = array<i32>} : memref<8192xf32, #tpu.memory_space<vmem>>, vector<16xf32>,
      tpu.vector_store %arg11[%swap3A_1052], %gather3A_1047 {strides = array<i32>} : memref<8192xf32, #tpu.memory_space<vmem>>, vector<16xf32>,
      %add3A_1054 = arith.constant 16 : i32
      %add3A_1055 = vector.broadcast %add3A_1054 : i32 to vector<16xi32>
      %add3A_1056 = arith.addi %mul3A_778, %add3A_1055 : vector<16xi32>
      %gather3A_1057 = tpu.vector_load_idx %arg8[%add3A_782, %add3A_1056] : memref<256x128xf32, #tpu.memory_space<vmem>>[vector<16xi32>, vector<16xi32>], vector<16xf32>,
      %mul3A_1058 = arith.constant 16 : i32
      %mul3A_1059 = arith.muli %scan3A_767, %mul3A_1058 : i32
      %add3A_1060 = arith.constant 4096 : i32
      %add3A_1061 = arith.addi %add3A_1060, %mul3A_1059 : i32
      %swap3A_1062 = arith.index_cast %add3A_1061 : i32 to index
      %swap3A_1063 = tpu.vector_load %arg10[%swap3A_1062] {strides = array<i32>} : memref<8192xf32, #tpu.memory_space<vmem>>, vector<16xf32>,
      tpu.vector_store %arg10[%swap3A_1062], %gather3A_1057 {strides = array<i32>} : memref<8192xf32, #tpu.memory_space<vmem>>, vector<16xf32>,
      %gather3A_1064 = tpu.vector_load_idx %arg9[%add3A_782, %add3A_1056] : memref<256x128xf32, #tpu.memory_space<vmem>>[vector<16xi32>, vector<16xi32>], vector<16xf32>,
      %mul3A_1065 = arith.constant 16 : i32
      %mul3A_1066 = arith.muli %scan3A_767, %mul3A_1065 : i32
      %add3A_1067 = arith.constant 4096 : i32
      %add3A_1068 = arith.addi %add3A_1067, %mul3A_1066 : i32
      %swap3A_1069 = arith.index_cast %add3A_1068 : i32 to index
      %swap3A_1070 = tpu.vector_load %arg11[%swap3A_1069] {strides = array<i32>} : memref<8192xf32, #tpu.memory_space<vmem>>, vector<16xf32>,
      tpu.vector_store %arg11[%swap3A_1069], %gather3A_1064 {strides = array<i32>} : memref<8192xf32, #tpu.memory_space<vmem>>, vector<16xf32>,
      %add3A_1071 = arith.constant 17 : i32
      %add3A_1072 = vector.broadcast %add3A_1071 : i32 to vector<16xi32>
      %add3A_1073 = arith.addi %mul3A_778, %add3A_1072 : vector<16xi32>
      %gather3A_1074 = tpu.vector_load_idx %arg8[%add3A_782, %add3A_1073] : memref<256x128xf32, #tpu.memory_space<vmem>>[vector<16xi32>, vector<16xi32>], vector<16xf32>,
      %mul3A_1075 = arith.constant 16 : i32
      %mul3A_1076 = arith.muli %scan3A_767, %mul3A_1075 : i32
      %add3A_1077 = arith.constant 4352 : i32
      %add3A_1078 = arith.addi %add3A_1077, %mul3A_1076 : i32
      %swap3A_1079 = arith.index_cast %add3A_1078 : i32 to index
      %swap3A_1080 = tpu.vector_load %arg10[%swap3A_1079] {strides = array<i32>} : memref<8192xf32, #tpu.memory_space<vmem>>, vector<16xf32>,
      tpu.vector_store %arg10[%swap3A_1079], %gather3A_1074 {strides = array<i32>} : memref<8192xf32, #tpu.memory_space<vmem>>, vector<16xf32>,
      %gather3A_1081 = tpu.vector_load_idx %arg9[%add3A_782, %add3A_1073] : memref<256x128xf32, #tpu.memory_space<vmem>>[vector<16xi32>, vector<16xi32>], vector<16xf32>,
      %mul3A_1082 = arith.constant 16 : i32
      %mul3A_1083 = arith.muli %scan3A_767, %mul3A_1082 : i32
      %add3A_1084 = arith.constant 4352 : i32
      %add3A_1085 = arith.addi %add3A_1084, %mul3A_1083 : i32
      %swap3A_1086 = arith.index_cast %add3A_1085 : i32 to index
      %swap3A_1087 = tpu.vector_load %arg11[%swap3A_1086] {strides = array<i32>} : memref<8192xf32, #tpu.memory_space<vmem>>, vector<16xf32>,
      tpu.vector_store %arg11[%swap3A_1086], %gather3A_1081 {strides = array<i32>} : memref<8192xf32, #tpu.memory_space<vmem>>, vector<16xf32>,
      %add3A_1088 = arith.constant 18 : i32
      %add3A_1089 = vector.broadcast %add3A_1088 : i32 to vector<16xi32>
      %add3A_1090 = arith.addi %mul3A_778, %add3A_1089 : vector<16xi32>
      %gather3A_1091 = tpu.vector_load_idx %arg8[%add3A_782, %add3A_1090] : memref<256x128xf32, #tpu.memory_space<vmem>>[vector<16xi32>, vector<16xi32>], vector<16xf32>,
      %mul3A_1092 = arith.constant 16 : i32
      %mul3A_1093 = arith.muli %scan3A_767, %mul3A_1092 : i32
      %add3A_1094 = arith.constant 4608 : i32
      %add3A_1095 = arith.addi %add3A_1094, %mul3A_1093 : i32
      %swap3A_1096 = arith.index_cast %add3A_1095 : i32 to index
      %swap3A_1097 = tpu.vector_load %arg10[%swap3A_1096] {strides = array<i32>} : memref<8192xf32, #tpu.memory_space<vmem>>, vector<16xf32>,
      tpu.vector_store %arg10[%swap3A_1096], %gather3A_1091 {strides = array<i32>} : memref<8192xf32, #tpu.memory_space<vmem>>, vector<16xf32>,
      %gather3A_1098 = tpu.vector_load_idx %arg9[%add3A_782, %add3A_1090] : memref<256x128xf32, #tpu.memory_space<vmem>>[vector<16xi32>, vector<16xi32>], vector<16xf32>,
      %mul3A_1099 = arith.constant 16 : i32
      %mul3A_1100 = arith.muli %scan3A_767, %mul3A_1099 : i32
      %add3A_1101 = arith.constant 4608 : i32
      %add3A_1102 = arith.addi %add3A_1101, %mul3A_1100 : i32
      %swap3A_1103 = arith.index_cast %add3A_1102 : i32 to index
      %swap3A_1104 = tpu.vector_load %arg11[%swap3A_1103] {strides = array<i32>} : memref<8192xf32, #tpu.memory_space<vmem>>, vector<16xf32>,
      tpu.vector_store %arg11[%swap3A_1103], %gather3A_1098 {strides = array<i32>} : memref<8192xf32, #tpu.memory_space<vmem>>, vector<16xf32>,
      %add3A_1105 = arith.constant 19 : i32
      %add3A_1106 = vector.broadcast %add3A_1105 : i32 to vector<16xi32>
      %add3A_1107 = arith.addi %mul3A_778, %add3A_1106 : vector<16xi32>
      %gather3A_1108 = tpu.vector_load_idx %arg8[%add3A_782, %add3A_1107] : memref<256x128xf32, #tpu.memory_space<vmem>>[vector<16xi32>, vector<16xi32>], vector<16xf32>,
      %mul3A_1109 = arith.constant 16 : i32
      %mul3A_1110 = arith.muli %scan3A_767, %mul3A_1109 : i32
      %add3A_1111 = arith.constant 4864 : i32
      %add3A_1112 = arith.addi %add3A_1111, %mul3A_1110 : i32
      %swap3A_1113 = arith.index_cast %add3A_1112 : i32 to index
      %swap3A_1114 = tpu.vector_load %arg10[%swap3A_1113] {strides = array<i32>} : memref<8192xf32, #tpu.memory_space<vmem>>, vector<16xf32>,
      tpu.vector_store %arg10[%swap3A_1113], %gather3A_1108 {strides = array<i32>} : memref<8192xf32, #tpu.memory_space<vmem>>, vector<16xf32>,
      %gather3A_1115 = tpu.vector_load_idx %arg9[%add3A_782, %add3A_1107] : memref<256x128xf32, #tpu.memory_space<vmem>>[vector<16xi32>, vector<16xi32>], vector<16xf32>,
      %mul3A_1116 = arith.constant 16 : i32
      %mul3A_1117 = arith.muli %scan3A_767, %mul3A_1116 : i32
      %add3A_1118 = arith.constant 4864 : i32
      %add3A_1119 = arith.addi %add3A_1118, %mul3A_1117 : i32
      %swap3A_1120 = arith.index_cast %add3A_1119 : i32 to index
      %swap3A_1121 = tpu.vector_load %arg11[%swap3A_1120] {strides = array<i32>} : memref<8192xf32, #tpu.memory_space<vmem>>, vector<16xf32>,
      tpu.vector_store %arg11[%swap3A_1120], %gather3A_1115 {strides = array<i32>} : memref<8192xf32, #tpu.memory_space<vmem>>, vector<16xf32>,
      %add3A_1122 = arith.constant 20 : i32
      %add3A_1123 = vector.broadcast %add3A_1122 : i32 to vector<16xi32>
      %add3A_1124 = arith.addi %mul3A_778, %add3A_1123 : vector<16xi32>
      %gather3A_1125 = tpu.vector_load_idx %arg8[%add3A_782, %add3A_1124] : memref<256x128xf32, #tpu.memory_space<vmem>>[vector<16xi32>, vector<16xi32>], vector<16xf32>,
      %mul3A_1126 = arith.constant 16 : i32
      %mul3A_1127 = arith.muli %scan3A_767, %mul3A_1126 : i32
      %add3A_1128 = arith.constant 5120 : i32
      %add3A_1129 = arith.addi %add3A_1128, %mul3A_1127 : i32
      %swap3A_1130 = arith.index_cast %add3A_1129 : i32 to index
      %swap3A_1131 = tpu.vector_load %arg10[%swap3A_1130] {strides = array<i32>} : memref<8192xf32, #tpu.memory_space<vmem>>, vector<16xf32>,
      tpu.vector_store %arg10[%swap3A_1130], %gather3A_1125 {strides = array<i32>} : memref<8192xf32, #tpu.memory_space<vmem>>, vector<16xf32>,
      %gather3A_1132 = tpu.vector_load_idx %arg9[%add3A_782, %add3A_1124] : memref<256x128xf32, #tpu.memory_space<vmem>>[vector<16xi32>, vector<16xi32>], vector<16xf32>,
      %mul3A_1133 = arith.constant 16 : i32
      %mul3A_1134 = arith.muli %scan3A_767, %mul3A_1133 : i32
      %add3A_1135 = arith.constant 5120 : i32
      %add3A_1136 = arith.addi %add3A_1135, %mul3A_1134 : i32
      %swap3A_1137 = arith.index_cast %add3A_1136 : i32 to index
      %swap3A_1138 = tpu.vector_load %arg11[%swap3A_1137] {strides = array<i32>} : memref<8192xf32, #tpu.memory_space<vmem>>, vector<16xf32>,
      tpu.vector_store %arg11[%swap3A_1137], %gather3A_1132 {strides = array<i32>} : memref<8192xf32, #tpu.memory_space<vmem>>, vector<16xf32>,
      %add3A_1139 = arith.constant 21 : i32
      %add3A_1140 = vector.broadcast %add3A_1139 : i32 to vector<16xi32>
      %add3A_1141 = arith.addi %mul3A_778, %add3A_1140 : vector<16xi32>
      %gather3A_1142 = tpu.vector_load_idx %arg8[%add3A_782, %add3A_1141] : memref<256x128xf32, #tpu.memory_space<vmem>>[vector<16xi32>, vector<16xi32>], vector<16xf32>,
      %mul3A_1143 = arith.constant 16 : i32
      %mul3A_1144 = arith.muli %scan3A_767, %mul3A_1143 : i32
      %add3A_1145 = arith.constant 5376 : i32
      %add3A_1146 = arith.addi %add3A_1145, %mul3A_1144 : i32
      %swap3A_1147 = arith.index_cast %add3A_1146 : i32 to index
      %swap3A_1148 = tpu.vector_load %arg10[%swap3A_1147] {strides = array<i32>} : memref<8192xf32, #tpu.memory_space<vmem>>, vector<16xf32>,
      tpu.vector_store %arg10[%swap3A_1147], %gather3A_1142 {strides = array<i32>} : memref<8192xf32, #tpu.memory_space<vmem>>, vector<16xf32>,
      %gather3A_1149 = tpu.vector_load_idx %arg9[%add3A_782, %add3A_1141] : memref<256x128xf32, #tpu.memory_space<vmem>>[vector<16xi32>, vector<16xi32>], vector<16xf32>,
      %mul3A_1150 = arith.constant 16 : i32
      %mul3A_1151 = arith.muli %scan3A_767, %mul3A_1150 : i32
      %add3A_1152 = arith.constant 5376 : i32
      %add3A_1153 = arith.addi %add3A_1152, %mul3A_1151 : i32
      %swap3A_1154 = arith.index_cast %add3A_1153 : i32 to index
      %swap3A_1155 = tpu.vector_load %arg11[%swap3A_1154] {strides = array<i32>} : memref<8192xf32, #tpu.memory_space<vmem>>, vector<16xf32>,
      tpu.vector_store %arg11[%swap3A_1154], %gather3A_1149 {strides = array<i32>} : memref<8192xf32, #tpu.memory_space<vmem>>, vector<16xf32>,
      %add3A_1156 = arith.constant 22 : i32
      %add3A_1157 = vector.broadcast %add3A_1156 : i32 to vector<16xi32>
      %add3A_1158 = arith.addi %mul3A_778, %add3A_1157 : vector<16xi32>
      %gather3A_1159 = tpu.vector_load_idx %arg8[%add3A_782, %add3A_1158] : memref<256x128xf32, #tpu.memory_space<vmem>>[vector<16xi32>, vector<16xi32>], vector<16xf32>,
      %mul3A_1160 = arith.constant 16 : i32
      %mul3A_1161 = arith.muli %scan3A_767, %mul3A_1160 : i32
      %add3A_1162 = arith.constant 5632 : i32
      %add3A_1163 = arith.addi %add3A_1162, %mul3A_1161 : i32
      %swap3A_1164 = arith.index_cast %add3A_1163 : i32 to index
      %swap3A_1165 = tpu.vector_load %arg10[%swap3A_1164] {strides = array<i32>} : memref<8192xf32, #tpu.memory_space<vmem>>, vector<16xf32>,
      tpu.vector_store %arg10[%swap3A_1164], %gather3A_1159 {strides = array<i32>} : memref<8192xf32, #tpu.memory_space<vmem>>, vector<16xf32>,
      %gather3A_1166 = tpu.vector_load_idx %arg9[%add3A_782, %add3A_1158] : memref<256x128xf32, #tpu.memory_space<vmem>>[vector<16xi32>, vector<16xi32>], vector<16xf32>,
      %mul3A_1167 = arith.constant 16 : i32
      %mul3A_1168 = arith.muli %scan3A_767, %mul3A_1167 : i32
      %add3A_1169 = arith.constant 5632 : i32
      %add3A_1170 = arith.addi %add3A_1169, %mul3A_1168 : i32
      %swap3A_1171 = arith.index_cast %add3A_1170 : i32 to index
      %swap3A_1172 = tpu.vector_load %arg11[%swap3A_1171] {strides = array<i32>} : memref<8192xf32, #tpu.memory_space<vmem>>, vector<16xf32>,
      tpu.vector_store %arg11[%swap3A_1171], %gather3A_1166 {strides = array<i32>} : memref<8192xf32, #tpu.memory_space<vmem>>, vector<16xf32>,
      %add3A_1173 = arith.constant 23 : i32
      %add3A_1174 = vector.broadcast %add3A_1173 : i32 to vector<16xi32>
      %add3A_1175 = arith.addi %mul3A_778, %add3A_1174 : vector<16xi32>
      %gather3A_1176 = tpu.vector_load_idx %arg8[%add3A_782, %add3A_1175] : memref<256x128xf32, #tpu.memory_space<vmem>>[vector<16xi32>, vector<16xi32>], vector<16xf32>,
      %mul3A_1177 = arith.constant 16 : i32
      %mul3A_1178 = arith.muli %scan3A_767, %mul3A_1177 : i32
      %add3A_1179 = arith.constant 5888 : i32
      %add3A_1180 = arith.addi %add3A_1179, %mul3A_1178 : i32
      %swap3A_1181 = arith.index_cast %add3A_1180 : i32 to index
      %swap3A_1182 = tpu.vector_load %arg10[%swap3A_1181] {strides = array<i32>} : memref<8192xf32, #tpu.memory_space<vmem>>, vector<16xf32>,
      tpu.vector_store %arg10[%swap3A_1181], %gather3A_1176 {strides = array<i32>} : memref<8192xf32, #tpu.memory_space<vmem>>, vector<16xf32>,
      %gather3A_1183 = tpu.vector_load_idx %arg9[%add3A_782, %add3A_1175] : memref<256x128xf32, #tpu.memory_space<vmem>>[vector<16xi32>, vector<16xi32>], vector<16xf32>,
      %mul3A_1184 = arith.constant 16 : i32
      %mul3A_1185 = arith.muli %scan3A_767, %mul3A_1184 : i32
      %add3A_1186 = arith.constant 5888 : i32
      %add3A_1187 = arith.addi %add3A_1186, %mul3A_1185 : i32
      %swap3A_1188 = arith.index_cast %add3A_1187 : i32 to index
      %swap3A_1189 = tpu.vector_load %arg11[%swap3A_1188] {strides = array<i32>} : memref<8192xf32, #tpu.memory_space<vmem>>, vector<16xf32>,
      tpu.vector_store %arg11[%swap3A_1188], %gather3A_1183 {strides = array<i32>} : memref<8192xf32, #tpu.memory_space<vmem>>, vector<16xf32>,
      %add3A_1190 = arith.constant 24 : i32
      %add3A_1191 = vector.broadcast %add3A_1190 : i32 to vector<16xi32>
      %add3A_1192 = arith.addi %mul3A_778, %add3A_1191 : vector<16xi32>
      %gather3A_1193 = tpu.vector_load_idx %arg8[%add3A_782, %add3A_1192] : memref<256x128xf32, #tpu.memory_space<vmem>>[vector<16xi32>, vector<16xi32>], vector<16xf32>,
      %mul3A_1194 = arith.constant 16 : i32
      %mul3A_1195 = arith.muli %scan3A_767, %mul3A_1194 : i32
      %add3A_1196 = arith.constant 6144 : i32
      %add3A_1197 = arith.addi %add3A_1196, %mul3A_1195 : i32
      %swap3A_1198 = arith.index_cast %add3A_1197 : i32 to index
      %swap3A_1199 = tpu.vector_load %arg10[%swap3A_1198] {strides = array<i32>} : memref<8192xf32, #tpu.memory_space<vmem>>, vector<16xf32>,
      tpu.vector_store %arg10[%swap3A_1198], %gather3A_1193 {strides = array<i32>} : memref<8192xf32, #tpu.memory_space<vmem>>, vector<16xf32>,
      %gather3A_1200 = tpu.vector_load_idx %arg9[%add3A_782, %add3A_1192] : memref<256x128xf32, #tpu.memory_space<vmem>>[vector<16xi32>, vector<16xi32>], vector<16xf32>,
      %mul3A_1201 = arith.constant 16 : i32
      %mul3A_1202 = arith.muli %scan3A_767, %mul3A_1201 : i32
      %add3A_1203 = arith.constant 6144 : i32
      %add3A_1204 = arith.addi %add3A_1203, %mul3A_1202 : i32
      %swap3A_1205 = arith.index_cast %add3A_1204 : i32 to index
      %swap3A_1206 = tpu.vector_load %arg11[%swap3A_1205] {strides = array<i32>} : memref<8192xf32, #tpu.memory_space<vmem>>, vector<16xf32>,
      tpu.vector_store %arg11[%swap3A_1205], %gather3A_1200 {strides = array<i32>} : memref<8192xf32, #tpu.memory_space<vmem>>, vector<16xf32>,
      %add3A_1207 = arith.constant 25 : i32
      %add3A_1208 = vector.broadcast %add3A_1207 : i32 to vector<16xi32>
      %add3A_1209 = arith.addi %mul3A_778, %add3A_1208 : vector<16xi32>
      %gather3A_1210 = tpu.vector_load_idx %arg8[%add3A_782, %add3A_1209] : memref<256x128xf32, #tpu.memory_space<vmem>>[vector<16xi32>, vector<16xi32>], vector<16xf32>,
      %mul3A_1211 = arith.constant 16 : i32
      %mul3A_1212 = arith.muli %scan3A_767, %mul3A_1211 : i32
      %add3A_1213 = arith.constant 6400 : i32
      %add3A_1214 = arith.addi %add3A_1213, %mul3A_1212 : i32
      %swap3A_1215 = arith.index_cast %add3A_1214 : i32 to index
      %swap3A_1216 = tpu.vector_load %arg10[%swap3A_1215] {strides = array<i32>} : memref<8192xf32, #tpu.memory_space<vmem>>, vector<16xf32>,
      tpu.vector_store %arg10[%swap3A_1215], %gather3A_1210 {strides = array<i32>} : memref<8192xf32, #tpu.memory_space<vmem>>, vector<16xf32>,
      %gather3A_1217 = tpu.vector_load_idx %arg9[%add3A_782, %add3A_1209] : memref<256x128xf32, #tpu.memory_space<vmem>>[vector<16xi32>, vector<16xi32>], vector<16xf32>,
      %mul3A_1218 = arith.constant 16 : i32
      %mul3A_1219 = arith.muli %scan3A_767, %mul3A_1218 : i32
      %add3A_1220 = arith.constant 6400 : i32
      %add3A_1221 = arith.addi %add3A_1220, %mul3A_1219 : i32
      %swap3A_1222 = arith.index_cast %add3A_1221 : i32 to index
      %swap3A_1223 = tpu.vector_load %arg11[%swap3A_1222] {strides = array<i32>} : memref<8192xf32, #tpu.memory_space<vmem>>, vector<16xf32>,
      tpu.vector_store %arg11[%swap3A_1222], %gather3A_1217 {strides = array<i32>} : memref<8192xf32, #tpu.memory_space<vmem>>, vector<16xf32>,
      %add3A_1224 = arith.constant 26 : i32
      %add3A_1225 = vector.broadcast %add3A_1224 : i32 to vector<16xi32>
      %add3A_1226 = arith.addi %mul3A_778, %add3A_1225 : vector<16xi32>
      %gather3A_1227 = tpu.vector_load_idx %arg8[%add3A_782, %add3A_1226] : memref<256x128xf32, #tpu.memory_space<vmem>>[vector<16xi32>, vector<16xi32>], vector<16xf32>,
      %mul3A_1228 = arith.constant 16 : i32
      %mul3A_1229 = arith.muli %scan3A_767, %mul3A_1228 : i32
      %add3A_1230 = arith.constant 6656 : i32
      %add3A_1231 = arith.addi %add3A_1230, %mul3A_1229 : i32
      %swap3A_1232 = arith.index_cast %add3A_1231 : i32 to index
      %swap3A_1233 = tpu.vector_load %arg10[%swap3A_1232] {strides = array<i32>} : memref<8192xf32, #tpu.memory_space<vmem>>, vector<16xf32>,
      tpu.vector_store %arg10[%swap3A_1232], %gather3A_1227 {strides = array<i32>} : memref<8192xf32, #tpu.memory_space<vmem>>, vector<16xf32>,
      %gather3A_1234 = tpu.vector_load_idx %arg9[%add3A_782, %add3A_1226] : memref<256x128xf32, #tpu.memory_space<vmem>>[vector<16xi32>, vector<16xi32>], vector<16xf32>,
      %mul3A_1235 = arith.constant 16 : i32
      %mul3A_1236 = arith.muli %scan3A_767, %mul3A_1235 : i32
      %add3A_1237 = arith.constant 6656 : i32
      %add3A_1238 = arith.addi %add3A_1237, %mul3A_1236 : i32
      %swap3A_1239 = arith.index_cast %add3A_1238 : i32 to index
      %swap3A_1240 = tpu.vector_load %arg11[%swap3A_1239] {strides = array<i32>} : memref<8192xf32, #tpu.memory_space<vmem>>, vector<16xf32>,
      tpu.vector_store %arg11[%swap3A_1239], %gather3A_1234 {strides = array<i32>} : memref<8192xf32, #tpu.memory_space<vmem>>, vector<16xf32>,
      %add3A_1241 = arith.constant 27 : i32
      %add3A_1242 = vector.broadcast %add3A_1241 : i32 to vector<16xi32>
      %add3A_1243 = arith.addi %mul3A_778, %add3A_1242 : vector<16xi32>
      %gather3A_1244 = tpu.vector_load_idx %arg8[%add3A_782, %add3A_1243] : memref<256x128xf32, #tpu.memory_space<vmem>>[vector<16xi32>, vector<16xi32>], vector<16xf32>,
      %mul3A_1245 = arith.constant 16 : i32
      %mul3A_1246 = arith.muli %scan3A_767, %mul3A_1245 : i32
      %add3A_1247 = arith.constant 6912 : i32
      %add3A_1248 = arith.addi %add3A_1247, %mul3A_1246 : i32
      %swap3A_1249 = arith.index_cast %add3A_1248 : i32 to index
      %swap3A_1250 = tpu.vector_load %arg10[%swap3A_1249] {strides = array<i32>} : memref<8192xf32, #tpu.memory_space<vmem>>, vector<16xf32>,
      tpu.vector_store %arg10[%swap3A_1249], %gather3A_1244 {strides = array<i32>} : memref<8192xf32, #tpu.memory_space<vmem>>, vector<16xf32>,
      %gather3A_1251 = tpu.vector_load_idx %arg9[%add3A_782, %add3A_1243] : memref<256x128xf32, #tpu.memory_space<vmem>>[vector<16xi32>, vector<16xi32>], vector<16xf32>,
      %mul3A_1252 = arith.constant 16 : i32
      %mul3A_1253 = arith.muli %scan3A_767, %mul3A_1252 : i32
      %add3A_1254 = arith.constant 6912 : i32
      %add3A_1255 = arith.addi %add3A_1254, %mul3A_1253 : i32
      %swap3A_1256 = arith.index_cast %add3A_1255 : i32 to index
      %swap3A_1257 = tpu.vector_load %arg11[%swap3A_1256] {strides = array<i32>} : memref<8192xf32, #tpu.memory_space<vmem>>, vector<16xf32>,
      tpu.vector_store %arg11[%swap3A_1256], %gather3A_1251 {strides = array<i32>} : memref<8192xf32, #tpu.memory_space<vmem>>, vector<16xf32>,
      %add3A_1258 = arith.constant 28 : i32
      %add3A_1259 = vector.broadcast %add3A_1258 : i32 to vector<16xi32>
      %add3A_1260 = arith.addi %mul3A_778, %add3A_1259 : vector<16xi32>
      %gather3A_1261 = tpu.vector_load_idx %arg8[%add3A_782, %add3A_1260] : memref<256x128xf32, #tpu.memory_space<vmem>>[vector<16xi32>, vector<16xi32>], vector<16xf32>,
      %mul3A_1262 = arith.constant 16 : i32
      %mul3A_1263 = arith.muli %scan3A_767, %mul3A_1262 : i32
      %add3A_1264 = arith.constant 7168 : i32
      %add3A_1265 = arith.addi %add3A_1264, %mul3A_1263 : i32
      %swap3A_1266 = arith.index_cast %add3A_1265 : i32 to index
      %swap3A_1267 = tpu.vector_load %arg10[%swap3A_1266] {strides = array<i32>} : memref<8192xf32, #tpu.memory_space<vmem>>, vector<16xf32>,
      tpu.vector_store %arg10[%swap3A_1266], %gather3A_1261 {strides = array<i32>} : memref<8192xf32, #tpu.memory_space<vmem>>, vector<16xf32>,
      %gather3A_1268 = tpu.vector_load_idx %arg9[%add3A_782, %add3A_1260] : memref<256x128xf32, #tpu.memory_space<vmem>>[vector<16xi32>, vector<16xi32>], vector<16xf32>,
      %mul3A_1269 = arith.constant 16 : i32
      %mul3A_1270 = arith.muli %scan3A_767, %mul3A_1269 : i32
      %add3A_1271 = arith.constant 7168 : i32
      %add3A_1272 = arith.addi %add3A_1271, %mul3A_1270 : i32
      %swap3A_1273 = arith.index_cast %add3A_1272 : i32 to index
      %swap3A_1274 = tpu.vector_load %arg11[%swap3A_1273] {strides = array<i32>} : memref<8192xf32, #tpu.memory_space<vmem>>, vector<16xf32>,
      tpu.vector_store %arg11[%swap3A_1273], %gather3A_1268 {strides = array<i32>} : memref<8192xf32, #tpu.memory_space<vmem>>, vector<16xf32>,
      %add3A_1275 = arith.constant 29 : i32
      %add3A_1276 = vector.broadcast %add3A_1275 : i32 to vector<16xi32>
      %add3A_1277 = arith.addi %mul3A_778, %add3A_1276 : vector<16xi32>
      %gather3A_1278 = tpu.vector_load_idx %arg8[%add3A_782, %add3A_1277] : memref<256x128xf32, #tpu.memory_space<vmem>>[vector<16xi32>, vector<16xi32>], vector<16xf32>,
      %mul3A_1279 = arith.constant 16 : i32
      %mul3A_1280 = arith.muli %scan3A_767, %mul3A_1279 : i32
      %add3A_1281 = arith.constant 7424 : i32
      %add3A_1282 = arith.addi %add3A_1281, %mul3A_1280 : i32
      %swap3A_1283 = arith.index_cast %add3A_1282 : i32 to index
      %swap3A_1284 = tpu.vector_load %arg10[%swap3A_1283] {strides = array<i32>} : memref<8192xf32, #tpu.memory_space<vmem>>, vector<16xf32>,
      tpu.vector_store %arg10[%swap3A_1283], %gather3A_1278 {strides = array<i32>} : memref<8192xf32, #tpu.memory_space<vmem>>, vector<16xf32>,
      %gather3A_1285 = tpu.vector_load_idx %arg9[%add3A_782, %add3A_1277] : memref<256x128xf32, #tpu.memory_space<vmem>>[vector<16xi32>, vector<16xi32>], vector<16xf32>,
      %mul3A_1286 = arith.constant 16 : i32
      %mul3A_1287 = arith.muli %scan3A_767, %mul3A_1286 : i32
      %add3A_1288 = arith.constant 7424 : i32
      %add3A_1289 = arith.addi %add3A_1288, %mul3A_1287 : i32
      %swap3A_1290 = arith.index_cast %add3A_1289 : i32 to index
      %swap3A_1291 = tpu.vector_load %arg11[%swap3A_1290] {strides = array<i32>} : memref<8192xf32, #tpu.memory_space<vmem>>, vector<16xf32>,
      tpu.vector_store %arg11[%swap3A_1290], %gather3A_1285 {strides = array<i32>} : memref<8192xf32, #tpu.memory_space<vmem>>, vector<16xf32>,
      %add3A_1292 = arith.constant 30 : i32
      %add3A_1293 = vector.broadcast %add3A_1292 : i32 to vector<16xi32>
      %add3A_1294 = arith.addi %mul3A_778, %add3A_1293 : vector<16xi32>
      %gather3A_1295 = tpu.vector_load_idx %arg8[%add3A_782, %add3A_1294] : memref<256x128xf32, #tpu.memory_space<vmem>>[vector<16xi32>, vector<16xi32>], vector<16xf32>,
      %mul3A_1296 = arith.constant 16 : i32
      %mul3A_1297 = arith.muli %scan3A_767, %mul3A_1296 : i32
      %add3A_1298 = arith.constant 7680 : i32
      %add3A_1299 = arith.addi %add3A_1298, %mul3A_1297 : i32
      %swap3A_1300 = arith.index_cast %add3A_1299 : i32 to index
      %swap3A_1301 = tpu.vector_load %arg10[%swap3A_1300] {strides = array<i32>} : memref<8192xf32, #tpu.memory_space<vmem>>, vector<16xf32>,
      tpu.vector_store %arg10[%swap3A_1300], %gather3A_1295 {strides = array<i32>} : memref<8192xf32, #tpu.memory_space<vmem>>, vector<16xf32>,
      %gather3A_1302 = tpu.vector_load_idx %arg9[%add3A_782, %add3A_1294] : memref<256x128xf32, #tpu.memory_space<vmem>>[vector<16xi32>, vector<16xi32>], vector<16xf32>,
      %mul3A_1303 = arith.constant 16 : i32
      %mul3A_1304 = arith.muli %scan3A_767, %mul3A_1303 : i32
      %add3A_1305 = arith.constant 7680 : i32
      %add3A_1306 = arith.addi %add3A_1305, %mul3A_1304 : i32
      %swap3A_1307 = arith.index_cast %add3A_1306 : i32 to index
      %swap3A_1308 = tpu.vector_load %arg11[%swap3A_1307] {strides = array<i32>} : memref<8192xf32, #tpu.memory_space<vmem>>, vector<16xf32>,
      tpu.vector_store %arg11[%swap3A_1307], %gather3A_1302 {strides = array<i32>} : memref<8192xf32, #tpu.memory_space<vmem>>, vector<16xf32>,
      %add3A_1309 = arith.constant 31 : i32
      %add3A_1310 = vector.broadcast %add3A_1309 : i32 to vector<16xi32>
      %add3A_1311 = arith.addi %mul3A_778, %add3A_1310 : vector<16xi32>
      %gather3A_1312 = tpu.vector_load_idx %arg8[%add3A_782, %add3A_1311] : memref<256x128xf32, #tpu.memory_space<vmem>>[vector<16xi32>, vector<16xi32>], vector<16xf32>,
      %mul3A_1313 = arith.constant 16 : i32
      %mul3A_1314 = arith.muli %scan3A_767, %mul3A_1313 : i32
      %add3A_1315 = arith.constant 7936 : i32
      %add3A_1316 = arith.addi %add3A_1315, %mul3A_1314 : i32
      %swap3A_1317 = arith.index_cast %add3A_1316 : i32 to index
      %swap3A_1318 = tpu.vector_load %arg10[%swap3A_1317] {strides = array<i32>} : memref<8192xf32, #tpu.memory_space<vmem>>, vector<16xf32>,
      tpu.vector_store %arg10[%swap3A_1317], %gather3A_1312 {strides = array<i32>} : memref<8192xf32, #tpu.memory_space<vmem>>, vector<16xf32>,
      %gather3A_1319 = tpu.vector_load_idx %arg9[%add3A_782, %add3A_1311] : memref<256x128xf32, #tpu.memory_space<vmem>>[vector<16xi32>, vector<16xi32>], vector<16xf32>,
      %mul3A_1320 = arith.constant 16 : i32
      %mul3A_1321 = arith.muli %scan3A_767, %mul3A_1320 : i32
      %add3A_1322 = arith.constant 7936 : i32
      %add3A_1323 = arith.addi %add3A_1322, %mul3A_1321 : i32
      %swap3A_1324 = arith.index_cast %add3A_1323 : i32 to index
      %swap3A_1325 = tpu.vector_load %arg11[%swap3A_1324] {strides = array<i32>} : memref<8192xf32, #tpu.memory_space<vmem>>, vector<16xf32>,
      tpu.vector_store %arg11[%swap3A_1324], %gather3A_1319 {strides = array<i32>} : memref<8192xf32, #tpu.memory_space<vmem>>, vector<16xf32>,
    }
    %scan3A_510 = arith.constant 16 : i32
    %add3A_511 = arith.constant 0 : i32
    %add3A_512 = arith.addi %add3A_511, %mul3A_2 : i32
    %add3A_513 = arith.constant 256 : i32
    %add3A_514 = arith.addi %add3A_512, %add3A_513 : i32
    "tpu.region"() ({
      %run_scoped3A = tpu.sem_alloc : memref<!tpu.dma_semaphore, #tpu.memory_space<semaphore_mem>>
      %dma_start3A_767 = arith.constant 0 : i32
      %dma_start3A_768 = tpu.memref_slice %arg10[%dma_start3A_767] : memref<8192xf32, #tpu.memory_space<vmem>> -> memref<256xf32, #tpu.memory_space<vmem>>
      %dma_start3A_769 = tpu.memref_slice %arg5[%add3A_514] : memref<1048576xf32, #tpu.memory_space<hbm>> -> memref<256xf32, #tpu.memory_space<hbm>>
      %dma_start3A_770 = tpu.memref_slice %arg5[%add3A_514] : memref<1048576xf32, #tpu.memory_space<hbm>> -> memref<256xf32, #tpu.memory_space<hbm>>
      %dma_start3A_771 = arith.constant 0 : i32
      %dma_start3A_772 = tpu.memref_slice %arg10[%dma_start3A_771] : memref<8192xf32, #tpu.memory_space<vmem>> -> memref<256xf32, #tpu.memory_space<vmem>>
      tpu.enqueue_dma source(%dma_start3A_772 : memref<256xf32, #tpu.memory_space<vmem>>) target(%dma_start3A_770 : memref<256xf32, #tpu.memory_space<hbm>>) target_semaphore(%run_scoped3A : memref<!tpu.dma_semaphore, #tpu.memory_space<semaphore_mem>>)
      %dma_wait3A_773 = arith.constant 0 : i32
      %dma_wait3A_774 = tpu.memref_slice %arg10[%dma_wait3A_773] : memref<8192xf32, #tpu.memory_space<vmem>> -> memref<256xf32, #tpu.memory_space<vmem>>
      %dma_wait3A_775 = tpu.memref_slice %arg5[%add3A_514] : memref<1048576xf32, #tpu.memory_space<hbm>> -> memref<256xf32, #tpu.memory_space<hbm>>
      %dma_wait3A_776 = tpu.memref_slice %arg5[%add3A_514] : memref<1048576xf32, #tpu.memory_space<hbm>> -> memref<256xf32, #tpu.memory_space<hbm>>
      %dma_wait3A_777 = arith.constant 0 : i32
      %dma_wait3A_778 = tpu.memref_slice %arg10[%dma_wait3A_777] : memref<8192xf32, #tpu.memory_space<vmem>> -> memref<256xf32, #tpu.memory_space<vmem>>
      tpu.wait_dma2 semaphore(%run_scoped3A : memref<!tpu.dma_semaphore, #tpu.memory_space<semaphore_mem>>) src(%dma_wait3A_778 : memref<256xf32, #tpu.memory_space<vmem>>) dst(%dma_wait3A_776 : memref<256xf32, #tpu.memory_space<hbm>>)
      tpu.yield
    }) : () -> ()
    %add3A_515 = arith.constant 524288 : i32
    %add3A_516 = arith.addi %add3A_515, %mul3A_2 : i32
    %add3A_517 = arith.constant 256 : i32
    %add3A_518 = arith.addi %add3A_516, %add3A_517 : i32
    "tpu.region"() ({
      %run_scoped3A = tpu.sem_alloc : memref<!tpu.dma_semaphore, #tpu.memory_space<semaphore_mem>>
      %dma_start3A_767 = arith.constant 0 : i32
      %dma_start3A_768 = tpu.memref_slice %arg11[%dma_start3A_767] : memref<8192xf32, #tpu.memory_space<vmem>> -> memref<256xf32, #tpu.memory_space<vmem>>
      %dma_start3A_769 = tpu.memref_slice %arg5[%add3A_518] : memref<1048576xf32, #tpu.memory_space<hbm>> -> memref<256xf32, #tpu.memory_space<hbm>>
      %dma_start3A_770 = tpu.memref_slice %arg5[%add3A_518] : memref<1048576xf32, #tpu.memory_space<hbm>> -> memref<256xf32, #tpu.memory_space<hbm>>
      %dma_start3A_771 = arith.constant 0 : i32
      %dma_start3A_772 = tpu.memref_slice %arg11[%dma_start3A_771] : memref<8192xf32, #tpu.memory_space<vmem>> -> memref<256xf32, #tpu.memory_space<vmem>>
      tpu.enqueue_dma source(%dma_start3A_772 : memref<256xf32, #tpu.memory_space<vmem>>) target(%dma_start3A_770 : memref<256xf32, #tpu.memory_space<hbm>>) target_semaphore(%run_scoped3A : memref<!tpu.dma_semaphore, #tpu.memory_space<semaphore_mem>>)
      %dma_wait3A_773 = arith.constant 0 : i32
      %dma_wait3A_774 = tpu.memref_slice %arg11[%dma_wait3A_773] : memref<8192xf32, #tpu.memory_space<vmem>> -> memref<256xf32, #tpu.memory_space<vmem>>
      %dma_wait3A_775 = tpu.memref_slice %arg5[%add3A_518] : memref<1048576xf32, #tpu.memory_space<hbm>> -> memref<256xf32, #tpu.memory_space<hbm>>
      %dma_wait3A_776 = tpu.memref_slice %arg5[%add3A_518] : memref<1048576xf32, #tpu.memory_space<hbm>> -> memref<256xf32, #tpu.memory_space<hbm>>
      %dma_wait3A_777 = arith.constant 0 : i32
      %dma_wait3A_778 = tpu.memref_slice %arg11[%dma_wait3A_777] : memref<8192xf32, #tpu.memory_space<vmem>> -> memref<256xf32, #tpu.memory_space<vmem>>
      tpu.wait_dma2 semaphore(%run_scoped3A : memref<!tpu.dma_semaphore, #tpu.memory_space<semaphore_mem>>) src(%dma_wait3A_778 : memref<256xf32, #tpu.memory_space<vmem>>) dst(%dma_wait3A_776 : memref<256xf32, #tpu.memory_space<hbm>>)
      tpu.yield
    }) : () -> ()
    %add3A_519 = arith.constant 16384 : i32
    %add3A_520 = arith.addi %add3A_519, %mul3A_2 : i32
    %add3A_521 = arith.constant 256 : i32
    %add3A_522 = arith.addi %add3A_520, %add3A_521 : i32
    "tpu.region"() ({
      %run_scoped3A = tpu.sem_alloc : memref<!tpu.dma_semaphore, #tpu.memory_space<semaphore_mem>>
      %dma_start3A_767 = arith.constant 256 : i32
      %dma_start3A_768 = tpu.memref_slice %arg10[%dma_start3A_767] : memref<8192xf32, #tpu.memory_space<vmem>> -> memref<256xf32, #tpu.memory_space<vmem>>
      %dma_start3A_769 = tpu.memref_slice %arg5[%add3A_522] : memref<1048576xf32, #tpu.memory_space<hbm>> -> memref<256xf32, #tpu.memory_space<hbm>>
      %dma_start3A_770 = tpu.memref_slice %arg5[%add3A_522] : memref<1048576xf32, #tpu.memory_space<hbm>> -> memref<256xf32, #tpu.memory_space<hbm>>
      %dma_start3A_771 = arith.constant 256 : i32
      %dma_start3A_772 = tpu.memref_slice %arg10[%dma_start3A_771] : memref<8192xf32, #tpu.memory_space<vmem>> -> memref<256xf32, #tpu.memory_space<vmem>>
      tpu.enqueue_dma source(%dma_start3A_772 : memref<256xf32, #tpu.memory_space<vmem>>) target(%dma_start3A_770 : memref<256xf32, #tpu.memory_space<hbm>>) target_semaphore(%run_scoped3A : memref<!tpu.dma_semaphore, #tpu.memory_space<semaphore_mem>>)
      %dma_wait3A_773 = arith.constant 256 : i32
      %dma_wait3A_774 = tpu.memref_slice %arg10[%dma_wait3A_773] : memref<8192xf32, #tpu.memory_space<vmem>> -> memref<256xf32, #tpu.memory_space<vmem>>
      %dma_wait3A_775 = tpu.memref_slice %arg5[%add3A_522] : memref<1048576xf32, #tpu.memory_space<hbm>> -> memref<256xf32, #tpu.memory_space<hbm>>
      %dma_wait3A_776 = tpu.memref_slice %arg5[%add3A_522] : memref<1048576xf32, #tpu.memory_space<hbm>> -> memref<256xf32, #tpu.memory_space<hbm>>
      %dma_wait3A_777 = arith.constant 256 : i32
      %dma_wait3A_778 = tpu.memref_slice %arg10[%dma_wait3A_777] : memref<8192xf32, #tpu.memory_space<vmem>> -> memref<256xf32, #tpu.memory_space<vmem>>
      tpu.wait_dma2 semaphore(%run_scoped3A : memref<!tpu.dma_semaphore, #tpu.memory_space<semaphore_mem>>) src(%dma_wait3A_778 : memref<256xf32, #tpu.memory_space<vmem>>) dst(%dma_wait3A_776 : memref<256xf32, #tpu.memory_space<hbm>>)
      tpu.yield
    }) : () -> ()
    %add3A_523 = arith.constant 540672 : i32
    %add3A_524 = arith.addi %add3A_523, %mul3A_2 : i32
    %add3A_525 = arith.constant 256 : i32
    %add3A_526 = arith.addi %add3A_524, %add3A_525 : i32
    "tpu.region"() ({
      %run_scoped3A = tpu.sem_alloc : memref<!tpu.dma_semaphore, #tpu.memory_space<semaphore_mem>>
      %dma_start3A_767 = arith.constant 256 : i32
      %dma_start3A_768 = tpu.memref_slice %arg11[%dma_start3A_767] : memref<8192xf32, #tpu.memory_space<vmem>> -> memref<256xf32, #tpu.memory_space<vmem>>
      %dma_start3A_769 = tpu.memref_slice %arg5[%add3A_526] : memref<1048576xf32, #tpu.memory_space<hbm>> -> memref<256xf32, #tpu.memory_space<hbm>>
      %dma_start3A_770 = tpu.memref_slice %arg5[%add3A_526] : memref<1048576xf32, #tpu.memory_space<hbm>> -> memref<256xf32, #tpu.memory_space<hbm>>
      %dma_start3A_771 = arith.constant 256 : i32
      %dma_start3A_772 = tpu.memref_slice %arg11[%dma_start3A_771] : memref<8192xf32, #tpu.memory_space<vmem>> -> memref<256xf32, #tpu.memory_space<vmem>>
      tpu.enqueue_dma source(%dma_start3A_772 : memref<256xf32, #tpu.memory_space<vmem>>) target(%dma_start3A_770 : memref<256xf32, #tpu.memory_space<hbm>>) target_semaphore(%run_scoped3A : memref<!tpu.dma_semaphore, #tpu.memory_space<semaphore_mem>>)
      %dma_wait3A_773 = arith.constant 256 : i32
      %dma_wait3A_774 = tpu.memref_slice %arg11[%dma_wait3A_773] : memref<8192xf32, #tpu.memory_space<vmem>> -> memref<256xf32, #tpu.memory_space<vmem>>
      %dma_wait3A_775 = tpu.memref_slice %arg5[%add3A_526] : memref<1048576xf32, #tpu.memory_space<hbm>> -> memref<256xf32, #tpu.memory_space<hbm>>
      %dma_wait3A_776 = tpu.memref_slice %arg5[%add3A_526] : memref<1048576xf32, #tpu.memory_space<hbm>> -> memref<256xf32, #tpu.memory_space<hbm>>
      %dma_wait3A_777 = arith.constant 256 : i32
      %dma_wait3A_778 = tpu.memref_slice %arg11[%dma_wait3A_777] : memref<8192xf32, #tpu.memory_space<vmem>> -> memref<256xf32, #tpu.memory_space<vmem>>
      tpu.wait_dma2 semaphore(%run_scoped3A : memref<!tpu.dma_semaphore, #tpu.memory_space<semaphore_mem>>) src(%dma_wait3A_778 : memref<256xf32, #tpu.memory_space<vmem>>) dst(%dma_wait3A_776 : memref<256xf32, #tpu.memory_space<hbm>>)
      tpu.yield
    }) : () -> ()
    %add3A_527 = arith.constant 32768 : i32
    %add3A_528 = arith.addi %add3A_527, %mul3A_2 : i32
    %add3A_529 = arith.constant 256 : i32
    %add3A_530 = arith.addi %add3A_528, %add3A_529 : i32
    "tpu.region"() ({
      %run_scoped3A = tpu.sem_alloc : memref<!tpu.dma_semaphore, #tpu.memory_space<semaphore_mem>>
      %dma_start3A_767 = arith.constant 512 : i32
      %dma_start3A_768 = tpu.memref_slice %arg10[%dma_start3A_767] : memref<8192xf32, #tpu.memory_space<vmem>> -> memref<256xf32, #tpu.memory_space<vmem>>
      %dma_start3A_769 = tpu.memref_slice %arg5[%add3A_530] : memref<1048576xf32, #tpu.memory_space<hbm>> -> memref<256xf32, #tpu.memory_space<hbm>>
      %dma_start3A_770 = tpu.memref_slice %arg5[%add3A_530] : memref<1048576xf32, #tpu.memory_space<hbm>> -> memref<256xf32, #tpu.memory_space<hbm>>
      %dma_start3A_771 = arith.constant 512 : i32
      %dma_start3A_772 = tpu.memref_slice %arg10[%dma_start3A_771] : memref<8192xf32, #tpu.memory_space<vmem>> -> memref<256xf32, #tpu.memory_space<vmem>>
      tpu.enqueue_dma source(%dma_start3A_772 : memref<256xf32, #tpu.memory_space<vmem>>) target(%dma_start3A_770 : memref<256xf32, #tpu.memory_space<hbm>>) target_semaphore(%run_scoped3A : memref<!tpu.dma_semaphore, #tpu.memory_space<semaphore_mem>>)
      %dma_wait3A_773 = arith.constant 512 : i32
      %dma_wait3A_774 = tpu.memref_slice %arg10[%dma_wait3A_773] : memref<8192xf32, #tpu.memory_space<vmem>> -> memref<256xf32, #tpu.memory_space<vmem>>
      %dma_wait3A_775 = tpu.memref_slice %arg5[%add3A_530] : memref<1048576xf32, #tpu.memory_space<hbm>> -> memref<256xf32, #tpu.memory_space<hbm>>
      %dma_wait3A_776 = tpu.memref_slice %arg5[%add3A_530] : memref<1048576xf32, #tpu.memory_space<hbm>> -> memref<256xf32, #tpu.memory_space<hbm>>
      %dma_wait3A_777 = arith.constant 512 : i32
      %dma_wait3A_778 = tpu.memref_slice %arg10[%dma_wait3A_777] : memref<8192xf32, #tpu.memory_space<vmem>> -> memref<256xf32, #tpu.memory_space<vmem>>
      tpu.wait_dma2 semaphore(%run_scoped3A : memref<!tpu.dma_semaphore, #tpu.memory_space<semaphore_mem>>) src(%dma_wait3A_778 : memref<256xf32, #tpu.memory_space<vmem>>) dst(%dma_wait3A_776 : memref<256xf32, #tpu.memory_space<hbm>>)
      tpu.yield
    }) : () -> ()
    %add3A_531 = arith.constant 557056 : i32
    %add3A_532 = arith.addi %add3A_531, %mul3A_2 : i32
    %add3A_533 = arith.constant 256 : i32
    %add3A_534 = arith.addi %add3A_532, %add3A_533 : i32
    "tpu.region"() ({
      %run_scoped3A = tpu.sem_alloc : memref<!tpu.dma_semaphore, #tpu.memory_space<semaphore_mem>>
      %dma_start3A_767 = arith.constant 512 : i32
      %dma_start3A_768 = tpu.memref_slice %arg11[%dma_start3A_767] : memref<8192xf32, #tpu.memory_space<vmem>> -> memref<256xf32, #tpu.memory_space<vmem>>
      %dma_start3A_769 = tpu.memref_slice %arg5[%add3A_534] : memref<1048576xf32, #tpu.memory_space<hbm>> -> memref<256xf32, #tpu.memory_space<hbm>>
      %dma_start3A_770 = tpu.memref_slice %arg5[%add3A_534] : memref<1048576xf32, #tpu.memory_space<hbm>> -> memref<256xf32, #tpu.memory_space<hbm>>
      %dma_start3A_771 = arith.constant 512 : i32
      %dma_start3A_772 = tpu.memref_slice %arg11[%dma_start3A_771] : memref<8192xf32, #tpu.memory_space<vmem>> -> memref<256xf32, #tpu.memory_space<vmem>>
      tpu.enqueue_dma source(%dma_start3A_772 : memref<256xf32, #tpu.memory_space<vmem>>) target(%dma_start3A_770 : memref<256xf32, #tpu.memory_space<hbm>>) target_semaphore(%run_scoped3A : memref<!tpu.dma_semaphore, #tpu.memory_space<semaphore_mem>>)
      %dma_wait3A_773 = arith.constant 512 : i32
      %dma_wait3A_774 = tpu.memref_slice %arg11[%dma_wait3A_773] : memref<8192xf32, #tpu.memory_space<vmem>> -> memref<256xf32, #tpu.memory_space<vmem>>
      %dma_wait3A_775 = tpu.memref_slice %arg5[%add3A_534] : memref<1048576xf32, #tpu.memory_space<hbm>> -> memref<256xf32, #tpu.memory_space<hbm>>
      %dma_wait3A_776 = tpu.memref_slice %arg5[%add3A_534] : memref<1048576xf32, #tpu.memory_space<hbm>> -> memref<256xf32, #tpu.memory_space<hbm>>
      %dma_wait3A_777 = arith.constant 512 : i32
      %dma_wait3A_778 = tpu.memref_slice %arg11[%dma_wait3A_777] : memref<8192xf32, #tpu.memory_space<vmem>> -> memref<256xf32, #tpu.memory_space<vmem>>
      tpu.wait_dma2 semaphore(%run_scoped3A : memref<!tpu.dma_semaphore, #tpu.memory_space<semaphore_mem>>) src(%dma_wait3A_778 : memref<256xf32, #tpu.memory_space<vmem>>) dst(%dma_wait3A_776 : memref<256xf32, #tpu.memory_space<hbm>>)
      tpu.yield
    }) : () -> ()
    %add3A_535 = arith.constant 49152 : i32
    %add3A_536 = arith.addi %add3A_535, %mul3A_2 : i32
    %add3A_537 = arith.constant 256 : i32
    %add3A_538 = arith.addi %add3A_536, %add3A_537 : i32
    "tpu.region"() ({
      %run_scoped3A = tpu.sem_alloc : memref<!tpu.dma_semaphore, #tpu.memory_space<semaphore_mem>>
      %dma_start3A_767 = arith.constant 768 : i32
      %dma_start3A_768 = tpu.memref_slice %arg10[%dma_start3A_767] : memref<8192xf32, #tpu.memory_space<vmem>> -> memref<256xf32, #tpu.memory_space<vmem>>
      %dma_start3A_769 = tpu.memref_slice %arg5[%add3A_538] : memref<1048576xf32, #tpu.memory_space<hbm>> -> memref<256xf32, #tpu.memory_space<hbm>>
      %dma_start3A_770 = tpu.memref_slice %arg5[%add3A_538] : memref<1048576xf32, #tpu.memory_space<hbm>> -> memref<256xf32, #tpu.memory_space<hbm>>
      %dma_start3A_771 = arith.constant 768 : i32
      %dma_start3A_772 = tpu.memref_slice %arg10[%dma_start3A_771] : memref<8192xf32, #tpu.memory_space<vmem>> -> memref<256xf32, #tpu.memory_space<vmem>>
      tpu.enqueue_dma source(%dma_start3A_772 : memref<256xf32, #tpu.memory_space<vmem>>) target(%dma_start3A_770 : memref<256xf32, #tpu.memory_space<hbm>>) target_semaphore(%run_scoped3A : memref<!tpu.dma_semaphore, #tpu.memory_space<semaphore_mem>>)
      %dma_wait3A_773 = arith.constant 768 : i32
      %dma_wait3A_774 = tpu.memref_slice %arg10[%dma_wait3A_773] : memref<8192xf32, #tpu.memory_space<vmem>> -> memref<256xf32, #tpu.memory_space<vmem>>
      %dma_wait3A_775 = tpu.memref_slice %arg5[%add3A_538] : memref<1048576xf32, #tpu.memory_space<hbm>> -> memref<256xf32, #tpu.memory_space<hbm>>
      %dma_wait3A_776 = tpu.memref_slice %arg5[%add3A_538] : memref<1048576xf32, #tpu.memory_space<hbm>> -> memref<256xf32, #tpu.memory_space<hbm>>
      %dma_wait3A_777 = arith.constant 768 : i32
      %dma_wait3A_778 = tpu.memref_slice %arg10[%dma_wait3A_777] : memref<8192xf32, #tpu.memory_space<vmem>> -> memref<256xf32, #tpu.memory_space<vmem>>
      tpu.wait_dma2 semaphore(%run_scoped3A : memref<!tpu.dma_semaphore, #tpu.memory_space<semaphore_mem>>) src(%dma_wait3A_778 : memref<256xf32, #tpu.memory_space<vmem>>) dst(%dma_wait3A_776 : memref<256xf32, #tpu.memory_space<hbm>>)
      tpu.yield
    }) : () -> ()
    %add3A_539 = arith.constant 573440 : i32
    %add3A_540 = arith.addi %add3A_539, %mul3A_2 : i32
    %add3A_541 = arith.constant 256 : i32
    %add3A_542 = arith.addi %add3A_540, %add3A_541 : i32
    "tpu.region"() ({
      %run_scoped3A = tpu.sem_alloc : memref<!tpu.dma_semaphore, #tpu.memory_space<semaphore_mem>>
      %dma_start3A_767 = arith.constant 768 : i32
      %dma_start3A_768 = tpu.memref_slice %arg11[%dma_start3A_767] : memref<8192xf32, #tpu.memory_space<vmem>> -> memref<256xf32, #tpu.memory_space<vmem>>
      %dma_start3A_769 = tpu.memref_slice %arg5[%add3A_542] : memref<1048576xf32, #tpu.memory_space<hbm>> -> memref<256xf32, #tpu.memory_space<hbm>>
      %dma_start3A_770 = tpu.memref_slice %arg5[%add3A_542] : memref<1048576xf32, #tpu.memory_space<hbm>> -> memref<256xf32, #tpu.memory_space<hbm>>
      %dma_start3A_771 = arith.constant 768 : i32
      %dma_start3A_772 = tpu.memref_slice %arg11[%dma_start3A_771] : memref<8192xf32, #tpu.memory_space<vmem>> -> memref<256xf32, #tpu.memory_space<vmem>>
      tpu.enqueue_dma source(%dma_start3A_772 : memref<256xf32, #tpu.memory_space<vmem>>) target(%dma_start3A_770 : memref<256xf32, #tpu.memory_space<hbm>>) target_semaphore(%run_scoped3A : memref<!tpu.dma_semaphore, #tpu.memory_space<semaphore_mem>>)
      %dma_wait3A_773 = arith.constant 768 : i32
      %dma_wait3A_774 = tpu.memref_slice %arg11[%dma_wait3A_773] : memref<8192xf32, #tpu.memory_space<vmem>> -> memref<256xf32, #tpu.memory_space<vmem>>
      %dma_wait3A_775 = tpu.memref_slice %arg5[%add3A_542] : memref<1048576xf32, #tpu.memory_space<hbm>> -> memref<256xf32, #tpu.memory_space<hbm>>
      %dma_wait3A_776 = tpu.memref_slice %arg5[%add3A_542] : memref<1048576xf32, #tpu.memory_space<hbm>> -> memref<256xf32, #tpu.memory_space<hbm>>
      %dma_wait3A_777 = arith.constant 768 : i32
      %dma_wait3A_778 = tpu.memref_slice %arg11[%dma_wait3A_777] : memref<8192xf32, #tpu.memory_space<vmem>> -> memref<256xf32, #tpu.memory_space<vmem>>
      tpu.wait_dma2 semaphore(%run_scoped3A : memref<!tpu.dma_semaphore, #tpu.memory_space<semaphore_mem>>) src(%dma_wait3A_778 : memref<256xf32, #tpu.memory_space<vmem>>) dst(%dma_wait3A_776 : memref<256xf32, #tpu.memory_space<hbm>>)
      tpu.yield
    }) : () -> ()
    %add3A_543 = arith.constant 65536 : i32
    %add3A_544 = arith.addi %add3A_543, %mul3A_2 : i32
    %add3A_545 = arith.constant 256 : i32
    %add3A_546 = arith.addi %add3A_544, %add3A_545 : i32
    "tpu.region"() ({
      %run_scoped3A = tpu.sem_alloc : memref<!tpu.dma_semaphore, #tpu.memory_space<semaphore_mem>>
      %dma_start3A_767 = arith.constant 1024 : i32
      %dma_start3A_768 = tpu.memref_slice %arg10[%dma_start3A_767] : memref<8192xf32, #tpu.memory_space<vmem>> -> memref<256xf32, #tpu.memory_space<vmem>>
      %dma_start3A_769 = tpu.memref_slice %arg5[%add3A_546] : memref<1048576xf32, #tpu.memory_space<hbm>> -> memref<256xf32, #tpu.memory_space<hbm>>
      %dma_start3A_770 = tpu.memref_slice %arg5[%add3A_546] : memref<1048576xf32, #tpu.memory_space<hbm>> -> memref<256xf32, #tpu.memory_space<hbm>>
      %dma_start3A_771 = arith.constant 1024 : i32
      %dma_start3A_772 = tpu.memref_slice %arg10[%dma_start3A_771] : memref<8192xf32, #tpu.memory_space<vmem>> -> memref<256xf32, #tpu.memory_space<vmem>>
      tpu.enqueue_dma source(%dma_start3A_772 : memref<256xf32, #tpu.memory_space<vmem>>) target(%dma_start3A_770 : memref<256xf32, #tpu.memory_space<hbm>>) target_semaphore(%run_scoped3A : memref<!tpu.dma_semaphore, #tpu.memory_space<semaphore_mem>>)
      %dma_wait3A_773 = arith.constant 1024 : i32
      %dma_wait3A_774 = tpu.memref_slice %arg10[%dma_wait3A_773] : memref<8192xf32, #tpu.memory_space<vmem>> -> memref<256xf32, #tpu.memory_space<vmem>>
      %dma_wait3A_775 = tpu.memref_slice %arg5[%add3A_546] : memref<1048576xf32, #tpu.memory_space<hbm>> -> memref<256xf32, #tpu.memory_space<hbm>>
      %dma_wait3A_776 = tpu.memref_slice %arg5[%add3A_546] : memref<1048576xf32, #tpu.memory_space<hbm>> -> memref<256xf32, #tpu.memory_space<hbm>>
      %dma_wait3A_777 = arith.constant 1024 : i32
      %dma_wait3A_778 = tpu.memref_slice %arg10[%dma_wait3A_777] : memref<8192xf32, #tpu.memory_space<vmem>> -> memref<256xf32, #tpu.memory_space<vmem>>
      tpu.wait_dma2 semaphore(%run_scoped3A : memref<!tpu.dma_semaphore, #tpu.memory_space<semaphore_mem>>) src(%dma_wait3A_778 : memref<256xf32, #tpu.memory_space<vmem>>) dst(%dma_wait3A_776 : memref<256xf32, #tpu.memory_space<hbm>>)
      tpu.yield
    }) : () -> ()
    %add3A_547 = arith.constant 589824 : i32
    %add3A_548 = arith.addi %add3A_547, %mul3A_2 : i32
    %add3A_549 = arith.constant 256 : i32
    %add3A_550 = arith.addi %add3A_548, %add3A_549 : i32
    "tpu.region"() ({
      %run_scoped3A = tpu.sem_alloc : memref<!tpu.dma_semaphore, #tpu.memory_space<semaphore_mem>>
      %dma_start3A_767 = arith.constant 1024 : i32
      %dma_start3A_768 = tpu.memref_slice %arg11[%dma_start3A_767] : memref<8192xf32, #tpu.memory_space<vmem>> -> memref<256xf32, #tpu.memory_space<vmem>>
      %dma_start3A_769 = tpu.memref_slice %arg5[%add3A_550] : memref<1048576xf32, #tpu.memory_space<hbm>> -> memref<256xf32, #tpu.memory_space<hbm>>
      %dma_start3A_770 = tpu.memref_slice %arg5[%add3A_550] : memref<1048576xf32, #tpu.memory_space<hbm>> -> memref<256xf32, #tpu.memory_space<hbm>>
      %dma_start3A_771 = arith.constant 1024 : i32
      %dma_start3A_772 = tpu.memref_slice %arg11[%dma_start3A_771] : memref<8192xf32, #tpu.memory_space<vmem>> -> memref<256xf32, #tpu.memory_space<vmem>>
      tpu.enqueue_dma source(%dma_start3A_772 : memref<256xf32, #tpu.memory_space<vmem>>) target(%dma_start3A_770 : memref<256xf32, #tpu.memory_space<hbm>>) target_semaphore(%run_scoped3A : memref<!tpu.dma_semaphore, #tpu.memory_space<semaphore_mem>>)
      %dma_wait3A_773 = arith.constant 1024 : i32
      %dma_wait3A_774 = tpu.memref_slice %arg11[%dma_wait3A_773] : memref<8192xf32, #tpu.memory_space<vmem>> -> memref<256xf32, #tpu.memory_space<vmem>>
      %dma_wait3A_775 = tpu.memref_slice %arg5[%add3A_550] : memref<1048576xf32, #tpu.memory_space<hbm>> -> memref<256xf32, #tpu.memory_space<hbm>>
      %dma_wait3A_776 = tpu.memref_slice %arg5[%add3A_550] : memref<1048576xf32, #tpu.memory_space<hbm>> -> memref<256xf32, #tpu.memory_space<hbm>>
      %dma_wait3A_777 = arith.constant 1024 : i32
      %dma_wait3A_778 = tpu.memref_slice %arg11[%dma_wait3A_777] : memref<8192xf32, #tpu.memory_space<vmem>> -> memref<256xf32, #tpu.memory_space<vmem>>
      tpu.wait_dma2 semaphore(%run_scoped3A : memref<!tpu.dma_semaphore, #tpu.memory_space<semaphore_mem>>) src(%dma_wait3A_778 : memref<256xf32, #tpu.memory_space<vmem>>) dst(%dma_wait3A_776 : memref<256xf32, #tpu.memory_space<hbm>>)
      tpu.yield
    }) : () -> ()
    %add3A_551 = arith.constant 81920 : i32
    %add3A_552 = arith.addi %add3A_551, %mul3A_2 : i32
    %add3A_553 = arith.constant 256 : i32
    %add3A_554 = arith.addi %add3A_552, %add3A_553 : i32
    "tpu.region"() ({
      %run_scoped3A = tpu.sem_alloc : memref<!tpu.dma_semaphore, #tpu.memory_space<semaphore_mem>>
      %dma_start3A_767 = arith.constant 1280 : i32
      %dma_start3A_768 = tpu.memref_slice %arg10[%dma_start3A_767] : memref<8192xf32, #tpu.memory_space<vmem>> -> memref<256xf32, #tpu.memory_space<vmem>>
      %dma_start3A_769 = tpu.memref_slice %arg5[%add3A_554] : memref<1048576xf32, #tpu.memory_space<hbm>> -> memref<256xf32, #tpu.memory_space<hbm>>
      %dma_start3A_770 = tpu.memref_slice %arg5[%add3A_554] : memref<1048576xf32, #tpu.memory_space<hbm>> -> memref<256xf32, #tpu.memory_space<hbm>>
      %dma_start3A_771 = arith.constant 1280 : i32
      %dma_start3A_772 = tpu.memref_slice %arg10[%dma_start3A_771] : memref<8192xf32, #tpu.memory_space<vmem>> -> memref<256xf32, #tpu.memory_space<vmem>>
      tpu.enqueue_dma source(%dma_start3A_772 : memref<256xf32, #tpu.memory_space<vmem>>) target(%dma_start3A_770 : memref<256xf32, #tpu.memory_space<hbm>>) target_semaphore(%run_scoped3A : memref<!tpu.dma_semaphore, #tpu.memory_space<semaphore_mem>>)
      %dma_wait3A_773 = arith.constant 1280 : i32
      %dma_wait3A_774 = tpu.memref_slice %arg10[%dma_wait3A_773] : memref<8192xf32, #tpu.memory_space<vmem>> -> memref<256xf32, #tpu.memory_space<vmem>>
      %dma_wait3A_775 = tpu.memref_slice %arg5[%add3A_554] : memref<1048576xf32, #tpu.memory_space<hbm>> -> memref<256xf32, #tpu.memory_space<hbm>>
      %dma_wait3A_776 = tpu.memref_slice %arg5[%add3A_554] : memref<1048576xf32, #tpu.memory_space<hbm>> -> memref<256xf32, #tpu.memory_space<hbm>>
      %dma_wait3A_777 = arith.constant 1280 : i32
      %dma_wait3A_778 = tpu.memref_slice %arg10[%dma_wait3A_777] : memref<8192xf32, #tpu.memory_space<vmem>> -> memref<256xf32, #tpu.memory_space<vmem>>
      tpu.wait_dma2 semaphore(%run_scoped3A : memref<!tpu.dma_semaphore, #tpu.memory_space<semaphore_mem>>) src(%dma_wait3A_778 : memref<256xf32, #tpu.memory_space<vmem>>) dst(%dma_wait3A_776 : memref<256xf32, #tpu.memory_space<hbm>>)
      tpu.yield
    }) : () -> ()
    %add3A_555 = arith.constant 606208 : i32
    %add3A_556 = arith.addi %add3A_555, %mul3A_2 : i32
    %add3A_557 = arith.constant 256 : i32
    %add3A_558 = arith.addi %add3A_556, %add3A_557 : i32
    "tpu.region"() ({
      %run_scoped3A = tpu.sem_alloc : memref<!tpu.dma_semaphore, #tpu.memory_space<semaphore_mem>>
      %dma_start3A_767 = arith.constant 1280 : i32
      %dma_start3A_768 = tpu.memref_slice %arg11[%dma_start3A_767] : memref<8192xf32, #tpu.memory_space<vmem>> -> memref<256xf32, #tpu.memory_space<vmem>>
      %dma_start3A_769 = tpu.memref_slice %arg5[%add3A_558] : memref<1048576xf32, #tpu.memory_space<hbm>> -> memref<256xf32, #tpu.memory_space<hbm>>
      %dma_start3A_770 = tpu.memref_slice %arg5[%add3A_558] : memref<1048576xf32, #tpu.memory_space<hbm>> -> memref<256xf32, #tpu.memory_space<hbm>>
      %dma_start3A_771 = arith.constant 1280 : i32
      %dma_start3A_772 = tpu.memref_slice %arg11[%dma_start3A_771] : memref<8192xf32, #tpu.memory_space<vmem>> -> memref<256xf32, #tpu.memory_space<vmem>>
      tpu.enqueue_dma source(%dma_start3A_772 : memref<256xf32, #tpu.memory_space<vmem>>) target(%dma_start3A_770 : memref<256xf32, #tpu.memory_space<hbm>>) target_semaphore(%run_scoped3A : memref<!tpu.dma_semaphore, #tpu.memory_space<semaphore_mem>>)
      %dma_wait3A_773 = arith.constant 1280 : i32
      %dma_wait3A_774 = tpu.memref_slice %arg11[%dma_wait3A_773] : memref<8192xf32, #tpu.memory_space<vmem>> -> memref<256xf32, #tpu.memory_space<vmem>>
      %dma_wait3A_775 = tpu.memref_slice %arg5[%add3A_558] : memref<1048576xf32, #tpu.memory_space<hbm>> -> memref<256xf32, #tpu.memory_space<hbm>>
      %dma_wait3A_776 = tpu.memref_slice %arg5[%add3A_558] : memref<1048576xf32, #tpu.memory_space<hbm>> -> memref<256xf32, #tpu.memory_space<hbm>>
      %dma_wait3A_777 = arith.constant 1280 : i32
      %dma_wait3A_778 = tpu.memref_slice %arg11[%dma_wait3A_777] : memref<8192xf32, #tpu.memory_space<vmem>> -> memref<256xf32, #tpu.memory_space<vmem>>
      tpu.wait_dma2 semaphore(%run_scoped3A : memref<!tpu.dma_semaphore, #tpu.memory_space<semaphore_mem>>) src(%dma_wait3A_778 : memref<256xf32, #tpu.memory_space<vmem>>) dst(%dma_wait3A_776 : memref<256xf32, #tpu.memory_space<hbm>>)
      tpu.yield
    }) : () -> ()
    %add3A_559 = arith.constant 98304 : i32
    %add3A_560 = arith.addi %add3A_559, %mul3A_2 : i32
    %add3A_561 = arith.constant 256 : i32
    %add3A_562 = arith.addi %add3A_560, %add3A_561 : i32
    "tpu.region"() ({
      %run_scoped3A = tpu.sem_alloc : memref<!tpu.dma_semaphore, #tpu.memory_space<semaphore_mem>>
      %dma_start3A_767 = arith.constant 1536 : i32
      %dma_start3A_768 = tpu.memref_slice %arg10[%dma_start3A_767] : memref<8192xf32, #tpu.memory_space<vmem>> -> memref<256xf32, #tpu.memory_space<vmem>>
      %dma_start3A_769 = tpu.memref_slice %arg5[%add3A_562] : memref<1048576xf32, #tpu.memory_space<hbm>> -> memref<256xf32, #tpu.memory_space<hbm>>
      %dma_start3A_770 = tpu.memref_slice %arg5[%add3A_562] : memref<1048576xf32, #tpu.memory_space<hbm>> -> memref<256xf32, #tpu.memory_space<hbm>>
      %dma_start3A_771 = arith.constant 1536 : i32
      %dma_start3A_772 = tpu.memref_slice %arg10[%dma_start3A_771] : memref<8192xf32, #tpu.memory_space<vmem>> -> memref<256xf32, #tpu.memory_space<vmem>>
      tpu.enqueue_dma source(%dma_start3A_772 : memref<256xf32, #tpu.memory_space<vmem>>) target(%dma_start3A_770 : memref<256xf32, #tpu.memory_space<hbm>>) target_semaphore(%run_scoped3A : memref<!tpu.dma_semaphore, #tpu.memory_space<semaphore_mem>>)
      %dma_wait3A_773 = arith.constant 1536 : i32
      %dma_wait3A_774 = tpu.memref_slice %arg10[%dma_wait3A_773] : memref<8192xf32, #tpu.memory_space<vmem>> -> memref<256xf32, #tpu.memory_space<vmem>>
      %dma_wait3A_775 = tpu.memref_slice %arg5[%add3A_562] : memref<1048576xf32, #tpu.memory_space<hbm>> -> memref<256xf32, #tpu.memory_space<hbm>>
      %dma_wait3A_776 = tpu.memref_slice %arg5[%add3A_562] : memref<1048576xf32, #tpu.memory_space<hbm>> -> memref<256xf32, #tpu.memory_space<hbm>>
      %dma_wait3A_777 = arith.constant 1536 : i32
      %dma_wait3A_778 = tpu.memref_slice %arg10[%dma_wait3A_777] : memref<8192xf32, #tpu.memory_space<vmem>> -> memref<256xf32, #tpu.memory_space<vmem>>
      tpu.wait_dma2 semaphore(%run_scoped3A : memref<!tpu.dma_semaphore, #tpu.memory_space<semaphore_mem>>) src(%dma_wait3A_778 : memref<256xf32, #tpu.memory_space<vmem>>) dst(%dma_wait3A_776 : memref<256xf32, #tpu.memory_space<hbm>>)
      tpu.yield
    }) : () -> ()
    %add3A_563 = arith.constant 622592 : i32
    %add3A_564 = arith.addi %add3A_563, %mul3A_2 : i32
    %add3A_565 = arith.constant 256 : i32
    %add3A_566 = arith.addi %add3A_564, %add3A_565 : i32
    "tpu.region"() ({
      %run_scoped3A = tpu.sem_alloc : memref<!tpu.dma_semaphore, #tpu.memory_space<semaphore_mem>>
      %dma_start3A_767 = arith.constant 1536 : i32
      %dma_start3A_768 = tpu.memref_slice %arg11[%dma_start3A_767] : memref<8192xf32, #tpu.memory_space<vmem>> -> memref<256xf32, #tpu.memory_space<vmem>>
      %dma_start3A_769 = tpu.memref_slice %arg5[%add3A_566] : memref<1048576xf32, #tpu.memory_space<hbm>> -> memref<256xf32, #tpu.memory_space<hbm>>
      %dma_start3A_770 = tpu.memref_slice %arg5[%add3A_566] : memref<1048576xf32, #tpu.memory_space<hbm>> -> memref<256xf32, #tpu.memory_space<hbm>>
      %dma_start3A_771 = arith.constant 1536 : i32
      %dma_start3A_772 = tpu.memref_slice %arg11[%dma_start3A_771] : memref<8192xf32, #tpu.memory_space<vmem>> -> memref<256xf32, #tpu.memory_space<vmem>>
      tpu.enqueue_dma source(%dma_start3A_772 : memref<256xf32, #tpu.memory_space<vmem>>) target(%dma_start3A_770 : memref<256xf32, #tpu.memory_space<hbm>>) target_semaphore(%run_scoped3A : memref<!tpu.dma_semaphore, #tpu.memory_space<semaphore_mem>>)
      %dma_wait3A_773 = arith.constant 1536 : i32
      %dma_wait3A_774 = tpu.memref_slice %arg11[%dma_wait3A_773] : memref<8192xf32, #tpu.memory_space<vmem>> -> memref<256xf32, #tpu.memory_space<vmem>>
      %dma_wait3A_775 = tpu.memref_slice %arg5[%add3A_566] : memref<1048576xf32, #tpu.memory_space<hbm>> -> memref<256xf32, #tpu.memory_space<hbm>>
      %dma_wait3A_776 = tpu.memref_slice %arg5[%add3A_566] : memref<1048576xf32, #tpu.memory_space<hbm>> -> memref<256xf32, #tpu.memory_space<hbm>>
      %dma_wait3A_777 = arith.constant 1536 : i32
      %dma_wait3A_778 = tpu.memref_slice %arg11[%dma_wait3A_777] : memref<8192xf32, #tpu.memory_space<vmem>> -> memref<256xf32, #tpu.memory_space<vmem>>
      tpu.wait_dma2 semaphore(%run_scoped3A : memref<!tpu.dma_semaphore, #tpu.memory_space<semaphore_mem>>) src(%dma_wait3A_778 : memref<256xf32, #tpu.memory_space<vmem>>) dst(%dma_wait3A_776 : memref<256xf32, #tpu.memory_space<hbm>>)
      tpu.yield
    }) : () -> ()
    %add3A_567 = arith.constant 114688 : i32
    %add3A_568 = arith.addi %add3A_567, %mul3A_2 : i32
    %add3A_569 = arith.constant 256 : i32
    %add3A_570 = arith.addi %add3A_568, %add3A_569 : i32
    "tpu.region"() ({
      %run_scoped3A = tpu.sem_alloc : memref<!tpu.dma_semaphore, #tpu.memory_space<semaphore_mem>>
      %dma_start3A_767 = arith.constant 1792 : i32
      %dma_start3A_768 = tpu.memref_slice %arg10[%dma_start3A_767] : memref<8192xf32, #tpu.memory_space<vmem>> -> memref<256xf32, #tpu.memory_space<vmem>>
      %dma_start3A_769 = tpu.memref_slice %arg5[%add3A_570] : memref<1048576xf32, #tpu.memory_space<hbm>> -> memref<256xf32, #tpu.memory_space<hbm>>
      %dma_start3A_770 = tpu.memref_slice %arg5[%add3A_570] : memref<1048576xf32, #tpu.memory_space<hbm>> -> memref<256xf32, #tpu.memory_space<hbm>>
      %dma_start3A_771 = arith.constant 1792 : i32
      %dma_start3A_772 = tpu.memref_slice %arg10[%dma_start3A_771] : memref<8192xf32, #tpu.memory_space<vmem>> -> memref<256xf32, #tpu.memory_space<vmem>>
      tpu.enqueue_dma source(%dma_start3A_772 : memref<256xf32, #tpu.memory_space<vmem>>) target(%dma_start3A_770 : memref<256xf32, #tpu.memory_space<hbm>>) target_semaphore(%run_scoped3A : memref<!tpu.dma_semaphore, #tpu.memory_space<semaphore_mem>>)
      %dma_wait3A_773 = arith.constant 1792 : i32
      %dma_wait3A_774 = tpu.memref_slice %arg10[%dma_wait3A_773] : memref<8192xf32, #tpu.memory_space<vmem>> -> memref<256xf32, #tpu.memory_space<vmem>>
      %dma_wait3A_775 = tpu.memref_slice %arg5[%add3A_570] : memref<1048576xf32, #tpu.memory_space<hbm>> -> memref<256xf32, #tpu.memory_space<hbm>>
      %dma_wait3A_776 = tpu.memref_slice %arg5[%add3A_570] : memref<1048576xf32, #tpu.memory_space<hbm>> -> memref<256xf32, #tpu.memory_space<hbm>>
      %dma_wait3A_777 = arith.constant 1792 : i32
      %dma_wait3A_778 = tpu.memref_slice %arg10[%dma_wait3A_777] : memref<8192xf32, #tpu.memory_space<vmem>> -> memref<256xf32, #tpu.memory_space<vmem>>
      tpu.wait_dma2 semaphore(%run_scoped3A : memref<!tpu.dma_semaphore, #tpu.memory_space<semaphore_mem>>) src(%dma_wait3A_778 : memref<256xf32, #tpu.memory_space<vmem>>) dst(%dma_wait3A_776 : memref<256xf32, #tpu.memory_space<hbm>>)
      tpu.yield
    }) : () -> ()
    %add3A_571 = arith.constant 638976 : i32
    %add3A_572 = arith.addi %add3A_571, %mul3A_2 : i32
    %add3A_573 = arith.constant 256 : i32
    %add3A_574 = arith.addi %add3A_572, %add3A_573 : i32
    "tpu.region"() ({
      %run_scoped3A = tpu.sem_alloc : memref<!tpu.dma_semaphore, #tpu.memory_space<semaphore_mem>>
      %dma_start3A_767 = arith.constant 1792 : i32
      %dma_start3A_768 = tpu.memref_slice %arg11[%dma_start3A_767] : memref<8192xf32, #tpu.memory_space<vmem>> -> memref<256xf32, #tpu.memory_space<vmem>>
      %dma_start3A_769 = tpu.memref_slice %arg5[%add3A_574] : memref<1048576xf32, #tpu.memory_space<hbm>> -> memref<256xf32, #tpu.memory_space<hbm>>
      %dma_start3A_770 = tpu.memref_slice %arg5[%add3A_574] : memref<1048576xf32, #tpu.memory_space<hbm>> -> memref<256xf32, #tpu.memory_space<hbm>>
      %dma_start3A_771 = arith.constant 1792 : i32
      %dma_start3A_772 = tpu.memref_slice %arg11[%dma_start3A_771] : memref<8192xf32, #tpu.memory_space<vmem>> -> memref<256xf32, #tpu.memory_space<vmem>>
      tpu.enqueue_dma source(%dma_start3A_772 : memref<256xf32, #tpu.memory_space<vmem>>) target(%dma_start3A_770 : memref<256xf32, #tpu.memory_space<hbm>>) target_semaphore(%run_scoped3A : memref<!tpu.dma_semaphore, #tpu.memory_space<semaphore_mem>>)
      %dma_wait3A_773 = arith.constant 1792 : i32
      %dma_wait3A_774 = tpu.memref_slice %arg11[%dma_wait3A_773] : memref<8192xf32, #tpu.memory_space<vmem>> -> memref<256xf32, #tpu.memory_space<vmem>>
      %dma_wait3A_775 = tpu.memref_slice %arg5[%add3A_574] : memref<1048576xf32, #tpu.memory_space<hbm>> -> memref<256xf32, #tpu.memory_space<hbm>>
      %dma_wait3A_776 = tpu.memref_slice %arg5[%add3A_574] : memref<1048576xf32, #tpu.memory_space<hbm>> -> memref<256xf32, #tpu.memory_space<hbm>>
      %dma_wait3A_777 = arith.constant 1792 : i32
      %dma_wait3A_778 = tpu.memref_slice %arg11[%dma_wait3A_777] : memref<8192xf32, #tpu.memory_space<vmem>> -> memref<256xf32, #tpu.memory_space<vmem>>
      tpu.wait_dma2 semaphore(%run_scoped3A : memref<!tpu.dma_semaphore, #tpu.memory_space<semaphore_mem>>) src(%dma_wait3A_778 : memref<256xf32, #tpu.memory_space<vmem>>) dst(%dma_wait3A_776 : memref<256xf32, #tpu.memory_space<hbm>>)
      tpu.yield
    }) : () -> ()
    %add3A_575 = arith.constant 131072 : i32
    %add3A_576 = arith.addi %add3A_575, %mul3A_2 : i32
    %add3A_577 = arith.constant 256 : i32
    %add3A_578 = arith.addi %add3A_576, %add3A_577 : i32
    "tpu.region"() ({
      %run_scoped3A = tpu.sem_alloc : memref<!tpu.dma_semaphore, #tpu.memory_space<semaphore_mem>>
      %dma_start3A_767 = arith.constant 2048 : i32
      %dma_start3A_768 = tpu.memref_slice %arg10[%dma_start3A_767] : memref<8192xf32, #tpu.memory_space<vmem>> -> memref<256xf32, #tpu.memory_space<vmem>>
      %dma_start3A_769 = tpu.memref_slice %arg5[%add3A_578] : memref<1048576xf32, #tpu.memory_space<hbm>> -> memref<256xf32, #tpu.memory_space<hbm>>
      %dma_start3A_770 = tpu.memref_slice %arg5[%add3A_578] : memref<1048576xf32, #tpu.memory_space<hbm>> -> memref<256xf32, #tpu.memory_space<hbm>>
      %dma_start3A_771 = arith.constant 2048 : i32
      %dma_start3A_772 = tpu.memref_slice %arg10[%dma_start3A_771] : memref<8192xf32, #tpu.memory_space<vmem>> -> memref<256xf32, #tpu.memory_space<vmem>>
      tpu.enqueue_dma source(%dma_start3A_772 : memref<256xf32, #tpu.memory_space<vmem>>) target(%dma_start3A_770 : memref<256xf32, #tpu.memory_space<hbm>>) target_semaphore(%run_scoped3A : memref<!tpu.dma_semaphore, #tpu.memory_space<semaphore_mem>>)
      %dma_wait3A_773 = arith.constant 2048 : i32
      %dma_wait3A_774 = tpu.memref_slice %arg10[%dma_wait3A_773] : memref<8192xf32, #tpu.memory_space<vmem>> -> memref<256xf32, #tpu.memory_space<vmem>>
      %dma_wait3A_775 = tpu.memref_slice %arg5[%add3A_578] : memref<1048576xf32, #tpu.memory_space<hbm>> -> memref<256xf32, #tpu.memory_space<hbm>>
      %dma_wait3A_776 = tpu.memref_slice %arg5[%add3A_578] : memref<1048576xf32, #tpu.memory_space<hbm>> -> memref<256xf32, #tpu.memory_space<hbm>>
      %dma_wait3A_777 = arith.constant 2048 : i32
      %dma_wait3A_778 = tpu.memref_slice %arg10[%dma_wait3A_777] : memref<8192xf32, #tpu.memory_space<vmem>> -> memref<256xf32, #tpu.memory_space<vmem>>
      tpu.wait_dma2 semaphore(%run_scoped3A : memref<!tpu.dma_semaphore, #tpu.memory_space<semaphore_mem>>) src(%dma_wait3A_778 : memref<256xf32, #tpu.memory_space<vmem>>) dst(%dma_wait3A_776 : memref<256xf32, #tpu.memory_space<hbm>>)
      tpu.yield
    }) : () -> ()
    %add3A_579 = arith.constant 655360 : i32
    %add3A_580 = arith.addi %add3A_579, %mul3A_2 : i32
    %add3A_581 = arith.constant 256 : i32
    %add3A_582 = arith.addi %add3A_580, %add3A_581 : i32
    "tpu.region"() ({
      %run_scoped3A = tpu.sem_alloc : memref<!tpu.dma_semaphore, #tpu.memory_space<semaphore_mem>>
      %dma_start3A_767 = arith.constant 2048 : i32
      %dma_start3A_768 = tpu.memref_slice %arg11[%dma_start3A_767] : memref<8192xf32, #tpu.memory_space<vmem>> -> memref<256xf32, #tpu.memory_space<vmem>>
      %dma_start3A_769 = tpu.memref_slice %arg5[%add3A_582] : memref<1048576xf32, #tpu.memory_space<hbm>> -> memref<256xf32, #tpu.memory_space<hbm>>
      %dma_start3A_770 = tpu.memref_slice %arg5[%add3A_582] : memref<1048576xf32, #tpu.memory_space<hbm>> -> memref<256xf32, #tpu.memory_space<hbm>>
      %dma_start3A_771 = arith.constant 2048 : i32
      %dma_start3A_772 = tpu.memref_slice %arg11[%dma_start3A_771] : memref<8192xf32, #tpu.memory_space<vmem>> -> memref<256xf32, #tpu.memory_space<vmem>>
      tpu.enqueue_dma source(%dma_start3A_772 : memref<256xf32, #tpu.memory_space<vmem>>) target(%dma_start3A_770 : memref<256xf32, #tpu.memory_space<hbm>>) target_semaphore(%run_scoped3A : memref<!tpu.dma_semaphore, #tpu.memory_space<semaphore_mem>>)
      %dma_wait3A_773 = arith.constant 2048 : i32
      %dma_wait3A_774 = tpu.memref_slice %arg11[%dma_wait3A_773] : memref<8192xf32, #tpu.memory_space<vmem>> -> memref<256xf32, #tpu.memory_space<vmem>>
      %dma_wait3A_775 = tpu.memref_slice %arg5[%add3A_582] : memref<1048576xf32, #tpu.memory_space<hbm>> -> memref<256xf32, #tpu.memory_space<hbm>>
      %dma_wait3A_776 = tpu.memref_slice %arg5[%add3A_582] : memref<1048576xf32, #tpu.memory_space<hbm>> -> memref<256xf32, #tpu.memory_space<hbm>>
      %dma_wait3A_777 = arith.constant 2048 : i32
      %dma_wait3A_778 = tpu.memref_slice %arg11[%dma_wait3A_777] : memref<8192xf32, #tpu.memory_space<vmem>> -> memref<256xf32, #tpu.memory_space<vmem>>
      tpu.wait_dma2 semaphore(%run_scoped3A : memref<!tpu.dma_semaphore, #tpu.memory_space<semaphore_mem>>) src(%dma_wait3A_778 : memref<256xf32, #tpu.memory_space<vmem>>) dst(%dma_wait3A_776 : memref<256xf32, #tpu.memory_space<hbm>>)
      tpu.yield
    }) : () -> ()
    %add3A_583 = arith.constant 147456 : i32
    %add3A_584 = arith.addi %add3A_583, %mul3A_2 : i32
    %add3A_585 = arith.constant 256 : i32
    %add3A_586 = arith.addi %add3A_584, %add3A_585 : i32
    "tpu.region"() ({
      %run_scoped3A = tpu.sem_alloc : memref<!tpu.dma_semaphore, #tpu.memory_space<semaphore_mem>>
      %dma_start3A_767 = arith.constant 2304 : i32
      %dma_start3A_768 = tpu.memref_slice %arg10[%dma_start3A_767] : memref<8192xf32, #tpu.memory_space<vmem>> -> memref<256xf32, #tpu.memory_space<vmem>>
      %dma_start3A_769 = tpu.memref_slice %arg5[%add3A_586] : memref<1048576xf32, #tpu.memory_space<hbm>> -> memref<256xf32, #tpu.memory_space<hbm>>
      %dma_start3A_770 = tpu.memref_slice %arg5[%add3A_586] : memref<1048576xf32, #tpu.memory_space<hbm>> -> memref<256xf32, #tpu.memory_space<hbm>>
      %dma_start3A_771 = arith.constant 2304 : i32
      %dma_start3A_772 = tpu.memref_slice %arg10[%dma_start3A_771] : memref<8192xf32, #tpu.memory_space<vmem>> -> memref<256xf32, #tpu.memory_space<vmem>>
      tpu.enqueue_dma source(%dma_start3A_772 : memref<256xf32, #tpu.memory_space<vmem>>) target(%dma_start3A_770 : memref<256xf32, #tpu.memory_space<hbm>>) target_semaphore(%run_scoped3A : memref<!tpu.dma_semaphore, #tpu.memory_space<semaphore_mem>>)
      %dma_wait3A_773 = arith.constant 2304 : i32
      %dma_wait3A_774 = tpu.memref_slice %arg10[%dma_wait3A_773] : memref<8192xf32, #tpu.memory_space<vmem>> -> memref<256xf32, #tpu.memory_space<vmem>>
      %dma_wait3A_775 = tpu.memref_slice %arg5[%add3A_586] : memref<1048576xf32, #tpu.memory_space<hbm>> -> memref<256xf32, #tpu.memory_space<hbm>>
      %dma_wait3A_776 = tpu.memref_slice %arg5[%add3A_586] : memref<1048576xf32, #tpu.memory_space<hbm>> -> memref<256xf32, #tpu.memory_space<hbm>>
      %dma_wait3A_777 = arith.constant 2304 : i32
      %dma_wait3A_778 = tpu.memref_slice %arg10[%dma_wait3A_777] : memref<8192xf32, #tpu.memory_space<vmem>> -> memref<256xf32, #tpu.memory_space<vmem>>
      tpu.wait_dma2 semaphore(%run_scoped3A : memref<!tpu.dma_semaphore, #tpu.memory_space<semaphore_mem>>) src(%dma_wait3A_778 : memref<256xf32, #tpu.memory_space<vmem>>) dst(%dma_wait3A_776 : memref<256xf32, #tpu.memory_space<hbm>>)
      tpu.yield
    }) : () -> ()
    %add3A_587 = arith.constant 671744 : i32
    %add3A_588 = arith.addi %add3A_587, %mul3A_2 : i32
    %add3A_589 = arith.constant 256 : i32
    %add3A_590 = arith.addi %add3A_588, %add3A_589 : i32
    "tpu.region"() ({
      %run_scoped3A = tpu.sem_alloc : memref<!tpu.dma_semaphore, #tpu.memory_space<semaphore_mem>>
      %dma_start3A_767 = arith.constant 2304 : i32
      %dma_start3A_768 = tpu.memref_slice %arg11[%dma_start3A_767] : memref<8192xf32, #tpu.memory_space<vmem>> -> memref<256xf32, #tpu.memory_space<vmem>>
      %dma_start3A_769 = tpu.memref_slice %arg5[%add3A_590] : memref<1048576xf32, #tpu.memory_space<hbm>> -> memref<256xf32, #tpu.memory_space<hbm>>
      %dma_start3A_770 = tpu.memref_slice %arg5[%add3A_590] : memref<1048576xf32, #tpu.memory_space<hbm>> -> memref<256xf32, #tpu.memory_space<hbm>>
      %dma_start3A_771 = arith.constant 2304 : i32
      %dma_start3A_772 = tpu.memref_slice %arg11[%dma_start3A_771] : memref<8192xf32, #tpu.memory_space<vmem>> -> memref<256xf32, #tpu.memory_space<vmem>>
      tpu.enqueue_dma source(%dma_start3A_772 : memref<256xf32, #tpu.memory_space<vmem>>) target(%dma_start3A_770 : memref<256xf32, #tpu.memory_space<hbm>>) target_semaphore(%run_scoped3A : memref<!tpu.dma_semaphore, #tpu.memory_space<semaphore_mem>>)
      %dma_wait3A_773 = arith.constant 2304 : i32
      %dma_wait3A_774 = tpu.memref_slice %arg11[%dma_wait3A_773] : memref<8192xf32, #tpu.memory_space<vmem>> -> memref<256xf32, #tpu.memory_space<vmem>>
      %dma_wait3A_775 = tpu.memref_slice %arg5[%add3A_590] : memref<1048576xf32, #tpu.memory_space<hbm>> -> memref<256xf32, #tpu.memory_space<hbm>>
      %dma_wait3A_776 = tpu.memref_slice %arg5[%add3A_590] : memref<1048576xf32, #tpu.memory_space<hbm>> -> memref<256xf32, #tpu.memory_space<hbm>>
      %dma_wait3A_777 = arith.constant 2304 : i32
      %dma_wait3A_778 = tpu.memref_slice %arg11[%dma_wait3A_777] : memref<8192xf32, #tpu.memory_space<vmem>> -> memref<256xf32, #tpu.memory_space<vmem>>
      tpu.wait_dma2 semaphore(%run_scoped3A : memref<!tpu.dma_semaphore, #tpu.memory_space<semaphore_mem>>) src(%dma_wait3A_778 : memref<256xf32, #tpu.memory_space<vmem>>) dst(%dma_wait3A_776 : memref<256xf32, #tpu.memory_space<hbm>>)
      tpu.yield
    }) : () -> ()
    %add3A_591 = arith.constant 163840 : i32
    %add3A_592 = arith.addi %add3A_591, %mul3A_2 : i32
    %add3A_593 = arith.constant 256 : i32
    %add3A_594 = arith.addi %add3A_592, %add3A_593 : i32
    "tpu.region"() ({
      %run_scoped3A = tpu.sem_alloc : memref<!tpu.dma_semaphore, #tpu.memory_space<semaphore_mem>>
      %dma_start3A_767 = arith.constant 2560 : i32
      %dma_start3A_768 = tpu.memref_slice %arg10[%dma_start3A_767] : memref<8192xf32, #tpu.memory_space<vmem>> -> memref<256xf32, #tpu.memory_space<vmem>>
      %dma_start3A_769 = tpu.memref_slice %arg5[%add3A_594] : memref<1048576xf32, #tpu.memory_space<hbm>> -> memref<256xf32, #tpu.memory_space<hbm>>
      %dma_start3A_770 = tpu.memref_slice %arg5[%add3A_594] : memref<1048576xf32, #tpu.memory_space<hbm>> -> memref<256xf32, #tpu.memory_space<hbm>>
      %dma_start3A_771 = arith.constant 2560 : i32
      %dma_start3A_772 = tpu.memref_slice %arg10[%dma_start3A_771] : memref<8192xf32, #tpu.memory_space<vmem>> -> memref<256xf32, #tpu.memory_space<vmem>>
      tpu.enqueue_dma source(%dma_start3A_772 : memref<256xf32, #tpu.memory_space<vmem>>) target(%dma_start3A_770 : memref<256xf32, #tpu.memory_space<hbm>>) target_semaphore(%run_scoped3A : memref<!tpu.dma_semaphore, #tpu.memory_space<semaphore_mem>>)
      %dma_wait3A_773 = arith.constant 2560 : i32
      %dma_wait3A_774 = tpu.memref_slice %arg10[%dma_wait3A_773] : memref<8192xf32, #tpu.memory_space<vmem>> -> memref<256xf32, #tpu.memory_space<vmem>>
      %dma_wait3A_775 = tpu.memref_slice %arg5[%add3A_594] : memref<1048576xf32, #tpu.memory_space<hbm>> -> memref<256xf32, #tpu.memory_space<hbm>>
      %dma_wait3A_776 = tpu.memref_slice %arg5[%add3A_594] : memref<1048576xf32, #tpu.memory_space<hbm>> -> memref<256xf32, #tpu.memory_space<hbm>>
      %dma_wait3A_777 = arith.constant 2560 : i32
      %dma_wait3A_778 = tpu.memref_slice %arg10[%dma_wait3A_777] : memref<8192xf32, #tpu.memory_space<vmem>> -> memref<256xf32, #tpu.memory_space<vmem>>
      tpu.wait_dma2 semaphore(%run_scoped3A : memref<!tpu.dma_semaphore, #tpu.memory_space<semaphore_mem>>) src(%dma_wait3A_778 : memref<256xf32, #tpu.memory_space<vmem>>) dst(%dma_wait3A_776 : memref<256xf32, #tpu.memory_space<hbm>>)
      tpu.yield
    }) : () -> ()
    %add3A_595 = arith.constant 688128 : i32
    %add3A_596 = arith.addi %add3A_595, %mul3A_2 : i32
    %add3A_597 = arith.constant 256 : i32
    %add3A_598 = arith.addi %add3A_596, %add3A_597 : i32
    "tpu.region"() ({
      %run_scoped3A = tpu.sem_alloc : memref<!tpu.dma_semaphore, #tpu.memory_space<semaphore_mem>>
      %dma_start3A_767 = arith.constant 2560 : i32
      %dma_start3A_768 = tpu.memref_slice %arg11[%dma_start3A_767] : memref<8192xf32, #tpu.memory_space<vmem>> -> memref<256xf32, #tpu.memory_space<vmem>>
      %dma_start3A_769 = tpu.memref_slice %arg5[%add3A_598] : memref<1048576xf32, #tpu.memory_space<hbm>> -> memref<256xf32, #tpu.memory_space<hbm>>
      %dma_start3A_770 = tpu.memref_slice %arg5[%add3A_598] : memref<1048576xf32, #tpu.memory_space<hbm>> -> memref<256xf32, #tpu.memory_space<hbm>>
      %dma_start3A_771 = arith.constant 2560 : i32
      %dma_start3A_772 = tpu.memref_slice %arg11[%dma_start3A_771] : memref<8192xf32, #tpu.memory_space<vmem>> -> memref<256xf32, #tpu.memory_space<vmem>>
      tpu.enqueue_dma source(%dma_start3A_772 : memref<256xf32, #tpu.memory_space<vmem>>) target(%dma_start3A_770 : memref<256xf32, #tpu.memory_space<hbm>>) target_semaphore(%run_scoped3A : memref<!tpu.dma_semaphore, #tpu.memory_space<semaphore_mem>>)
      %dma_wait3A_773 = arith.constant 2560 : i32
      %dma_wait3A_774 = tpu.memref_slice %arg11[%dma_wait3A_773] : memref<8192xf32, #tpu.memory_space<vmem>> -> memref<256xf32, #tpu.memory_space<vmem>>
      %dma_wait3A_775 = tpu.memref_slice %arg5[%add3A_598] : memref<1048576xf32, #tpu.memory_space<hbm>> -> memref<256xf32, #tpu.memory_space<hbm>>
      %dma_wait3A_776 = tpu.memref_slice %arg5[%add3A_598] : memref<1048576xf32, #tpu.memory_space<hbm>> -> memref<256xf32, #tpu.memory_space<hbm>>
      %dma_wait3A_777 = arith.constant 2560 : i32
      %dma_wait3A_778 = tpu.memref_slice %arg11[%dma_wait3A_777] : memref<8192xf32, #tpu.memory_space<vmem>> -> memref<256xf32, #tpu.memory_space<vmem>>
      tpu.wait_dma2 semaphore(%run_scoped3A : memref<!tpu.dma_semaphore, #tpu.memory_space<semaphore_mem>>) src(%dma_wait3A_778 : memref<256xf32, #tpu.memory_space<vmem>>) dst(%dma_wait3A_776 : memref<256xf32, #tpu.memory_space<hbm>>)
      tpu.yield
    }) : () -> ()
    %add3A_599 = arith.constant 180224 : i32
    %add3A_600 = arith.addi %add3A_599, %mul3A_2 : i32
    %add3A_601 = arith.constant 256 : i32
    %add3A_602 = arith.addi %add3A_600, %add3A_601 : i32
    "tpu.region"() ({
      %run_scoped3A = tpu.sem_alloc : memref<!tpu.dma_semaphore, #tpu.memory_space<semaphore_mem>>
      %dma_start3A_767 = arith.constant 2816 : i32
      %dma_start3A_768 = tpu.memref_slice %arg10[%dma_start3A_767] : memref<8192xf32, #tpu.memory_space<vmem>> -> memref<256xf32, #tpu.memory_space<vmem>>
      %dma_start3A_769 = tpu.memref_slice %arg5[%add3A_602] : memref<1048576xf32, #tpu.memory_space<hbm>> -> memref<256xf32, #tpu.memory_space<hbm>>
      %dma_start3A_770 = tpu.memref_slice %arg5[%add3A_602] : memref<1048576xf32, #tpu.memory_space<hbm>> -> memref<256xf32, #tpu.memory_space<hbm>>
      %dma_start3A_771 = arith.constant 2816 : i32
      %dma_start3A_772 = tpu.memref_slice %arg10[%dma_start3A_771] : memref<8192xf32, #tpu.memory_space<vmem>> -> memref<256xf32, #tpu.memory_space<vmem>>
      tpu.enqueue_dma source(%dma_start3A_772 : memref<256xf32, #tpu.memory_space<vmem>>) target(%dma_start3A_770 : memref<256xf32, #tpu.memory_space<hbm>>) target_semaphore(%run_scoped3A : memref<!tpu.dma_semaphore, #tpu.memory_space<semaphore_mem>>)
      %dma_wait3A_773 = arith.constant 2816 : i32
      %dma_wait3A_774 = tpu.memref_slice %arg10[%dma_wait3A_773] : memref<8192xf32, #tpu.memory_space<vmem>> -> memref<256xf32, #tpu.memory_space<vmem>>
      %dma_wait3A_775 = tpu.memref_slice %arg5[%add3A_602] : memref<1048576xf32, #tpu.memory_space<hbm>> -> memref<256xf32, #tpu.memory_space<hbm>>
      %dma_wait3A_776 = tpu.memref_slice %arg5[%add3A_602] : memref<1048576xf32, #tpu.memory_space<hbm>> -> memref<256xf32, #tpu.memory_space<hbm>>
      %dma_wait3A_777 = arith.constant 2816 : i32
      %dma_wait3A_778 = tpu.memref_slice %arg10[%dma_wait3A_777] : memref<8192xf32, #tpu.memory_space<vmem>> -> memref<256xf32, #tpu.memory_space<vmem>>
      tpu.wait_dma2 semaphore(%run_scoped3A : memref<!tpu.dma_semaphore, #tpu.memory_space<semaphore_mem>>) src(%dma_wait3A_778 : memref<256xf32, #tpu.memory_space<vmem>>) dst(%dma_wait3A_776 : memref<256xf32, #tpu.memory_space<hbm>>)
      tpu.yield
    }) : () -> ()
    %add3A_603 = arith.constant 704512 : i32
    %add3A_604 = arith.addi %add3A_603, %mul3A_2 : i32
    %add3A_605 = arith.constant 256 : i32
    %add3A_606 = arith.addi %add3A_604, %add3A_605 : i32
    "tpu.region"() ({
      %run_scoped3A = tpu.sem_alloc : memref<!tpu.dma_semaphore, #tpu.memory_space<semaphore_mem>>
      %dma_start3A_767 = arith.constant 2816 : i32
      %dma_start3A_768 = tpu.memref_slice %arg11[%dma_start3A_767] : memref<8192xf32, #tpu.memory_space<vmem>> -> memref<256xf32, #tpu.memory_space<vmem>>
      %dma_start3A_769 = tpu.memref_slice %arg5[%add3A_606] : memref<1048576xf32, #tpu.memory_space<hbm>> -> memref<256xf32, #tpu.memory_space<hbm>>
      %dma_start3A_770 = tpu.memref_slice %arg5[%add3A_606] : memref<1048576xf32, #tpu.memory_space<hbm>> -> memref<256xf32, #tpu.memory_space<hbm>>
      %dma_start3A_771 = arith.constant 2816 : i32
      %dma_start3A_772 = tpu.memref_slice %arg11[%dma_start3A_771] : memref<8192xf32, #tpu.memory_space<vmem>> -> memref<256xf32, #tpu.memory_space<vmem>>
      tpu.enqueue_dma source(%dma_start3A_772 : memref<256xf32, #tpu.memory_space<vmem>>) target(%dma_start3A_770 : memref<256xf32, #tpu.memory_space<hbm>>) target_semaphore(%run_scoped3A : memref<!tpu.dma_semaphore, #tpu.memory_space<semaphore_mem>>)
      %dma_wait3A_773 = arith.constant 2816 : i32
      %dma_wait3A_774 = tpu.memref_slice %arg11[%dma_wait3A_773] : memref<8192xf32, #tpu.memory_space<vmem>> -> memref<256xf32, #tpu.memory_space<vmem>>
      %dma_wait3A_775 = tpu.memref_slice %arg5[%add3A_606] : memref<1048576xf32, #tpu.memory_space<hbm>> -> memref<256xf32, #tpu.memory_space<hbm>>
      %dma_wait3A_776 = tpu.memref_slice %arg5[%add3A_606] : memref<1048576xf32, #tpu.memory_space<hbm>> -> memref<256xf32, #tpu.memory_space<hbm>>
      %dma_wait3A_777 = arith.constant 2816 : i32
      %dma_wait3A_778 = tpu.memref_slice %arg11[%dma_wait3A_777] : memref<8192xf32, #tpu.memory_space<vmem>> -> memref<256xf32, #tpu.memory_space<vmem>>
      tpu.wait_dma2 semaphore(%run_scoped3A : memref<!tpu.dma_semaphore, #tpu.memory_space<semaphore_mem>>) src(%dma_wait3A_778 : memref<256xf32, #tpu.memory_space<vmem>>) dst(%dma_wait3A_776 : memref<256xf32, #tpu.memory_space<hbm>>)
      tpu.yield
    }) : () -> ()
    %add3A_607 = arith.constant 196608 : i32
    %add3A_608 = arith.addi %add3A_607, %mul3A_2 : i32
    %add3A_609 = arith.constant 256 : i32
    %add3A_610 = arith.addi %add3A_608, %add3A_609 : i32
    "tpu.region"() ({
      %run_scoped3A = tpu.sem_alloc : memref<!tpu.dma_semaphore, #tpu.memory_space<semaphore_mem>>
      %dma_start3A_767 = arith.constant 3072 : i32
      %dma_start3A_768 = tpu.memref_slice %arg10[%dma_start3A_767] : memref<8192xf32, #tpu.memory_space<vmem>> -> memref<256xf32, #tpu.memory_space<vmem>>
      %dma_start3A_769 = tpu.memref_slice %arg5[%add3A_610] : memref<1048576xf32, #tpu.memory_space<hbm>> -> memref<256xf32, #tpu.memory_space<hbm>>
      %dma_start3A_770 = tpu.memref_slice %arg5[%add3A_610] : memref<1048576xf32, #tpu.memory_space<hbm>> -> memref<256xf32, #tpu.memory_space<hbm>>
      %dma_start3A_771 = arith.constant 3072 : i32
      %dma_start3A_772 = tpu.memref_slice %arg10[%dma_start3A_771] : memref<8192xf32, #tpu.memory_space<vmem>> -> memref<256xf32, #tpu.memory_space<vmem>>
      tpu.enqueue_dma source(%dma_start3A_772 : memref<256xf32, #tpu.memory_space<vmem>>) target(%dma_start3A_770 : memref<256xf32, #tpu.memory_space<hbm>>) target_semaphore(%run_scoped3A : memref<!tpu.dma_semaphore, #tpu.memory_space<semaphore_mem>>)
      %dma_wait3A_773 = arith.constant 3072 : i32
      %dma_wait3A_774 = tpu.memref_slice %arg10[%dma_wait3A_773] : memref<8192xf32, #tpu.memory_space<vmem>> -> memref<256xf32, #tpu.memory_space<vmem>>
      %dma_wait3A_775 = tpu.memref_slice %arg5[%add3A_610] : memref<1048576xf32, #tpu.memory_space<hbm>> -> memref<256xf32, #tpu.memory_space<hbm>>
      %dma_wait3A_776 = tpu.memref_slice %arg5[%add3A_610] : memref<1048576xf32, #tpu.memory_space<hbm>> -> memref<256xf32, #tpu.memory_space<hbm>>
      %dma_wait3A_777 = arith.constant 3072 : i32
      %dma_wait3A_778 = tpu.memref_slice %arg10[%dma_wait3A_777] : memref<8192xf32, #tpu.memory_space<vmem>> -> memref<256xf32, #tpu.memory_space<vmem>>
      tpu.wait_dma2 semaphore(%run_scoped3A : memref<!tpu.dma_semaphore, #tpu.memory_space<semaphore_mem>>) src(%dma_wait3A_778 : memref<256xf32, #tpu.memory_space<vmem>>) dst(%dma_wait3A_776 : memref<256xf32, #tpu.memory_space<hbm>>)
      tpu.yield
    }) : () -> ()
    %add3A_611 = arith.constant 720896 : i32
    %add3A_612 = arith.addi %add3A_611, %mul3A_2 : i32
    %add3A_613 = arith.constant 256 : i32
    %add3A_614 = arith.addi %add3A_612, %add3A_613 : i32
    "tpu.region"() ({
      %run_scoped3A = tpu.sem_alloc : memref<!tpu.dma_semaphore, #tpu.memory_space<semaphore_mem>>
      %dma_start3A_767 = arith.constant 3072 : i32
      %dma_start3A_768 = tpu.memref_slice %arg11[%dma_start3A_767] : memref<8192xf32, #tpu.memory_space<vmem>> -> memref<256xf32, #tpu.memory_space<vmem>>
      %dma_start3A_769 = tpu.memref_slice %arg5[%add3A_614] : memref<1048576xf32, #tpu.memory_space<hbm>> -> memref<256xf32, #tpu.memory_space<hbm>>
      %dma_start3A_770 = tpu.memref_slice %arg5[%add3A_614] : memref<1048576xf32, #tpu.memory_space<hbm>> -> memref<256xf32, #tpu.memory_space<hbm>>
      %dma_start3A_771 = arith.constant 3072 : i32
      %dma_start3A_772 = tpu.memref_slice %arg11[%dma_start3A_771] : memref<8192xf32, #tpu.memory_space<vmem>> -> memref<256xf32, #tpu.memory_space<vmem>>
      tpu.enqueue_dma source(%dma_start3A_772 : memref<256xf32, #tpu.memory_space<vmem>>) target(%dma_start3A_770 : memref<256xf32, #tpu.memory_space<hbm>>) target_semaphore(%run_scoped3A : memref<!tpu.dma_semaphore, #tpu.memory_space<semaphore_mem>>)
      %dma_wait3A_773 = arith.constant 3072 : i32
      %dma_wait3A_774 = tpu.memref_slice %arg11[%dma_wait3A_773] : memref<8192xf32, #tpu.memory_space<vmem>> -> memref<256xf32, #tpu.memory_space<vmem>>
      %dma_wait3A_775 = tpu.memref_slice %arg5[%add3A_614] : memref<1048576xf32, #tpu.memory_space<hbm>> -> memref<256xf32, #tpu.memory_space<hbm>>
      %dma_wait3A_776 = tpu.memref_slice %arg5[%add3A_614] : memref<1048576xf32, #tpu.memory_space<hbm>> -> memref<256xf32, #tpu.memory_space<hbm>>
      %dma_wait3A_777 = arith.constant 3072 : i32
      %dma_wait3A_778 = tpu.memref_slice %arg11[%dma_wait3A_777] : memref<8192xf32, #tpu.memory_space<vmem>> -> memref<256xf32, #tpu.memory_space<vmem>>
      tpu.wait_dma2 semaphore(%run_scoped3A : memref<!tpu.dma_semaphore, #tpu.memory_space<semaphore_mem>>) src(%dma_wait3A_778 : memref<256xf32, #tpu.memory_space<vmem>>) dst(%dma_wait3A_776 : memref<256xf32, #tpu.memory_space<hbm>>)
      tpu.yield
    }) : () -> ()
    %add3A_615 = arith.constant 212992 : i32
    %add3A_616 = arith.addi %add3A_615, %mul3A_2 : i32
    %add3A_617 = arith.constant 256 : i32
    %add3A_618 = arith.addi %add3A_616, %add3A_617 : i32
    "tpu.region"() ({
      %run_scoped3A = tpu.sem_alloc : memref<!tpu.dma_semaphore, #tpu.memory_space<semaphore_mem>>
      %dma_start3A_767 = arith.constant 3328 : i32
      %dma_start3A_768 = tpu.memref_slice %arg10[%dma_start3A_767] : memref<8192xf32, #tpu.memory_space<vmem>> -> memref<256xf32, #tpu.memory_space<vmem>>
      %dma_start3A_769 = tpu.memref_slice %arg5[%add3A_618] : memref<1048576xf32, #tpu.memory_space<hbm>> -> memref<256xf32, #tpu.memory_space<hbm>>
      %dma_start3A_770 = tpu.memref_slice %arg5[%add3A_618] : memref<1048576xf32, #tpu.memory_space<hbm>> -> memref<256xf32, #tpu.memory_space<hbm>>
      %dma_start3A_771 = arith.constant 3328 : i32
      %dma_start3A_772 = tpu.memref_slice %arg10[%dma_start3A_771] : memref<8192xf32, #tpu.memory_space<vmem>> -> memref<256xf32, #tpu.memory_space<vmem>>
      tpu.enqueue_dma source(%dma_start3A_772 : memref<256xf32, #tpu.memory_space<vmem>>) target(%dma_start3A_770 : memref<256xf32, #tpu.memory_space<hbm>>) target_semaphore(%run_scoped3A : memref<!tpu.dma_semaphore, #tpu.memory_space<semaphore_mem>>)
      %dma_wait3A_773 = arith.constant 3328 : i32
      %dma_wait3A_774 = tpu.memref_slice %arg10[%dma_wait3A_773] : memref<8192xf32, #tpu.memory_space<vmem>> -> memref<256xf32, #tpu.memory_space<vmem>>
      %dma_wait3A_775 = tpu.memref_slice %arg5[%add3A_618] : memref<1048576xf32, #tpu.memory_space<hbm>> -> memref<256xf32, #tpu.memory_space<hbm>>
      %dma_wait3A_776 = tpu.memref_slice %arg5[%add3A_618] : memref<1048576xf32, #tpu.memory_space<hbm>> -> memref<256xf32, #tpu.memory_space<hbm>>
      %dma_wait3A_777 = arith.constant 3328 : i32
      %dma_wait3A_778 = tpu.memref_slice %arg10[%dma_wait3A_777] : memref<8192xf32, #tpu.memory_space<vmem>> -> memref<256xf32, #tpu.memory_space<vmem>>
      tpu.wait_dma2 semaphore(%run_scoped3A : memref<!tpu.dma_semaphore, #tpu.memory_space<semaphore_mem>>) src(%dma_wait3A_778 : memref<256xf32, #tpu.memory_space<vmem>>) dst(%dma_wait3A_776 : memref<256xf32, #tpu.memory_space<hbm>>)
      tpu.yield
    }) : () -> ()
    %add3A_619 = arith.constant 737280 : i32
    %add3A_620 = arith.addi %add3A_619, %mul3A_2 : i32
    %add3A_621 = arith.constant 256 : i32
    %add3A_622 = arith.addi %add3A_620, %add3A_621 : i32
    "tpu.region"() ({
      %run_scoped3A = tpu.sem_alloc : memref<!tpu.dma_semaphore, #tpu.memory_space<semaphore_mem>>
      %dma_start3A_767 = arith.constant 3328 : i32
      %dma_start3A_768 = tpu.memref_slice %arg11[%dma_start3A_767] : memref<8192xf32, #tpu.memory_space<vmem>> -> memref<256xf32, #tpu.memory_space<vmem>>
      %dma_start3A_769 = tpu.memref_slice %arg5[%add3A_622] : memref<1048576xf32, #tpu.memory_space<hbm>> -> memref<256xf32, #tpu.memory_space<hbm>>
      %dma_start3A_770 = tpu.memref_slice %arg5[%add3A_622] : memref<1048576xf32, #tpu.memory_space<hbm>> -> memref<256xf32, #tpu.memory_space<hbm>>
      %dma_start3A_771 = arith.constant 3328 : i32
      %dma_start3A_772 = tpu.memref_slice %arg11[%dma_start3A_771] : memref<8192xf32, #tpu.memory_space<vmem>> -> memref<256xf32, #tpu.memory_space<vmem>>
      tpu.enqueue_dma source(%dma_start3A_772 : memref<256xf32, #tpu.memory_space<vmem>>) target(%dma_start3A_770 : memref<256xf32, #tpu.memory_space<hbm>>) target_semaphore(%run_scoped3A : memref<!tpu.dma_semaphore, #tpu.memory_space<semaphore_mem>>)
      %dma_wait3A_773 = arith.constant 3328 : i32
      %dma_wait3A_774 = tpu.memref_slice %arg11[%dma_wait3A_773] : memref<8192xf32, #tpu.memory_space<vmem>> -> memref<256xf32, #tpu.memory_space<vmem>>
      %dma_wait3A_775 = tpu.memref_slice %arg5[%add3A_622] : memref<1048576xf32, #tpu.memory_space<hbm>> -> memref<256xf32, #tpu.memory_space<hbm>>
      %dma_wait3A_776 = tpu.memref_slice %arg5[%add3A_622] : memref<1048576xf32, #tpu.memory_space<hbm>> -> memref<256xf32, #tpu.memory_space<hbm>>
      %dma_wait3A_777 = arith.constant 3328 : i32
      %dma_wait3A_778 = tpu.memref_slice %arg11[%dma_wait3A_777] : memref<8192xf32, #tpu.memory_space<vmem>> -> memref<256xf32, #tpu.memory_space<vmem>>
      tpu.wait_dma2 semaphore(%run_scoped3A : memref<!tpu.dma_semaphore, #tpu.memory_space<semaphore_mem>>) src(%dma_wait3A_778 : memref<256xf32, #tpu.memory_space<vmem>>) dst(%dma_wait3A_776 : memref<256xf32, #tpu.memory_space<hbm>>)
      tpu.yield
    }) : () -> ()
    %add3A_623 = arith.constant 229376 : i32
    %add3A_624 = arith.addi %add3A_623, %mul3A_2 : i32
    %add3A_625 = arith.constant 256 : i32
    %add3A_626 = arith.addi %add3A_624, %add3A_625 : i32
    "tpu.region"() ({
      %run_scoped3A = tpu.sem_alloc : memref<!tpu.dma_semaphore, #tpu.memory_space<semaphore_mem>>
      %dma_start3A_767 = arith.constant 3584 : i32
      %dma_start3A_768 = tpu.memref_slice %arg10[%dma_start3A_767] : memref<8192xf32, #tpu.memory_space<vmem>> -> memref<256xf32, #tpu.memory_space<vmem>>
      %dma_start3A_769 = tpu.memref_slice %arg5[%add3A_626] : memref<1048576xf32, #tpu.memory_space<hbm>> -> memref<256xf32, #tpu.memory_space<hbm>>
      %dma_start3A_770 = tpu.memref_slice %arg5[%add3A_626] : memref<1048576xf32, #tpu.memory_space<hbm>> -> memref<256xf32, #tpu.memory_space<hbm>>
      %dma_start3A_771 = arith.constant 3584 : i32
      %dma_start3A_772 = tpu.memref_slice %arg10[%dma_start3A_771] : memref<8192xf32, #tpu.memory_space<vmem>> -> memref<256xf32, #tpu.memory_space<vmem>>
      tpu.enqueue_dma source(%dma_start3A_772 : memref<256xf32, #tpu.memory_space<vmem>>) target(%dma_start3A_770 : memref<256xf32, #tpu.memory_space<hbm>>) target_semaphore(%run_scoped3A : memref<!tpu.dma_semaphore, #tpu.memory_space<semaphore_mem>>)
      %dma_wait3A_773 = arith.constant 3584 : i32
      %dma_wait3A_774 = tpu.memref_slice %arg10[%dma_wait3A_773] : memref<8192xf32, #tpu.memory_space<vmem>> -> memref<256xf32, #tpu.memory_space<vmem>>
      %dma_wait3A_775 = tpu.memref_slice %arg5[%add3A_626] : memref<1048576xf32, #tpu.memory_space<hbm>> -> memref<256xf32, #tpu.memory_space<hbm>>
      %dma_wait3A_776 = tpu.memref_slice %arg5[%add3A_626] : memref<1048576xf32, #tpu.memory_space<hbm>> -> memref<256xf32, #tpu.memory_space<hbm>>
      %dma_wait3A_777 = arith.constant 3584 : i32
      %dma_wait3A_778 = tpu.memref_slice %arg10[%dma_wait3A_777] : memref<8192xf32, #tpu.memory_space<vmem>> -> memref<256xf32, #tpu.memory_space<vmem>>
      tpu.wait_dma2 semaphore(%run_scoped3A : memref<!tpu.dma_semaphore, #tpu.memory_space<semaphore_mem>>) src(%dma_wait3A_778 : memref<256xf32, #tpu.memory_space<vmem>>) dst(%dma_wait3A_776 : memref<256xf32, #tpu.memory_space<hbm>>)
      tpu.yield
    }) : () -> ()
    %add3A_627 = arith.constant 753664 : i32
    %add3A_628 = arith.addi %add3A_627, %mul3A_2 : i32
    %add3A_629 = arith.constant 256 : i32
    %add3A_630 = arith.addi %add3A_628, %add3A_629 : i32
    "tpu.region"() ({
      %run_scoped3A = tpu.sem_alloc : memref<!tpu.dma_semaphore, #tpu.memory_space<semaphore_mem>>
      %dma_start3A_767 = arith.constant 3584 : i32
      %dma_start3A_768 = tpu.memref_slice %arg11[%dma_start3A_767] : memref<8192xf32, #tpu.memory_space<vmem>> -> memref<256xf32, #tpu.memory_space<vmem>>
      %dma_start3A_769 = tpu.memref_slice %arg5[%add3A_630] : memref<1048576xf32, #tpu.memory_space<hbm>> -> memref<256xf32, #tpu.memory_space<hbm>>
      %dma_start3A_770 = tpu.memref_slice %arg5[%add3A_630] : memref<1048576xf32, #tpu.memory_space<hbm>> -> memref<256xf32, #tpu.memory_space<hbm>>
      %dma_start3A_771 = arith.constant 3584 : i32
      %dma_start3A_772 = tpu.memref_slice %arg11[%dma_start3A_771] : memref<8192xf32, #tpu.memory_space<vmem>> -> memref<256xf32, #tpu.memory_space<vmem>>
      tpu.enqueue_dma source(%dma_start3A_772 : memref<256xf32, #tpu.memory_space<vmem>>) target(%dma_start3A_770 : memref<256xf32, #tpu.memory_space<hbm>>) target_semaphore(%run_scoped3A : memref<!tpu.dma_semaphore, #tpu.memory_space<semaphore_mem>>)
      %dma_wait3A_773 = arith.constant 3584 : i32
      %dma_wait3A_774 = tpu.memref_slice %arg11[%dma_wait3A_773] : memref<8192xf32, #tpu.memory_space<vmem>> -> memref<256xf32, #tpu.memory_space<vmem>>
      %dma_wait3A_775 = tpu.memref_slice %arg5[%add3A_630] : memref<1048576xf32, #tpu.memory_space<hbm>> -> memref<256xf32, #tpu.memory_space<hbm>>
      %dma_wait3A_776 = tpu.memref_slice %arg5[%add3A_630] : memref<1048576xf32, #tpu.memory_space<hbm>> -> memref<256xf32, #tpu.memory_space<hbm>>
      %dma_wait3A_777 = arith.constant 3584 : i32
      %dma_wait3A_778 = tpu.memref_slice %arg11[%dma_wait3A_777] : memref<8192xf32, #tpu.memory_space<vmem>> -> memref<256xf32, #tpu.memory_space<vmem>>
      tpu.wait_dma2 semaphore(%run_scoped3A : memref<!tpu.dma_semaphore, #tpu.memory_space<semaphore_mem>>) src(%dma_wait3A_778 : memref<256xf32, #tpu.memory_space<vmem>>) dst(%dma_wait3A_776 : memref<256xf32, #tpu.memory_space<hbm>>)
      tpu.yield
    }) : () -> ()
    %add3A_631 = arith.constant 245760 : i32
    %add3A_632 = arith.addi %add3A_631, %mul3A_2 : i32
    %add3A_633 = arith.constant 256 : i32
    %add3A_634 = arith.addi %add3A_632, %add3A_633 : i32
    "tpu.region"() ({
      %run_scoped3A = tpu.sem_alloc : memref<!tpu.dma_semaphore, #tpu.memory_space<semaphore_mem>>
      %dma_start3A_767 = arith.constant 3840 : i32
      %dma_start3A_768 = tpu.memref_slice %arg10[%dma_start3A_767] : memref<8192xf32, #tpu.memory_space<vmem>> -> memref<256xf32, #tpu.memory_space<vmem>>
      %dma_start3A_769 = tpu.memref_slice %arg5[%add3A_634] : memref<1048576xf32, #tpu.memory_space<hbm>> -> memref<256xf32, #tpu.memory_space<hbm>>
      %dma_start3A_770 = tpu.memref_slice %arg5[%add3A_634] : memref<1048576xf32, #tpu.memory_space<hbm>> -> memref<256xf32, #tpu.memory_space<hbm>>
      %dma_start3A_771 = arith.constant 3840 : i32
      %dma_start3A_772 = tpu.memref_slice %arg10[%dma_start3A_771] : memref<8192xf32, #tpu.memory_space<vmem>> -> memref<256xf32, #tpu.memory_space<vmem>>
      tpu.enqueue_dma source(%dma_start3A_772 : memref<256xf32, #tpu.memory_space<vmem>>) target(%dma_start3A_770 : memref<256xf32, #tpu.memory_space<hbm>>) target_semaphore(%run_scoped3A : memref<!tpu.dma_semaphore, #tpu.memory_space<semaphore_mem>>)
      %dma_wait3A_773 = arith.constant 3840 : i32
      %dma_wait3A_774 = tpu.memref_slice %arg10[%dma_wait3A_773] : memref<8192xf32, #tpu.memory_space<vmem>> -> memref<256xf32, #tpu.memory_space<vmem>>
      %dma_wait3A_775 = tpu.memref_slice %arg5[%add3A_634] : memref<1048576xf32, #tpu.memory_space<hbm>> -> memref<256xf32, #tpu.memory_space<hbm>>
      %dma_wait3A_776 = tpu.memref_slice %arg5[%add3A_634] : memref<1048576xf32, #tpu.memory_space<hbm>> -> memref<256xf32, #tpu.memory_space<hbm>>
      %dma_wait3A_777 = arith.constant 3840 : i32
      %dma_wait3A_778 = tpu.memref_slice %arg10[%dma_wait3A_777] : memref<8192xf32, #tpu.memory_space<vmem>> -> memref<256xf32, #tpu.memory_space<vmem>>
      tpu.wait_dma2 semaphore(%run_scoped3A : memref<!tpu.dma_semaphore, #tpu.memory_space<semaphore_mem>>) src(%dma_wait3A_778 : memref<256xf32, #tpu.memory_space<vmem>>) dst(%dma_wait3A_776 : memref<256xf32, #tpu.memory_space<hbm>>)
      tpu.yield
    }) : () -> ()
    %add3A_635 = arith.constant 770048 : i32
    %add3A_636 = arith.addi %add3A_635, %mul3A_2 : i32
    %add3A_637 = arith.constant 256 : i32
    %add3A_638 = arith.addi %add3A_636, %add3A_637 : i32
    "tpu.region"() ({
      %run_scoped3A = tpu.sem_alloc : memref<!tpu.dma_semaphore, #tpu.memory_space<semaphore_mem>>
      %dma_start3A_767 = arith.constant 3840 : i32
      %dma_start3A_768 = tpu.memref_slice %arg11[%dma_start3A_767] : memref<8192xf32, #tpu.memory_space<vmem>> -> memref<256xf32, #tpu.memory_space<vmem>>
      %dma_start3A_769 = tpu.memref_slice %arg5[%add3A_638] : memref<1048576xf32, #tpu.memory_space<hbm>> -> memref<256xf32, #tpu.memory_space<hbm>>
      %dma_start3A_770 = tpu.memref_slice %arg5[%add3A_638] : memref<1048576xf32, #tpu.memory_space<hbm>> -> memref<256xf32, #tpu.memory_space<hbm>>
      %dma_start3A_771 = arith.constant 3840 : i32
      %dma_start3A_772 = tpu.memref_slice %arg11[%dma_start3A_771] : memref<8192xf32, #tpu.memory_space<vmem>> -> memref<256xf32, #tpu.memory_space<vmem>>
      tpu.enqueue_dma source(%dma_start3A_772 : memref<256xf32, #tpu.memory_space<vmem>>) target(%dma_start3A_770 : memref<256xf32, #tpu.memory_space<hbm>>) target_semaphore(%run_scoped3A : memref<!tpu.dma_semaphore, #tpu.memory_space<semaphore_mem>>)
      %dma_wait3A_773 = arith.constant 3840 : i32
      %dma_wait3A_774 = tpu.memref_slice %arg11[%dma_wait3A_773] : memref<8192xf32, #tpu.memory_space<vmem>> -> memref<256xf32, #tpu.memory_space<vmem>>
      %dma_wait3A_775 = tpu.memref_slice %arg5[%add3A_638] : memref<1048576xf32, #tpu.memory_space<hbm>> -> memref<256xf32, #tpu.memory_space<hbm>>
      %dma_wait3A_776 = tpu.memref_slice %arg5[%add3A_638] : memref<1048576xf32, #tpu.memory_space<hbm>> -> memref<256xf32, #tpu.memory_space<hbm>>
      %dma_wait3A_777 = arith.constant 3840 : i32
      %dma_wait3A_778 = tpu.memref_slice %arg11[%dma_wait3A_777] : memref<8192xf32, #tpu.memory_space<vmem>> -> memref<256xf32, #tpu.memory_space<vmem>>
      tpu.wait_dma2 semaphore(%run_scoped3A : memref<!tpu.dma_semaphore, #tpu.memory_space<semaphore_mem>>) src(%dma_wait3A_778 : memref<256xf32, #tpu.memory_space<vmem>>) dst(%dma_wait3A_776 : memref<256xf32, #tpu.memory_space<hbm>>)
      tpu.yield
    }) : () -> ()
    %add3A_639 = arith.constant 262144 : i32
    %add3A_640 = arith.addi %add3A_639, %mul3A_2 : i32
    %add3A_641 = arith.constant 256 : i32
    %add3A_642 = arith.addi %add3A_640, %add3A_641 : i32
    "tpu.region"() ({
      %run_scoped3A = tpu.sem_alloc : memref<!tpu.dma_semaphore, #tpu.memory_space<semaphore_mem>>
      %dma_start3A_767 = arith.constant 4096 : i32
      %dma_start3A_768 = tpu.memref_slice %arg10[%dma_start3A_767] : memref<8192xf32, #tpu.memory_space<vmem>> -> memref<256xf32, #tpu.memory_space<vmem>>
      %dma_start3A_769 = tpu.memref_slice %arg5[%add3A_642] : memref<1048576xf32, #tpu.memory_space<hbm>> -> memref<256xf32, #tpu.memory_space<hbm>>
      %dma_start3A_770 = tpu.memref_slice %arg5[%add3A_642] : memref<1048576xf32, #tpu.memory_space<hbm>> -> memref<256xf32, #tpu.memory_space<hbm>>
      %dma_start3A_771 = arith.constant 4096 : i32
      %dma_start3A_772 = tpu.memref_slice %arg10[%dma_start3A_771] : memref<8192xf32, #tpu.memory_space<vmem>> -> memref<256xf32, #tpu.memory_space<vmem>>
      tpu.enqueue_dma source(%dma_start3A_772 : memref<256xf32, #tpu.memory_space<vmem>>) target(%dma_start3A_770 : memref<256xf32, #tpu.memory_space<hbm>>) target_semaphore(%run_scoped3A : memref<!tpu.dma_semaphore, #tpu.memory_space<semaphore_mem>>)
      %dma_wait3A_773 = arith.constant 4096 : i32
      %dma_wait3A_774 = tpu.memref_slice %arg10[%dma_wait3A_773] : memref<8192xf32, #tpu.memory_space<vmem>> -> memref<256xf32, #tpu.memory_space<vmem>>
      %dma_wait3A_775 = tpu.memref_slice %arg5[%add3A_642] : memref<1048576xf32, #tpu.memory_space<hbm>> -> memref<256xf32, #tpu.memory_space<hbm>>
      %dma_wait3A_776 = tpu.memref_slice %arg5[%add3A_642] : memref<1048576xf32, #tpu.memory_space<hbm>> -> memref<256xf32, #tpu.memory_space<hbm>>
      %dma_wait3A_777 = arith.constant 4096 : i32
      %dma_wait3A_778 = tpu.memref_slice %arg10[%dma_wait3A_777] : memref<8192xf32, #tpu.memory_space<vmem>> -> memref<256xf32, #tpu.memory_space<vmem>>
      tpu.wait_dma2 semaphore(%run_scoped3A : memref<!tpu.dma_semaphore, #tpu.memory_space<semaphore_mem>>) src(%dma_wait3A_778 : memref<256xf32, #tpu.memory_space<vmem>>) dst(%dma_wait3A_776 : memref<256xf32, #tpu.memory_space<hbm>>)
      tpu.yield
    }) : () -> ()
    %add3A_643 = arith.constant 786432 : i32
    %add3A_644 = arith.addi %add3A_643, %mul3A_2 : i32
    %add3A_645 = arith.constant 256 : i32
    %add3A_646 = arith.addi %add3A_644, %add3A_645 : i32
    "tpu.region"() ({
      %run_scoped3A = tpu.sem_alloc : memref<!tpu.dma_semaphore, #tpu.memory_space<semaphore_mem>>
      %dma_start3A_767 = arith.constant 4096 : i32
      %dma_start3A_768 = tpu.memref_slice %arg11[%dma_start3A_767] : memref<8192xf32, #tpu.memory_space<vmem>> -> memref<256xf32, #tpu.memory_space<vmem>>
      %dma_start3A_769 = tpu.memref_slice %arg5[%add3A_646] : memref<1048576xf32, #tpu.memory_space<hbm>> -> memref<256xf32, #tpu.memory_space<hbm>>
      %dma_start3A_770 = tpu.memref_slice %arg5[%add3A_646] : memref<1048576xf32, #tpu.memory_space<hbm>> -> memref<256xf32, #tpu.memory_space<hbm>>
      %dma_start3A_771 = arith.constant 4096 : i32
      %dma_start3A_772 = tpu.memref_slice %arg11[%dma_start3A_771] : memref<8192xf32, #tpu.memory_space<vmem>> -> memref<256xf32, #tpu.memory_space<vmem>>
      tpu.enqueue_dma source(%dma_start3A_772 : memref<256xf32, #tpu.memory_space<vmem>>) target(%dma_start3A_770 : memref<256xf32, #tpu.memory_space<hbm>>) target_semaphore(%run_scoped3A : memref<!tpu.dma_semaphore, #tpu.memory_space<semaphore_mem>>)
      %dma_wait3A_773 = arith.constant 4096 : i32
      %dma_wait3A_774 = tpu.memref_slice %arg11[%dma_wait3A_773] : memref<8192xf32, #tpu.memory_space<vmem>> -> memref<256xf32, #tpu.memory_space<vmem>>
      %dma_wait3A_775 = tpu.memref_slice %arg5[%add3A_646] : memref<1048576xf32, #tpu.memory_space<hbm>> -> memref<256xf32, #tpu.memory_space<hbm>>
      %dma_wait3A_776 = tpu.memref_slice %arg5[%add3A_646] : memref<1048576xf32, #tpu.memory_space<hbm>> -> memref<256xf32, #tpu.memory_space<hbm>>
      %dma_wait3A_777 = arith.constant 4096 : i32
      %dma_wait3A_778 = tpu.memref_slice %arg11[%dma_wait3A_777] : memref<8192xf32, #tpu.memory_space<vmem>> -> memref<256xf32, #tpu.memory_space<vmem>>
      tpu.wait_dma2 semaphore(%run_scoped3A : memref<!tpu.dma_semaphore, #tpu.memory_space<semaphore_mem>>) src(%dma_wait3A_778 : memref<256xf32, #tpu.memory_space<vmem>>) dst(%dma_wait3A_776 : memref<256xf32, #tpu.memory_space<hbm>>)
      tpu.yield
    }) : () -> ()
    %add3A_647 = arith.constant 278528 : i32
    %add3A_648 = arith.addi %add3A_647, %mul3A_2 : i32
    %add3A_649 = arith.constant 256 : i32
    %add3A_650 = arith.addi %add3A_648, %add3A_649 : i32
    "tpu.region"() ({
      %run_scoped3A = tpu.sem_alloc : memref<!tpu.dma_semaphore, #tpu.memory_space<semaphore_mem>>
      %dma_start3A_767 = arith.constant 4352 : i32
      %dma_start3A_768 = tpu.memref_slice %arg10[%dma_start3A_767] : memref<8192xf32, #tpu.memory_space<vmem>> -> memref<256xf32, #tpu.memory_space<vmem>>
      %dma_start3A_769 = tpu.memref_slice %arg5[%add3A_650] : memref<1048576xf32, #tpu.memory_space<hbm>> -> memref<256xf32, #tpu.memory_space<hbm>>
      %dma_start3A_770 = tpu.memref_slice %arg5[%add3A_650] : memref<1048576xf32, #tpu.memory_space<hbm>> -> memref<256xf32, #tpu.memory_space<hbm>>
      %dma_start3A_771 = arith.constant 4352 : i32
      %dma_start3A_772 = tpu.memref_slice %arg10[%dma_start3A_771] : memref<8192xf32, #tpu.memory_space<vmem>> -> memref<256xf32, #tpu.memory_space<vmem>>
      tpu.enqueue_dma source(%dma_start3A_772 : memref<256xf32, #tpu.memory_space<vmem>>) target(%dma_start3A_770 : memref<256xf32, #tpu.memory_space<hbm>>) target_semaphore(%run_scoped3A : memref<!tpu.dma_semaphore, #tpu.memory_space<semaphore_mem>>)
      %dma_wait3A_773 = arith.constant 4352 : i32
      %dma_wait3A_774 = tpu.memref_slice %arg10[%dma_wait3A_773] : memref<8192xf32, #tpu.memory_space<vmem>> -> memref<256xf32, #tpu.memory_space<vmem>>
      %dma_wait3A_775 = tpu.memref_slice %arg5[%add3A_650] : memref<1048576xf32, #tpu.memory_space<hbm>> -> memref<256xf32, #tpu.memory_space<hbm>>
      %dma_wait3A_776 = tpu.memref_slice %arg5[%add3A_650] : memref<1048576xf32, #tpu.memory_space<hbm>> -> memref<256xf32, #tpu.memory_space<hbm>>
      %dma_wait3A_777 = arith.constant 4352 : i32
      %dma_wait3A_778 = tpu.memref_slice %arg10[%dma_wait3A_777] : memref<8192xf32, #tpu.memory_space<vmem>> -> memref<256xf32, #tpu.memory_space<vmem>>
      tpu.wait_dma2 semaphore(%run_scoped3A : memref<!tpu.dma_semaphore, #tpu.memory_space<semaphore_mem>>) src(%dma_wait3A_778 : memref<256xf32, #tpu.memory_space<vmem>>) dst(%dma_wait3A_776 : memref<256xf32, #tpu.memory_space<hbm>>)
      tpu.yield
    }) : () -> ()
    %add3A_651 = arith.constant 802816 : i32
    %add3A_652 = arith.addi %add3A_651, %mul3A_2 : i32
    %add3A_653 = arith.constant 256 : i32
    %add3A_654 = arith.addi %add3A_652, %add3A_653 : i32
    "tpu.region"() ({
      %run_scoped3A = tpu.sem_alloc : memref<!tpu.dma_semaphore, #tpu.memory_space<semaphore_mem>>
      %dma_start3A_767 = arith.constant 4352 : i32
      %dma_start3A_768 = tpu.memref_slice %arg11[%dma_start3A_767] : memref<8192xf32, #tpu.memory_space<vmem>> -> memref<256xf32, #tpu.memory_space<vmem>>
      %dma_start3A_769 = tpu.memref_slice %arg5[%add3A_654] : memref<1048576xf32, #tpu.memory_space<hbm>> -> memref<256xf32, #tpu.memory_space<hbm>>
      %dma_start3A_770 = tpu.memref_slice %arg5[%add3A_654] : memref<1048576xf32, #tpu.memory_space<hbm>> -> memref<256xf32, #tpu.memory_space<hbm>>
      %dma_start3A_771 = arith.constant 4352 : i32
      %dma_start3A_772 = tpu.memref_slice %arg11[%dma_start3A_771] : memref<8192xf32, #tpu.memory_space<vmem>> -> memref<256xf32, #tpu.memory_space<vmem>>
      tpu.enqueue_dma source(%dma_start3A_772 : memref<256xf32, #tpu.memory_space<vmem>>) target(%dma_start3A_770 : memref<256xf32, #tpu.memory_space<hbm>>) target_semaphore(%run_scoped3A : memref<!tpu.dma_semaphore, #tpu.memory_space<semaphore_mem>>)
      %dma_wait3A_773 = arith.constant 4352 : i32
      %dma_wait3A_774 = tpu.memref_slice %arg11[%dma_wait3A_773] : memref<8192xf32, #tpu.memory_space<vmem>> -> memref<256xf32, #tpu.memory_space<vmem>>
      %dma_wait3A_775 = tpu.memref_slice %arg5[%add3A_654] : memref<1048576xf32, #tpu.memory_space<hbm>> -> memref<256xf32, #tpu.memory_space<hbm>>
      %dma_wait3A_776 = tpu.memref_slice %arg5[%add3A_654] : memref<1048576xf32, #tpu.memory_space<hbm>> -> memref<256xf32, #tpu.memory_space<hbm>>
      %dma_wait3A_777 = arith.constant 4352 : i32
      %dma_wait3A_778 = tpu.memref_slice %arg11[%dma_wait3A_777] : memref<8192xf32, #tpu.memory_space<vmem>> -> memref<256xf32, #tpu.memory_space<vmem>>
      tpu.wait_dma2 semaphore(%run_scoped3A : memref<!tpu.dma_semaphore, #tpu.memory_space<semaphore_mem>>) src(%dma_wait3A_778 : memref<256xf32, #tpu.memory_space<vmem>>) dst(%dma_wait3A_776 : memref<256xf32, #tpu.memory_space<hbm>>)
      tpu.yield
    }) : () -> ()
    %add3A_655 = arith.constant 294912 : i32
    %add3A_656 = arith.addi %add3A_655, %mul3A_2 : i32
    %add3A_657 = arith.constant 256 : i32
    %add3A_658 = arith.addi %add3A_656, %add3A_657 : i32
    "tpu.region"() ({
      %run_scoped3A = tpu.sem_alloc : memref<!tpu.dma_semaphore, #tpu.memory_space<semaphore_mem>>
      %dma_start3A_767 = arith.constant 4608 : i32
      %dma_start3A_768 = tpu.memref_slice %arg10[%dma_start3A_767] : memref<8192xf32, #tpu.memory_space<vmem>> -> memref<256xf32, #tpu.memory_space<vmem>>
      %dma_start3A_769 = tpu.memref_slice %arg5[%add3A_658] : memref<1048576xf32, #tpu.memory_space<hbm>> -> memref<256xf32, #tpu.memory_space<hbm>>
      %dma_start3A_770 = tpu.memref_slice %arg5[%add3A_658] : memref<1048576xf32, #tpu.memory_space<hbm>> -> memref<256xf32, #tpu.memory_space<hbm>>
      %dma_start3A_771 = arith.constant 4608 : i32
      %dma_start3A_772 = tpu.memref_slice %arg10[%dma_start3A_771] : memref<8192xf32, #tpu.memory_space<vmem>> -> memref<256xf32, #tpu.memory_space<vmem>>
      tpu.enqueue_dma source(%dma_start3A_772 : memref<256xf32, #tpu.memory_space<vmem>>) target(%dma_start3A_770 : memref<256xf32, #tpu.memory_space<hbm>>) target_semaphore(%run_scoped3A : memref<!tpu.dma_semaphore, #tpu.memory_space<semaphore_mem>>)
      %dma_wait3A_773 = arith.constant 4608 : i32
      %dma_wait3A_774 = tpu.memref_slice %arg10[%dma_wait3A_773] : memref<8192xf32, #tpu.memory_space<vmem>> -> memref<256xf32, #tpu.memory_space<vmem>>
      %dma_wait3A_775 = tpu.memref_slice %arg5[%add3A_658] : memref<1048576xf32, #tpu.memory_space<hbm>> -> memref<256xf32, #tpu.memory_space<hbm>>
      %dma_wait3A_776 = tpu.memref_slice %arg5[%add3A_658] : memref<1048576xf32, #tpu.memory_space<hbm>> -> memref<256xf32, #tpu.memory_space<hbm>>
      %dma_wait3A_777 = arith.constant 4608 : i32
      %dma_wait3A_778 = tpu.memref_slice %arg10[%dma_wait3A_777] : memref<8192xf32, #tpu.memory_space<vmem>> -> memref<256xf32, #tpu.memory_space<vmem>>
      tpu.wait_dma2 semaphore(%run_scoped3A : memref<!tpu.dma_semaphore, #tpu.memory_space<semaphore_mem>>) src(%dma_wait3A_778 : memref<256xf32, #tpu.memory_space<vmem>>) dst(%dma_wait3A_776 : memref<256xf32, #tpu.memory_space<hbm>>)
      tpu.yield
    }) : () -> ()
    %add3A_659 = arith.constant 819200 : i32
    %add3A_660 = arith.addi %add3A_659, %mul3A_2 : i32
    %add3A_661 = arith.constant 256 : i32
    %add3A_662 = arith.addi %add3A_660, %add3A_661 : i32
    "tpu.region"() ({
      %run_scoped3A = tpu.sem_alloc : memref<!tpu.dma_semaphore, #tpu.memory_space<semaphore_mem>>
      %dma_start3A_767 = arith.constant 4608 : i32
      %dma_start3A_768 = tpu.memref_slice %arg11[%dma_start3A_767] : memref<8192xf32, #tpu.memory_space<vmem>> -> memref<256xf32, #tpu.memory_space<vmem>>
      %dma_start3A_769 = tpu.memref_slice %arg5[%add3A_662] : memref<1048576xf32, #tpu.memory_space<hbm>> -> memref<256xf32, #tpu.memory_space<hbm>>
      %dma_start3A_770 = tpu.memref_slice %arg5[%add3A_662] : memref<1048576xf32, #tpu.memory_space<hbm>> -> memref<256xf32, #tpu.memory_space<hbm>>
      %dma_start3A_771 = arith.constant 4608 : i32
      %dma_start3A_772 = tpu.memref_slice %arg11[%dma_start3A_771] : memref<8192xf32, #tpu.memory_space<vmem>> -> memref<256xf32, #tpu.memory_space<vmem>>
      tpu.enqueue_dma source(%dma_start3A_772 : memref<256xf32, #tpu.memory_space<vmem>>) target(%dma_start3A_770 : memref<256xf32, #tpu.memory_space<hbm>>) target_semaphore(%run_scoped3A : memref<!tpu.dma_semaphore, #tpu.memory_space<semaphore_mem>>)
      %dma_wait3A_773 = arith.constant 4608 : i32
      %dma_wait3A_774 = tpu.memref_slice %arg11[%dma_wait3A_773] : memref<8192xf32, #tpu.memory_space<vmem>> -> memref<256xf32, #tpu.memory_space<vmem>>
      %dma_wait3A_775 = tpu.memref_slice %arg5[%add3A_662] : memref<1048576xf32, #tpu.memory_space<hbm>> -> memref<256xf32, #tpu.memory_space<hbm>>
      %dma_wait3A_776 = tpu.memref_slice %arg5[%add3A_662] : memref<1048576xf32, #tpu.memory_space<hbm>> -> memref<256xf32, #tpu.memory_space<hbm>>
      %dma_wait3A_777 = arith.constant 4608 : i32
      %dma_wait3A_778 = tpu.memref_slice %arg11[%dma_wait3A_777] : memref<8192xf32, #tpu.memory_space<vmem>> -> memref<256xf32, #tpu.memory_space<vmem>>
      tpu.wait_dma2 semaphore(%run_scoped3A : memref<!tpu.dma_semaphore, #tpu.memory_space<semaphore_mem>>) src(%dma_wait3A_778 : memref<256xf32, #tpu.memory_space<vmem>>) dst(%dma_wait3A_776 : memref<256xf32, #tpu.memory_space<hbm>>)
      tpu.yield
    }) : () -> ()
    %add3A_663 = arith.constant 311296 : i32
    %add3A_664 = arith.addi %add3A_663, %mul3A_2 : i32
    %add3A_665 = arith.constant 256 : i32
    %add3A_666 = arith.addi %add3A_664, %add3A_665 : i32
    "tpu.region"() ({
      %run_scoped3A = tpu.sem_alloc : memref<!tpu.dma_semaphore, #tpu.memory_space<semaphore_mem>>
      %dma_start3A_767 = arith.constant 4864 : i32
      %dma_start3A_768 = tpu.memref_slice %arg10[%dma_start3A_767] : memref<8192xf32, #tpu.memory_space<vmem>> -> memref<256xf32, #tpu.memory_space<vmem>>
      %dma_start3A_769 = tpu.memref_slice %arg5[%add3A_666] : memref<1048576xf32, #tpu.memory_space<hbm>> -> memref<256xf32, #tpu.memory_space<hbm>>
      %dma_start3A_770 = tpu.memref_slice %arg5[%add3A_666] : memref<1048576xf32, #tpu.memory_space<hbm>> -> memref<256xf32, #tpu.memory_space<hbm>>
      %dma_start3A_771 = arith.constant 4864 : i32
      %dma_start3A_772 = tpu.memref_slice %arg10[%dma_start3A_771] : memref<8192xf32, #tpu.memory_space<vmem>> -> memref<256xf32, #tpu.memory_space<vmem>>
      tpu.enqueue_dma source(%dma_start3A_772 : memref<256xf32, #tpu.memory_space<vmem>>) target(%dma_start3A_770 : memref<256xf32, #tpu.memory_space<hbm>>) target_semaphore(%run_scoped3A : memref<!tpu.dma_semaphore, #tpu.memory_space<semaphore_mem>>)
      %dma_wait3A_773 = arith.constant 4864 : i32
      %dma_wait3A_774 = tpu.memref_slice %arg10[%dma_wait3A_773] : memref<8192xf32, #tpu.memory_space<vmem>> -> memref<256xf32, #tpu.memory_space<vmem>>
      %dma_wait3A_775 = tpu.memref_slice %arg5[%add3A_666] : memref<1048576xf32, #tpu.memory_space<hbm>> -> memref<256xf32, #tpu.memory_space<hbm>>
      %dma_wait3A_776 = tpu.memref_slice %arg5[%add3A_666] : memref<1048576xf32, #tpu.memory_space<hbm>> -> memref<256xf32, #tpu.memory_space<hbm>>
      %dma_wait3A_777 = arith.constant 4864 : i32
      %dma_wait3A_778 = tpu.memref_slice %arg10[%dma_wait3A_777] : memref<8192xf32, #tpu.memory_space<vmem>> -> memref<256xf32, #tpu.memory_space<vmem>>
      tpu.wait_dma2 semaphore(%run_scoped3A : memref<!tpu.dma_semaphore, #tpu.memory_space<semaphore_mem>>) src(%dma_wait3A_778 : memref<256xf32, #tpu.memory_space<vmem>>) dst(%dma_wait3A_776 : memref<256xf32, #tpu.memory_space<hbm>>)
      tpu.yield
    }) : () -> ()
    %add3A_667 = arith.constant 835584 : i32
    %add3A_668 = arith.addi %add3A_667, %mul3A_2 : i32
    %add3A_669 = arith.constant 256 : i32
    %add3A_670 = arith.addi %add3A_668, %add3A_669 : i32
    "tpu.region"() ({
      %run_scoped3A = tpu.sem_alloc : memref<!tpu.dma_semaphore, #tpu.memory_space<semaphore_mem>>
      %dma_start3A_767 = arith.constant 4864 : i32
      %dma_start3A_768 = tpu.memref_slice %arg11[%dma_start3A_767] : memref<8192xf32, #tpu.memory_space<vmem>> -> memref<256xf32, #tpu.memory_space<vmem>>
      %dma_start3A_769 = tpu.memref_slice %arg5[%add3A_670] : memref<1048576xf32, #tpu.memory_space<hbm>> -> memref<256xf32, #tpu.memory_space<hbm>>
      %dma_start3A_770 = tpu.memref_slice %arg5[%add3A_670] : memref<1048576xf32, #tpu.memory_space<hbm>> -> memref<256xf32, #tpu.memory_space<hbm>>
      %dma_start3A_771 = arith.constant 4864 : i32
      %dma_start3A_772 = tpu.memref_slice %arg11[%dma_start3A_771] : memref<8192xf32, #tpu.memory_space<vmem>> -> memref<256xf32, #tpu.memory_space<vmem>>
      tpu.enqueue_dma source(%dma_start3A_772 : memref<256xf32, #tpu.memory_space<vmem>>) target(%dma_start3A_770 : memref<256xf32, #tpu.memory_space<hbm>>) target_semaphore(%run_scoped3A : memref<!tpu.dma_semaphore, #tpu.memory_space<semaphore_mem>>)
      %dma_wait3A_773 = arith.constant 4864 : i32
      %dma_wait3A_774 = tpu.memref_slice %arg11[%dma_wait3A_773] : memref<8192xf32, #tpu.memory_space<vmem>> -> memref<256xf32, #tpu.memory_space<vmem>>
      %dma_wait3A_775 = tpu.memref_slice %arg5[%add3A_670] : memref<1048576xf32, #tpu.memory_space<hbm>> -> memref<256xf32, #tpu.memory_space<hbm>>
      %dma_wait3A_776 = tpu.memref_slice %arg5[%add3A_670] : memref<1048576xf32, #tpu.memory_space<hbm>> -> memref<256xf32, #tpu.memory_space<hbm>>
      %dma_wait3A_777 = arith.constant 4864 : i32
      %dma_wait3A_778 = tpu.memref_slice %arg11[%dma_wait3A_777] : memref<8192xf32, #tpu.memory_space<vmem>> -> memref<256xf32, #tpu.memory_space<vmem>>
      tpu.wait_dma2 semaphore(%run_scoped3A : memref<!tpu.dma_semaphore, #tpu.memory_space<semaphore_mem>>) src(%dma_wait3A_778 : memref<256xf32, #tpu.memory_space<vmem>>) dst(%dma_wait3A_776 : memref<256xf32, #tpu.memory_space<hbm>>)
      tpu.yield
    }) : () -> ()
    %add3A_671 = arith.constant 327680 : i32
    %add3A_672 = arith.addi %add3A_671, %mul3A_2 : i32
    %add3A_673 = arith.constant 256 : i32
    %add3A_674 = arith.addi %add3A_672, %add3A_673 : i32
    "tpu.region"() ({
      %run_scoped3A = tpu.sem_alloc : memref<!tpu.dma_semaphore, #tpu.memory_space<semaphore_mem>>
      %dma_start3A_767 = arith.constant 5120 : i32
      %dma_start3A_768 = tpu.memref_slice %arg10[%dma_start3A_767] : memref<8192xf32, #tpu.memory_space<vmem>> -> memref<256xf32, #tpu.memory_space<vmem>>
      %dma_start3A_769 = tpu.memref_slice %arg5[%add3A_674] : memref<1048576xf32, #tpu.memory_space<hbm>> -> memref<256xf32, #tpu.memory_space<hbm>>
      %dma_start3A_770 = tpu.memref_slice %arg5[%add3A_674] : memref<1048576xf32, #tpu.memory_space<hbm>> -> memref<256xf32, #tpu.memory_space<hbm>>
      %dma_start3A_771 = arith.constant 5120 : i32
      %dma_start3A_772 = tpu.memref_slice %arg10[%dma_start3A_771] : memref<8192xf32, #tpu.memory_space<vmem>> -> memref<256xf32, #tpu.memory_space<vmem>>
      tpu.enqueue_dma source(%dma_start3A_772 : memref<256xf32, #tpu.memory_space<vmem>>) target(%dma_start3A_770 : memref<256xf32, #tpu.memory_space<hbm>>) target_semaphore(%run_scoped3A : memref<!tpu.dma_semaphore, #tpu.memory_space<semaphore_mem>>)
      %dma_wait3A_773 = arith.constant 5120 : i32
      %dma_wait3A_774 = tpu.memref_slice %arg10[%dma_wait3A_773] : memref<8192xf32, #tpu.memory_space<vmem>> -> memref<256xf32, #tpu.memory_space<vmem>>
      %dma_wait3A_775 = tpu.memref_slice %arg5[%add3A_674] : memref<1048576xf32, #tpu.memory_space<hbm>> -> memref<256xf32, #tpu.memory_space<hbm>>
      %dma_wait3A_776 = tpu.memref_slice %arg5[%add3A_674] : memref<1048576xf32, #tpu.memory_space<hbm>> -> memref<256xf32, #tpu.memory_space<hbm>>
      %dma_wait3A_777 = arith.constant 5120 : i32
      %dma_wait3A_778 = tpu.memref_slice %arg10[%dma_wait3A_777] : memref<8192xf32, #tpu.memory_space<vmem>> -> memref<256xf32, #tpu.memory_space<vmem>>
      tpu.wait_dma2 semaphore(%run_scoped3A : memref<!tpu.dma_semaphore, #tpu.memory_space<semaphore_mem>>) src(%dma_wait3A_778 : memref<256xf32, #tpu.memory_space<vmem>>) dst(%dma_wait3A_776 : memref<256xf32, #tpu.memory_space<hbm>>)
      tpu.yield
    }) : () -> ()
    %add3A_675 = arith.constant 851968 : i32
    %add3A_676 = arith.addi %add3A_675, %mul3A_2 : i32
    %add3A_677 = arith.constant 256 : i32
    %add3A_678 = arith.addi %add3A_676, %add3A_677 : i32
    "tpu.region"() ({
      %run_scoped3A = tpu.sem_alloc : memref<!tpu.dma_semaphore, #tpu.memory_space<semaphore_mem>>
      %dma_start3A_767 = arith.constant 5120 : i32
      %dma_start3A_768 = tpu.memref_slice %arg11[%dma_start3A_767] : memref<8192xf32, #tpu.memory_space<vmem>> -> memref<256xf32, #tpu.memory_space<vmem>>
      %dma_start3A_769 = tpu.memref_slice %arg5[%add3A_678] : memref<1048576xf32, #tpu.memory_space<hbm>> -> memref<256xf32, #tpu.memory_space<hbm>>
      %dma_start3A_770 = tpu.memref_slice %arg5[%add3A_678] : memref<1048576xf32, #tpu.memory_space<hbm>> -> memref<256xf32, #tpu.memory_space<hbm>>
      %dma_start3A_771 = arith.constant 5120 : i32
      %dma_start3A_772 = tpu.memref_slice %arg11[%dma_start3A_771] : memref<8192xf32, #tpu.memory_space<vmem>> -> memref<256xf32, #tpu.memory_space<vmem>>
      tpu.enqueue_dma source(%dma_start3A_772 : memref<256xf32, #tpu.memory_space<vmem>>) target(%dma_start3A_770 : memref<256xf32, #tpu.memory_space<hbm>>) target_semaphore(%run_scoped3A : memref<!tpu.dma_semaphore, #tpu.memory_space<semaphore_mem>>)
      %dma_wait3A_773 = arith.constant 5120 : i32
      %dma_wait3A_774 = tpu.memref_slice %arg11[%dma_wait3A_773] : memref<8192xf32, #tpu.memory_space<vmem>> -> memref<256xf32, #tpu.memory_space<vmem>>
      %dma_wait3A_775 = tpu.memref_slice %arg5[%add3A_678] : memref<1048576xf32, #tpu.memory_space<hbm>> -> memref<256xf32, #tpu.memory_space<hbm>>
      %dma_wait3A_776 = tpu.memref_slice %arg5[%add3A_678] : memref<1048576xf32, #tpu.memory_space<hbm>> -> memref<256xf32, #tpu.memory_space<hbm>>
      %dma_wait3A_777 = arith.constant 5120 : i32
      %dma_wait3A_778 = tpu.memref_slice %arg11[%dma_wait3A_777] : memref<8192xf32, #tpu.memory_space<vmem>> -> memref<256xf32, #tpu.memory_space<vmem>>
      tpu.wait_dma2 semaphore(%run_scoped3A : memref<!tpu.dma_semaphore, #tpu.memory_space<semaphore_mem>>) src(%dma_wait3A_778 : memref<256xf32, #tpu.memory_space<vmem>>) dst(%dma_wait3A_776 : memref<256xf32, #tpu.memory_space<hbm>>)
      tpu.yield
    }) : () -> ()
    %add3A_679 = arith.constant 344064 : i32
    %add3A_680 = arith.addi %add3A_679, %mul3A_2 : i32
    %add3A_681 = arith.constant 256 : i32
    %add3A_682 = arith.addi %add3A_680, %add3A_681 : i32
    "tpu.region"() ({
      %run_scoped3A = tpu.sem_alloc : memref<!tpu.dma_semaphore, #tpu.memory_space<semaphore_mem>>
      %dma_start3A_767 = arith.constant 5376 : i32
      %dma_start3A_768 = tpu.memref_slice %arg10[%dma_start3A_767] : memref<8192xf32, #tpu.memory_space<vmem>> -> memref<256xf32, #tpu.memory_space<vmem>>
      %dma_start3A_769 = tpu.memref_slice %arg5[%add3A_682] : memref<1048576xf32, #tpu.memory_space<hbm>> -> memref<256xf32, #tpu.memory_space<hbm>>
      %dma_start3A_770 = tpu.memref_slice %arg5[%add3A_682] : memref<1048576xf32, #tpu.memory_space<hbm>> -> memref<256xf32, #tpu.memory_space<hbm>>
      %dma_start3A_771 = arith.constant 5376 : i32
      %dma_start3A_772 = tpu.memref_slice %arg10[%dma_start3A_771] : memref<8192xf32, #tpu.memory_space<vmem>> -> memref<256xf32, #tpu.memory_space<vmem>>
      tpu.enqueue_dma source(%dma_start3A_772 : memref<256xf32, #tpu.memory_space<vmem>>) target(%dma_start3A_770 : memref<256xf32, #tpu.memory_space<hbm>>) target_semaphore(%run_scoped3A : memref<!tpu.dma_semaphore, #tpu.memory_space<semaphore_mem>>)
      %dma_wait3A_773 = arith.constant 5376 : i32
      %dma_wait3A_774 = tpu.memref_slice %arg10[%dma_wait3A_773] : memref<8192xf32, #tpu.memory_space<vmem>> -> memref<256xf32, #tpu.memory_space<vmem>>
      %dma_wait3A_775 = tpu.memref_slice %arg5[%add3A_682] : memref<1048576xf32, #tpu.memory_space<hbm>> -> memref<256xf32, #tpu.memory_space<hbm>>
      %dma_wait3A_776 = tpu.memref_slice %arg5[%add3A_682] : memref<1048576xf32, #tpu.memory_space<hbm>> -> memref<256xf32, #tpu.memory_space<hbm>>
      %dma_wait3A_777 = arith.constant 5376 : i32
      %dma_wait3A_778 = tpu.memref_slice %arg10[%dma_wait3A_777] : memref<8192xf32, #tpu.memory_space<vmem>> -> memref<256xf32, #tpu.memory_space<vmem>>
      tpu.wait_dma2 semaphore(%run_scoped3A : memref<!tpu.dma_semaphore, #tpu.memory_space<semaphore_mem>>) src(%dma_wait3A_778 : memref<256xf32, #tpu.memory_space<vmem>>) dst(%dma_wait3A_776 : memref<256xf32, #tpu.memory_space<hbm>>)
      tpu.yield
    }) : () -> ()
    %add3A_683 = arith.constant 868352 : i32
    %add3A_684 = arith.addi %add3A_683, %mul3A_2 : i32
    %add3A_685 = arith.constant 256 : i32
    %add3A_686 = arith.addi %add3A_684, %add3A_685 : i32
    "tpu.region"() ({
      %run_scoped3A = tpu.sem_alloc : memref<!tpu.dma_semaphore, #tpu.memory_space<semaphore_mem>>
      %dma_start3A_767 = arith.constant 5376 : i32
      %dma_start3A_768 = tpu.memref_slice %arg11[%dma_start3A_767] : memref<8192xf32, #tpu.memory_space<vmem>> -> memref<256xf32, #tpu.memory_space<vmem>>
      %dma_start3A_769 = tpu.memref_slice %arg5[%add3A_686] : memref<1048576xf32, #tpu.memory_space<hbm>> -> memref<256xf32, #tpu.memory_space<hbm>>
      %dma_start3A_770 = tpu.memref_slice %arg5[%add3A_686] : memref<1048576xf32, #tpu.memory_space<hbm>> -> memref<256xf32, #tpu.memory_space<hbm>>
      %dma_start3A_771 = arith.constant 5376 : i32
      %dma_start3A_772 = tpu.memref_slice %arg11[%dma_start3A_771] : memref<8192xf32, #tpu.memory_space<vmem>> -> memref<256xf32, #tpu.memory_space<vmem>>
      tpu.enqueue_dma source(%dma_start3A_772 : memref<256xf32, #tpu.memory_space<vmem>>) target(%dma_start3A_770 : memref<256xf32, #tpu.memory_space<hbm>>) target_semaphore(%run_scoped3A : memref<!tpu.dma_semaphore, #tpu.memory_space<semaphore_mem>>)
      %dma_wait3A_773 = arith.constant 5376 : i32
      %dma_wait3A_774 = tpu.memref_slice %arg11[%dma_wait3A_773] : memref<8192xf32, #tpu.memory_space<vmem>> -> memref<256xf32, #tpu.memory_space<vmem>>
      %dma_wait3A_775 = tpu.memref_slice %arg5[%add3A_686] : memref<1048576xf32, #tpu.memory_space<hbm>> -> memref<256xf32, #tpu.memory_space<hbm>>
      %dma_wait3A_776 = tpu.memref_slice %arg5[%add3A_686] : memref<1048576xf32, #tpu.memory_space<hbm>> -> memref<256xf32, #tpu.memory_space<hbm>>
      %dma_wait3A_777 = arith.constant 5376 : i32
      %dma_wait3A_778 = tpu.memref_slice %arg11[%dma_wait3A_777] : memref<8192xf32, #tpu.memory_space<vmem>> -> memref<256xf32, #tpu.memory_space<vmem>>
      tpu.wait_dma2 semaphore(%run_scoped3A : memref<!tpu.dma_semaphore, #tpu.memory_space<semaphore_mem>>) src(%dma_wait3A_778 : memref<256xf32, #tpu.memory_space<vmem>>) dst(%dma_wait3A_776 : memref<256xf32, #tpu.memory_space<hbm>>)
      tpu.yield
    }) : () -> ()
    %add3A_687 = arith.constant 360448 : i32
    %add3A_688 = arith.addi %add3A_687, %mul3A_2 : i32
    %add3A_689 = arith.constant 256 : i32
    %add3A_690 = arith.addi %add3A_688, %add3A_689 : i32
    "tpu.region"() ({
      %run_scoped3A = tpu.sem_alloc : memref<!tpu.dma_semaphore, #tpu.memory_space<semaphore_mem>>
      %dma_start3A_767 = arith.constant 5632 : i32
      %dma_start3A_768 = tpu.memref_slice %arg10[%dma_start3A_767] : memref<8192xf32, #tpu.memory_space<vmem>> -> memref<256xf32, #tpu.memory_space<vmem>>
      %dma_start3A_769 = tpu.memref_slice %arg5[%add3A_690] : memref<1048576xf32, #tpu.memory_space<hbm>> -> memref<256xf32, #tpu.memory_space<hbm>>
      %dma_start3A_770 = tpu.memref_slice %arg5[%add3A_690] : memref<1048576xf32, #tpu.memory_space<hbm>> -> memref<256xf32, #tpu.memory_space<hbm>>
      %dma_start3A_771 = arith.constant 5632 : i32
      %dma_start3A_772 = tpu.memref_slice %arg10[%dma_start3A_771] : memref<8192xf32, #tpu.memory_space<vmem>> -> memref<256xf32, #tpu.memory_space<vmem>>
      tpu.enqueue_dma source(%dma_start3A_772 : memref<256xf32, #tpu.memory_space<vmem>>) target(%dma_start3A_770 : memref<256xf32, #tpu.memory_space<hbm>>) target_semaphore(%run_scoped3A : memref<!tpu.dma_semaphore, #tpu.memory_space<semaphore_mem>>)
      %dma_wait3A_773 = arith.constant 5632 : i32
      %dma_wait3A_774 = tpu.memref_slice %arg10[%dma_wait3A_773] : memref<8192xf32, #tpu.memory_space<vmem>> -> memref<256xf32, #tpu.memory_space<vmem>>
      %dma_wait3A_775 = tpu.memref_slice %arg5[%add3A_690] : memref<1048576xf32, #tpu.memory_space<hbm>> -> memref<256xf32, #tpu.memory_space<hbm>>
      %dma_wait3A_776 = tpu.memref_slice %arg5[%add3A_690] : memref<1048576xf32, #tpu.memory_space<hbm>> -> memref<256xf32, #tpu.memory_space<hbm>>
      %dma_wait3A_777 = arith.constant 5632 : i32
      %dma_wait3A_778 = tpu.memref_slice %arg10[%dma_wait3A_777] : memref<8192xf32, #tpu.memory_space<vmem>> -> memref<256xf32, #tpu.memory_space<vmem>>
      tpu.wait_dma2 semaphore(%run_scoped3A : memref<!tpu.dma_semaphore, #tpu.memory_space<semaphore_mem>>) src(%dma_wait3A_778 : memref<256xf32, #tpu.memory_space<vmem>>) dst(%dma_wait3A_776 : memref<256xf32, #tpu.memory_space<hbm>>)
      tpu.yield
    }) : () -> ()
    %add3A_691 = arith.constant 884736 : i32
    %add3A_692 = arith.addi %add3A_691, %mul3A_2 : i32
    %add3A_693 = arith.constant 256 : i32
    %add3A_694 = arith.addi %add3A_692, %add3A_693 : i32
    "tpu.region"() ({
      %run_scoped3A = tpu.sem_alloc : memref<!tpu.dma_semaphore, #tpu.memory_space<semaphore_mem>>
      %dma_start3A_767 = arith.constant 5632 : i32
      %dma_start3A_768 = tpu.memref_slice %arg11[%dma_start3A_767] : memref<8192xf32, #tpu.memory_space<vmem>> -> memref<256xf32, #tpu.memory_space<vmem>>
      %dma_start3A_769 = tpu.memref_slice %arg5[%add3A_694] : memref<1048576xf32, #tpu.memory_space<hbm>> -> memref<256xf32, #tpu.memory_space<hbm>>
      %dma_start3A_770 = tpu.memref_slice %arg5[%add3A_694] : memref<1048576xf32, #tpu.memory_space<hbm>> -> memref<256xf32, #tpu.memory_space<hbm>>
      %dma_start3A_771 = arith.constant 5632 : i32
      %dma_start3A_772 = tpu.memref_slice %arg11[%dma_start3A_771] : memref<8192xf32, #tpu.memory_space<vmem>> -> memref<256xf32, #tpu.memory_space<vmem>>
      tpu.enqueue_dma source(%dma_start3A_772 : memref<256xf32, #tpu.memory_space<vmem>>) target(%dma_start3A_770 : memref<256xf32, #tpu.memory_space<hbm>>) target_semaphore(%run_scoped3A : memref<!tpu.dma_semaphore, #tpu.memory_space<semaphore_mem>>)
      %dma_wait3A_773 = arith.constant 5632 : i32
      %dma_wait3A_774 = tpu.memref_slice %arg11[%dma_wait3A_773] : memref<8192xf32, #tpu.memory_space<vmem>> -> memref<256xf32, #tpu.memory_space<vmem>>
      %dma_wait3A_775 = tpu.memref_slice %arg5[%add3A_694] : memref<1048576xf32, #tpu.memory_space<hbm>> -> memref<256xf32, #tpu.memory_space<hbm>>
      %dma_wait3A_776 = tpu.memref_slice %arg5[%add3A_694] : memref<1048576xf32, #tpu.memory_space<hbm>> -> memref<256xf32, #tpu.memory_space<hbm>>
      %dma_wait3A_777 = arith.constant 5632 : i32
      %dma_wait3A_778 = tpu.memref_slice %arg11[%dma_wait3A_777] : memref<8192xf32, #tpu.memory_space<vmem>> -> memref<256xf32, #tpu.memory_space<vmem>>
      tpu.wait_dma2 semaphore(%run_scoped3A : memref<!tpu.dma_semaphore, #tpu.memory_space<semaphore_mem>>) src(%dma_wait3A_778 : memref<256xf32, #tpu.memory_space<vmem>>) dst(%dma_wait3A_776 : memref<256xf32, #tpu.memory_space<hbm>>)
      tpu.yield
    }) : () -> ()
    %add3A_695 = arith.constant 376832 : i32
    %add3A_696 = arith.addi %add3A_695, %mul3A_2 : i32
    %add3A_697 = arith.constant 256 : i32
    %add3A_698 = arith.addi %add3A_696, %add3A_697 : i32
    "tpu.region"() ({
      %run_scoped3A = tpu.sem_alloc : memref<!tpu.dma_semaphore, #tpu.memory_space<semaphore_mem>>
      %dma_start3A_767 = arith.constant 5888 : i32
      %dma_start3A_768 = tpu.memref_slice %arg10[%dma_start3A_767] : memref<8192xf32, #tpu.memory_space<vmem>> -> memref<256xf32, #tpu.memory_space<vmem>>
      %dma_start3A_769 = tpu.memref_slice %arg5[%add3A_698] : memref<1048576xf32, #tpu.memory_space<hbm>> -> memref<256xf32, #tpu.memory_space<hbm>>
      %dma_start3A_770 = tpu.memref_slice %arg5[%add3A_698] : memref<1048576xf32, #tpu.memory_space<hbm>> -> memref<256xf32, #tpu.memory_space<hbm>>
      %dma_start3A_771 = arith.constant 5888 : i32
      %dma_start3A_772 = tpu.memref_slice %arg10[%dma_start3A_771] : memref<8192xf32, #tpu.memory_space<vmem>> -> memref<256xf32, #tpu.memory_space<vmem>>
      tpu.enqueue_dma source(%dma_start3A_772 : memref<256xf32, #tpu.memory_space<vmem>>) target(%dma_start3A_770 : memref<256xf32, #tpu.memory_space<hbm>>) target_semaphore(%run_scoped3A : memref<!tpu.dma_semaphore, #tpu.memory_space<semaphore_mem>>)
      %dma_wait3A_773 = arith.constant 5888 : i32
      %dma_wait3A_774 = tpu.memref_slice %arg10[%dma_wait3A_773] : memref<8192xf32, #tpu.memory_space<vmem>> -> memref<256xf32, #tpu.memory_space<vmem>>
      %dma_wait3A_775 = tpu.memref_slice %arg5[%add3A_698] : memref<1048576xf32, #tpu.memory_space<hbm>> -> memref<256xf32, #tpu.memory_space<hbm>>
      %dma_wait3A_776 = tpu.memref_slice %arg5[%add3A_698] : memref<1048576xf32, #tpu.memory_space<hbm>> -> memref<256xf32, #tpu.memory_space<hbm>>
      %dma_wait3A_777 = arith.constant 5888 : i32
      %dma_wait3A_778 = tpu.memref_slice %arg10[%dma_wait3A_777] : memref<8192xf32, #tpu.memory_space<vmem>> -> memref<256xf32, #tpu.memory_space<vmem>>
      tpu.wait_dma2 semaphore(%run_scoped3A : memref<!tpu.dma_semaphore, #tpu.memory_space<semaphore_mem>>) src(%dma_wait3A_778 : memref<256xf32, #tpu.memory_space<vmem>>) dst(%dma_wait3A_776 : memref<256xf32, #tpu.memory_space<hbm>>)
      tpu.yield
    }) : () -> ()
    %add3A_699 = arith.constant 901120 : i32
    %add3A_700 = arith.addi %add3A_699, %mul3A_2 : i32
    %add3A_701 = arith.constant 256 : i32
    %add3A_702 = arith.addi %add3A_700, %add3A_701 : i32
    "tpu.region"() ({
      %run_scoped3A = tpu.sem_alloc : memref<!tpu.dma_semaphore, #tpu.memory_space<semaphore_mem>>
      %dma_start3A_767 = arith.constant 5888 : i32
      %dma_start3A_768 = tpu.memref_slice %arg11[%dma_start3A_767] : memref<8192xf32, #tpu.memory_space<vmem>> -> memref<256xf32, #tpu.memory_space<vmem>>
      %dma_start3A_769 = tpu.memref_slice %arg5[%add3A_702] : memref<1048576xf32, #tpu.memory_space<hbm>> -> memref<256xf32, #tpu.memory_space<hbm>>
      %dma_start3A_770 = tpu.memref_slice %arg5[%add3A_702] : memref<1048576xf32, #tpu.memory_space<hbm>> -> memref<256xf32, #tpu.memory_space<hbm>>
      %dma_start3A_771 = arith.constant 5888 : i32
      %dma_start3A_772 = tpu.memref_slice %arg11[%dma_start3A_771] : memref<8192xf32, #tpu.memory_space<vmem>> -> memref<256xf32, #tpu.memory_space<vmem>>
      tpu.enqueue_dma source(%dma_start3A_772 : memref<256xf32, #tpu.memory_space<vmem>>) target(%dma_start3A_770 : memref<256xf32, #tpu.memory_space<hbm>>) target_semaphore(%run_scoped3A : memref<!tpu.dma_semaphore, #tpu.memory_space<semaphore_mem>>)
      %dma_wait3A_773 = arith.constant 5888 : i32
      %dma_wait3A_774 = tpu.memref_slice %arg11[%dma_wait3A_773] : memref<8192xf32, #tpu.memory_space<vmem>> -> memref<256xf32, #tpu.memory_space<vmem>>
      %dma_wait3A_775 = tpu.memref_slice %arg5[%add3A_702] : memref<1048576xf32, #tpu.memory_space<hbm>> -> memref<256xf32, #tpu.memory_space<hbm>>
      %dma_wait3A_776 = tpu.memref_slice %arg5[%add3A_702] : memref<1048576xf32, #tpu.memory_space<hbm>> -> memref<256xf32, #tpu.memory_space<hbm>>
      %dma_wait3A_777 = arith.constant 5888 : i32
      %dma_wait3A_778 = tpu.memref_slice %arg11[%dma_wait3A_777] : memref<8192xf32, #tpu.memory_space<vmem>> -> memref<256xf32, #tpu.memory_space<vmem>>
      tpu.wait_dma2 semaphore(%run_scoped3A : memref<!tpu.dma_semaphore, #tpu.memory_space<semaphore_mem>>) src(%dma_wait3A_778 : memref<256xf32, #tpu.memory_space<vmem>>) dst(%dma_wait3A_776 : memref<256xf32, #tpu.memory_space<hbm>>)
      tpu.yield
    }) : () -> ()
    %add3A_703 = arith.constant 393216 : i32
    %add3A_704 = arith.addi %add3A_703, %mul3A_2 : i32
    %add3A_705 = arith.constant 256 : i32
    %add3A_706 = arith.addi %add3A_704, %add3A_705 : i32
    "tpu.region"() ({
      %run_scoped3A = tpu.sem_alloc : memref<!tpu.dma_semaphore, #tpu.memory_space<semaphore_mem>>
      %dma_start3A_767 = arith.constant 6144 : i32
      %dma_start3A_768 = tpu.memref_slice %arg10[%dma_start3A_767] : memref<8192xf32, #tpu.memory_space<vmem>> -> memref<256xf32, #tpu.memory_space<vmem>>
      %dma_start3A_769 = tpu.memref_slice %arg5[%add3A_706] : memref<1048576xf32, #tpu.memory_space<hbm>> -> memref<256xf32, #tpu.memory_space<hbm>>
      %dma_start3A_770 = tpu.memref_slice %arg5[%add3A_706] : memref<1048576xf32, #tpu.memory_space<hbm>> -> memref<256xf32, #tpu.memory_space<hbm>>
      %dma_start3A_771 = arith.constant 6144 : i32
      %dma_start3A_772 = tpu.memref_slice %arg10[%dma_start3A_771] : memref<8192xf32, #tpu.memory_space<vmem>> -> memref<256xf32, #tpu.memory_space<vmem>>
      tpu.enqueue_dma source(%dma_start3A_772 : memref<256xf32, #tpu.memory_space<vmem>>) target(%dma_start3A_770 : memref<256xf32, #tpu.memory_space<hbm>>) target_semaphore(%run_scoped3A : memref<!tpu.dma_semaphore, #tpu.memory_space<semaphore_mem>>)
      %dma_wait3A_773 = arith.constant 6144 : i32
      %dma_wait3A_774 = tpu.memref_slice %arg10[%dma_wait3A_773] : memref<8192xf32, #tpu.memory_space<vmem>> -> memref<256xf32, #tpu.memory_space<vmem>>
      %dma_wait3A_775 = tpu.memref_slice %arg5[%add3A_706] : memref<1048576xf32, #tpu.memory_space<hbm>> -> memref<256xf32, #tpu.memory_space<hbm>>
      %dma_wait3A_776 = tpu.memref_slice %arg5[%add3A_706] : memref<1048576xf32, #tpu.memory_space<hbm>> -> memref<256xf32, #tpu.memory_space<hbm>>
      %dma_wait3A_777 = arith.constant 6144 : i32
      %dma_wait3A_778 = tpu.memref_slice %arg10[%dma_wait3A_777] : memref<8192xf32, #tpu.memory_space<vmem>> -> memref<256xf32, #tpu.memory_space<vmem>>
      tpu.wait_dma2 semaphore(%run_scoped3A : memref<!tpu.dma_semaphore, #tpu.memory_space<semaphore_mem>>) src(%dma_wait3A_778 : memref<256xf32, #tpu.memory_space<vmem>>) dst(%dma_wait3A_776 : memref<256xf32, #tpu.memory_space<hbm>>)
      tpu.yield
    }) : () -> ()
    %add3A_707 = arith.constant 917504 : i32
    %add3A_708 = arith.addi %add3A_707, %mul3A_2 : i32
    %add3A_709 = arith.constant 256 : i32
    %add3A_710 = arith.addi %add3A_708, %add3A_709 : i32
    "tpu.region"() ({
      %run_scoped3A = tpu.sem_alloc : memref<!tpu.dma_semaphore, #tpu.memory_space<semaphore_mem>>
      %dma_start3A_767 = arith.constant 6144 : i32
      %dma_start3A_768 = tpu.memref_slice %arg11[%dma_start3A_767] : memref<8192xf32, #tpu.memory_space<vmem>> -> memref<256xf32, #tpu.memory_space<vmem>>
      %dma_start3A_769 = tpu.memref_slice %arg5[%add3A_710] : memref<1048576xf32, #tpu.memory_space<hbm>> -> memref<256xf32, #tpu.memory_space<hbm>>
      %dma_start3A_770 = tpu.memref_slice %arg5[%add3A_710] : memref<1048576xf32, #tpu.memory_space<hbm>> -> memref<256xf32, #tpu.memory_space<hbm>>
      %dma_start3A_771 = arith.constant 6144 : i32
      %dma_start3A_772 = tpu.memref_slice %arg11[%dma_start3A_771] : memref<8192xf32, #tpu.memory_space<vmem>> -> memref<256xf32, #tpu.memory_space<vmem>>
      tpu.enqueue_dma source(%dma_start3A_772 : memref<256xf32, #tpu.memory_space<vmem>>) target(%dma_start3A_770 : memref<256xf32, #tpu.memory_space<hbm>>) target_semaphore(%run_scoped3A : memref<!tpu.dma_semaphore, #tpu.memory_space<semaphore_mem>>)
      %dma_wait3A_773 = arith.constant 6144 : i32
      %dma_wait3A_774 = tpu.memref_slice %arg11[%dma_wait3A_773] : memref<8192xf32, #tpu.memory_space<vmem>> -> memref<256xf32, #tpu.memory_space<vmem>>
      %dma_wait3A_775 = tpu.memref_slice %arg5[%add3A_710] : memref<1048576xf32, #tpu.memory_space<hbm>> -> memref<256xf32, #tpu.memory_space<hbm>>
      %dma_wait3A_776 = tpu.memref_slice %arg5[%add3A_710] : memref<1048576xf32, #tpu.memory_space<hbm>> -> memref<256xf32, #tpu.memory_space<hbm>>
      %dma_wait3A_777 = arith.constant 6144 : i32
      %dma_wait3A_778 = tpu.memref_slice %arg11[%dma_wait3A_777] : memref<8192xf32, #tpu.memory_space<vmem>> -> memref<256xf32, #tpu.memory_space<vmem>>
      tpu.wait_dma2 semaphore(%run_scoped3A : memref<!tpu.dma_semaphore, #tpu.memory_space<semaphore_mem>>) src(%dma_wait3A_778 : memref<256xf32, #tpu.memory_space<vmem>>) dst(%dma_wait3A_776 : memref<256xf32, #tpu.memory_space<hbm>>)
      tpu.yield
    }) : () -> ()
    %add3A_711 = arith.constant 409600 : i32
    %add3A_712 = arith.addi %add3A_711, %mul3A_2 : i32
    %add3A_713 = arith.constant 256 : i32
    %add3A_714 = arith.addi %add3A_712, %add3A_713 : i32
    "tpu.region"() ({
      %run_scoped3A = tpu.sem_alloc : memref<!tpu.dma_semaphore, #tpu.memory_space<semaphore_mem>>
      %dma_start3A_767 = arith.constant 6400 : i32
      %dma_start3A_768 = tpu.memref_slice %arg10[%dma_start3A_767] : memref<8192xf32, #tpu.memory_space<vmem>> -> memref<256xf32, #tpu.memory_space<vmem>>
      %dma_start3A_769 = tpu.memref_slice %arg5[%add3A_714] : memref<1048576xf32, #tpu.memory_space<hbm>> -> memref<256xf32, #tpu.memory_space<hbm>>
      %dma_start3A_770 = tpu.memref_slice %arg5[%add3A_714] : memref<1048576xf32, #tpu.memory_space<hbm>> -> memref<256xf32, #tpu.memory_space<hbm>>
      %dma_start3A_771 = arith.constant 6400 : i32
      %dma_start3A_772 = tpu.memref_slice %arg10[%dma_start3A_771] : memref<8192xf32, #tpu.memory_space<vmem>> -> memref<256xf32, #tpu.memory_space<vmem>>
      tpu.enqueue_dma source(%dma_start3A_772 : memref<256xf32, #tpu.memory_space<vmem>>) target(%dma_start3A_770 : memref<256xf32, #tpu.memory_space<hbm>>) target_semaphore(%run_scoped3A : memref<!tpu.dma_semaphore, #tpu.memory_space<semaphore_mem>>)
      %dma_wait3A_773 = arith.constant 6400 : i32
      %dma_wait3A_774 = tpu.memref_slice %arg10[%dma_wait3A_773] : memref<8192xf32, #tpu.memory_space<vmem>> -> memref<256xf32, #tpu.memory_space<vmem>>
      %dma_wait3A_775 = tpu.memref_slice %arg5[%add3A_714] : memref<1048576xf32, #tpu.memory_space<hbm>> -> memref<256xf32, #tpu.memory_space<hbm>>
      %dma_wait3A_776 = tpu.memref_slice %arg5[%add3A_714] : memref<1048576xf32, #tpu.memory_space<hbm>> -> memref<256xf32, #tpu.memory_space<hbm>>
      %dma_wait3A_777 = arith.constant 6400 : i32
      %dma_wait3A_778 = tpu.memref_slice %arg10[%dma_wait3A_777] : memref<8192xf32, #tpu.memory_space<vmem>> -> memref<256xf32, #tpu.memory_space<vmem>>
      tpu.wait_dma2 semaphore(%run_scoped3A : memref<!tpu.dma_semaphore, #tpu.memory_space<semaphore_mem>>) src(%dma_wait3A_778 : memref<256xf32, #tpu.memory_space<vmem>>) dst(%dma_wait3A_776 : memref<256xf32, #tpu.memory_space<hbm>>)
      tpu.yield
    }) : () -> ()
    %add3A_715 = arith.constant 933888 : i32
    %add3A_716 = arith.addi %add3A_715, %mul3A_2 : i32
    %add3A_717 = arith.constant 256 : i32
    %add3A_718 = arith.addi %add3A_716, %add3A_717 : i32
    "tpu.region"() ({
      %run_scoped3A = tpu.sem_alloc : memref<!tpu.dma_semaphore, #tpu.memory_space<semaphore_mem>>
      %dma_start3A_767 = arith.constant 6400 : i32
      %dma_start3A_768 = tpu.memref_slice %arg11[%dma_start3A_767] : memref<8192xf32, #tpu.memory_space<vmem>> -> memref<256xf32, #tpu.memory_space<vmem>>
      %dma_start3A_769 = tpu.memref_slice %arg5[%add3A_718] : memref<1048576xf32, #tpu.memory_space<hbm>> -> memref<256xf32, #tpu.memory_space<hbm>>
      %dma_start3A_770 = tpu.memref_slice %arg5[%add3A_718] : memref<1048576xf32, #tpu.memory_space<hbm>> -> memref<256xf32, #tpu.memory_space<hbm>>
      %dma_start3A_771 = arith.constant 6400 : i32
      %dma_start3A_772 = tpu.memref_slice %arg11[%dma_start3A_771] : memref<8192xf32, #tpu.memory_space<vmem>> -> memref<256xf32, #tpu.memory_space<vmem>>
      tpu.enqueue_dma source(%dma_start3A_772 : memref<256xf32, #tpu.memory_space<vmem>>) target(%dma_start3A_770 : memref<256xf32, #tpu.memory_space<hbm>>) target_semaphore(%run_scoped3A : memref<!tpu.dma_semaphore, #tpu.memory_space<semaphore_mem>>)
      %dma_wait3A_773 = arith.constant 6400 : i32
      %dma_wait3A_774 = tpu.memref_slice %arg11[%dma_wait3A_773] : memref<8192xf32, #tpu.memory_space<vmem>> -> memref<256xf32, #tpu.memory_space<vmem>>
      %dma_wait3A_775 = tpu.memref_slice %arg5[%add3A_718] : memref<1048576xf32, #tpu.memory_space<hbm>> -> memref<256xf32, #tpu.memory_space<hbm>>
      %dma_wait3A_776 = tpu.memref_slice %arg5[%add3A_718] : memref<1048576xf32, #tpu.memory_space<hbm>> -> memref<256xf32, #tpu.memory_space<hbm>>
      %dma_wait3A_777 = arith.constant 6400 : i32
      %dma_wait3A_778 = tpu.memref_slice %arg11[%dma_wait3A_777] : memref<8192xf32, #tpu.memory_space<vmem>> -> memref<256xf32, #tpu.memory_space<vmem>>
      tpu.wait_dma2 semaphore(%run_scoped3A : memref<!tpu.dma_semaphore, #tpu.memory_space<semaphore_mem>>) src(%dma_wait3A_778 : memref<256xf32, #tpu.memory_space<vmem>>) dst(%dma_wait3A_776 : memref<256xf32, #tpu.memory_space<hbm>>)
      tpu.yield
    }) : () -> ()
    %add3A_719 = arith.constant 425984 : i32
    %add3A_720 = arith.addi %add3A_719, %mul3A_2 : i32
    %add3A_721 = arith.constant 256 : i32
    %add3A_722 = arith.addi %add3A_720, %add3A_721 : i32
    "tpu.region"() ({
      %run_scoped3A = tpu.sem_alloc : memref<!tpu.dma_semaphore, #tpu.memory_space<semaphore_mem>>
      %dma_start3A_767 = arith.constant 6656 : i32
      %dma_start3A_768 = tpu.memref_slice %arg10[%dma_start3A_767] : memref<8192xf32, #tpu.memory_space<vmem>> -> memref<256xf32, #tpu.memory_space<vmem>>
      %dma_start3A_769 = tpu.memref_slice %arg5[%add3A_722] : memref<1048576xf32, #tpu.memory_space<hbm>> -> memref<256xf32, #tpu.memory_space<hbm>>
      %dma_start3A_770 = tpu.memref_slice %arg5[%add3A_722] : memref<1048576xf32, #tpu.memory_space<hbm>> -> memref<256xf32, #tpu.memory_space<hbm>>
      %dma_start3A_771 = arith.constant 6656 : i32
      %dma_start3A_772 = tpu.memref_slice %arg10[%dma_start3A_771] : memref<8192xf32, #tpu.memory_space<vmem>> -> memref<256xf32, #tpu.memory_space<vmem>>
      tpu.enqueue_dma source(%dma_start3A_772 : memref<256xf32, #tpu.memory_space<vmem>>) target(%dma_start3A_770 : memref<256xf32, #tpu.memory_space<hbm>>) target_semaphore(%run_scoped3A : memref<!tpu.dma_semaphore, #tpu.memory_space<semaphore_mem>>)
      %dma_wait3A_773 = arith.constant 6656 : i32
      %dma_wait3A_774 = tpu.memref_slice %arg10[%dma_wait3A_773] : memref<8192xf32, #tpu.memory_space<vmem>> -> memref<256xf32, #tpu.memory_space<vmem>>
      %dma_wait3A_775 = tpu.memref_slice %arg5[%add3A_722] : memref<1048576xf32, #tpu.memory_space<hbm>> -> memref<256xf32, #tpu.memory_space<hbm>>
      %dma_wait3A_776 = tpu.memref_slice %arg5[%add3A_722] : memref<1048576xf32, #tpu.memory_space<hbm>> -> memref<256xf32, #tpu.memory_space<hbm>>
      %dma_wait3A_777 = arith.constant 6656 : i32
      %dma_wait3A_778 = tpu.memref_slice %arg10[%dma_wait3A_777] : memref<8192xf32, #tpu.memory_space<vmem>> -> memref<256xf32, #tpu.memory_space<vmem>>
      tpu.wait_dma2 semaphore(%run_scoped3A : memref<!tpu.dma_semaphore, #tpu.memory_space<semaphore_mem>>) src(%dma_wait3A_778 : memref<256xf32, #tpu.memory_space<vmem>>) dst(%dma_wait3A_776 : memref<256xf32, #tpu.memory_space<hbm>>)
      tpu.yield
    }) : () -> ()
    %add3A_723 = arith.constant 950272 : i32
    %add3A_724 = arith.addi %add3A_723, %mul3A_2 : i32
    %add3A_725 = arith.constant 256 : i32
    %add3A_726 = arith.addi %add3A_724, %add3A_725 : i32
    "tpu.region"() ({
      %run_scoped3A = tpu.sem_alloc : memref<!tpu.dma_semaphore, #tpu.memory_space<semaphore_mem>>
      %dma_start3A_767 = arith.constant 6656 : i32
      %dma_start3A_768 = tpu.memref_slice %arg11[%dma_start3A_767] : memref<8192xf32, #tpu.memory_space<vmem>> -> memref<256xf32, #tpu.memory_space<vmem>>
      %dma_start3A_769 = tpu.memref_slice %arg5[%add3A_726] : memref<1048576xf32, #tpu.memory_space<hbm>> -> memref<256xf32, #tpu.memory_space<hbm>>
      %dma_start3A_770 = tpu.memref_slice %arg5[%add3A_726] : memref<1048576xf32, #tpu.memory_space<hbm>> -> memref<256xf32, #tpu.memory_space<hbm>>
      %dma_start3A_771 = arith.constant 6656 : i32
      %dma_start3A_772 = tpu.memref_slice %arg11[%dma_start3A_771] : memref<8192xf32, #tpu.memory_space<vmem>> -> memref<256xf32, #tpu.memory_space<vmem>>
      tpu.enqueue_dma source(%dma_start3A_772 : memref<256xf32, #tpu.memory_space<vmem>>) target(%dma_start3A_770 : memref<256xf32, #tpu.memory_space<hbm>>) target_semaphore(%run_scoped3A : memref<!tpu.dma_semaphore, #tpu.memory_space<semaphore_mem>>)
      %dma_wait3A_773 = arith.constant 6656 : i32
      %dma_wait3A_774 = tpu.memref_slice %arg11[%dma_wait3A_773] : memref<8192xf32, #tpu.memory_space<vmem>> -> memref<256xf32, #tpu.memory_space<vmem>>
      %dma_wait3A_775 = tpu.memref_slice %arg5[%add3A_726] : memref<1048576xf32, #tpu.memory_space<hbm>> -> memref<256xf32, #tpu.memory_space<hbm>>
      %dma_wait3A_776 = tpu.memref_slice %arg5[%add3A_726] : memref<1048576xf32, #tpu.memory_space<hbm>> -> memref<256xf32, #tpu.memory_space<hbm>>
      %dma_wait3A_777 = arith.constant 6656 : i32
      %dma_wait3A_778 = tpu.memref_slice %arg11[%dma_wait3A_777] : memref<8192xf32, #tpu.memory_space<vmem>> -> memref<256xf32, #tpu.memory_space<vmem>>
      tpu.wait_dma2 semaphore(%run_scoped3A : memref<!tpu.dma_semaphore, #tpu.memory_space<semaphore_mem>>) src(%dma_wait3A_778 : memref<256xf32, #tpu.memory_space<vmem>>) dst(%dma_wait3A_776 : memref<256xf32, #tpu.memory_space<hbm>>)
      tpu.yield
    }) : () -> ()
    %add3A_727 = arith.constant 442368 : i32
    %add3A_728 = arith.addi %add3A_727, %mul3A_2 : i32
    %add3A_729 = arith.constant 256 : i32
    %add3A_730 = arith.addi %add3A_728, %add3A_729 : i32
    "tpu.region"() ({
      %run_scoped3A = tpu.sem_alloc : memref<!tpu.dma_semaphore, #tpu.memory_space<semaphore_mem>>
      %dma_start3A_767 = arith.constant 6912 : i32
      %dma_start3A_768 = tpu.memref_slice %arg10[%dma_start3A_767] : memref<8192xf32, #tpu.memory_space<vmem>> -> memref<256xf32, #tpu.memory_space<vmem>>
      %dma_start3A_769 = tpu.memref_slice %arg5[%add3A_730] : memref<1048576xf32, #tpu.memory_space<hbm>> -> memref<256xf32, #tpu.memory_space<hbm>>
      %dma_start3A_770 = tpu.memref_slice %arg5[%add3A_730] : memref<1048576xf32, #tpu.memory_space<hbm>> -> memref<256xf32, #tpu.memory_space<hbm>>
      %dma_start3A_771 = arith.constant 6912 : i32
      %dma_start3A_772 = tpu.memref_slice %arg10[%dma_start3A_771] : memref<8192xf32, #tpu.memory_space<vmem>> -> memref<256xf32, #tpu.memory_space<vmem>>
      tpu.enqueue_dma source(%dma_start3A_772 : memref<256xf32, #tpu.memory_space<vmem>>) target(%dma_start3A_770 : memref<256xf32, #tpu.memory_space<hbm>>) target_semaphore(%run_scoped3A : memref<!tpu.dma_semaphore, #tpu.memory_space<semaphore_mem>>)
      %dma_wait3A_773 = arith.constant 6912 : i32
      %dma_wait3A_774 = tpu.memref_slice %arg10[%dma_wait3A_773] : memref<8192xf32, #tpu.memory_space<vmem>> -> memref<256xf32, #tpu.memory_space<vmem>>
      %dma_wait3A_775 = tpu.memref_slice %arg5[%add3A_730] : memref<1048576xf32, #tpu.memory_space<hbm>> -> memref<256xf32, #tpu.memory_space<hbm>>
      %dma_wait3A_776 = tpu.memref_slice %arg5[%add3A_730] : memref<1048576xf32, #tpu.memory_space<hbm>> -> memref<256xf32, #tpu.memory_space<hbm>>
      %dma_wait3A_777 = arith.constant 6912 : i32
      %dma_wait3A_778 = tpu.memref_slice %arg10[%dma_wait3A_777] : memref<8192xf32, #tpu.memory_space<vmem>> -> memref<256xf32, #tpu.memory_space<vmem>>
      tpu.wait_dma2 semaphore(%run_scoped3A : memref<!tpu.dma_semaphore, #tpu.memory_space<semaphore_mem>>) src(%dma_wait3A_778 : memref<256xf32, #tpu.memory_space<vmem>>) dst(%dma_wait3A_776 : memref<256xf32, #tpu.memory_space<hbm>>)
      tpu.yield
    }) : () -> ()
    %add3A_731 = arith.constant 966656 : i32
    %add3A_732 = arith.addi %add3A_731, %mul3A_2 : i32
    %add3A_733 = arith.constant 256 : i32
    %add3A_734 = arith.addi %add3A_732, %add3A_733 : i32
    "tpu.region"() ({
      %run_scoped3A = tpu.sem_alloc : memref<!tpu.dma_semaphore, #tpu.memory_space<semaphore_mem>>
      %dma_start3A_767 = arith.constant 6912 : i32
      %dma_start3A_768 = tpu.memref_slice %arg11[%dma_start3A_767] : memref<8192xf32, #tpu.memory_space<vmem>> -> memref<256xf32, #tpu.memory_space<vmem>>
      %dma_start3A_769 = tpu.memref_slice %arg5[%add3A_734] : memref<1048576xf32, #tpu.memory_space<hbm>> -> memref<256xf32, #tpu.memory_space<hbm>>
      %dma_start3A_770 = tpu.memref_slice %arg5[%add3A_734] : memref<1048576xf32, #tpu.memory_space<hbm>> -> memref<256xf32, #tpu.memory_space<hbm>>
      %dma_start3A_771 = arith.constant 6912 : i32
      %dma_start3A_772 = tpu.memref_slice %arg11[%dma_start3A_771] : memref<8192xf32, #tpu.memory_space<vmem>> -> memref<256xf32, #tpu.memory_space<vmem>>
      tpu.enqueue_dma source(%dma_start3A_772 : memref<256xf32, #tpu.memory_space<vmem>>) target(%dma_start3A_770 : memref<256xf32, #tpu.memory_space<hbm>>) target_semaphore(%run_scoped3A : memref<!tpu.dma_semaphore, #tpu.memory_space<semaphore_mem>>)
      %dma_wait3A_773 = arith.constant 6912 : i32
      %dma_wait3A_774 = tpu.memref_slice %arg11[%dma_wait3A_773] : memref<8192xf32, #tpu.memory_space<vmem>> -> memref<256xf32, #tpu.memory_space<vmem>>
      %dma_wait3A_775 = tpu.memref_slice %arg5[%add3A_734] : memref<1048576xf32, #tpu.memory_space<hbm>> -> memref<256xf32, #tpu.memory_space<hbm>>
      %dma_wait3A_776 = tpu.memref_slice %arg5[%add3A_734] : memref<1048576xf32, #tpu.memory_space<hbm>> -> memref<256xf32, #tpu.memory_space<hbm>>
      %dma_wait3A_777 = arith.constant 6912 : i32
      %dma_wait3A_778 = tpu.memref_slice %arg11[%dma_wait3A_777] : memref<8192xf32, #tpu.memory_space<vmem>> -> memref<256xf32, #tpu.memory_space<vmem>>
      tpu.wait_dma2 semaphore(%run_scoped3A : memref<!tpu.dma_semaphore, #tpu.memory_space<semaphore_mem>>) src(%dma_wait3A_778 : memref<256xf32, #tpu.memory_space<vmem>>) dst(%dma_wait3A_776 : memref<256xf32, #tpu.memory_space<hbm>>)
      tpu.yield
    }) : () -> ()
    %add3A_735 = arith.constant 458752 : i32
    %add3A_736 = arith.addi %add3A_735, %mul3A_2 : i32
    %add3A_737 = arith.constant 256 : i32
    %add3A_738 = arith.addi %add3A_736, %add3A_737 : i32
    "tpu.region"() ({
      %run_scoped3A = tpu.sem_alloc : memref<!tpu.dma_semaphore, #tpu.memory_space<semaphore_mem>>
      %dma_start3A_767 = arith.constant 7168 : i32
      %dma_start3A_768 = tpu.memref_slice %arg10[%dma_start3A_767] : memref<8192xf32, #tpu.memory_space<vmem>> -> memref<256xf32, #tpu.memory_space<vmem>>
      %dma_start3A_769 = tpu.memref_slice %arg5[%add3A_738] : memref<1048576xf32, #tpu.memory_space<hbm>> -> memref<256xf32, #tpu.memory_space<hbm>>
      %dma_start3A_770 = tpu.memref_slice %arg5[%add3A_738] : memref<1048576xf32, #tpu.memory_space<hbm>> -> memref<256xf32, #tpu.memory_space<hbm>>
      %dma_start3A_771 = arith.constant 7168 : i32
      %dma_start3A_772 = tpu.memref_slice %arg10[%dma_start3A_771] : memref<8192xf32, #tpu.memory_space<vmem>> -> memref<256xf32, #tpu.memory_space<vmem>>
      tpu.enqueue_dma source(%dma_start3A_772 : memref<256xf32, #tpu.memory_space<vmem>>) target(%dma_start3A_770 : memref<256xf32, #tpu.memory_space<hbm>>) target_semaphore(%run_scoped3A : memref<!tpu.dma_semaphore, #tpu.memory_space<semaphore_mem>>)
      %dma_wait3A_773 = arith.constant 7168 : i32
      %dma_wait3A_774 = tpu.memref_slice %arg10[%dma_wait3A_773] : memref<8192xf32, #tpu.memory_space<vmem>> -> memref<256xf32, #tpu.memory_space<vmem>>
      %dma_wait3A_775 = tpu.memref_slice %arg5[%add3A_738] : memref<1048576xf32, #tpu.memory_space<hbm>> -> memref<256xf32, #tpu.memory_space<hbm>>
      %dma_wait3A_776 = tpu.memref_slice %arg5[%add3A_738] : memref<1048576xf32, #tpu.memory_space<hbm>> -> memref<256xf32, #tpu.memory_space<hbm>>
      %dma_wait3A_777 = arith.constant 7168 : i32
      %dma_wait3A_778 = tpu.memref_slice %arg10[%dma_wait3A_777] : memref<8192xf32, #tpu.memory_space<vmem>> -> memref<256xf32, #tpu.memory_space<vmem>>
      tpu.wait_dma2 semaphore(%run_scoped3A : memref<!tpu.dma_semaphore, #tpu.memory_space<semaphore_mem>>) src(%dma_wait3A_778 : memref<256xf32, #tpu.memory_space<vmem>>) dst(%dma_wait3A_776 : memref<256xf32, #tpu.memory_space<hbm>>)
      tpu.yield
    }) : () -> ()
    %add3A_739 = arith.constant 983040 : i32
    %add3A_740 = arith.addi %add3A_739, %mul3A_2 : i32
    %add3A_741 = arith.constant 256 : i32
    %add3A_742 = arith.addi %add3A_740, %add3A_741 : i32
    "tpu.region"() ({
      %run_scoped3A = tpu.sem_alloc : memref<!tpu.dma_semaphore, #tpu.memory_space<semaphore_mem>>
      %dma_start3A_767 = arith.constant 7168 : i32
      %dma_start3A_768 = tpu.memref_slice %arg11[%dma_start3A_767] : memref<8192xf32, #tpu.memory_space<vmem>> -> memref<256xf32, #tpu.memory_space<vmem>>
      %dma_start3A_769 = tpu.memref_slice %arg5[%add3A_742] : memref<1048576xf32, #tpu.memory_space<hbm>> -> memref<256xf32, #tpu.memory_space<hbm>>
      %dma_start3A_770 = tpu.memref_slice %arg5[%add3A_742] : memref<1048576xf32, #tpu.memory_space<hbm>> -> memref<256xf32, #tpu.memory_space<hbm>>
      %dma_start3A_771 = arith.constant 7168 : i32
      %dma_start3A_772 = tpu.memref_slice %arg11[%dma_start3A_771] : memref<8192xf32, #tpu.memory_space<vmem>> -> memref<256xf32, #tpu.memory_space<vmem>>
      tpu.enqueue_dma source(%dma_start3A_772 : memref<256xf32, #tpu.memory_space<vmem>>) target(%dma_start3A_770 : memref<256xf32, #tpu.memory_space<hbm>>) target_semaphore(%run_scoped3A : memref<!tpu.dma_semaphore, #tpu.memory_space<semaphore_mem>>)
      %dma_wait3A_773 = arith.constant 7168 : i32
      %dma_wait3A_774 = tpu.memref_slice %arg11[%dma_wait3A_773] : memref<8192xf32, #tpu.memory_space<vmem>> -> memref<256xf32, #tpu.memory_space<vmem>>
      %dma_wait3A_775 = tpu.memref_slice %arg5[%add3A_742] : memref<1048576xf32, #tpu.memory_space<hbm>> -> memref<256xf32, #tpu.memory_space<hbm>>
      %dma_wait3A_776 = tpu.memref_slice %arg5[%add3A_742] : memref<1048576xf32, #tpu.memory_space<hbm>> -> memref<256xf32, #tpu.memory_space<hbm>>
      %dma_wait3A_777 = arith.constant 7168 : i32
      %dma_wait3A_778 = tpu.memref_slice %arg11[%dma_wait3A_777] : memref<8192xf32, #tpu.memory_space<vmem>> -> memref<256xf32, #tpu.memory_space<vmem>>
      tpu.wait_dma2 semaphore(%run_scoped3A : memref<!tpu.dma_semaphore, #tpu.memory_space<semaphore_mem>>) src(%dma_wait3A_778 : memref<256xf32, #tpu.memory_space<vmem>>) dst(%dma_wait3A_776 : memref<256xf32, #tpu.memory_space<hbm>>)
      tpu.yield
    }) : () -> ()
    %add3A_743 = arith.constant 475136 : i32
    %add3A_744 = arith.addi %add3A_743, %mul3A_2 : i32
    %add3A_745 = arith.constant 256 : i32
    %add3A_746 = arith.addi %add3A_744, %add3A_745 : i32
    "tpu.region"() ({
      %run_scoped3A = tpu.sem_alloc : memref<!tpu.dma_semaphore, #tpu.memory_space<semaphore_mem>>
      %dma_start3A_767 = arith.constant 7424 : i32
      %dma_start3A_768 = tpu.memref_slice %arg10[%dma_start3A_767] : memref<8192xf32, #tpu.memory_space<vmem>> -> memref<256xf32, #tpu.memory_space<vmem>>
      %dma_start3A_769 = tpu.memref_slice %arg5[%add3A_746] : memref<1048576xf32, #tpu.memory_space<hbm>> -> memref<256xf32, #tpu.memory_space<hbm>>
      %dma_start3A_770 = tpu.memref_slice %arg5[%add3A_746] : memref<1048576xf32, #tpu.memory_space<hbm>> -> memref<256xf32, #tpu.memory_space<hbm>>
      %dma_start3A_771 = arith.constant 7424 : i32
      %dma_start3A_772 = tpu.memref_slice %arg10[%dma_start3A_771] : memref<8192xf32, #tpu.memory_space<vmem>> -> memref<256xf32, #tpu.memory_space<vmem>>
      tpu.enqueue_dma source(%dma_start3A_772 : memref<256xf32, #tpu.memory_space<vmem>>) target(%dma_start3A_770 : memref<256xf32, #tpu.memory_space<hbm>>) target_semaphore(%run_scoped3A : memref<!tpu.dma_semaphore, #tpu.memory_space<semaphore_mem>>)
      %dma_wait3A_773 = arith.constant 7424 : i32
      %dma_wait3A_774 = tpu.memref_slice %arg10[%dma_wait3A_773] : memref<8192xf32, #tpu.memory_space<vmem>> -> memref<256xf32, #tpu.memory_space<vmem>>
      %dma_wait3A_775 = tpu.memref_slice %arg5[%add3A_746] : memref<1048576xf32, #tpu.memory_space<hbm>> -> memref<256xf32, #tpu.memory_space<hbm>>
      %dma_wait3A_776 = tpu.memref_slice %arg5[%add3A_746] : memref<1048576xf32, #tpu.memory_space<hbm>> -> memref<256xf32, #tpu.memory_space<hbm>>
      %dma_wait3A_777 = arith.constant 7424 : i32
      %dma_wait3A_778 = tpu.memref_slice %arg10[%dma_wait3A_777] : memref<8192xf32, #tpu.memory_space<vmem>> -> memref<256xf32, #tpu.memory_space<vmem>>
      tpu.wait_dma2 semaphore(%run_scoped3A : memref<!tpu.dma_semaphore, #tpu.memory_space<semaphore_mem>>) src(%dma_wait3A_778 : memref<256xf32, #tpu.memory_space<vmem>>) dst(%dma_wait3A_776 : memref<256xf32, #tpu.memory_space<hbm>>)
      tpu.yield
    }) : () -> ()
    %add3A_747 = arith.constant 999424 : i32
    %add3A_748 = arith.addi %add3A_747, %mul3A_2 : i32
    %add3A_749 = arith.constant 256 : i32
    %add3A_750 = arith.addi %add3A_748, %add3A_749 : i32
    "tpu.region"() ({
      %run_scoped3A = tpu.sem_alloc : memref<!tpu.dma_semaphore, #tpu.memory_space<semaphore_mem>>
      %dma_start3A_767 = arith.constant 7424 : i32
      %dma_start3A_768 = tpu.memref_slice %arg11[%dma_start3A_767] : memref<8192xf32, #tpu.memory_space<vmem>> -> memref<256xf32, #tpu.memory_space<vmem>>
      %dma_start3A_769 = tpu.memref_slice %arg5[%add3A_750] : memref<1048576xf32, #tpu.memory_space<hbm>> -> memref<256xf32, #tpu.memory_space<hbm>>
      %dma_start3A_770 = tpu.memref_slice %arg5[%add3A_750] : memref<1048576xf32, #tpu.memory_space<hbm>> -> memref<256xf32, #tpu.memory_space<hbm>>
      %dma_start3A_771 = arith.constant 7424 : i32
      %dma_start3A_772 = tpu.memref_slice %arg11[%dma_start3A_771] : memref<8192xf32, #tpu.memory_space<vmem>> -> memref<256xf32, #tpu.memory_space<vmem>>
      tpu.enqueue_dma source(%dma_start3A_772 : memref<256xf32, #tpu.memory_space<vmem>>) target(%dma_start3A_770 : memref<256xf32, #tpu.memory_space<hbm>>) target_semaphore(%run_scoped3A : memref<!tpu.dma_semaphore, #tpu.memory_space<semaphore_mem>>)
      %dma_wait3A_773 = arith.constant 7424 : i32
      %dma_wait3A_774 = tpu.memref_slice %arg11[%dma_wait3A_773] : memref<8192xf32, #tpu.memory_space<vmem>> -> memref<256xf32, #tpu.memory_space<vmem>>
      %dma_wait3A_775 = tpu.memref_slice %arg5[%add3A_750] : memref<1048576xf32, #tpu.memory_space<hbm>> -> memref<256xf32, #tpu.memory_space<hbm>>
      %dma_wait3A_776 = tpu.memref_slice %arg5[%add3A_750] : memref<1048576xf32, #tpu.memory_space<hbm>> -> memref<256xf32, #tpu.memory_space<hbm>>
      %dma_wait3A_777 = arith.constant 7424 : i32
      %dma_wait3A_778 = tpu.memref_slice %arg11[%dma_wait3A_777] : memref<8192xf32, #tpu.memory_space<vmem>> -> memref<256xf32, #tpu.memory_space<vmem>>
      tpu.wait_dma2 semaphore(%run_scoped3A : memref<!tpu.dma_semaphore, #tpu.memory_space<semaphore_mem>>) src(%dma_wait3A_778 : memref<256xf32, #tpu.memory_space<vmem>>) dst(%dma_wait3A_776 : memref<256xf32, #tpu.memory_space<hbm>>)
      tpu.yield
    }) : () -> ()
    %add3A_751 = arith.constant 491520 : i32
    %add3A_752 = arith.addi %add3A_751, %mul3A_2 : i32
    %add3A_753 = arith.constant 256 : i32
    %add3A_754 = arith.addi %add3A_752, %add3A_753 : i32
    "tpu.region"() ({
      %run_scoped3A = tpu.sem_alloc : memref<!tpu.dma_semaphore, #tpu.memory_space<semaphore_mem>>
      %dma_start3A_767 = arith.constant 7680 : i32
      %dma_start3A_768 = tpu.memref_slice %arg10[%dma_start3A_767] : memref<8192xf32, #tpu.memory_space<vmem>> -> memref<256xf32, #tpu.memory_space<vmem>>
      %dma_start3A_769 = tpu.memref_slice %arg5[%add3A_754] : memref<1048576xf32, #tpu.memory_space<hbm>> -> memref<256xf32, #tpu.memory_space<hbm>>
      %dma_start3A_770 = tpu.memref_slice %arg5[%add3A_754] : memref<1048576xf32, #tpu.memory_space<hbm>> -> memref<256xf32, #tpu.memory_space<hbm>>
      %dma_start3A_771 = arith.constant 7680 : i32
      %dma_start3A_772 = tpu.memref_slice %arg10[%dma_start3A_771] : memref<8192xf32, #tpu.memory_space<vmem>> -> memref<256xf32, #tpu.memory_space<vmem>>
      tpu.enqueue_dma source(%dma_start3A_772 : memref<256xf32, #tpu.memory_space<vmem>>) target(%dma_start3A_770 : memref<256xf32, #tpu.memory_space<hbm>>) target_semaphore(%run_scoped3A : memref<!tpu.dma_semaphore, #tpu.memory_space<semaphore_mem>>)
      %dma_wait3A_773 = arith.constant 7680 : i32
      %dma_wait3A_774 = tpu.memref_slice %arg10[%dma_wait3A_773] : memref<8192xf32, #tpu.memory_space<vmem>> -> memref<256xf32, #tpu.memory_space<vmem>>
      %dma_wait3A_775 = tpu.memref_slice %arg5[%add3A_754] : memref<1048576xf32, #tpu.memory_space<hbm>> -> memref<256xf32, #tpu.memory_space<hbm>>
      %dma_wait3A_776 = tpu.memref_slice %arg5[%add3A_754] : memref<1048576xf32, #tpu.memory_space<hbm>> -> memref<256xf32, #tpu.memory_space<hbm>>
      %dma_wait3A_777 = arith.constant 7680 : i32
      %dma_wait3A_778 = tpu.memref_slice %arg10[%dma_wait3A_777] : memref<8192xf32, #tpu.memory_space<vmem>> -> memref<256xf32, #tpu.memory_space<vmem>>
      tpu.wait_dma2 semaphore(%run_scoped3A : memref<!tpu.dma_semaphore, #tpu.memory_space<semaphore_mem>>) src(%dma_wait3A_778 : memref<256xf32, #tpu.memory_space<vmem>>) dst(%dma_wait3A_776 : memref<256xf32, #tpu.memory_space<hbm>>)
      tpu.yield
    }) : () -> ()
    %add3A_755 = arith.constant 1015808 : i32
    %add3A_756 = arith.addi %add3A_755, %mul3A_2 : i32
    %add3A_757 = arith.constant 256 : i32
    %add3A_758 = arith.addi %add3A_756, %add3A_757 : i32
    "tpu.region"() ({
      %run_scoped3A = tpu.sem_alloc : memref<!tpu.dma_semaphore, #tpu.memory_space<semaphore_mem>>
      %dma_start3A_767 = arith.constant 7680 : i32
      %dma_start3A_768 = tpu.memref_slice %arg11[%dma_start3A_767] : memref<8192xf32, #tpu.memory_space<vmem>> -> memref<256xf32, #tpu.memory_space<vmem>>
      %dma_start3A_769 = tpu.memref_slice %arg5[%add3A_758] : memref<1048576xf32, #tpu.memory_space<hbm>> -> memref<256xf32, #tpu.memory_space<hbm>>
      %dma_start3A_770 = tpu.memref_slice %arg5[%add3A_758] : memref<1048576xf32, #tpu.memory_space<hbm>> -> memref<256xf32, #tpu.memory_space<hbm>>
      %dma_start3A_771 = arith.constant 7680 : i32
      %dma_start3A_772 = tpu.memref_slice %arg11[%dma_start3A_771] : memref<8192xf32, #tpu.memory_space<vmem>> -> memref<256xf32, #tpu.memory_space<vmem>>
      tpu.enqueue_dma source(%dma_start3A_772 : memref<256xf32, #tpu.memory_space<vmem>>) target(%dma_start3A_770 : memref<256xf32, #tpu.memory_space<hbm>>) target_semaphore(%run_scoped3A : memref<!tpu.dma_semaphore, #tpu.memory_space<semaphore_mem>>)
      %dma_wait3A_773 = arith.constant 7680 : i32
      %dma_wait3A_774 = tpu.memref_slice %arg11[%dma_wait3A_773] : memref<8192xf32, #tpu.memory_space<vmem>> -> memref<256xf32, #tpu.memory_space<vmem>>
      %dma_wait3A_775 = tpu.memref_slice %arg5[%add3A_758] : memref<1048576xf32, #tpu.memory_space<hbm>> -> memref<256xf32, #tpu.memory_space<hbm>>
      %dma_wait3A_776 = tpu.memref_slice %arg5[%add3A_758] : memref<1048576xf32, #tpu.memory_space<hbm>> -> memref<256xf32, #tpu.memory_space<hbm>>
      %dma_wait3A_777 = arith.constant 7680 : i32
      %dma_wait3A_778 = tpu.memref_slice %arg11[%dma_wait3A_777] : memref<8192xf32, #tpu.memory_space<vmem>> -> memref<256xf32, #tpu.memory_space<vmem>>
      tpu.wait_dma2 semaphore(%run_scoped3A : memref<!tpu.dma_semaphore, #tpu.memory_space<semaphore_mem>>) src(%dma_wait3A_778 : memref<256xf32, #tpu.memory_space<vmem>>) dst(%dma_wait3A_776 : memref<256xf32, #tpu.memory_space<hbm>>)
      tpu.yield
    }) : () -> ()
    %add3A_759 = arith.constant 507904 : i32
    %add3A_760 = arith.addi %add3A_759, %mul3A_2 : i32
    %add3A_761 = arith.constant 256 : i32
    %add3A_762 = arith.addi %add3A_760, %add3A_761 : i32
    "tpu.region"() ({
      %run_scoped3A = tpu.sem_alloc : memref<!tpu.dma_semaphore, #tpu.memory_space<semaphore_mem>>
      %dma_start3A_767 = arith.constant 7936 : i32
      %dma_start3A_768 = tpu.memref_slice %arg10[%dma_start3A_767] : memref<8192xf32, #tpu.memory_space<vmem>> -> memref<256xf32, #tpu.memory_space<vmem>>
      %dma_start3A_769 = tpu.memref_slice %arg5[%add3A_762] : memref<1048576xf32, #tpu.memory_space<hbm>> -> memref<256xf32, #tpu.memory_space<hbm>>
      %dma_start3A_770 = tpu.memref_slice %arg5[%add3A_762] : memref<1048576xf32, #tpu.memory_space<hbm>> -> memref<256xf32, #tpu.memory_space<hbm>>
      %dma_start3A_771 = arith.constant 7936 : i32
      %dma_start3A_772 = tpu.memref_slice %arg10[%dma_start3A_771] : memref<8192xf32, #tpu.memory_space<vmem>> -> memref<256xf32, #tpu.memory_space<vmem>>
      tpu.enqueue_dma source(%dma_start3A_772 : memref<256xf32, #tpu.memory_space<vmem>>) target(%dma_start3A_770 : memref<256xf32, #tpu.memory_space<hbm>>) target_semaphore(%run_scoped3A : memref<!tpu.dma_semaphore, #tpu.memory_space<semaphore_mem>>)
      %dma_wait3A_773 = arith.constant 7936 : i32
      %dma_wait3A_774 = tpu.memref_slice %arg10[%dma_wait3A_773] : memref<8192xf32, #tpu.memory_space<vmem>> -> memref<256xf32, #tpu.memory_space<vmem>>
      %dma_wait3A_775 = tpu.memref_slice %arg5[%add3A_762] : memref<1048576xf32, #tpu.memory_space<hbm>> -> memref<256xf32, #tpu.memory_space<hbm>>
      %dma_wait3A_776 = tpu.memref_slice %arg5[%add3A_762] : memref<1048576xf32, #tpu.memory_space<hbm>> -> memref<256xf32, #tpu.memory_space<hbm>>
      %dma_wait3A_777 = arith.constant 7936 : i32
      %dma_wait3A_778 = tpu.memref_slice %arg10[%dma_wait3A_777] : memref<8192xf32, #tpu.memory_space<vmem>> -> memref<256xf32, #tpu.memory_space<vmem>>
      tpu.wait_dma2 semaphore(%run_scoped3A : memref<!tpu.dma_semaphore, #tpu.memory_space<semaphore_mem>>) src(%dma_wait3A_778 : memref<256xf32, #tpu.memory_space<vmem>>) dst(%dma_wait3A_776 : memref<256xf32, #tpu.memory_space<hbm>>)
      tpu.yield
    }) : () -> ()
    %add3A_763 = arith.constant 1032192 : i32
    %add3A_764 = arith.addi %add3A_763, %mul3A_2 : i32
    %add3A_765 = arith.constant 256 : i32
    %add3A_766 = arith.addi %add3A_764, %add3A_765 : i32
    "tpu.region"() ({
      %run_scoped3A = tpu.sem_alloc : memref<!tpu.dma_semaphore, #tpu.memory_space<semaphore_mem>>
      %dma_start3A_767 = arith.constant 7936 : i32
      %dma_start3A_768 = tpu.memref_slice %arg11[%dma_start3A_767] : memref<8192xf32, #tpu.memory_space<vmem>> -> memref<256xf32, #tpu.memory_space<vmem>>
      %dma_start3A_769 = tpu.memref_slice %arg5[%add3A_766] : memref<1048576xf32, #tpu.memory_space<hbm>> -> memref<256xf32, #tpu.memory_space<hbm>>
      %dma_start3A_770 = tpu.memref_slice %arg5[%add3A_766] : memref<1048576xf32, #tpu.memory_space<hbm>> -> memref<256xf32, #tpu.memory_space<hbm>>
      %dma_start3A_771 = arith.constant 7936 : i32
      %dma_start3A_772 = tpu.memref_slice %arg11[%dma_start3A_771] : memref<8192xf32, #tpu.memory_space<vmem>> -> memref<256xf32, #tpu.memory_space<vmem>>
      tpu.enqueue_dma source(%dma_start3A_772 : memref<256xf32, #tpu.memory_space<vmem>>) target(%dma_start3A_770 : memref<256xf32, #tpu.memory_space<hbm>>) target_semaphore(%run_scoped3A : memref<!tpu.dma_semaphore, #tpu.memory_space<semaphore_mem>>)
      %dma_wait3A_773 = arith.constant 7936 : i32
      %dma_wait3A_774 = tpu.memref_slice %arg11[%dma_wait3A_773] : memref<8192xf32, #tpu.memory_space<vmem>> -> memref<256xf32, #tpu.memory_space<vmem>>
      %dma_wait3A_775 = tpu.memref_slice %arg5[%add3A_766] : memref<1048576xf32, #tpu.memory_space<hbm>> -> memref<256xf32, #tpu.memory_space<hbm>>
      %dma_wait3A_776 = tpu.memref_slice %arg5[%add3A_766] : memref<1048576xf32, #tpu.memory_space<hbm>> -> memref<256xf32, #tpu.memory_space<hbm>>
      %dma_wait3A_777 = arith.constant 7936 : i32
      %dma_wait3A_778 = tpu.memref_slice %arg11[%dma_wait3A_777] : memref<8192xf32, #tpu.memory_space<vmem>> -> memref<256xf32, #tpu.memory_space<vmem>>
      tpu.wait_dma2 semaphore(%run_scoped3A : memref<!tpu.dma_semaphore, #tpu.memory_space<semaphore_mem>>) src(%dma_wait3A_778 : memref<256xf32, #tpu.memory_space<vmem>>) dst(%dma_wait3A_776 : memref<256xf32, #tpu.memory_space<hbm>>)
      tpu.yield
    }) : () -> ()
    return
  }
}

</mosaic_0001>

<sc_bundles>
// kernel: kernel.3.cloned.1.call-start
scs
__scs_entry_jumppad:
0x0: {  	(pc) =	sbr.rel $0x88, $3  }
0x1: {  	(tag) =	ssettag $0x0;
	lr =	simm.s32 $0x1  }
0x2: {  	[smem:$0x3F9E] =	sst lr;
	_ =	strace $0xD0000000  }
0x3: {  	_ = 	snop  }
0x4: {  	_ = 	snop  }
0x5: {  	_ = 	snop  }
0x6: {  	_ = 	snop  }
0x7: {  	_ = 	snop  }
__scs_overlays_trampoline_lowered:
0x8: {  	[smem:$0x3FAD] =	sst s0  }
0x9: {  	[smem:$0x3FAE] =	sst s1  }
0xa: {  	[smem:$0x3FAF] =	sst s2  }
0xb: {  	[smem:$0x3FB0] =	sst s3  }
0xc: {  	[smem:$0x3FB1] =	sst s4  }
0xd: {  	[smem:$0x3FB2] =	sst s5  }
0xe: {  	[smem:$0x3FB3] =	sst s6  }
0xf: {  	[smem:$0x3FB4] =	sst s7  }
0x10: {  	[smem:$0x3FB5] =	sst s8  }
0x11: {  	[smem:$0x3FB6] =	sst s9;
	s0 =	simm.s32 @!p0 $0x0  }
0x12: {  	s1 =	sld [smem:$0x3F9C];
	s0 =	simm.s32 @p0 $0x1  }
0x13: {  	[smem:$0x3FB7] =	sst s0;
	s0 =	simm.s32 @!p1 $0x0  }
0x14: {  	s2 =	sld [smem:$0x3F9B];
	s0 =	simm.s32 @p1 $0x1  }
0x15: {  	[smem:$0x3FB8] =	sst s0;
	s0 =	simm.s32 @!p2 $0x0  }
0x16: {  	s3 =	sld [smem:$0x3FDB];
	s0 =	simm.s32 @p2 $0x1  }
0x17: {  	s4 =	simm.s32 $0x1BF5;
	[smem:$0x3FBA] =	sst s0  }
0x18: {  	s0 =	sld [smem:$0x3F9D];
	_ =	swait.ge [sflag:s4], $0x0  }
0x19: {  	s7 =	sld [smem:$0x3F9E]  }
0x1a: {  	s8 =	sadd.s32 $0xFFFFE003, lr  }
0x1b: {  	s9 =	sadd.s32 $0xFFFFFEF7, lr;
	s5 =	simm.s32 $0xFFFFFFFF;
	p2 =	slt.u32 s8, $0xFFFFF086  }
0x1c: {  	p1 =	slt.u32 s9, $0xF7A;
	s5 =	simm.s32 @!p2 $0x0  }
0x1d: {  	s5 =	simm.s32 @p1 $0x1;
	p0 =	seq.s32 s7, s2  }
0x1e: {  	s7 =	smul.u32 @!p0 $0xF7A, s2;
	p2 =	seq.s32 @!p0 s5, $0x0  }
0x1f: {  	s9 =	smul.u32 $0xF7A, s1;
	s8 =	simm.s32 @!p0 $0x1BF5;
	p2 =	por !p2, p0  }
0x20: {  	[sflag:s8] =	ssyncset.s32 @!p0 $0xFFFFF086;
	s6 =	sadd.s32 @!p0 s3, s7;
	s7 =	simm.s32 @!p0 $0x108  }
0x21: {  	s3 =	sadd.s32 s3, s9;
	s6 =	sadd.s32 @!p0 $0x88, s6;
	s7 =	simm.s32 @p2 $0x1082  }
0x22: {  	[simem:s7], [sflag:s8] =	dma.local @!p0 [hbm:s6], $0xF7A  }
0x23: {  	s9 =	sor.u32 $0xD0000000, s2;
	s6 =	simm.s32 $0x108;
	_ =	swait.ge @!p0 [sflag:s8], $0x0  }
0x24: {  	s3 =	sadd.s32 $0x88, s3;
	s6 =	simm.s32 @!p1 $0x1082;
	[sflag:s4] =	ssyncset.s32 $0xFFFFF086  }
0x25: {  	[simem:s6], [sflag:s4] =	dma.local [hbm:s3], $0xF7A  }
0x26: {  	[smem:$0x3F9E] =	sst s1;
	(tag) =	ssettag s2;
	_ =	strace s9  }
0x27: {  	s1 =	sld [smem:$0x3FAE]  }
0x28: {  	s2 =	sld [smem:$0x3FAF]  }
0x29: {  	s4 =	sld [smem:$0x3FB1]  }
0x2a: {  	p0 =	seq.s32 s5, $0x0;
	s5 =	sld [smem:$0x3FB2]  }
0x2b: {  	s6 =	sld [smem:$0x3FB3]  }
0x2c: {  	s7 =	sld [smem:$0x3FB4]  }
0x2d: {  	s3 =	simm.s32 $0x108;
	s8 =	sld [smem:$0x3FB5]  }
0x2e: {  	s3 =	simm.s32 @!p0 $0x1082;
	s9 =	sld [smem:$0x3FB6]  }
0x2f: {  	lr =	sadd.s32 s0, s3;
	s0 =	sld [smem:$0x3FAD]  }
0x30: {  	s3 =	sld [smem:$0x3FB0]  }
0x31: {  	[smem:$0x3FB9] =	sst s10  }
0x32: {  	s10 =	sld [smem:$0x3FB7];
	_ =	sdelay $0x3  }
0x33: {  	p0 =	seq.s32 s10, $0x1;
	s10 =	sld [smem:$0x3FB9];
	_ =	sdelay $0x3  }
0x34: {  	[smem:$0x3FB9] =	sst s10  }
0x35: {  	s10 =	sld [smem:$0x3FB8];
	_ =	sdelay $0x3  }
0x36: {  	p1 =	seq.s32 s10, $0x1;
	s10 =	sld [smem:$0x3FB9];
	_ =	sdelay $0x3  }
0x37: {  	[smem:$0x3FB9] =	sst s10  }
0x38: {  	s10 =	sld [smem:$0x3FBA]  }
0x39: {  	_ = 	snop;
	(pc) =	sbr.ind lr, $3  }
0x3a: {  	_ = 	snop  }
0x3b: {  	_ = 	snop  }
0x3c: {  	p2 =	seq.s32 s10, $0x1;
	s10 =	sld [smem:$0x3FB9]  }
0x3d: {  	_ =	shalt  }
0x3e: {  	_ =	shalt  }
0x3f: {  	_ =	shalt  }
0x40: {  	_ =	shalt  }
0x41: {  	_ =	shalt  }
0x42: {  	_ =	shalt  }
0x43: {  	_ =	shalt  }
0x44: {  	_ =	shalt  }
0x45: {  	_ =	shalt  }
0x46: {  	_ =	shalt  }
0x47: {  	_ =	shalt  }
0x48: {  	_ =	shalt  }
0x49: {  	_ =	shalt  }
0x4a: {  	_ =	shalt  }
0x4b: {  	_ =	shalt  }
0x4c: {  	_ =	shalt  }
0x4d: {  	_ =	shalt  }
0x4e: {  	_ =	shalt  }
0x4f: {  	_ =	shalt  }
0x50: {  	_ =	shalt  }
0x51: {  	_ =	shalt  }
0x52: {  	_ =	shalt  }
0x53: {  	_ =	shalt  }
0x54: {  	_ =	shalt  }
0x55: {  	_ =	shalt  }
0x56: {  	_ =	shalt  }
0x57: {  	_ =	shalt  }
0x58: {  	_ =	shalt  }
0x59: {  	_ =	shalt  }
0x5a: {  	_ =	shalt  }
0x5b: {  	_ =	shalt  }
0x5c: {  	_ =	shalt  }
0x5d: {  	_ =	shalt  }
0x5e: {  	_ =	shalt  }
0x5f: {  	_ =	shalt  }
0x60: {  	_ =	shalt  }
0x61: {  	_ =	shalt  }
0x62: {  	_ =	shalt  }
0x63: {  	_ =	shalt  }
0x64: {  	_ =	shalt  }
0x65: {  	_ =	shalt  }
0x66: {  	_ =	shalt  }
0x67: {  	_ =	shalt  }
0x68: {  	_ =	shalt  }
0x69: {  	_ =	shalt  }
0x6a: {  	_ =	shalt  }
0x6b: {  	_ =	shalt  }
0x6c: {  	_ =	shalt  }
0x6d: {  	_ =	shalt  }
0x6e: {  	_ =	shalt  }
0x6f: {  	_ =	shalt  }
0x70: {  	_ =	shalt  }
0x71: {  	_ =	shalt  }
0x72: {  	_ =	shalt  }
0x73: {  	_ =	shalt  }
0x74: {  	_ =	shalt  }
0x75: {  	_ =	shalt  }
0x76: {  	_ =	shalt  }
0x77: {  	_ =	shalt  }
0x78: {  	_ =	shalt  }
0x79: {  	_ =	shalt  }
0x7a: {  	_ =	shalt  }
0x7b: {  	_ =	shalt  }
0x7c: {  	_ =	shalt  }
0x7d: {  	_ =	shalt  }
0x7e: {  	_ =	shalt  }
0x7f: {  	_ =	shalt  }
0x80: {  	_ =	shalt  }
0x81: {  	_ =	shalt  }
0x82: {  	_ =	shalt  }
0x83: {  	_ =	shalt  }
0x84: {  	_ =	shalt  }
0x85: {  	_ =	shalt  }
0x86: {  	_ =	shalt  }
0x87: {  	_ =	shalt  }
.Lfunc_end0:
.L_simem_size_0:
called_computation_lowered:
.L_overlay_start_0:
0x88: {  	s2 =	sld [smem:$0x3FD9]  }
0x89: {  	s3 =	sld [smem:$0x3FFE];
	_ =	sdelay $0x1  }
0x8a: {  	s1 =	srdreg.scid  }
0x8b: {  	s0 =	sand.u32 $0x1, s1  }
0x8c: {  	s17 =	sshll.u32 s0, $0xA;
	s2 =	sadd.s32 s3, s2  }
0x8d: {  	s2 =	sadd.s32 s2, s17  }
0x8e: {  	[smem:$0x3FC5] =	sst s2  }
0x8f: {  	_ = 	snop  }
0x90: {  	s2 =	sld [smem:$0x3FC9];
	(tm) =	ssettm $0x1  }
0x91: {  	s18 =	sld [smem:$0x3FFB];
	_ =	sdelay $0x3  }
0x92: {  	_ =	strace s18  }
0x93: {  	s3 =	sld [smem:$0x3FFC];
	_ =	sdelay $0x3  }
0x94: {  	_ =	strace s3  }
0x95: {  	s3 =	sld [smem:$0x3FFD];
	_ =	sdelay $0x3  }
0x96: {  	_ =	strace s3  }
0x97: {  	_ =	strace $0x8FFFFFFF  }
0x98: {  	s19 =	sld [smem:$0x3FDB];
	_ =	sdelay $0x1  }
0x99: {  	s4 =	simm.s32 $_scs_section_size  }
0x9a: {  	s5 =	simm.s32 $_size__tile_overlayer_lowered;
	s6 =	simm.s32 $_tile_overlayer_lowered  }
0x9b: {  	s22 =	simm.s32 $0x1BFF;
	s21 =	sshll.u32 s6, $0x1;
	s3 =	sadd.s32 s4, s19  }
0x9c: {  	s7 =	simm.s32 $0x0;
	s20 =	sshll.u32 s5, $0x1;
	s5 =	sadd.s32 s21, s3  }
0x9d: {  	[timem:s7], [sflag:s22] =	dma.local [hbm:s5], s20  }
0x9e: {  	_ =	swait.ge [sflag:s22], s20  }
0x9f: {  	s4 =	ssub.s32 $0x0, s20;
	[sflag:s22] =	ssyncset.done $0x0  }
0xa0: {  	[sflag:s22] =	ssyncadd.s32 s4;
	_ =	sdelay $0x1  }
0xa1: {  	s23 =	simm.s32 $0x1B8B  }
0xa2: {  	_ =	swait.ge [sflag:s23], $0x1  }
0xa3: {  	[sflag:s23] =	ssyncset.done $0x0  }
0xa4: {  	s25 =	simm.s32 $0x1B8E;
	s24 =	sld [smem:$0x3FFE];
	[sflag:s23] =	ssyncadd.s32 $0xFFFFFFFF  }
0xa5: {  	s26 =	simm.s32 $execute0_lowered;
	[smem:$0x3FD2] =	sst s25  }
0xa6: {  	s5 =	sshll.u32 s26, $0x1;
	_ =	strace $0x80000046;
	[dreg:$0x1] =	wrdreg $0xFFFFFFFF  }
0xa7: {  	s28 =	simm.s32 $_size_execute0_lowered;
	s3 =	sadd.s32 s3, s5;
	[dreg:$0x0] =	wrdreg $0x0  }
0xa8: {  	s5 =	sshll.u32 s28, $0x1;
	[dreg:$0x2] =	wrdreg s3  }
0xa9: {  	[dreg:$0x3] =	wrdreg s5  }
0xaa: {  	[dreg:$0x4] =	wrdreg $0xC0  }
0xab: {  	_ =	task [dreg:s7], $0x5FFFF  }
0xac: {  	[dreg:$0x1] =	wrdreg $0xFFFFFFFF  }
0xad: {  	[dreg:$0x0] =	wrdreg $0x60  }
0xae: {  	[dreg:$0x2] =	wrdreg s24  }
0xaf: {  	[dreg:$0x3] =	wrdreg s2  }
0xb0: {  	[dreg:$0x4] =	wrdreg $0x9  }
0xb1: {  	_ =	task.clear_ibuf [dreg:s7], $0x5FFFF;
	_ =	strace $0x90000046  }
0xb2: {  	s29 =	simm.s32 $0x9;
	_ =	strace $0x80000048  }
0xb3: {  	_ =	swait.ge [sflag:s29], $0x1  }
0xb4: {  	[sflag:s29] =	ssyncadd.s32 $0xFFFFFFFF  }
0xb5: {  	_ =	strace $0x90000048  }
0xb6: {  	_ =	sfence  }
0xb7: {  	s30 =	sld [smem:$0x0];
	_ =	sdelay $0x2  }
0xb8: {  	s31 =	sshll.u32 s1, $0xD;
	s1 =	sshrl.u32 s1, $0x2  }
0xb9: {  	s3 =	sand.u32 $0x4000, s31;
	s1 =	sadd.s32 s1, s30  }
0xba: {  	s0 =	sor.u32 s3, s0;
	s1 =	sshll.u32 s1, $0x11  }
0xbb: {  	s0 =	sor.u32 s1, s0  }
0xbc: {  	s0 =	sadd.s32 $0x8F2B, s0  }
0xbd: {  	[sflag:s0] =	ssyncadd.remote.s32 $0x1  }
0xbe: {  	_ =	sfence.sel $0xFFFF  }
0xbf: {  	[dreg:$0x0] =	wrdreg $0xFFFFFFFF;
	(pc) =	sbr.abs _section_cstart, $3  }
0xc0: {  	[dreg:$0x1] =	wrdreg $0xFFFFFFFF  }
0xc1: {  	_ =	task.clear_ibuf [dreg:s7], $0x2FFFF;
	_ =	strace $0x9FFFFFFF  }
0xc2: {  	(tm) =	ssettm $0x7FFFFFFF  }
0xc3: {  	_ =	shalt  }
tec
execute0_lowered:
.L_overlay_start_1:
0x0: {  	(tag) =	ssettag $0x1  }
0x1: {  	s0 =	rddreg [dreg:$0x0];
	s1 =	srdreg.scid  }
0x2: {  	s5 =	rddreg [dreg:$0x1];
	s3 =	stileid.u32;
	s1 =	sand.u32 $0x1, s1  }
0x3: {  	s2 =	simm.s32 $0x0;
	s4 =	sshll.u32 s3, $0x7;
	s6 =	sshll.u32 s1, $0x6  }
0x4: {  	[smem:$0x7FF] =	sst s2;
	s3 =	sadd.s32 $0xF42800, s0;
	s6 =	sor.u32 s6, s4  }
0x5: {  	s4 =	sadd.s32 $0x1313200, s0;
	s0 =	sadd.s32 s6, s0;
	s5 =	sadd.s32 s5, s6  }
0x6: {  	_ =	strace $0x80000047;
	[dreg:$0x3] =	wrdreg s5;
	s25 =	sadd.s32 $0x400, s0  }
0x7: {  	s1 =	ssub.s32 $0x2, s1;
	s26 =	sadd.s32 $0x10400, s0;
	[dreg:$0x4] =	wrdreg s25  }
0x8: {  	s7 =	sshrl.u32 s1, $0x1;
	s6 =	sadd.s32 $0xC00, s0;
	[dreg:$0x5] =	wrdreg s26  }
0x9: {  	s1 =	ssub.s32 s1, s7;
	s7 =	sadd.s32 $0x10C00, s0;
	[dreg:$0x6] =	wrdreg s6  }
0xa: {  	s8 =	sadd.s32 $0x1400, s0;
	[dreg:$0x7] =	wrdreg s7  }
0xb: {  	s9 =	sadd.s32 $0x11400, s0;
	[dreg:$0x8] =	wrdreg s8  }
0xc: {  	s10 =	sadd.s32 $0x1C00, s0;
	[dreg:$0x9] =	wrdreg s9  }
0xd: {  	s11 =	sadd.s32 $0x11C00, s0;
	[dreg:$0xa] =	wrdreg s10  }
0xe: {  	s12 =	sadd.s32 $0x2400, s0;
	[dreg:$0xb] =	wrdreg s11  }
0xf: {  	s13 =	sadd.s32 $0x12400, s0;
	[dreg:$0xc] =	wrdreg s12  }
0x10: {  	s14 =	sadd.s32 $0x2C00, s0;
	[dreg:$0xd] =	wrdreg s13  }
0x11: {  	s15 =	sadd.s32 $0x12C00, s0;
	[dreg:$0xe] =	wrdreg s14  }
0x12: {  	s16 =	sadd.s32 $0x3400, s0;
	[dreg:$0xf] =	wrdreg s15  }
0x13: {  	s17 =	sadd.s32 $0x13400, s0;
	[dreg:$0x10] =	wrdreg s16  }
0x14: {  	s18 =	sadd.s32 $0x3C00, s0;
	[dreg:$0x11] =	wrdreg s17  }
0x15: {  	s19 =	sadd.s32 $0x13C00, s0;
	[dreg:$0x12] =	wrdreg s18  }
0x16: {  	s20 =	sadd.s32 $0x4400, s0;
	[dreg:$0x13] =	wrdreg s19  }
0x17: {  	s21 =	sadd.s32 $0x14400, s0;
	[dreg:$0x14] =	wrdreg s20  }
0x18: {  	s22 =	sadd.s32 $0x4C00, s0;
	[dreg:$0x15] =	wrdreg s21  }
0x19: {  	s23 =	sadd.s32 $0x14C00, s0;
	[dreg:$0x16] =	wrdreg s22  }
0x1a: {  	s24 =	sadd.s32 $0x5400, s0;
	[dreg:$0x17] =	wrdreg s23  }
0x1b: {  	[dreg:$0x18] =	wrdreg s24;
	s25 =	sadd.s32 $0x15400, s0  }
0x1c: {  	s26 =	sadd.s32 $0x5C00, s0;
	[dreg:$0x19] =	wrdreg s25  }
0x1d: {  	s6 =	sadd.s32 $0x15C00, s0;
	[dreg:$0x1a] =	wrdreg s26  }
0x1e: {  	s7 =	sadd.s32 $0x6400, s0;
	[dreg:$0x1b] =	wrdreg s6  }
0x1f: {  	s8 =	sadd.s32 $0x16400, s0;
	[dreg:$0x1c] =	wrdreg s7  }
0x20: {  	s9 =	sadd.s32 $0x6C00, s0;
	[dreg:$0x1d] =	wrdreg s8  }
0x21: {  	s10 =	sadd.s32 $0x16C00, s0;
	[dreg:$0x1e] =	wrdreg s9  }
0x22: {  	s11 =	sadd.s32 $0x7400, s0;
	[dreg:$0x1f] =	wrdreg s10  }
0x23: {  	s12 =	sadd.s32 $0x17400, s0;
	[smem:$0x799] =	sst s11  }
0x24: {  	s13 =	sadd.s32 $0x7C00, s0;
	[smem:$0x79A] =	sst s12  }
0x25: {  	s14 =	sadd.s32 $0x17C00, s0;
	[smem:$0x79B] =	sst s13  }
0x26: {  	s15 =	sadd.s32 $0x8400, s0;
	[smem:$0x79C] =	sst s14  }
0x27: {  	s16 =	sadd.s32 $0x18400, s0;
	[smem:$0x79D] =	sst s15  }
0x28: {  	s17 =	sadd.s32 $0x8C00, s0;
	[smem:$0x79E] =	sst s16  }
0x29: {  	s18 =	sadd.s32 $0x18C00, s0;
	[smem:$0x79F] =	sst s17  }
0x2a: {  	s19 =	sadd.s32 $0x9400, s0;
	[smem:$0x7A0] =	sst s18  }
0x2b: {  	s20 =	sadd.s32 $0x19400, s0;
	[smem:$0x7A1] =	sst s19  }
0x2c: {  	s21 =	sadd.s32 $0x9C00, s0;
	[smem:$0x7A2] =	sst s20  }
0x2d: {  	s22 =	sadd.s32 $0x19C00, s0;
	[smem:$0x7A3] =	sst s21  }
0x2e: {  	s23 =	sadd.s32 $0xA400, s0;
	[smem:$0x7A4] =	sst s22  }
0x2f: {  	s24 =	sadd.s32 $0x1A400, s0;
	[smem:$0x7A5] =	sst s23  }
0x30: {  	[smem:$0x7A6] =	sst s24;
	s25 =	sadd.s32 $0xAC00, s0  }
0x31: {  	s26 =	sadd.s32 $0x1AC00, s0;
	[smem:$0x7A7] =	sst s25  }
0x32: {  	s6 =	sadd.s32 $0xB400, s0;
	[smem:$0x7A8] =	sst s26  }
0x33: {  	s7 =	sadd.s32 $0x1B400, s0;
	[smem:$0x7A9] =	sst s6  }
0x34: {  	s8 =	sadd.s32 $0xBC00, s0;
	[smem:$0x7AA] =	sst s7  }
0x35: {  	s9 =	sadd.s32 $0x1BC00, s0;
	[smem:$0x7AB] =	sst s8  }
0x36: {  	s10 =	sadd.s32 $0xC400, s0;
	[smem:$0x7AC] =	sst s9  }
0x37: {  	s11 =	sadd.s32 $0x1C400, s0;
	[smem:$0x7AD] =	sst s10  }
0x38: {  	s12 =	sadd.s32 $0xCC00, s0;
	[smem:$0x7AE] =	sst s11  }
0x39: {  	s13 =	sadd.s32 $0x1CC00, s0;
	[smem:$0x7AF] =	sst s12  }
0x3a: {  	s14 =	sadd.s32 $0xD400, s0;
	[smem:$0x7B0] =	sst s13  }
0x3b: {  	s15 =	sadd.s32 $0x1D400, s0;
	[smem:$0x7B1] =	sst s14  }
0x3c: {  	s16 =	sadd.s32 $0xDC00, s0;
	[smem:$0x7B2] =	sst s15  }
0x3d: {  	s17 =	sadd.s32 $0x1DC00, s0;
	[smem:$0x7B3] =	sst s16  }
0x3e: {  	s18 =	sadd.s32 $0xE400, s0;
	[smem:$0x7B4] =	sst s17  }
0x3f: {  	s19 =	sadd.s32 $0x1E400, s0;
	[smem:$0x7B5] =	sst s18  }
0x40: {  	s20 =	sadd.s32 $0xEC00, s0;
	[smem:$0x7B6] =	sst s19  }
0x41: {  	s21 =	sadd.s32 $0x1EC00, s0;
	[smem:$0x7B7] =	sst s20  }
0x42: {  	s22 =	sadd.s32 $0xF400, s0;
	[smem:$0x7B8] =	sst s21  }
0x43: {  	s23 =	sadd.s32 $0x1F400, s0;
	[smem:$0x7B9] =	sst s22  }
0x44: {  	s24 =	sadd.s32 $0xFC00, s0;
	[smem:$0x7BA] =	sst s23  }
0x45: {  	[smem:$0x7BB] =	sst s24;
	s25 =	sadd.s32 $0x1FC00, s0  }
0x46: {  	s26 =	sadd.s32 $0x420, s0;
	[smem:$0x7BC] =	sst s25  }
0x47: {  	s6 =	sadd.s32 $0x10420, s0;
	[smem:$0x7BD] =	sst s26  }
0x48: {  	s7 =	sadd.s32 $0xC20, s0;
	[smem:$0x7BE] =	sst s6  }
0x49: {  	s8 =	sadd.s32 $0x10C20, s0;
	[smem:$0x7BF] =	sst s7  }
0x4a: {  	s9 =	sadd.s32 $0x1420, s0;
	[smem:$0x7C0] =	sst s8  }
0x4b: {  	s10 =	sadd.s32 $0x11420, s0;
	[smem:$0x7C1] =	sst s9  }
0x4c: {  	s11 =	sadd.s32 $0x1C20, s0;
	[smem:$0x7C2] =	sst s10  }
0x4d: {  	s12 =	sadd.s32 $0x11C20, s0;
	[smem:$0x7C3] =	sst s11  }
0x4e: {  	s13 =	sadd.s32 $0x2420, s0;
	[smem:$0x7C4] =	sst s12  }
0x4f: {  	s14 =	sadd.s32 $0x12420, s0;
	[smem:$0x7C5] =	sst s13  }
0x50: {  	s15 =	sadd.s32 $0x2C20, s0;
	[smem:$0x7C6] =	sst s14  }
0x51: {  	s16 =	sadd.s32 $0x12C20, s0;
	[smem:$0x7C7] =	sst s15  }
0x52: {  	s17 =	sadd.s32 $0x3420, s0;
	[smem:$0x7C8] =	sst s16  }
0x53: {  	s18 =	sadd.s32 $0x13420, s0;
	[smem:$0x7C9] =	sst s17  }
0x54: {  	s19 =	sadd.s32 $0x3C20, s0;
	[smem:$0x7CA] =	sst s18  }
0x55: {  	s20 =	sadd.s32 $0x13C20, s0;
	[smem:$0x7CB] =	sst s19  }
0x56: {  	s21 =	sadd.s32 $0x4420, s0;
	[smem:$0x7CC] =	sst s20  }
0x57: {  	s22 =	sadd.s32 $0x14420, s0;
	[smem:$0x7CD] =	sst s21  }
0x58: {  	s23 =	sadd.s32 $0x4C20, s0;
	[smem:$0x7CE] =	sst s22  }
0x59: {  	s24 =	sadd.s32 $0x14C20, s0;
	[smem:$0x7CF] =	sst s23  }
0x5a: {  	[smem:$0x7D0] =	sst s24;
	s25 =	sadd.s32 $0x5420, s0  }
0x5b: {  	s26 =	sadd.s32 $0x15420, s0;
	[smem:$0x7D1] =	sst s25  }
0x5c: {  	s6 =	sadd.s32 $0x5C20, s0;
	[smem:$0x7D2] =	sst s26  }
0x5d: {  	s7 =	sadd.s32 $0x15C20, s0;
	[smem:$0x7D3] =	sst s6  }
0x5e: {  	s8 =	sadd.s32 $0x6420, s0;
	[smem:$0x7D4] =	sst s7  }
0x5f: {  	s9 =	sadd.s32 $0x16420, s0;
	[smem:$0x7D5] =	sst s8  }
0x60: {  	s10 =	sadd.s32 $0x6C20, s0;
	[smem:$0x7D6] =	sst s9  }
0x61: {  	s11 =	sadd.s32 $0x16C20, s0;
	[smem:$0x7D7] =	sst s10  }
0x62: {  	s12 =	sadd.s32 $0x7420, s0;
	[smem:$0x7D8] =	sst s11  }
0x63: {  	s13 =	sadd.s32 $0x17420, s0;
	[smem:$0x7D9] =	sst s12  }
0x64: {  	s14 =	sadd.s32 $0x7C20, s0;
	[smem:$0x7DA] =	sst s13  }
0x65: {  	s15 =	sadd.s32 $0x17C20, s0;
	[smem:$0x7DB] =	sst s14  }
0x66: {  	s16 =	sadd.s32 $0x8420, s0;
	[smem:$0x7DC] =	sst s15  }
0x67: {  	s17 =	sadd.s32 $0x18420, s0;
	[smem:$0x7DD] =	sst s16  }
0x68: {  	s18 =	sadd.s32 $0x8C20, s0;
	[smem:$0x7DE] =	sst s17  }
0x69: {  	s19 =	sadd.s32 $0x18C20, s0;
	[smem:$0x7DF] =	sst s18  }
0x6a: {  	s20 =	sadd.s32 $0x9420, s0;
	[smem:$0x7E0] =	sst s19  }
0x6b: {  	s21 =	sadd.s32 $0x19420, s0;
	[smem:$0x7E1] =	sst s20  }
0x6c: {  	s22 =	sadd.s32 $0x9C20, s0;
	[smem:$0x7E2] =	sst s21  }
0x6d: {  	s23 =	sadd.s32 $0x19C20, s0;
	[smem:$0x7E3] =	sst s22  }
0x6e: {  	s24 =	sadd.s32 $0xA420, s0;
	[smem:$0x7E4] =	sst s23  }
0x6f: {  	[smem:$0x7E5] =	sst s24;
	s25 =	sadd.s32 $0x1A420, s0  }
0x70: {  	s26 =	sadd.s32 $0xAC20, s0;
	[smem:$0x7E6] =	sst s25  }
0x71: {  	s6 =	sadd.s32 $0x1AC20, s0;
	[smem:$0x7E7] =	sst s26  }
0x72: {  	s7 =	sadd.s32 $0xB420, s0;
	[smem:$0x7E8] =	sst s6  }
0x73: {  	s8 =	sadd.s32 $0x1B420, s0;
	[smem:$0x7E9] =	sst s7  }
0x74: {  	s9 =	sadd.s32 $0xBC20, s0;
	[smem:$0x7EA] =	sst s8  }
0x75: {  	s10 =	sadd.s32 $0x1BC20, s0;
	[smem:$0x7EB] =	sst s9  }
0x76: {  	s11 =	sadd.s32 $0xC420, s0;
	[smem:$0x7EC] =	sst s10  }
0x77: {  	s12 =	sadd.s32 $0x1C420, s0;
	[smem:$0x7ED] =	sst s11  }
0x78: {  	s13 =	sadd.s32 $0xCC20, s0;
	[smem:$0x7EE] =	sst s12  }
0x79: {  	s14 =	sadd.s32 $0x1CC20, s0;
	[smem:$0x7EF] =	sst s13  }
0x7a: {  	s15 =	sadd.s32 $0xD420, s0;
	[smem:$0x7F0] =	sst s14  }
0x7b: {  	s16 =	sadd.s32 $0x1D420, s0;
	[smem:$0x7F1] =	sst s15  }
0x7c: {  	s17 =	sadd.s32 $0xDC20, s0;
	[smem:$0x7F2] =	sst s16  }
0x7d: {  	s18 =	sadd.s32 $0x1DC20, s0;
	[smem:$0x7F3] =	sst s17  }
0x7e: {  	s19 =	sadd.s32 $0xE420, s0;
	[smem:$0x7F4] =	sst s18  }
0x7f: {  	s20 =	sadd.s32 $0x1E420, s0;
	[smem:$0x7F5] =	sst s19  }
0x80: {  	s28 =	simm.s32 $0x8300;
	s21 =	sadd.s32 $0xEC20, s0;
	[smem:$0x7F6] =	sst s20  }
0x81: {  	s29 =	simm.s32 $0x1;
	s22 =	sadd.s32 $0x1EC20, s0;
	[smem:$0x7F7] =	sst s21  }
0x82: {  	s30 =	simm.s32 $0x14100;
	s23 =	sadd.s32 $0xF420, s0;
	[smem:$0x7F8] =	sst s22  }
0x83: {  	s31 =	simm.s32 $0x14200;
	s24 =	sadd.s32 $0x1F420, s0;
	[smem:$0x7F9] =	sst s23  }
0x84: {  	[smem:$0x7FA] =	sst s24;
	s25 =	sadd.s32 $0xFC20, s0;
	s0 =	sadd.s32 $0x1FC20, s0  }
0x85: {  	s26 =	smax.u32 s1, $0x1;
	s23 =	simm.s32 $0x2;
	s10 =	simm.s32 $0x12000  }
0x86: {  	s11 =	simm.s32 $0x14000;
	s12 =	simm.s32 $0x12100;
	[smem:$0x7FB] =	sst s25  }
0x87: {  	v0 =	vlaneseq.u32;
	s13 =	simm.s32 $0x12200;
	s14 =	simm.s32 $0x0;
	[smem:$0x7FC] =	sst s0  }
0x88: {  	v0 =	vmul.u32 $0x80, v0;
	[smem:$0x7FD] =	sst s26;
	s25 =	simm.s32 $0x200;
	s26 =	simm.s32 $0x300  }
.LBB2_1:
0x89: {  	s0 =	rddreg [dreg:$0x3]  }
0x8a: {  	[tilespmem:s2], [sflag:$0x2] =	stream.linear.gather [hbm4b:s0+s2], $0x200, $0x38;
	[tilespmem:$0x14300] =	vst v63  }
0x8b: {  	_ =	swait.ge [sflag:s23], $0x200  }
0x8c: {  	[sflag:s23] =	ssyncset.done $0x0  }
0x8d: {  	[sflag:s23] =	ssyncadd.s32 $0xFFFFFE00  }
0x8e: {  	v1 =	vld [tilespmem:$0x0]  }
0x8f: {  	v2 =	vld [tilespmem:$0x10]  }
0x90: {  	v3 =	vld [tilespmem:$0x20]  }
0x91: {  	v4 =	vld [tilespmem:$0x30]  }
0x92: {  	v5 =	vld [tilespmem:$0x40]  }
0x93: {  	v6 =	vld [tilespmem:$0x50];
	v1 =	vshrl.u32 v1, $0x2  }
0x94: {  	[tilespmem:$0x200] =	vst v1;
	v1 =	vshrl.u32 v2, $0x2;
	v2 =	vld [tilespmem:$0x60]  }
0x95: {  	[tilespmem:$0x210] =	vst v1;
	v1 =	vshrl.u32 v3, $0x2;
	v3 =	vld [tilespmem:$0x70]  }
0x96: {  	v58 =	vld [tilespmem:$0x80];
	[tilespmem:$0x220] =	vst v1;
	v1 =	vshrl.u32 v4, $0x2  }
0x97: {  	v59 =	vld [tilespmem:$0x90];
	[tilespmem:$0x230] =	vst v1;
	v1 =	vshrl.u32 v5, $0x2  }
0x98: {  	v60 =	vld [tilespmem:$0xA0];
	[tilespmem:$0x240] =	vst v1;
	v1 =	vshrl.u32 v6, $0x2  }
0x99: {  	[tilespmem:$0x250] =	vst v1;
	v1 =	vshrl.u32 v2, $0x2;
	v2 =	vld [tilespmem:$0xB0]  }
0x9a: {  	[tilespmem:$0x260] =	vst v1;
	v1 =	vshrl.u32 v3, $0x2;
	v3 =	vld [tilespmem:$0xC0]  }
0x9b: {  	v61 =	vld [tilespmem:$0xD0];
	[tilespmem:$0x270] =	vst v1;
	v1 =	vshrl.u32 v58, $0x2  }
0x9c: {  	v62 =	vld [tilespmem:$0xE0];
	[tilespmem:$0x280] =	vst v1;
	v1 =	vshrl.u32 v59, $0x2  }
0x9d: {  	v63 =	vld [tilespmem:$0xF0];
	[tilespmem:$0x290] =	vst v1;
	v1 =	vshrl.u32 v60, $0x2  }
0x9e: {  	[tilespmem:$0x2A0] =	vst v1;
	v1 =	vshrl.u32 v2, $0x2  }
0x9f: {  	[tilespmem:$0x2B0] =	vst v1;
	v1 =	vshrl.u32 v3, $0x2  }
0xa0: {  	[tilespmem:$0x2C0] =	vst v1;
	v1 =	vshrl.u32 v61, $0x2  }
0xa1: {  	[tilespmem:$0x2D0] =	vst v1;
	v1 =	vshrl.u32 v62, $0x2  }
0xa2: {  	[tilespmem:$0x2E0] =	vst v1;
	v1 =	vshrl.u32 v63, $0x2  }
0xa3: {  	s24 =	simm.s32 $0x100;
	[tilespmem:$0x2F0] =	vst v1  }
0xa4: {  	[tilespmem:s26], [sflag:$0x1] =	stream.indirect.gather [hbm4b:s3+s24], $0x80, s25, s24, $0xb8;
	[tilespmem:$0x14300] =	vst v63  }
0xa5: {  	_ = 	snop  }
0xa6: {  	[tilespmem:s28], [sflag:$0x1] =	stream.indirect.gather [hbm4b:s4+s24], $0x80, s25, s24, $0xb8;
	[tilespmem:$0x14300] =	vst v63  }
0xa7: {  	_ =	swait.ge [sflag:s29], $0x8000  }
0xa8: {  	[sflag:s29] =	ssyncset.done $0x0  }
0xa9: {  	[sflag:s29] =	ssyncadd.s32 $0xFFFF8000  }
0xaa: {  	_ =	swait.ge [sflag:s29], $0x8000  }
0xab: {  	s1 =	simm.s32 $0x11300;
	s15 =	simm.s32 $0x0;
	[sflag:s29] =	ssyncset.done $0x0  }
0xac: {  	s16 =	simm.s32 $0x0;
	s0 =	simm.s32 $0x13300;
	[sflag:s29] =	ssyncadd.s32 $0xFFFF8000  }
.LBB2_2:
0xad: {  	v1 =	vld [tilespmem:s15+$0x0];
	_ =	sdelay $0x3  }
0xae: {  	v2 =	vmov s16  }
0xaf: {  	v2 =	vshll.u32 v2, $0x7;
	v1 =	vshll.u32 v1, $0x5  }
0xb0: {  	v2 =	vor.u32 v0, v2;
	v1 =	vand.u32 $0x60, v1  }
0xb1: {  	v1 =	vor.u32 v2, v1;
	_ =	sdelay $0x4  }
0xb2: {  	v2 =	vld.idx.msk [tilespmem:v1+s26+$0x0], $0xffff;
	_ =	sdelay $0x4  }
0xb3: {  	[tilespmem:s1+$0xFFFFF000] =	vst v2  }
0xb4: {  	v2 =	vld.idx.msk [tilespmem:v1+s28+$0x0], $0xffff  }
0xb5: {  	v3 =	vor.u32 $0x1, v1;
	_ =	sdelay $0x3  }
0xb6: {  	[tilespmem:s0+$0xFFFFF000] =	vst v2  }
0xb7: {  	v2 =	vld.idx.msk [tilespmem:v3+s26+$0x0], $0xffff;
	_ =	sdelay $0x4  }
0xb8: {  	[tilespmem:s1+$0xFFFFF100] =	vst v2  }
0xb9: {  	v2 =	vld.idx.msk [tilespmem:v3+s28+$0x0], $0xffff  }
0xba: {  	v3 =	vor.u32 $0x2, v1;
	_ =	sdelay $0x3  }
0xbb: {  	[tilespmem:s0+$0xFFFFF100] =	vst v2  }
0xbc: {  	v2 =	vld.idx.msk [tilespmem:v3+s26+$0x0], $0xffff;
	_ =	sdelay $0x4  }
0xbd: {  	[tilespmem:s1+$0xFFFFF200] =	vst v2  }
0xbe: {  	v2 =	vld.idx.msk [tilespmem:v3+s28+$0x0], $0xffff  }
0xbf: {  	v3 =	vor.u32 $0x3, v1;
	_ =	sdelay $0x3  }
0xc0: {  	[tilespmem:s0+$0xFFFFF200] =	vst v2  }
0xc1: {  	v2 =	vld.idx.msk [tilespmem:v3+s26+$0x0], $0xffff;
	_ =	sdelay $0x4  }
0xc2: {  	[tilespmem:s1+$0xFFFFF300] =	vst v2  }
0xc3: {  	v2 =	vld.idx.msk [tilespmem:v3+s28+$0x0], $0xffff  }
0xc4: {  	v3 =	vor.u32 $0x4, v1;
	_ =	sdelay $0x3  }
0xc5: {  	[tilespmem:s0+$0xFFFFF300] =	vst v2  }
0xc6: {  	v2 =	vld.idx.msk [tilespmem:v3+s26+$0x0], $0xffff;
	_ =	sdelay $0x4  }
0xc7: {  	[tilespmem:s1+$0xFFFFF400] =	vst v2  }
0xc8: {  	v2 =	vld.idx.msk [tilespmem:v3+s28+$0x0], $0xffff  }
0xc9: {  	v3 =	vor.u32 $0x5, v1;
	_ =	sdelay $0x3  }
0xca: {  	[tilespmem:s0+$0xFFFFF400] =	vst v2  }
0xcb: {  	v2 =	vld.idx.msk [tilespmem:v3+s26+$0x0], $0xffff;
	_ =	sdelay $0x4  }
0xcc: {  	[tilespmem:s1+$0xFFFFF500] =	vst v2  }
0xcd: {  	v2 =	vld.idx.msk [tilespmem:v3+s28+$0x0], $0xffff  }
0xce: {  	v3 =	vor.u32 $0x6, v1;
	_ =	sdelay $0x3  }
0xcf: {  	[tilespmem:s0+$0xFFFFF500] =	vst v2  }
0xd0: {  	v2 =	vld.idx.msk [tilespmem:v3+s26+$0x0], $0xffff;
	_ =	sdelay $0x4  }
0xd1: {  	[tilespmem:s1+$0xFFFFF600] =	vst v2  }
0xd2: {  	v2 =	vld.idx.msk [tilespmem:v3+s28+$0x0], $0xffff  }
0xd3: {  	v3 =	vor.u32 $0x7, v1;
	_ =	sdelay $0x3  }
0xd4: {  	[tilespmem:s0+$0xFFFFF600] =	vst v2  }
0xd5: {  	v2 =	vld.idx.msk [tilespmem:v3+s26+$0x0], $0xffff;
	_ =	sdelay $0x4  }
0xd6: {  	[tilespmem:s1+$0xFFFFF700] =	vst v2  }
0xd7: {  	v2 =	vld.idx.msk [tilespmem:v3+s28+$0x0], $0xffff  }
0xd8: {  	v3 =	vor.u32 $0x8, v1;
	_ =	sdelay $0x3  }
0xd9: {  	[tilespmem:s0+$0xFFFFF700] =	vst v2  }
0xda: {  	v2 =	vld.idx.msk [tilespmem:v3+s26+$0x0], $0xffff;
	_ =	sdelay $0x4  }
0xdb: {  	[tilespmem:s1+$0xFFFFF800] =	vst v2  }
0xdc: {  	v2 =	vld.idx.msk [tilespmem:v3+s28+$0x0], $0xffff  }
0xdd: {  	v3 =	vor.u32 $0x9, v1;
	_ =	sdelay $0x3  }
0xde: {  	[tilespmem:s0+$0xFFFFF800] =	vst v2  }
0xdf: {  	v2 =	vld.idx.msk [tilespmem:v3+s26+$0x0], $0xffff;
	_ =	sdelay $0x4  }
0xe0: {  	[tilespmem:s1+$0xFFFFF900] =	vst v2  }
0xe1: {  	v2 =	vld.idx.msk [tilespmem:v3+s28+$0x0], $0xffff  }
0xe2: {  	v3 =	vor.u32 $0xA, v1;
	_ =	sdelay $0x3  }
0xe3: {  	[tilespmem:s0+$0xFFFFF900] =	vst v2  }
0xe4: {  	v2 =	vld.idx.msk [tilespmem:v3+s26+$0x0], $0xffff;
	_ =	sdelay $0x4  }
0xe5: {  	[tilespmem:s1+$0xFFFFFA00] =	vst v2  }
0xe6: {  	v2 =	vld.idx.msk [tilespmem:v3+s28+$0x0], $0xffff  }
0xe7: {  	v3 =	vor.u32 $0xB, v1;
	_ =	sdelay $0x3  }
0xe8: {  	[tilespmem:s0+$0xFFFFFA00] =	vst v2  }
0xe9: {  	v2 =	vld.idx.msk [tilespmem:v3+s26+$0x0], $0xffff;
	_ =	sdelay $0x4  }
0xea: {  	[tilespmem:s1+$0xFFFFFB00] =	vst v2  }
0xeb: {  	v2 =	vld.idx.msk [tilespmem:v3+s28+$0x0], $0xffff  }
0xec: {  	v3 =	vor.u32 $0xC, v1;
	_ =	sdelay $0x3  }
0xed: {  	[tilespmem:s0+$0xFFFFFB00] =	vst v2  }
0xee: {  	v2 =	vld.idx.msk [tilespmem:v3+s26+$0x0], $0xffff;
	_ =	sdelay $0x4  }
0xef: {  	[tilespmem:s1+$0xFFFFFC00] =	vst v2  }
0xf0: {  	v2 =	vld.idx.msk [tilespmem:v3+s28+$0x0], $0xffff  }
0xf1: {  	v3 =	vor.u32 $0xD, v1;
	_ =	sdelay $0x3  }
0xf2: {  	[tilespmem:s0+$0xFFFFFC00] =	vst v2  }
0xf3: {  	v2 =	vld.idx.msk [tilespmem:v3+s26+$0x0], $0xffff;
	_ =	sdelay $0x4  }
0xf4: {  	[tilespmem:s1+$0xFFFFFD00] =	vst v2  }
0xf5: {  	v2 =	vld.idx.msk [tilespmem:v3+s28+$0x0], $0xffff  }
0xf6: {  	v3 =	vor.u32 $0xE, v1;
	_ =	sdelay $0x3  }
0xf7: {  	[tilespmem:s0+$0xFFFFFD00] =	vst v2  }
0xf8: {  	v2 =	vld.idx.msk [tilespmem:v3+s26+$0x0], $0xffff;
	_ =	sdelay $0x4  }
0xf9: {  	[tilespmem:s1+$0xFFFFFE00] =	vst v2  }
0xfa: {  	v2 =	vld.idx.msk [tilespmem:v3+s28+$0x0], $0xffff  }
0xfb: {  	v3 =	vor.u32 $0xF, v1;
	_ =	sdelay $0x3  }
0xfc: {  	[tilespmem:s0+$0xFFFFFE00] =	vst v2  }
0xfd: {  	v2 =	vld.idx.msk [tilespmem:v3+s26+$0x0], $0xffff;
	_ =	sdelay $0x4  }
0xfe: {  	[tilespmem:s1+$0xFFFFFF00] =	vst v2  }
0xff: {  	v2 =	vld.idx.msk [tilespmem:v3+s28+$0x0], $0xffff  }
0x100: {  	v3 =	vor.u32 $0x10, v1;
	_ =	sdelay $0x3  }
0x101: {  	[tilespmem:s0+$0xFFFFFF00] =	vst v2  }
0x102: {  	v2 =	vld.idx.msk [tilespmem:v3+s26+$0x0], $0xffff;
	_ =	sdelay $0x4  }
0x103: {  	[tilespmem:s1+$0x0] =	vst v2  }
0x104: {  	v2 =	vld.idx.msk [tilespmem:v3+s28+$0x0], $0xffff  }
0x105: {  	v3 =	vor.u32 $0x11, v1;
	_ =	sdelay $0x3  }
0x106: {  	[tilespmem:s0+$0x0] =	vst v2  }
0x107: {  	v2 =	vld.idx.msk [tilespmem:v3+s26+$0x0], $0xffff;
	_ =	sdelay $0x4  }
0x108: {  	[tilespmem:s1+$0x100] =	vst v2  }
0x109: {  	v2 =	vld.idx.msk [tilespmem:v3+s28+$0x0], $0xffff  }
0x10a: {  	v3 =	vor.u32 $0x12, v1;
	_ =	sdelay $0x3  }
0x10b: {  	[tilespmem:s0+$0x100] =	vst v2  }
0x10c: {  	v2 =	vld.idx.msk [tilespmem:v3+s26+$0x0], $0xffff;
	_ =	sdelay $0x4  }
0x10d: {  	[tilespmem:s1+$0x200] =	vst v2  }
0x10e: {  	v2 =	vld.idx.msk [tilespmem:v3+s28+$0x0], $0xffff  }
0x10f: {  	v3 =	vor.u32 $0x13, v1;
	_ =	sdelay $0x3  }
0x110: {  	[tilespmem:s0+$0x200] =	vst v2  }
0x111: {  	v2 =	vld.idx.msk [tilespmem:v3+s26+$0x0], $0xffff;
	_ =	sdelay $0x4  }
0x112: {  	[tilespmem:s1+$0x300] =	vst v2  }
0x113: {  	v2 =	vld.idx.msk [tilespmem:v3+s28+$0x0], $0xffff  }
0x114: {  	v3 =	vor.u32 $0x14, v1;
	_ =	sdelay $0x3  }
0x115: {  	[tilespmem:s0+$0x300] =	vst v2  }
0x116: {  	v2 =	vld.idx.msk [tilespmem:v3+s26+$0x0], $0xffff;
	_ =	sdelay $0x4  }
0x117: {  	[tilespmem:s1+$0x400] =	vst v2  }
0x118: {  	v2 =	vld.idx.msk [tilespmem:v3+s28+$0x0], $0xffff  }
0x119: {  	v3 =	vor.u32 $0x15, v1;
	_ =	sdelay $0x3  }
0x11a: {  	[tilespmem:s0+$0x400] =	vst v2  }
0x11b: {  	v2 =	vld.idx.msk [tilespmem:v3+s26+$0x0], $0xffff;
	_ =	sdelay $0x4  }
0x11c: {  	[tilespmem:s1+$0x500] =	vst v2  }
0x11d: {  	v2 =	vld.idx.msk [tilespmem:v3+s28+$0x0], $0xffff  }
0x11e: {  	v3 =	vor.u32 $0x16, v1;
	_ =	sdelay $0x3  }
0x11f: {  	[tilespmem:s0+$0x500] =	vst v2  }
0x120: {  	v2 =	vld.idx.msk [tilespmem:v3+s26+$0x0], $0xffff;
	_ =	sdelay $0x4  }
0x121: {  	[tilespmem:s1+$0x600] =	vst v2  }
0x122: {  	v2 =	vld.idx.msk [tilespmem:v3+s28+$0x0], $0xffff  }
0x123: {  	v3 =	vor.u32 $0x17, v1;
	_ =	sdelay $0x3  }
0x124: {  	[tilespmem:s0+$0x600] =	vst v2  }
0x125: {  	v2 =	vld.idx.msk [tilespmem:v3+s26+$0x0], $0xffff;
	_ =	sdelay $0x4  }
0x126: {  	[tilespmem:s1+$0x700] =	vst v2  }
0x127: {  	v2 =	vld.idx.msk [tilespmem:v3+s28+$0x0], $0xffff  }
0x128: {  	v3 =	vor.u32 $0x18, v1;
	_ =	sdelay $0x3  }
0x129: {  	[tilespmem:s0+$0x700] =	vst v2  }
0x12a: {  	v2 =	vld.idx.msk [tilespmem:v3+s26+$0x0], $0xffff;
	_ =	sdelay $0x4  }
0x12b: {  	[tilespmem:s1+$0x800] =	vst v2  }
0x12c: {  	v2 =	vld.idx.msk [tilespmem:v3+s28+$0x0], $0xffff  }
0x12d: {  	v3 =	vor.u32 $0x19, v1;
	_ =	sdelay $0x3  }
0x12e: {  	[tilespmem:s0+$0x800] =	vst v2  }
0x12f: {  	v2 =	vld.idx.msk [tilespmem:v3+s26+$0x0], $0xffff;
	_ =	sdelay $0x4  }
0x130: {  	[tilespmem:s1+$0x900] =	vst v2  }
0x131: {  	v2 =	vld.idx.msk [tilespmem:v3+s28+$0x0], $0xffff  }
0x132: {  	v3 =	vor.u32 $0x1A, v1;
	_ =	sdelay $0x3  }
0x133: {  	[tilespmem:s0+$0x900] =	vst v2  }
0x134: {  	v2 =	vld.idx.msk [tilespmem:v3+s26+$0x0], $0xffff;
	_ =	sdelay $0x4  }
0x135: {  	[tilespmem:s1+$0xA00] =	vst v2  }
0x136: {  	v2 =	vld.idx.msk [tilespmem:v3+s28+$0x0], $0xffff  }
0x137: {  	v3 =	vor.u32 $0x1B, v1;
	_ =	sdelay $0x3  }
0x138: {  	[tilespmem:s0+$0xA00] =	vst v2  }
0x139: {  	v2 =	vld.idx.msk [tilespmem:v3+s26+$0x0], $0xffff;
	_ =	sdelay $0x4  }
0x13a: {  	[tilespmem:s1+$0xB00] =	vst v2  }
0x13b: {  	v2 =	vld.idx.msk [tilespmem:v3+s28+$0x0], $0xffff  }
0x13c: {  	v3 =	vor.u32 $0x1C, v1;
	_ =	sdelay $0x3  }
0x13d: {  	[tilespmem:s0+$0xB00] =	vst v2  }
0x13e: {  	v2 =	vld.idx.msk [tilespmem:v3+s26+$0x0], $0xffff;
	_ =	sdelay $0x4  }
0x13f: {  	[tilespmem:s1+$0xC00] =	vst v2  }
0x140: {  	v2 =	vld.idx.msk [tilespmem:v3+s28+$0x0], $0xffff  }
0x141: {  	v3 =	vor.u32 $0x1D, v1;
	_ =	sdelay $0x3  }
0x142: {  	[tilespmem:s0+$0xC00] =	vst v2  }
0x143: {  	v2 =	vld.idx.msk [tilespmem:v3+s26+$0x0], $0xffff;
	_ =	sdelay $0x4  }
0x144: {  	[tilespmem:s1+$0xD00] =	vst v2  }
0x145: {  	v2 =	vld.idx.msk [tilespmem:v3+s28+$0x0], $0xffff  }
0x146: {  	v3 =	vor.u32 $0x1E, v1;
	_ =	sdelay $0x3  }
0x147: {  	[tilespmem:s0+$0xD00] =	vst v2  }
0x148: {  	v2 =	vld.idx.msk [tilespmem:v3+s26+$0x0], $0xffff;
	_ =	sdelay $0x4  }
0x149: {  	[tilespmem:s1+$0xE00] =	vst v2  }
0x14a: {  	v2 =	vld.idx.msk [tilespmem:v3+s28+$0x0], $0xffff  }
0x14b: {  	v1 =	vor.u32 $0x1F, v1;
	_ =	sdelay $0x3  }
0x14c: {  	[tilespmem:s0+$0xE00] =	vst v2  }
0x14d: {  	v2 =	vld.idx.msk [tilespmem:v1+s26+$0x0], $0xffff;
	_ =	sdelay $0x4  }
0x14e: {  	[tilespmem:s1+$0xF00] =	vst v2  }
0x14f: {  	p0 =	sne.s32 s16, $0xF0;
	v1 =	vld.idx.msk [tilespmem:v1+s28+$0x0], $0xffff  }
.Ltmp0:
0x150: {  	_ = 	snop;
	(pc) =	sbr.rel @p0 .LBB2_2-.Ltmp0, $3  }
0x151: {  	_ =	sdelay $0x1  }
0x152: {  	s15 =	sadd.s32 $0x10, s15  }
0x153: {  	s16 =	sadd.s32 $0x10, s16;
	s1 =	sadd.s32 $0x10, s1;
	[tilespmem:s0+$0xF00] =	vst v1;
	s0 =	sadd.s32 $0x10, s0  }
0x154: {  	s0 =	simm.s32 $0x0;
	s1 =	rddreg [dreg:$0x4];
	s15 =	simm.s32 $0x10300  }
0x155: {  	[hbm4b:s1+s0] =	stream.linear.scatter [tilespmem:s15], [sflag:$0x2], $0x100, $0x38;
	[tilespmem:$0x14300] =	vst v63  }
0x156: {  	_ =	swait.ge [sflag:s23], $0x100  }
0x157: {  	[sflag:s23] =	ssyncset.done $0x0  }
0x158: {  	s18 =	simm.s32 $0x12300;
	s17 =	rddreg [dreg:$0x5];
	[sflag:s23] =	ssyncadd.s32 $0xFFFFFF00  }
0x159: {  	[hbm4b:s17+s0] =	stream.linear.scatter [tilespmem:s18], [sflag:$0x2], $0x100, $0x38;
	[tilespmem:$0x14300] =	vst v63  }
0x15a: {  	_ =	swait.ge [sflag:s23], $0x100  }
0x15b: {  	[sflag:s23] =	ssyncset.done $0x0  }
0x15c: {  	s20 =	simm.s32 $0x10400;
	s19 =	rddreg [dreg:$0x6];
	[sflag:s23] =	ssyncadd.s32 $0xFFFFFF00  }
0x15d: {  	[hbm4b:s19+s0] =	stream.linear.scatter [tilespmem:s20], [sflag:$0x2], $0x100, $0x38;
	[tilespmem:$0x14300] =	vst v63  }
0x15e: {  	_ =	swait.ge [sflag:s23], $0x100  }
0x15f: {  	[sflag:s23] =	ssyncset.done $0x0  }
0x160: {  	s22 =	simm.s32 $0x12400;
	s21 =	rddreg [dreg:$0x7];
	[sflag:s23] =	ssyncadd.s32 $0xFFFFFF00  }
0x161: {  	[hbm4b:s21+s0] =	stream.linear.scatter [tilespmem:s22], [sflag:$0x2], $0x100, $0x38;
	[tilespmem:$0x14300] =	vst v63  }
0x162: {  	_ =	swait.ge [sflag:s23], $0x100  }
0x163: {  	[sflag:s23] =	ssyncset.done $0x0  }
0x164: {  	s5 =	simm.s32 $0x10500;
	s24 =	rddreg [dreg:$0x8];
	[sflag:s23] =	ssyncadd.s32 $0xFFFFFF00  }
0x165: {  	[hbm4b:s24+s0] =	stream.linear.scatter [tilespmem:s5], [sflag:$0x2], $0x100, $0x38;
	[tilespmem:$0x14300] =	vst v63  }
0x166: {  	_ =	swait.ge [sflag:s23], $0x100  }
0x167: {  	[sflag:s23] =	ssyncset.done $0x0  }
0x168: {  	s7 =	simm.s32 $0x12500;
	s6 =	rddreg [dreg:$0x9];
	[sflag:s23] =	ssyncadd.s32 $0xFFFFFF00  }
0x169: {  	[hbm4b:s6+s0] =	stream.linear.scatter [tilespmem:s7], [sflag:$0x2], $0x100, $0x38;
	[tilespmem:$0x14300] =	vst v63  }
0x16a: {  	_ =	swait.ge [sflag:s23], $0x100  }
0x16b: {  	[sflag:s23] =	ssyncset.done $0x0  }
0x16c: {  	s9 =	simm.s32 $0x10600;
	s8 =	rddreg [dreg:$0xa];
	[sflag:s23] =	ssyncadd.s32 $0xFFFFFF00  }
0x16d: {  	[hbm4b:s8+s0] =	stream.linear.scatter [tilespmem:s9], [sflag:$0x2], $0x100, $0x38;
	[tilespmem:$0x14300] =	vst v63  }
0x16e: {  	_ =	swait.ge [sflag:s23], $0x100  }
0x16f: {  	[sflag:s23] =	ssyncset.done $0x0  }
0x170: {  	s16 =	simm.s32 $0x12600;
	s15 =	rddreg [dreg:$0xb];
	[sflag:s23] =	ssyncadd.s32 $0xFFFFFF00  }
0x171: {  	[hbm4b:s15+s0] =	stream.linear.scatter [tilespmem:s16], [sflag:$0x2], $0x100, $0x38;
	[tilespmem:$0x14300] =	vst v63  }
0x172: {  	_ =	swait.ge [sflag:s23], $0x100  }
0x173: {  	[sflag:s23] =	ssyncset.done $0x0  }
0x174: {  	s18 =	simm.s32 $0x10700;
	s17 =	rddreg [dreg:$0xc];
	[sflag:s23] =	ssyncadd.s32 $0xFFFFFF00  }
0x175: {  	[hbm4b:s17+s0] =	stream.linear.scatter [tilespmem:s18], [sflag:$0x2], $0x100, $0x38;
	[tilespmem:$0x14300] =	vst v63  }
0x176: {  	_ =	swait.ge [sflag:s23], $0x100  }
0x177: {  	[sflag:s23] =	ssyncset.done $0x0  }
0x178: {  	s20 =	simm.s32 $0x12700;
	s19 =	rddreg [dreg:$0xd];
	[sflag:s23] =	ssyncadd.s32 $0xFFFFFF00  }
0x179: {  	[hbm4b:s19+s0] =	stream.linear.scatter [tilespmem:s20], [sflag:$0x2], $0x100, $0x38;
	[tilespmem:$0x14300] =	vst v63  }
0x17a: {  	_ =	swait.ge [sflag:s23], $0x100  }
0x17b: {  	[sflag:s23] =	ssyncset.done $0x0  }
0x17c: {  	s22 =	simm.s32 $0x10800;
	s21 =	rddreg [dreg:$0xe];
	[sflag:s23] =	ssyncadd.s32 $0xFFFFFF00  }
0x17d: {  	[hbm4b:s21+s0] =	stream.linear.scatter [tilespmem:s22], [sflag:$0x2], $0x100, $0x38;
	[tilespmem:$0x14300] =	vst v63  }
0x17e: {  	_ =	swait.ge [sflag:s23], $0x100  }
0x17f: {  	[sflag:s23] =	ssyncset.done $0x0  }
0x180: {  	s5 =	simm.s32 $0x12800;
	s24 =	rddreg [dreg:$0xf];
	[sflag:s23] =	ssyncadd.s32 $0xFFFFFF00  }
0x181: {  	[hbm4b:s24+s0] =	stream.linear.scatter [tilespmem:s5], [sflag:$0x2], $0x100, $0x38;
	[tilespmem:$0x14300] =	vst v63  }
0x182: {  	_ =	swait.ge [sflag:s23], $0x100  }
0x183: {  	[sflag:s23] =	ssyncset.done $0x0  }
0x184: {  	s7 =	simm.s32 $0x10900;
	s6 =	rddreg [dreg:$0x10];
	[sflag:s23] =	ssyncadd.s32 $0xFFFFFF00  }
0x185: {  	[hbm4b:s6+s0] =	stream.linear.scatter [tilespmem:s7], [sflag:$0x2], $0x100, $0x38;
	[tilespmem:$0x14300] =	vst v63  }
0x186: {  	_ =	swait.ge [sflag:s23], $0x100  }
0x187: {  	[sflag:s23] =	ssyncset.done $0x0  }
0x188: {  	s9 =	simm.s32 $0x12900;
	s8 =	rddreg [dreg:$0x11];
	[sflag:s23] =	ssyncadd.s32 $0xFFFFFF00  }
0x189: {  	[hbm4b:s8+s0] =	stream.linear.scatter [tilespmem:s9], [sflag:$0x2], $0x100, $0x38;
	[tilespmem:$0x14300] =	vst v63  }
0x18a: {  	_ =	swait.ge [sflag:s23], $0x100  }
0x18b: {  	[sflag:s23] =	ssyncset.done $0x0  }
0x18c: {  	s16 =	simm.s32 $0x10A00;
	s15 =	rddreg [dreg:$0x12];
	[sflag:s23] =	ssyncadd.s32 $0xFFFFFF00  }
0x18d: {  	[hbm4b:s15+s0] =	stream.linear.scatter [tilespmem:s16], [sflag:$0x2], $0x100, $0x38;
	[tilespmem:$0x14300] =	vst v63  }
0x18e: {  	_ =	swait.ge [sflag:s23], $0x100  }
0x18f: {  	[sflag:s23] =	ssyncset.done $0x0  }
0x190: {  	s18 =	simm.s32 $0x12A00;
	s17 =	rddreg [dreg:$0x13];
	[sflag:s23] =	ssyncadd.s32 $0xFFFFFF00  }
0x191: {  	[hbm4b:s17+s0] =	stream.linear.scatter [tilespmem:s18], [sflag:$0x2], $0x100, $0x38;
	[tilespmem:$0x14300] =	vst v63  }
0x192: {  	_ =	swait.ge [sflag:s23], $0x100  }
0x193: {  	[sflag:s23] =	ssyncset.done $0x0  }
0x194: {  	s20 =	simm.s32 $0x10B00;
	s19 =	rddreg [dreg:$0x14];
	[sflag:s23] =	ssyncadd.s32 $0xFFFFFF00  }
0x195: {  	[hbm4b:s19+s0] =	stream.linear.scatter [tilespmem:s20], [sflag:$0x2], $0x100, $0x38;
	[tilespmem:$0x14300] =	vst v63  }
0x196: {  	_ =	swait.ge [sflag:s23], $0x100  }
0x197: {  	[sflag:s23] =	ssyncset.done $0x0  }
0x198: {  	s22 =	simm.s32 $0x12B00;
	s21 =	rddreg [dreg:$0x15];
	[sflag:s23] =	ssyncadd.s32 $0xFFFFFF00  }
0x199: {  	[hbm4b:s21+s0] =	stream.linear.scatter [tilespmem:s22], [sflag:$0x2], $0x100, $0x38;
	[tilespmem:$0x14300] =	vst v63  }
0x19a: {  	_ =	swait.ge [sflag:s23], $0x100  }
0x19b: {  	[sflag:s23] =	ssyncset.done $0x0  }
0x19c: {  	s5 =	simm.s32 $0x10C00;
	s24 =	rddreg [dreg:$0x16];
	[sflag:s23] =	ssyncadd.s32 $0xFFFFFF00  }
0x19d: {  	[hbm4b:s24+s0] =	stream.linear.scatter [tilespmem:s5], [sflag:$0x2], $0x100, $0x38;
	[tilespmem:$0x14300] =	vst v63  }
0x19e: {  	_ =	swait.ge [sflag:s23], $0x100  }
0x19f: {  	[sflag:s23] =	ssyncset.done $0x0  }
0x1a0: {  	s7 =	simm.s32 $0x12C00;
	s6 =	rddreg [dreg:$0x17];
	[sflag:s23] =	ssyncadd.s32 $0xFFFFFF00  }
0x1a1: {  	[hbm4b:s6+s0] =	stream.linear.scatter [tilespmem:s7], [sflag:$0x2], $0x100, $0x38;
	[tilespmem:$0x14300] =	vst v63  }
0x1a2: {  	_ =	swait.ge [sflag:s23], $0x100  }
0x1a3: {  	[sflag:s23] =	ssyncset.done $0x0  }
0x1a4: {  	s9 =	simm.s32 $0x10D00;
	s8 =	rddreg [dreg:$0x18];
	[sflag:s23] =	ssyncadd.s32 $0xFFFFFF00  }
0x1a5: {  	[hbm4b:s8+s0] =	stream.linear.scatter [tilespmem:s9], [sflag:$0x2], $0x100, $0x38;
	[tilespmem:$0x14300] =	vst v63  }
0x1a6: {  	_ =	swait.ge [sflag:s23], $0x100  }
0x1a7: {  	[sflag:s23] =	ssyncset.done $0x0  }
0x1a8: {  	s16 =	simm.s32 $0x12D00;
	s15 =	rddreg [dreg:$0x19];
	[sflag:s23] =	ssyncadd.s32 $0xFFFFFF00  }
0x1a9: {  	[hbm4b:s15+s0] =	stream.linear.scatter [tilespmem:s16], [sflag:$0x2], $0x100, $0x38;
	[tilespmem:$0x14300] =	vst v63  }
0x1aa: {  	_ =	swait.ge [sflag:s23], $0x100  }
0x1ab: {  	[sflag:s23] =	ssyncset.done $0x0  }
0x1ac: {  	s18 =	simm.s32 $0x10E00;
	s17 =	rddreg [dreg:$0x1a];
	[sflag:s23] =	ssyncadd.s32 $0xFFFFFF00  }
0x1ad: {  	[hbm4b:s17+s0] =	stream.linear.scatter [tilespmem:s18], [sflag:$0x2], $0x100, $0x38;
	[tilespmem:$0x14300] =	vst v63  }
0x1ae: {  	_ =	swait.ge [sflag:s23], $0x100  }
0x1af: {  	[sflag:s23] =	ssyncset.done $0x0  }
0x1b0: {  	s20 =	simm.s32 $0x12E00;
	s19 =	rddreg [dreg:$0x1b];
	[sflag:s23] =	ssyncadd.s32 $0xFFFFFF00  }
0x1b1: {  	[hbm4b:s19+s0] =	stream.linear.scatter [tilespmem:s20], [sflag:$0x2], $0x100, $0x38;
	[tilespmem:$0x14300] =	vst v63  }
0x1b2: {  	_ =	swait.ge [sflag:s23], $0x100  }
0x1b3: {  	[sflag:s23] =	ssyncset.done $0x0  }
0x1b4: {  	s22 =	simm.s32 $0x10F00;
	s21 =	rddreg [dreg:$0x1c];
	[sflag:s23] =	ssyncadd.s32 $0xFFFFFF00  }
0x1b5: {  	[hbm4b:s21+s0] =	stream.linear.scatter [tilespmem:s22], [sflag:$0x2], $0x100, $0x38;
	[tilespmem:$0x14300] =	vst v63  }
0x1b6: {  	_ =	swait.ge [sflag:s23], $0x100  }
0x1b7: {  	[sflag:s23] =	ssyncset.done $0x0  }
0x1b8: {  	s5 =	simm.s32 $0x12F00;
	s24 =	rddreg [dreg:$0x1d];
	[sflag:s23] =	ssyncadd.s32 $0xFFFFFF00  }
0x1b9: {  	[hbm4b:s24+s0] =	stream.linear.scatter [tilespmem:s5], [sflag:$0x2], $0x100, $0x38;
	[tilespmem:$0x14300] =	vst v63  }
0x1ba: {  	_ =	swait.ge [sflag:s23], $0x100  }
0x1bb: {  	[sflag:s23] =	ssyncset.done $0x0  }
0x1bc: {  	s7 =	simm.s32 $0x11000;
	s6 =	rddreg [dreg:$0x1e];
	[sflag:s23] =	ssyncadd.s32 $0xFFFFFF00  }
0x1bd: {  	[hbm4b:s6+s0] =	stream.linear.scatter [tilespmem:s7], [sflag:$0x2], $0x100, $0x38;
	[tilespmem:$0x14300] =	vst v63  }
0x1be: {  	_ =	swait.ge [sflag:s23], $0x100  }
0x1bf: {  	[sflag:s23] =	ssyncset.done $0x0  }
0x1c0: {  	s9 =	simm.s32 $0x13000;
	s8 =	rddreg [dreg:$0x1f];
	[sflag:s23] =	ssyncadd.s32 $0xFFFFFF00  }
0x1c1: {  	[hbm4b:s8+s0] =	stream.linear.scatter [tilespmem:s9], [sflag:$0x2], $0x100, $0x38;
	[tilespmem:$0x14300] =	vst v63  }
0x1c2: {  	_ =	swait.ge [sflag:s23], $0x100  }
0x1c3: {  	s16 =	sld [smem:$0x799]  }
0x1c4: {  	[sflag:s23] =	ssyncset.done $0x0  }
0x1c5: {  	s17 =	simm.s32 $0x11100;
	[sflag:s23] =	ssyncadd.s32 $0xFFFFFF00  }
0x1c6: {  	[hbm4b:s16+s0] =	stream.linear.scatter [tilespmem:s17], [sflag:$0x2], $0x100, $0x38;
	[tilespmem:$0x14300] =	vst v63  }
0x1c7: {  	_ =	swait.ge [sflag:s23], $0x100  }
0x1c8: {  	s18 =	sld [smem:$0x79A]  }
0x1c9: {  	[sflag:s23] =	ssyncset.done $0x0  }
0x1ca: {  	s19 =	simm.s32 $0x13100;
	[sflag:s23] =	ssyncadd.s32 $0xFFFFFF00  }
0x1cb: {  	[hbm4b:s18+s0] =	stream.linear.scatter [tilespmem:s19], [sflag:$0x2], $0x100, $0x38;
	[tilespmem:$0x14300] =	vst v63  }
0x1cc: {  	_ =	swait.ge [sflag:s23], $0x100  }
0x1cd: {  	s20 =	sld [smem:$0x79B]  }
0x1ce: {  	[sflag:s23] =	ssyncset.done $0x0  }
0x1cf: {  	s21 =	simm.s32 $0x11200;
	[sflag:s23] =	ssyncadd.s32 $0xFFFFFF00  }
0x1d0: {  	[hbm4b:s20+s0] =	stream.linear.scatter [tilespmem:s21], [sflag:$0x2], $0x100, $0x38;
	[tilespmem:$0x14300] =	vst v63  }
0x1d1: {  	_ =	swait.ge [sflag:s23], $0x100  }
0x1d2: {  	s22 =	sld [smem:$0x79C]  }
0x1d3: {  	[sflag:s23] =	ssyncset.done $0x0  }
0x1d4: {  	s24 =	simm.s32 $0x13200;
	[sflag:s23] =	ssyncadd.s32 $0xFFFFFF00  }
0x1d5: {  	[hbm4b:s22+s0] =	stream.linear.scatter [tilespmem:s24], [sflag:$0x2], $0x100, $0x38;
	[tilespmem:$0x14300] =	vst v63  }
0x1d6: {  	_ =	swait.ge [sflag:s23], $0x100  }
0x1d7: {  	s5 =	sld [smem:$0x79D]  }
0x1d8: {  	[sflag:s23] =	ssyncset.done $0x0  }
0x1d9: {  	s15 =	simm.s32 $0x11300;
	[sflag:s23] =	ssyncadd.s32 $0xFFFFFF00  }
0x1da: {  	[hbm4b:s5+s0] =	stream.linear.scatter [tilespmem:s15], [sflag:$0x2], $0x100, $0x38;
	[tilespmem:$0x14300] =	vst v63  }
0x1db: {  	_ =	swait.ge [sflag:s23], $0x100  }
0x1dc: {  	s16 =	sld [smem:$0x79E]  }
0x1dd: {  	[sflag:s23] =	ssyncset.done $0x0  }
0x1de: {  	s1 =	simm.s32 $0x13300;
	[sflag:s23] =	ssyncadd.s32 $0xFFFFFF00  }
0x1df: {  	[hbm4b:s16+s0] =	stream.linear.scatter [tilespmem:s1], [sflag:$0x2], $0x100, $0x38;
	[tilespmem:$0x14300] =	vst v63  }
0x1e0: {  	_ =	swait.ge [sflag:s23], $0x100  }
0x1e1: {  	s6 =	sld [smem:$0x79F]  }
0x1e2: {  	[sflag:s23] =	ssyncset.done $0x0  }
0x1e3: {  	s5 =	simm.s32 $0x11400;
	[sflag:s23] =	ssyncadd.s32 $0xFFFFFF00  }
0x1e4: {  	[hbm4b:s6+s0] =	stream.linear.scatter [tilespmem:s5], [sflag:$0x2], $0x100, $0x38;
	[tilespmem:$0x14300] =	vst v63  }
0x1e5: {  	_ =	swait.ge [sflag:s23], $0x100  }
0x1e6: {  	s7 =	sld [smem:$0x7A0]  }
0x1e7: {  	[sflag:s23] =	ssyncset.done $0x0  }
0x1e8: {  	s5 =	simm.s32 $0x13400;
	[sflag:s23] =	ssyncadd.s32 $0xFFFFFF00  }
0x1e9: {  	[hbm4b:s7+s0] =	stream.linear.scatter [tilespmem:s5], [sflag:$0x2], $0x100, $0x38;
	[tilespmem:$0x14300] =	vst v63  }
0x1ea: {  	_ =	swait.ge [sflag:s23], $0x100  }
0x1eb: {  	s8 =	sld [smem:$0x7A1]  }
0x1ec: {  	[sflag:s23] =	ssyncset.done $0x0  }
0x1ed: {  	s17 =	simm.s32 $0x11500;
	[sflag:s23] =	ssyncadd.s32 $0xFFFFFF00  }
0x1ee: {  	[hbm4b:s8+s0] =	stream.linear.scatter [tilespmem:s17], [sflag:$0x2], $0x100, $0x38;
	[tilespmem:$0x14300] =	vst v63  }
0x1ef: {  	_ =	swait.ge [sflag:s23], $0x100  }
0x1f0: {  	s9 =	sld [smem:$0x7A2]  }
0x1f1: {  	[sflag:s23] =	ssyncset.done $0x0  }
0x1f2: {  	s17 =	simm.s32 $0x13500;
	[sflag:s23] =	ssyncadd.s32 $0xFFFFFF00  }
0x1f3: {  	[hbm4b:s9+s0] =	stream.linear.scatter [tilespmem:s17], [sflag:$0x2], $0x100, $0x38;
	[tilespmem:$0x14300] =	vst v63  }
0x1f4: {  	_ =	swait.ge [sflag:s23], $0x100  }
0x1f5: {  	s18 =	sld [smem:$0x7A3]  }
0x1f6: {  	[sflag:s23] =	ssyncset.done $0x0  }
0x1f7: {  	s6 =	simm.s32 $0x11600;
	[sflag:s23] =	ssyncadd.s32 $0xFFFFFF00  }
0x1f8: {  	[hbm4b:s18+s0] =	stream.linear.scatter [tilespmem:s6], [sflag:$0x2], $0x100, $0x38;
	[tilespmem:$0x14300] =	vst v63  }
0x1f9: {  	_ =	swait.ge [sflag:s23], $0x100  }
0x1fa: {  	s19 =	sld [smem:$0x7A4]  }
0x1fb: {  	[sflag:s23] =	ssyncset.done $0x0  }
0x1fc: {  	s6 =	simm.s32 $0x13600;
	[sflag:s23] =	ssyncadd.s32 $0xFFFFFF00  }
0x1fd: {  	[hbm4b:s19+s0] =	stream.linear.scatter [tilespmem:s6], [sflag:$0x2], $0x100, $0x38;
	[tilespmem:$0x14300] =	vst v63  }
0x1fe: {  	_ =	swait.ge [sflag:s23], $0x100  }
0x1ff: {  	s20 =	sld [smem:$0x7A5]  }
0x200: {  	[sflag:s23] =	ssyncset.done $0x0  }
0x201: {  	s18 =	simm.s32 $0x11700;
	[sflag:s23] =	ssyncadd.s32 $0xFFFFFF00  }
0x202: {  	[hbm4b:s20+s0] =	stream.linear.scatter [tilespmem:s18], [sflag:$0x2], $0x100, $0x38;
	[tilespmem:$0x14300] =	vst v63  }
0x203: {  	_ =	swait.ge [sflag:s23], $0x100  }
0x204: {  	s21 =	sld [smem:$0x7A6]  }
0x205: {  	[sflag:s23] =	ssyncset.done $0x0  }
0x206: {  	s18 =	simm.s32 $0x13700;
	[sflag:s23] =	ssyncadd.s32 $0xFFFFFF00  }
0x207: {  	[hbm4b:s21+s0] =	stream.linear.scatter [tilespmem:s18], [sflag:$0x2], $0x100, $0x38;
	[tilespmem:$0x14300] =	vst v63  }
0x208: {  	_ =	swait.ge [sflag:s23], $0x100  }
0x209: {  	s22 =	sld [smem:$0x7A7]  }
0x20a: {  	[sflag:s23] =	ssyncset.done $0x0  }
0x20b: {  	s7 =	simm.s32 $0x11800;
	[sflag:s23] =	ssyncadd.s32 $0xFFFFFF00  }
0x20c: {  	[hbm4b:s22+s0] =	stream.linear.scatter [tilespmem:s7], [sflag:$0x2], $0x100, $0x38;
	[tilespmem:$0x14300] =	vst v63  }
0x20d: {  	_ =	swait.ge [sflag:s23], $0x100  }
0x20e: {  	s24 =	sld [smem:$0x7A8]  }
0x20f: {  	[sflag:s23] =	ssyncset.done $0x0  }
0x210: {  	s7 =	simm.s32 $0x13800;
	[sflag:s23] =	ssyncadd.s32 $0xFFFFFF00  }
0x211: {  	[hbm4b:s24+s0] =	stream.linear.scatter [tilespmem:s7], [sflag:$0x2], $0x100, $0x38;
	[tilespmem:$0x14300] =	vst v63  }
0x212: {  	_ =	swait.ge [sflag:s23], $0x100  }
0x213: {  	s8 =	sld [smem:$0x7A9]  }
0x214: {  	[sflag:s23] =	ssyncset.done $0x0  }
0x215: {  	s19 =	simm.s32 $0x11900;
	[sflag:s23] =	ssyncadd.s32 $0xFFFFFF00  }
0x216: {  	[hbm4b:s8+s0] =	stream.linear.scatter [tilespmem:s19], [sflag:$0x2], $0x100, $0x38;
	[tilespmem:$0x14300] =	vst v63  }
0x217: {  	_ =	swait.ge [sflag:s23], $0x100  }
0x218: {  	s9 =	sld [smem:$0x7AA]  }
0x219: {  	[sflag:s23] =	ssyncset.done $0x0  }
0x21a: {  	s19 =	simm.s32 $0x13900;
	[sflag:s23] =	ssyncadd.s32 $0xFFFFFF00  }
0x21b: {  	[hbm4b:s9+s0] =	stream.linear.scatter [tilespmem:s19], [sflag:$0x2], $0x100, $0x38;
	[tilespmem:$0x14300] =	vst v63  }
0x21c: {  	_ =	swait.ge [sflag:s23], $0x100  }
0x21d: {  	s20 =	sld [smem:$0x7AB]  }
0x21e: {  	[sflag:s23] =	ssyncset.done $0x0  }
0x21f: {  	s24 =	simm.s32 $0x11A00;
	[sflag:s23] =	ssyncadd.s32 $0xFFFFFF00  }
0x220: {  	[hbm4b:s20+s0] =	stream.linear.scatter [tilespmem:s24], [sflag:$0x2], $0x100, $0x38;
	[tilespmem:$0x14300] =	vst v63  }
0x221: {  	_ =	swait.ge [sflag:s23], $0x100  }
0x222: {  	s21 =	sld [smem:$0x7AC]  }
0x223: {  	[sflag:s23] =	ssyncset.done $0x0  }
0x224: {  	s24 =	simm.s32 $0x13A00;
	[sflag:s23] =	ssyncadd.s32 $0xFFFFFF00  }
0x225: {  	[hbm4b:s21+s0] =	stream.linear.scatter [tilespmem:s24], [sflag:$0x2], $0x100, $0x38;
	[tilespmem:$0x14300] =	vst v63  }
0x226: {  	_ =	swait.ge [sflag:s23], $0x100  }
0x227: {  	s22 =	sld [smem:$0x7AD]  }
0x228: {  	[sflag:s23] =	ssyncset.done $0x0  }
0x229: {  	s20 =	simm.s32 $0x11B00;
	[sflag:s23] =	ssyncadd.s32 $0xFFFFFF00  }
0x22a: {  	[hbm4b:s22+s0] =	stream.linear.scatter [tilespmem:s20], [sflag:$0x2], $0x100, $0x38;
	[tilespmem:$0x14300] =	vst v63  }
0x22b: {  	_ =	swait.ge [sflag:s23], $0x100  }
0x22c: {  	s8 =	sld [smem:$0x7AE]  }
0x22d: {  	[sflag:s23] =	ssyncset.done $0x0  }
0x22e: {  	s20 =	simm.s32 $0x13B00;
	[sflag:s23] =	ssyncadd.s32 $0xFFFFFF00  }
0x22f: {  	[hbm4b:s8+s0] =	stream.linear.scatter [tilespmem:s20], [sflag:$0x2], $0x100, $0x38;
	[tilespmem:$0x14300] =	vst v63  }
0x230: {  	_ =	swait.ge [sflag:s23], $0x100  }
0x231: {  	s9 =	sld [smem:$0x7AF]  }
0x232: {  	[sflag:s23] =	ssyncset.done $0x0  }
0x233: {  	s8 =	simm.s32 $0x11C00;
	[sflag:s23] =	ssyncadd.s32 $0xFFFFFF00  }
0x234: {  	[hbm4b:s9+s0] =	stream.linear.scatter [tilespmem:s8], [sflag:$0x2], $0x100, $0x38;
	[tilespmem:$0x14300] =	vst v63  }
0x235: {  	_ =	swait.ge [sflag:s23], $0x100  }
0x236: {  	s21 =	sld [smem:$0x7B0]  }
0x237: {  	[sflag:s23] =	ssyncset.done $0x0  }
0x238: {  	s8 =	simm.s32 $0x13C00;
	[sflag:s23] =	ssyncadd.s32 $0xFFFFFF00  }
0x239: {  	[hbm4b:s21+s0] =	stream.linear.scatter [tilespmem:s8], [sflag:$0x2], $0x100, $0x38;
	[tilespmem:$0x14300] =	vst v63  }
0x23a: {  	_ =	swait.ge [sflag:s23], $0x100  }
0x23b: {  	s22 =	sld [smem:$0x7B1]  }
0x23c: {  	[sflag:s23] =	ssyncset.done $0x0  }
0x23d: {  	s21 =	simm.s32 $0x11D00;
	[sflag:s23] =	ssyncadd.s32 $0xFFFFFF00  }
0x23e: {  	[hbm4b:s22+s0] =	stream.linear.scatter [tilespmem:s21], [sflag:$0x2], $0x100, $0x38;
	[tilespmem:$0x14300] =	vst v63  }
0x23f: {  	_ =	swait.ge [sflag:s23], $0x100  }
0x240: {  	s9 =	sld [smem:$0x7B2]  }
0x241: {  	[sflag:s23] =	ssyncset.done $0x0  }
0x242: {  	s21 =	simm.s32 $0x13D00;
	[sflag:s23] =	ssyncadd.s32 $0xFFFFFF00  }
0x243: {  	[hbm4b:s9+s0] =	stream.linear.scatter [tilespmem:s21], [sflag:$0x2], $0x100, $0x38;
	[tilespmem:$0x14300] =	vst v63  }
0x244: {  	_ =	swait.ge [sflag:s23], $0x100  }
0x245: {  	s22 =	sld [smem:$0x7B3]  }
0x246: {  	[sflag:s23] =	ssyncset.done $0x0  }
0x247: {  	s9 =	simm.s32 $0x11E00;
	[sflag:s23] =	ssyncadd.s32 $0xFFFFFF00  }
0x248: {  	[hbm4b:s22+s0] =	stream.linear.scatter [tilespmem:s9], [sflag:$0x2], $0x100, $0x38;
	[tilespmem:$0x14300] =	vst v63  }
0x249: {  	_ =	swait.ge [sflag:s23], $0x100  }
0x24a: {  	s22 =	sld [smem:$0x7B4]  }
0x24b: {  	[sflag:s23] =	ssyncset.done $0x0  }
0x24c: {  	s9 =	simm.s32 $0x13E00;
	[sflag:s23] =	ssyncadd.s32 $0xFFFFFF00  }
0x24d: {  	[hbm4b:s22+s0] =	stream.linear.scatter [tilespmem:s9], [sflag:$0x2], $0x100, $0x38;
	[tilespmem:$0x14300] =	vst v63  }
0x24e: {  	_ =	swait.ge [sflag:s23], $0x100  }
0x24f: {  	s16 =	sld [smem:$0x7B5]  }
0x250: {  	[sflag:s23] =	ssyncset.done $0x0  }
0x251: {  	s22 =	simm.s32 $0x11F00;
	[sflag:s23] =	ssyncadd.s32 $0xFFFFFF00  }
0x252: {  	[hbm4b:s16+s0] =	stream.linear.scatter [tilespmem:s22], [sflag:$0x2], $0x100, $0x38;
	[tilespmem:$0x14300] =	vst v63  }
0x253: {  	_ =	swait.ge [sflag:s23], $0x100  }
0x254: {  	s16 =	sld [smem:$0x7B6]  }
0x255: {  	[sflag:s23] =	ssyncset.done $0x0  }
0x256: {  	s22 =	simm.s32 $0x13F00;
	[sflag:s23] =	ssyncadd.s32 $0xFFFFFF00  }
0x257: {  	[hbm4b:s16+s0] =	stream.linear.scatter [tilespmem:s22], [sflag:$0x2], $0x100, $0x38;
	[tilespmem:$0x14300] =	vst v63  }
0x258: {  	_ =	swait.ge [sflag:s23], $0x100  }
0x259: {  	s16 =	sld [smem:$0x7B7]  }
0x25a: {  	[sflag:s23] =	ssyncset.done $0x0  }
0x25b: {  	[sflag:s23] =	ssyncadd.s32 $0xFFFFFF00  }
0x25c: {  	[hbm4b:s16+s0] =	stream.linear.scatter [tilespmem:s10], [sflag:$0x2], $0x100, $0x38;
	[tilespmem:$0x14300] =	vst v63  }
0x25d: {  	_ =	swait.ge [sflag:s23], $0x100  }
0x25e: {  	s16 =	sld [smem:$0x7B8]  }
0x25f: {  	[sflag:s23] =	ssyncset.done $0x0  }
0x260: {  	[sflag:s23] =	ssyncadd.s32 $0xFFFFFF00  }
0x261: {  	[hbm4b:s16+s0] =	stream.linear.scatter [tilespmem:s11], [sflag:$0x2], $0x100, $0x38;
	[tilespmem:$0x14300] =	vst v63  }
0x262: {  	_ =	swait.ge [sflag:s23], $0x100  }
0x263: {  	s16 =	sld [smem:$0x7B9]  }
0x264: {  	[sflag:s23] =	ssyncset.done $0x0  }
0x265: {  	[sflag:s23] =	ssyncadd.s32 $0xFFFFFF00  }
0x266: {  	[hbm4b:s16+s0] =	stream.linear.scatter [tilespmem:s12], [sflag:$0x2], $0x100, $0x38;
	[tilespmem:$0x14300] =	vst v63  }
0x267: {  	_ =	swait.ge [sflag:s23], $0x100  }
0x268: {  	s16 =	sld [smem:$0x7BA]  }
0x269: {  	[sflag:s23] =	ssyncset.done $0x0  }
0x26a: {  	[sflag:s23] =	ssyncadd.s32 $0xFFFFFF00  }
0x26b: {  	[hbm4b:s16+s0] =	stream.linear.scatter [tilespmem:s30], [sflag:$0x2], $0x100, $0x38;
	[tilespmem:$0x14300] =	vst v63  }
0x26c: {  	_ =	swait.ge [sflag:s23], $0x100  }
0x26d: {  	s16 =	sld [smem:$0x7BB]  }
0x26e: {  	[sflag:s23] =	ssyncset.done $0x0  }
0x26f: {  	[sflag:s23] =	ssyncadd.s32 $0xFFFFFF00  }
0x270: {  	[hbm4b:s16+s0] =	stream.linear.scatter [tilespmem:s13], [sflag:$0x2], $0x100, $0x38;
	[tilespmem:$0x14300] =	vst v63  }
0x271: {  	_ =	swait.ge [sflag:s23], $0x100  }
0x272: {  	s16 =	sld [smem:$0x7BC]  }
0x273: {  	[sflag:s23] =	ssyncset.done $0x0  }
0x274: {  	[sflag:s23] =	ssyncadd.s32 $0xFFFFFF00  }
0x275: {  	[hbm4b:s16+s0] =	stream.linear.scatter [tilespmem:s31], [sflag:$0x2], $0x100, $0x38;
	[tilespmem:$0x14300] =	vst v63  }
0x276: {  	_ =	swait.ge [sflag:s23], $0x100  }
0x277: {  	[sflag:s23] =	ssyncset.done $0x0  }
0x278: {  	[sflag:s23] =	ssyncadd.s32 $0xFFFFFF00  }
0x279: {  	v1 =	vld [tilespmem:$0x100]  }
0x27a: {  	v2 =	vld [tilespmem:$0x110]  }
0x27b: {  	v3 =	vld [tilespmem:$0x120]  }
0x27c: {  	v4 =	vld [tilespmem:$0x130]  }
0x27d: {  	v5 =	vld [tilespmem:$0x140]  }
0x27e: {  	v6 =	vld [tilespmem:$0x150];
	v1 =	vshrl.u32 v1, $0x2  }
0x27f: {  	[tilespmem:$0x200] =	vst v1;
	v1 =	vshrl.u32 v2, $0x2;
	v2 =	vld [tilespmem:$0x160]  }
0x280: {  	[tilespmem:$0x210] =	vst v1;
	v1 =	vshrl.u32 v3, $0x2;
	v3 =	vld [tilespmem:$0x170]  }
0x281: {  	v58 =	vld [tilespmem:$0x180];
	[tilespmem:$0x220] =	vst v1;
	v1 =	vshrl.u32 v4, $0x2  }
0x282: {  	v59 =	vld [tilespmem:$0x190];
	[tilespmem:$0x230] =	vst v1;
	v1 =	vshrl.u32 v5, $0x2  }
0x283: {  	v60 =	vld [tilespmem:$0x1A0];
	[tilespmem:$0x240] =	vst v1;
	v1 =	vshrl.u32 v6, $0x2  }
0x284: {  	[tilespmem:$0x250] =	vst v1;
	v1 =	vshrl.u32 v2, $0x2;
	v2 =	vld [tilespmem:$0x1B0]  }
0x285: {  	[tilespmem:$0x260] =	vst v1;
	v1 =	vshrl.u32 v3, $0x2;
	v3 =	vld [tilespmem:$0x1C0]  }
0x286: {  	v61 =	vld [tilespmem:$0x1D0];
	[tilespmem:$0x270] =	vst v1;
	v1 =	vshrl.u32 v58, $0x2  }
0x287: {  	v62 =	vld [tilespmem:$0x1E0];
	[tilespmem:$0x280] =	vst v1;
	v1 =	vshrl.u32 v59, $0x2  }
0x288: {  	v63 =	vld [tilespmem:$0x1F0];
	[tilespmem:$0x290] =	vst v1;
	v1 =	vshrl.u32 v60, $0x2  }
0x289: {  	[tilespmem:$0x2A0] =	vst v1;
	v1 =	vshrl.u32 v2, $0x2  }
0x28a: {  	[tilespmem:$0x2B0] =	vst v1;
	v1 =	vshrl.u32 v3, $0x2  }
0x28b: {  	[tilespmem:$0x2C0] =	vst v1;
	v1 =	vshrl.u32 v61, $0x2  }
0x28c: {  	[tilespmem:$0x2D0] =	vst v1;
	v1 =	vshrl.u32 v62, $0x2  }
0x28d: {  	[tilespmem:$0x2E0] =	vst v1;
	v1 =	vshrl.u32 v63, $0x2  }
0x28e: {  	s16 =	simm.s32 $0x100;
	[tilespmem:$0x2F0] =	vst v1  }
0x28f: {  	[tilespmem:s26], [sflag:$0x1] =	stream.indirect.gather [hbm4b:s3+s16], $0x80, s25, s16, $0xb8;
	[tilespmem:$0x14300] =	vst v63  }
0x290: {  	_ = 	snop  }
0x291: {  	[tilespmem:s28], [sflag:$0x1] =	stream.indirect.gather [hbm4b:s4+s16], $0x80, s25, s16, $0xb8;
	[tilespmem:$0x14300] =	vst v63  }
0x292: {  	_ =	swait.ge [sflag:s29], $0x8000  }
0x293: {  	[sflag:s29] =	ssyncset.done $0x0  }
0x294: {  	[sflag:s29] =	ssyncadd.s32 $0xFFFF8000  }
0x295: {  	_ =	swait.ge [sflag:s29], $0x8000  }
0x296: {  	[sflag:s29] =	ssyncset.done $0x0  }
0x297: {  	[sflag:s29] =	ssyncadd.s32 $0xFFFF8000  }
.LBB2_4:
0x298: {  	v1 =	vld [tilespmem:s16+$0x0];
	_ =	sdelay $0x3  }
0x299: {  	v2 =	vmov s0  }
0x29a: {  	v2 =	vshll.u32 v2, $0x7;
	v1 =	vshll.u32 v1, $0x5  }
0x29b: {  	v2 =	vor.u32 v0, v2;
	v1 =	vand.u32 $0x60, v1  }
0x29c: {  	v1 =	vor.u32 v2, v1;
	_ =	sdelay $0x4  }
0x29d: {  	v2 =	vld.idx.msk [tilespmem:v1+s26+$0x0], $0xffff;
	_ =	sdelay $0x4  }
0x29e: {  	[tilespmem:s15+$0xFFFFF000] =	vst v2  }
0x29f: {  	v2 =	vld.idx.msk [tilespmem:v1+s28+$0x0], $0xffff  }
0x2a0: {  	v3 =	vor.u32 $0x1, v1;
	_ =	sdelay $0x3  }
0x2a1: {  	[tilespmem:s1+$0xFFFFF000] =	vst v2  }
0x2a2: {  	v2 =	vld.idx.msk [tilespmem:v3+s26+$0x0], $0xffff;
	_ =	sdelay $0x4  }
0x2a3: {  	[tilespmem:s15+$0xFFFFF100] =	vst v2  }
0x2a4: {  	v2 =	vld.idx.msk [tilespmem:v3+s28+$0x0], $0xffff  }
0x2a5: {  	v3 =	vor.u32 $0x2, v1;
	_ =	sdelay $0x3  }
0x2a6: {  	[tilespmem:s1+$0xFFFFF100] =	vst v2  }
0x2a7: {  	v2 =	vld.idx.msk [tilespmem:v3+s26+$0x0], $0xffff;
	_ =	sdelay $0x4  }
0x2a8: {  	[tilespmem:s15+$0xFFFFF200] =	vst v2  }
0x2a9: {  	v2 =	vld.idx.msk [tilespmem:v3+s28+$0x0], $0xffff  }
0x2aa: {  	v3 =	vor.u32 $0x3, v1;
	_ =	sdelay $0x3  }
0x2ab: {  	[tilespmem:s1+$0xFFFFF200] =	vst v2  }
0x2ac: {  	v2 =	vld.idx.msk [tilespmem:v3+s26+$0x0], $0xffff;
	_ =	sdelay $0x4  }
0x2ad: {  	[tilespmem:s15+$0xFFFFF300] =	vst v2  }
0x2ae: {  	v2 =	vld.idx.msk [tilespmem:v3+s28+$0x0], $0xffff  }
0x2af: {  	v3 =	vor.u32 $0x4, v1;
	_ =	sdelay $0x3  }
0x2b0: {  	[tilespmem:s1+$0xFFFFF300] =	vst v2  }
0x2b1: {  	v2 =	vld.idx.msk [tilespmem:v3+s26+$0x0], $0xffff;
	_ =	sdelay $0x4  }
0x2b2: {  	[tilespmem:s15+$0xFFFFF400] =	vst v2  }
0x2b3: {  	v2 =	vld.idx.msk [tilespmem:v3+s28+$0x0], $0xffff  }
0x2b4: {  	v3 =	vor.u32 $0x5, v1;
	_ =	sdelay $0x3  }
0x2b5: {  	[tilespmem:s1+$0xFFFFF400] =	vst v2  }
0x2b6: {  	v2 =	vld.idx.msk [tilespmem:v3+s26+$0x0], $0xffff;
	_ =	sdelay $0x4  }
0x2b7: {  	[tilespmem:s15+$0xFFFFF500] =	vst v2  }
0x2b8: {  	v2 =	vld.idx.msk [tilespmem:v3+s28+$0x0], $0xffff  }
0x2b9: {  	v3 =	vor.u32 $0x6, v1;
	_ =	sdelay $0x3  }
0x2ba: {  	[tilespmem:s1+$0xFFFFF500] =	vst v2  }
0x2bb: {  	v2 =	vld.idx.msk [tilespmem:v3+s26+$0x0], $0xffff;
	_ =	sdelay $0x4  }
0x2bc: {  	[tilespmem:s15+$0xFFFFF600] =	vst v2  }
0x2bd: {  	v2 =	vld.idx.msk [tilespmem:v3+s28+$0x0], $0xffff  }
0x2be: {  	v3 =	vor.u32 $0x7, v1;
	_ =	sdelay $0x3  }
0x2bf: {  	[tilespmem:s1+$0xFFFFF600] =	vst v2  }
0x2c0: {  	v2 =	vld.idx.msk [tilespmem:v3+s26+$0x0], $0xffff;
	_ =	sdelay $0x4  }
0x2c1: {  	[tilespmem:s15+$0xFFFFF700] =	vst v2  }
0x2c2: {  	v2 =	vld.idx.msk [tilespmem:v3+s28+$0x0], $0xffff  }
0x2c3: {  	v3 =	vor.u32 $0x8, v1;
	_ =	sdelay $0x3  }
0x2c4: {  	[tilespmem:s1+$0xFFFFF700] =	vst v2  }
0x2c5: {  	v2 =	vld.idx.msk [tilespmem:v3+s26+$0x0], $0xffff;
	_ =	sdelay $0x4  }
0x2c6: {  	[tilespmem:s15+$0xFFFFF800] =	vst v2  }
0x2c7: {  	v2 =	vld.idx.msk [tilespmem:v3+s28+$0x0], $0xffff  }
0x2c8: {  	v3 =	vor.u32 $0x9, v1;
	_ =	sdelay $0x3  }
0x2c9: {  	[tilespmem:s1+$0xFFFFF800] =	vst v2  }
0x2ca: {  	v2 =	vld.idx.msk [tilespmem:v3+s26+$0x0], $0xffff;
	_ =	sdelay $0x4  }
0x2cb: {  	[tilespmem:s15+$0xFFFFF900] =	vst v2  }
0x2cc: {  	v2 =	vld.idx.msk [tilespmem:v3+s28+$0x0], $0xffff  }
0x2cd: {  	v3 =	vor.u32 $0xA, v1;
	_ =	sdelay $0x3  }
0x2ce: {  	[tilespmem:s1+$0xFFFFF900] =	vst v2  }
0x2cf: {  	v2 =	vld.idx.msk [tilespmem:v3+s26+$0x0], $0xffff;
	_ =	sdelay $0x4  }
0x2d0: {  	[tilespmem:s15+$0xFFFFFA00] =	vst v2  }
0x2d1: {  	v2 =	vld.idx.msk [tilespmem:v3+s28+$0x0], $0xffff  }
0x2d2: {  	v3 =	vor.u32 $0xB, v1;
	_ =	sdelay $0x3  }
0x2d3: {  	[tilespmem:s1+$0xFFFFFA00] =	vst v2  }
0x2d4: {  	v2 =	vld.idx.msk [tilespmem:v3+s26+$0x0], $0xffff;
	_ =	sdelay $0x4  }
0x2d5: {  	[tilespmem:s15+$0xFFFFFB00] =	vst v2  }
0x2d6: {  	v2 =	vld.idx.msk [tilespmem:v3+s28+$0x0], $0xffff  }
0x2d7: {  	v3 =	vor.u32 $0xC, v1;
	_ =	sdelay $0x3  }
0x2d8: {  	[tilespmem:s1+$0xFFFFFB00] =	vst v2  }
0x2d9: {  	v2 =	vld.idx.msk [tilespmem:v3+s26+$0x0], $0xffff;
	_ =	sdelay $0x4  }
0x2da: {  	[tilespmem:s15+$0xFFFFFC00] =	vst v2  }
0x2db: {  	v2 =	vld.idx.msk [tilespmem:v3+s28+$0x0], $0xffff  }
0x2dc: {  	v3 =	vor.u32 $0xD, v1;
	_ =	sdelay $0x3  }
0x2dd: {  	[tilespmem:s1+$0xFFFFFC00] =	vst v2  }
0x2de: {  	v2 =	vld.idx.msk [tilespmem:v3+s26+$0x0], $0xffff;
	_ =	sdelay $0x4  }
0x2df: {  	[tilespmem:s15+$0xFFFFFD00] =	vst v2  }
0x2e0: {  	v2 =	vld.idx.msk [tilespmem:v3+s28+$0x0], $0xffff  }
0x2e1: {  	v3 =	vor.u32 $0xE, v1;
	_ =	sdelay $0x3  }
0x2e2: {  	[tilespmem:s1+$0xFFFFFD00] =	vst v2  }
0x2e3: {  	v2 =	vld.idx.msk [tilespmem:v3+s26+$0x0], $0xffff;
	_ =	sdelay $0x4  }
0x2e4: {  	[tilespmem:s15+$0xFFFFFE00] =	vst v2  }
0x2e5: {  	v2 =	vld.idx.msk [tilespmem:v3+s28+$0x0], $0xffff  }
0x2e6: {  	v3 =	vor.u32 $0xF, v1;
	_ =	sdelay $0x3  }
0x2e7: {  	[tilespmem:s1+$0xFFFFFE00] =	vst v2  }
0x2e8: {  	v2 =	vld.idx.msk [tilespmem:v3+s26+$0x0], $0xffff;
	_ =	sdelay $0x4  }
0x2e9: {  	[tilespmem:s15+$0xFFFFFF00] =	vst v2  }
0x2ea: {  	v2 =	vld.idx.msk [tilespmem:v3+s28+$0x0], $0xffff  }
0x2eb: {  	v3 =	vor.u32 $0x10, v1;
	_ =	sdelay $0x3  }
0x2ec: {  	[tilespmem:s1+$0xFFFFFF00] =	vst v2  }
0x2ed: {  	v2 =	vld.idx.msk [tilespmem:v3+s26+$0x0], $0xffff;
	_ =	sdelay $0x4  }
0x2ee: {  	[tilespmem:s15+$0x0] =	vst v2  }
0x2ef: {  	v2 =	vld.idx.msk [tilespmem:v3+s28+$0x0], $0xffff  }
0x2f0: {  	v3 =	vor.u32 $0x11, v1;
	_ =	sdelay $0x3  }
0x2f1: {  	[tilespmem:s1+$0x0] =	vst v2  }
0x2f2: {  	v2 =	vld.idx.msk [tilespmem:v3+s26+$0x0], $0xffff;
	_ =	sdelay $0x4  }
0x2f3: {  	[tilespmem:s15+$0x100] =	vst v2  }
0x2f4: {  	v2 =	vld.idx.msk [tilespmem:v3+s28+$0x0], $0xffff  }
0x2f5: {  	v3 =	vor.u32 $0x12, v1;
	_ =	sdelay $0x3  }
0x2f6: {  	[tilespmem:s1+$0x100] =	vst v2  }
0x2f7: {  	v2 =	vld.idx.msk [tilespmem:v3+s26+$0x0], $0xffff;
	_ =	sdelay $0x4  }
0x2f8: {  	[tilespmem:s15+$0x200] =	vst v2  }
0x2f9: {  	v2 =	vld.idx.msk [tilespmem:v3+s28+$0x0], $0xffff  }
0x2fa: {  	v3 =	vor.u32 $0x13, v1;
	_ =	sdelay $0x3  }
0x2fb: {  	[tilespmem:s1+$0x200] =	vst v2  }
0x2fc: {  	v2 =	vld.idx.msk [tilespmem:v3+s26+$0x0], $0xffff;
	_ =	sdelay $0x4  }
0x2fd: {  	[tilespmem:s15+$0x300] =	vst v2  }
0x2fe: {  	v2 =	vld.idx.msk [tilespmem:v3+s28+$0x0], $0xffff  }
0x2ff: {  	v3 =	vor.u32 $0x14, v1;
	_ =	sdelay $0x3  }
0x300: {  	[tilespmem:s1+$0x300] =	vst v2  }
0x301: {  	v2 =	vld.idx.msk [tilespmem:v3+s26+$0x0], $0xffff;
	_ =	sdelay $0x4  }
0x302: {  	[tilespmem:s15+$0x400] =	vst v2  }
0x303: {  	v2 =	vld.idx.msk [tilespmem:v3+s28+$0x0], $0xffff  }
0x304: {  	v3 =	vor.u32 $0x15, v1;
	_ =	sdelay $0x3  }
0x305: {  	[tilespmem:s1+$0x400] =	vst v2  }
0x306: {  	v2 =	vld.idx.msk [tilespmem:v3+s26+$0x0], $0xffff;
	_ =	sdelay $0x4  }
0x307: {  	[tilespmem:s15+$0x500] =	vst v2  }
0x308: {  	v2 =	vld.idx.msk [tilespmem:v3+s28+$0x0], $0xffff  }
0x309: {  	v3 =	vor.u32 $0x16, v1;
	_ =	sdelay $0x3  }
0x30a: {  	[tilespmem:s1+$0x500] =	vst v2  }
0x30b: {  	v2 =	vld.idx.msk [tilespmem:v3+s26+$0x0], $0xffff;
	_ =	sdelay $0x4  }
0x30c: {  	[tilespmem:s15+$0x600] =	vst v2  }
0x30d: {  	v2 =	vld.idx.msk [tilespmem:v3+s28+$0x0], $0xffff  }
0x30e: {  	v3 =	vor.u32 $0x17, v1;
	_ =	sdelay $0x3  }
0x30f: {  	[tilespmem:s1+$0x600] =	vst v2  }
0x310: {  	v2 =	vld.idx.msk [tilespmem:v3+s26+$0x0], $0xffff;
	_ =	sdelay $0x4  }
0x311: {  	[tilespmem:s15+$0x700] =	vst v2  }
0x312: {  	v2 =	vld.idx.msk [tilespmem:v3+s28+$0x0], $0xffff  }
0x313: {  	v3 =	vor.u32 $0x18, v1;
	_ =	sdelay $0x3  }
0x314: {  	[tilespmem:s1+$0x700] =	vst v2  }
0x315: {  	v2 =	vld.idx.msk [tilespmem:v3+s26+$0x0], $0xffff;
	_ =	sdelay $0x4  }
0x316: {  	[tilespmem:s15+$0x800] =	vst v2  }
0x317: {  	v2 =	vld.idx.msk [tilespmem:v3+s28+$0x0], $0xffff  }
0x318: {  	v3 =	vor.u32 $0x19, v1;
	_ =	sdelay $0x3  }
0x319: {  	[tilespmem:s1+$0x800] =	vst v2  }
0x31a: {  	v2 =	vld.idx.msk [tilespmem:v3+s26+$0x0], $0xffff;
	_ =	sdelay $0x4  }
0x31b: {  	[tilespmem:s15+$0x900] =	vst v2  }
0x31c: {  	v2 =	vld.idx.msk [tilespmem:v3+s28+$0x0], $0xffff  }
0x31d: {  	v3 =	vor.u32 $0x1A, v1;
	_ =	sdelay $0x3  }
0x31e: {  	[tilespmem:s1+$0x900] =	vst v2  }
0x31f: {  	v2 =	vld.idx.msk [tilespmem:v3+s26+$0x0], $0xffff;
	_ =	sdelay $0x4  }
0x320: {  	[tilespmem:s15+$0xA00] =	vst v2  }
0x321: {  	v2 =	vld.idx.msk [tilespmem:v3+s28+$0x0], $0xffff  }
0x322: {  	v3 =	vor.u32 $0x1B, v1;
	_ =	sdelay $0x3  }
0x323: {  	[tilespmem:s1+$0xA00] =	vst v2  }
0x324: {  	v2 =	vld.idx.msk [tilespmem:v3+s26+$0x0], $0xffff;
	_ =	sdelay $0x4  }
0x325: {  	[tilespmem:s15+$0xB00] =	vst v2  }
0x326: {  	v2 =	vld.idx.msk [tilespmem:v3+s28+$0x0], $0xffff  }
0x327: {  	v3 =	vor.u32 $0x1C, v1;
	_ =	sdelay $0x3  }
0x328: {  	[tilespmem:s1+$0xB00] =	vst v2  }
0x329: {  	v2 =	vld.idx.msk [tilespmem:v3+s26+$0x0], $0xffff;
	_ =	sdelay $0x4  }
0x32a: {  	[tilespmem:s15+$0xC00] =	vst v2  }
0x32b: {  	v2 =	vld.idx.msk [tilespmem:v3+s28+$0x0], $0xffff  }
0x32c: {  	v3 =	vor.u32 $0x1D, v1;
	_ =	sdelay $0x3  }
0x32d: {  	[tilespmem:s1+$0xC00] =	vst v2  }
0x32e: {  	v2 =	vld.idx.msk [tilespmem:v3+s26+$0x0], $0xffff;
	_ =	sdelay $0x4  }
0x32f: {  	[tilespmem:s15+$0xD00] =	vst v2  }
0x330: {  	v2 =	vld.idx.msk [tilespmem:v3+s28+$0x0], $0xffff  }
0x331: {  	v3 =	vor.u32 $0x1E, v1;
	_ =	sdelay $0x3  }
0x332: {  	[tilespmem:s1+$0xD00] =	vst v2  }
0x333: {  	v2 =	vld.idx.msk [tilespmem:v3+s26+$0x0], $0xffff;
	_ =	sdelay $0x4  }
0x334: {  	[tilespmem:s15+$0xE00] =	vst v2  }
0x335: {  	v2 =	vld.idx.msk [tilespmem:v3+s28+$0x0], $0xffff  }
0x336: {  	v1 =	vor.u32 $0x1F, v1;
	_ =	sdelay $0x3  }
0x337: {  	[tilespmem:s1+$0xE00] =	vst v2  }
0x338: {  	v2 =	vld.idx.msk [tilespmem:v1+s26+$0x0], $0xffff;
	_ =	sdelay $0x4  }
0x339: {  	[tilespmem:s15+$0xF00] =	vst v2  }
0x33a: {  	p0 =	sne.s32 s0, $0xF0;
	v1 =	vld.idx.msk [tilespmem:v1+s28+$0x0], $0xffff  }
.Ltmp1:
0x33b: {  	_ = 	snop;
	(pc) =	sbr.rel @p0 .LBB2_4-.Ltmp1, $3  }
0x33c: {  	_ =	sdelay $0x1  }
0x33d: {  	s16 =	sadd.s32 $0x10, s16  }
0x33e: {  	s0 =	sadd.s32 $0x10, s0;
	s15 =	sadd.s32 $0x10, s15;
	[tilespmem:s1+$0xF00] =	vst v1;
	s1 =	sadd.s32 $0x10, s1  }
0x33f: {  	s0 =	sld [smem:$0x7BD];
	_ =	sdelay $0x1  }
0x340: {  	s1 =	simm.s32 $0x10300  }
0x341: {  	[hbm4b:s0+s2] =	stream.linear.scatter [tilespmem:s1], [sflag:$0x2], $0x100, $0x38;
	[tilespmem:$0x14300] =	vst v63  }
0x342: {  	_ =	swait.ge [sflag:s23], $0x100  }
0x343: {  	s15 =	sld [smem:$0x7BE]  }
0x344: {  	[sflag:s23] =	ssyncset.done $0x0  }
0x345: {  	s16 =	simm.s32 $0x12300;
	[sflag:s23] =	ssyncadd.s32 $0xFFFFFF00  }
0x346: {  	[hbm4b:s15+s2] =	stream.linear.scatter [tilespmem:s16], [sflag:$0x2], $0x100, $0x38;
	[tilespmem:$0x14300] =	vst v63  }
0x347: {  	_ =	swait.ge [sflag:s23], $0x100  }
0x348: {  	s15 =	sld [smem:$0x7BF]  }
0x349: {  	[sflag:s23] =	ssyncset.done $0x0  }
0x34a: {  	s16 =	simm.s32 $0x10400;
	[sflag:s23] =	ssyncadd.s32 $0xFFFFFF00  }
0x34b: {  	[hbm4b:s15+s2] =	stream.linear.scatter [tilespmem:s16], [sflag:$0x2], $0x100, $0x38;
	[tilespmem:$0x14300] =	vst v63  }
0x34c: {  	_ =	swait.ge [sflag:s23], $0x100  }
0x34d: {  	s15 =	sld [smem:$0x7C0]  }
0x34e: {  	[sflag:s23] =	ssyncset.done $0x0  }
0x34f: {  	s16 =	simm.s32 $0x12400;
	[sflag:s23] =	ssyncadd.s32 $0xFFFFFF00  }
0x350: {  	[hbm4b:s15+s2] =	stream.linear.scatter [tilespmem:s16], [sflag:$0x2], $0x100, $0x38;
	[tilespmem:$0x14300] =	vst v63  }
0x351: {  	_ =	swait.ge [sflag:s23], $0x100  }
0x352: {  	s15 =	sld [smem:$0x7C1]  }
0x353: {  	[sflag:s23] =	ssyncset.done $0x0  }
0x354: {  	s16 =	simm.s32 $0x10500;
	[sflag:s23] =	ssyncadd.s32 $0xFFFFFF00  }
0x355: {  	[hbm4b:s15+s2] =	stream.linear.scatter [tilespmem:s16], [sflag:$0x2], $0x100, $0x38;
	[tilespmem:$0x14300] =	vst v63  }
0x356: {  	_ =	swait.ge [sflag:s23], $0x100  }
0x357: {  	s15 =	sld [smem:$0x7C2]  }
0x358: {  	[sflag:s23] =	ssyncset.done $0x0  }
0x359: {  	s16 =	simm.s32 $0x12500;
	[sflag:s23] =	ssyncadd.s32 $0xFFFFFF00  }
0x35a: {  	[hbm4b:s15+s2] =	stream.linear.scatter [tilespmem:s16], [sflag:$0x2], $0x100, $0x38;
	[tilespmem:$0x14300] =	vst v63  }
0x35b: {  	_ =	swait.ge [sflag:s23], $0x100  }
0x35c: {  	s15 =	sld [smem:$0x7C3]  }
0x35d: {  	[sflag:s23] =	ssyncset.done $0x0  }
0x35e: {  	s16 =	simm.s32 $0x10600;
	[sflag:s23] =	ssyncadd.s32 $0xFFFFFF00  }
0x35f: {  	[hbm4b:s15+s2] =	stream.linear.scatter [tilespmem:s16], [sflag:$0x2], $0x100, $0x38;
	[tilespmem:$0x14300] =	vst v63  }
0x360: {  	_ =	swait.ge [sflag:s23], $0x100  }
0x361: {  	s15 =	sld [smem:$0x7C4]  }
0x362: {  	[sflag:s23] =	ssyncset.done $0x0  }
0x363: {  	s16 =	simm.s32 $0x12600;
	[sflag:s23] =	ssyncadd.s32 $0xFFFFFF00  }
0x364: {  	[hbm4b:s15+s2] =	stream.linear.scatter [tilespmem:s16], [sflag:$0x2], $0x100, $0x38;
	[tilespmem:$0x14300] =	vst v63  }
0x365: {  	_ =	swait.ge [sflag:s23], $0x100  }
0x366: {  	s15 =	sld [smem:$0x7C5]  }
0x367: {  	[sflag:s23] =	ssyncset.done $0x0  }
0x368: {  	s16 =	simm.s32 $0x10700;
	[sflag:s23] =	ssyncadd.s32 $0xFFFFFF00  }
0x369: {  	[hbm4b:s15+s2] =	stream.linear.scatter [tilespmem:s16], [sflag:$0x2], $0x100, $0x38;
	[tilespmem:$0x14300] =	vst v63  }
0x36a: {  	_ =	swait.ge [sflag:s23], $0x100  }
0x36b: {  	s15 =	sld [smem:$0x7C6]  }
0x36c: {  	[sflag:s23] =	ssyncset.done $0x0  }
0x36d: {  	s16 =	simm.s32 $0x12700;
	[sflag:s23] =	ssyncadd.s32 $0xFFFFFF00  }
0x36e: {  	[hbm4b:s15+s2] =	stream.linear.scatter [tilespmem:s16], [sflag:$0x2], $0x100, $0x38;
	[tilespmem:$0x14300] =	vst v63  }
0x36f: {  	_ =	swait.ge [sflag:s23], $0x100  }
0x370: {  	s15 =	sld [smem:$0x7C7]  }
0x371: {  	[sflag:s23] =	ssyncset.done $0x0  }
0x372: {  	s16 =	simm.s32 $0x10800;
	[sflag:s23] =	ssyncadd.s32 $0xFFFFFF00  }
0x373: {  	[hbm4b:s15+s2] =	stream.linear.scatter [tilespmem:s16], [sflag:$0x2], $0x100, $0x38;
	[tilespmem:$0x14300] =	vst v63  }
0x374: {  	_ =	swait.ge [sflag:s23], $0x100  }
0x375: {  	s15 =	sld [smem:$0x7C8]  }
0x376: {  	[sflag:s23] =	ssyncset.done $0x0  }
0x377: {  	s16 =	simm.s32 $0x12800;
	[sflag:s23] =	ssyncadd.s32 $0xFFFFFF00  }
0x378: {  	[hbm4b:s15+s2] =	stream.linear.scatter [tilespmem:s16], [sflag:$0x2], $0x100, $0x38;
	[tilespmem:$0x14300] =	vst v63  }
0x379: {  	_ =	swait.ge [sflag:s23], $0x100  }
0x37a: {  	s15 =	sld [smem:$0x7C9]  }
0x37b: {  	[sflag:s23] =	ssyncset.done $0x0  }
0x37c: {  	s16 =	simm.s32 $0x10900;
	[sflag:s23] =	ssyncadd.s32 $0xFFFFFF00  }
0x37d: {  	[hbm4b:s15+s2] =	stream.linear.scatter [tilespmem:s16], [sflag:$0x2], $0x100, $0x38;
	[tilespmem:$0x14300] =	vst v63  }
0x37e: {  	_ =	swait.ge [sflag:s23], $0x100  }
0x37f: {  	s15 =	sld [smem:$0x7CA]  }
0x380: {  	[sflag:s23] =	ssyncset.done $0x0  }
0x381: {  	s16 =	simm.s32 $0x12900;
	[sflag:s23] =	ssyncadd.s32 $0xFFFFFF00  }
0x382: {  	[hbm4b:s15+s2] =	stream.linear.scatter [tilespmem:s16], [sflag:$0x2], $0x100, $0x38;
	[tilespmem:$0x14300] =	vst v63  }
0x383: {  	_ =	swait.ge [sflag:s23], $0x100  }
0x384: {  	s15 =	sld [smem:$0x7CB]  }
0x385: {  	[sflag:s23] =	ssyncset.done $0x0  }
0x386: {  	s16 =	simm.s32 $0x10A00;
	[sflag:s23] =	ssyncadd.s32 $0xFFFFFF00  }
0x387: {  	[hbm4b:s15+s2] =	stream.linear.scatter [tilespmem:s16], [sflag:$0x2], $0x100, $0x38;
	[tilespmem:$0x14300] =	vst v63  }
0x388: {  	_ =	swait.ge [sflag:s23], $0x100  }
0x389: {  	s15 =	sld [smem:$0x7CC]  }
0x38a: {  	[sflag:s23] =	ssyncset.done $0x0  }
0x38b: {  	s16 =	simm.s32 $0x12A00;
	[sflag:s23] =	ssyncadd.s32 $0xFFFFFF00  }
0x38c: {  	[hbm4b:s15+s2] =	stream.linear.scatter [tilespmem:s16], [sflag:$0x2], $0x100, $0x38;
	[tilespmem:$0x14300] =	vst v63  }
0x38d: {  	_ =	swait.ge [sflag:s23], $0x100  }
0x38e: {  	s15 =	sld [smem:$0x7CD]  }
0x38f: {  	[sflag:s23] =	ssyncset.done $0x0  }
0x390: {  	s16 =	simm.s32 $0x10B00;
	[sflag:s23] =	ssyncadd.s32 $0xFFFFFF00  }
0x391: {  	[hbm4b:s15+s2] =	stream.linear.scatter [tilespmem:s16], [sflag:$0x2], $0x100, $0x38;
	[tilespmem:$0x14300] =	vst v63  }
0x392: {  	_ =	swait.ge [sflag:s23], $0x100  }
0x393: {  	s15 =	sld [smem:$0x7CE]  }
0x394: {  	[sflag:s23] =	ssyncset.done $0x0  }
0x395: {  	s16 =	simm.s32 $0x12B00;
	[sflag:s23] =	ssyncadd.s32 $0xFFFFFF00  }
0x396: {  	[hbm4b:s15+s2] =	stream.linear.scatter [tilespmem:s16], [sflag:$0x2], $0x100, $0x38;
	[tilespmem:$0x14300] =	vst v63  }
0x397: {  	_ =	swait.ge [sflag:s23], $0x100  }
0x398: {  	s15 =	sld [smem:$0x7CF]  }
0x399: {  	[sflag:s23] =	ssyncset.done $0x0  }
0x39a: {  	s16 =	simm.s32 $0x10C00;
	[sflag:s23] =	ssyncadd.s32 $0xFFFFFF00  }
0x39b: {  	[hbm4b:s15+s2] =	stream.linear.scatter [tilespmem:s16], [sflag:$0x2], $0x100, $0x38;
	[tilespmem:$0x14300] =	vst v63  }
0x39c: {  	_ =	swait.ge [sflag:s23], $0x100  }
0x39d: {  	s15 =	sld [smem:$0x7D0]  }
0x39e: {  	[sflag:s23] =	ssyncset.done $0x0  }
0x39f: {  	s16 =	simm.s32 $0x12C00;
	[sflag:s23] =	ssyncadd.s32 $0xFFFFFF00  }
0x3a0: {  	[hbm4b:s15+s2] =	stream.linear.scatter [tilespmem:s16], [sflag:$0x2], $0x100, $0x38;
	[tilespmem:$0x14300] =	vst v63  }
0x3a1: {  	_ =	swait.ge [sflag:s23], $0x100  }
0x3a2: {  	s15 =	sld [smem:$0x7D1]  }
0x3a3: {  	[sflag:s23] =	ssyncset.done $0x0  }
0x3a4: {  	s16 =	simm.s32 $0x10D00;
	[sflag:s23] =	ssyncadd.s32 $0xFFFFFF00  }
0x3a5: {  	[hbm4b:s15+s2] =	stream.linear.scatter [tilespmem:s16], [sflag:$0x2], $0x100, $0x38;
	[tilespmem:$0x14300] =	vst v63  }
0x3a6: {  	_ =	swait.ge [sflag:s23], $0x100  }
0x3a7: {  	s15 =	sld [smem:$0x7D2]  }
0x3a8: {  	[sflag:s23] =	ssyncset.done $0x0  }
0x3a9: {  	s16 =	simm.s32 $0x12D00;
	[sflag:s23] =	ssyncadd.s32 $0xFFFFFF00  }
0x3aa: {  	[hbm4b:s15+s2] =	stream.linear.scatter [tilespmem:s16], [sflag:$0x2], $0x100, $0x38;
	[tilespmem:$0x14300] =	vst v63  }
0x3ab: {  	_ =	swait.ge [sflag:s23], $0x100  }
0x3ac: {  	s15 =	sld [smem:$0x7D3]  }
0x3ad: {  	[sflag:s23] =	ssyncset.done $0x0  }
0x3ae: {  	s16 =	simm.s32 $0x10E00;
	[sflag:s23] =	ssyncadd.s32 $0xFFFFFF00  }
0x3af: {  	[hbm4b:s15+s2] =	stream.linear.scatter [tilespmem:s16], [sflag:$0x2], $0x100, $0x38;
	[tilespmem:$0x14300] =	vst v63  }
0x3b0: {  	_ =	swait.ge [sflag:s23], $0x100  }
0x3b1: {  	s15 =	sld [smem:$0x7D4]  }
0x3b2: {  	[sflag:s23] =	ssyncset.done $0x0  }
0x3b3: {  	s16 =	simm.s32 $0x12E00;
	[sflag:s23] =	ssyncadd.s32 $0xFFFFFF00  }
0x3b4: {  	[hbm4b:s15+s2] =	stream.linear.scatter [tilespmem:s16], [sflag:$0x2], $0x100, $0x38;
	[tilespmem:$0x14300] =	vst v63  }
0x3b5: {  	_ =	swait.ge [sflag:s23], $0x100  }
0x3b6: {  	s15 =	sld [smem:$0x7D5]  }
0x3b7: {  	[sflag:s23] =	ssyncset.done $0x0  }
0x3b8: {  	s16 =	simm.s32 $0x10F00;
	[sflag:s23] =	ssyncadd.s32 $0xFFFFFF00  }
0x3b9: {  	[hbm4b:s15+s2] =	stream.linear.scatter [tilespmem:s16], [sflag:$0x2], $0x100, $0x38;
	[tilespmem:$0x14300] =	vst v63  }
0x3ba: {  	_ =	swait.ge [sflag:s23], $0x100  }
0x3bb: {  	s15 =	sld [smem:$0x7D6]  }
0x3bc: {  	[sflag:s23] =	ssyncset.done $0x0  }
0x3bd: {  	s16 =	simm.s32 $0x12F00;
	[sflag:s23] =	ssyncadd.s32 $0xFFFFFF00  }
0x3be: {  	[hbm4b:s15+s2] =	stream.linear.scatter [tilespmem:s16], [sflag:$0x2], $0x100, $0x38;
	[tilespmem:$0x14300] =	vst v63  }
0x3bf: {  	_ =	swait.ge [sflag:s23], $0x100  }
0x3c0: {  	s15 =	sld [smem:$0x7D7]  }
0x3c1: {  	[sflag:s23] =	ssyncset.done $0x0  }
0x3c2: {  	s16 =	simm.s32 $0x11000;
	[sflag:s23] =	ssyncadd.s32 $0xFFFFFF00  }
0x3c3: {  	[hbm4b:s15+s2] =	stream.linear.scatter [tilespmem:s16], [sflag:$0x2], $0x100, $0x38;
	[tilespmem:$0x14300] =	vst v63  }
0x3c4: {  	_ =	swait.ge [sflag:s23], $0x100  }
0x3c5: {  	s15 =	sld [smem:$0x7D8]  }
0x3c6: {  	[sflag:s23] =	ssyncset.done $0x0  }
0x3c7: {  	s16 =	simm.s32 $0x13000;
	[sflag:s23] =	ssyncadd.s32 $0xFFFFFF00  }
0x3c8: {  	[hbm4b:s15+s2] =	stream.linear.scatter [tilespmem:s16], [sflag:$0x2], $0x100, $0x38;
	[tilespmem:$0x14300] =	vst v63  }
0x3c9: {  	_ =	swait.ge [sflag:s23], $0x100  }
0x3ca: {  	s15 =	sld [smem:$0x7D9]  }
0x3cb: {  	[sflag:s23] =	ssyncset.done $0x0  }
0x3cc: {  	s16 =	simm.s32 $0x11100;
	[sflag:s23] =	ssyncadd.s32 $0xFFFFFF00  }
0x3cd: {  	[hbm4b:s15+s2] =	stream.linear.scatter [tilespmem:s16], [sflag:$0x2], $0x100, $0x38;
	[tilespmem:$0x14300] =	vst v63  }
0x3ce: {  	_ =	swait.ge [sflag:s23], $0x100  }
0x3cf: {  	s15 =	sld [smem:$0x7DA]  }
0x3d0: {  	[sflag:s23] =	ssyncset.done $0x0  }
0x3d1: {  	s16 =	simm.s32 $0x13100;
	[sflag:s23] =	ssyncadd.s32 $0xFFFFFF00  }
0x3d2: {  	[hbm4b:s15+s2] =	stream.linear.scatter [tilespmem:s16], [sflag:$0x2], $0x100, $0x38;
	[tilespmem:$0x14300] =	vst v63  }
0x3d3: {  	_ =	swait.ge [sflag:s23], $0x100  }
0x3d4: {  	s15 =	sld [smem:$0x7DB]  }
0x3d5: {  	[sflag:s23] =	ssyncset.done $0x0  }
0x3d6: {  	s16 =	simm.s32 $0x11200;
	[sflag:s23] =	ssyncadd.s32 $0xFFFFFF00  }
0x3d7: {  	[hbm4b:s15+s2] =	stream.linear.scatter [tilespmem:s16], [sflag:$0x2], $0x100, $0x38;
	[tilespmem:$0x14300] =	vst v63  }
0x3d8: {  	_ =	swait.ge [sflag:s23], $0x100  }
0x3d9: {  	s15 =	sld [smem:$0x7DC]  }
0x3da: {  	[sflag:s23] =	ssyncset.done $0x0  }
0x3db: {  	s16 =	simm.s32 $0x13200;
	[sflag:s23] =	ssyncadd.s32 $0xFFFFFF00  }
0x3dc: {  	[hbm4b:s15+s2] =	stream.linear.scatter [tilespmem:s16], [sflag:$0x2], $0x100, $0x38;
	[tilespmem:$0x14300] =	vst v63  }
0x3dd: {  	_ =	swait.ge [sflag:s23], $0x100  }
0x3de: {  	s15 =	sld [smem:$0x7DD]  }
0x3df: {  	[sflag:s23] =	ssyncset.done $0x0  }
0x3e0: {  	s16 =	simm.s32 $0x11300;
	[sflag:s23] =	ssyncadd.s32 $0xFFFFFF00  }
0x3e1: {  	[hbm4b:s15+s2] =	stream.linear.scatter [tilespmem:s16], [sflag:$0x2], $0x100, $0x38;
	[tilespmem:$0x14300] =	vst v63  }
0x3e2: {  	_ =	swait.ge [sflag:s23], $0x100  }
0x3e3: {  	s15 =	sld [smem:$0x7DE]  }
0x3e4: {  	[sflag:s23] =	ssyncset.done $0x0  }
0x3e5: {  	s16 =	simm.s32 $0x13300;
	[sflag:s23] =	ssyncadd.s32 $0xFFFFFF00  }
0x3e6: {  	[hbm4b:s15+s2] =	stream.linear.scatter [tilespmem:s16], [sflag:$0x2], $0x100, $0x38;
	[tilespmem:$0x14300] =	vst v63  }
0x3e7: {  	_ =	swait.ge [sflag:s23], $0x100  }
0x3e8: {  	s15 =	sld [smem:$0x7DF]  }
0x3e9: {  	[sflag:s23] =	ssyncset.done $0x0  }
0x3ea: {  	s16 =	simm.s32 $0x11400;
	[sflag:s23] =	ssyncadd.s32 $0xFFFFFF00  }
0x3eb: {  	[hbm4b:s15+s2] =	stream.linear.scatter [tilespmem:s16], [sflag:$0x2], $0x100, $0x38;
	[tilespmem:$0x14300] =	vst v63  }
0x3ec: {  	_ =	swait.ge [sflag:s23], $0x100  }
0x3ed: {  	s1 =	sld [smem:$0x7E0]  }
0x3ee: {  	[sflag:s23] =	ssyncset.done $0x0  }
0x3ef: {  	[sflag:s23] =	ssyncadd.s32 $0xFFFFFF00  }
0x3f0: {  	[hbm4b:s1+s2] =	stream.linear.scatter [tilespmem:s5], [sflag:$0x2], $0x100, $0x38;
	[tilespmem:$0x14300] =	vst v63  }
0x3f1: {  	_ =	swait.ge [sflag:s23], $0x100  }
0x3f2: {  	s5 =	sld [smem:$0x7E1]  }
0x3f3: {  	[sflag:s23] =	ssyncset.done $0x0  }
0x3f4: {  	s15 =	simm.s32 $0x11500;
	[sflag:s23] =	ssyncadd.s32 $0xFFFFFF00  }
0x3f5: {  	[hbm4b:s5+s2] =	stream.linear.scatter [tilespmem:s15], [sflag:$0x2], $0x100, $0x38;
	[tilespmem:$0x14300] =	vst v63  }
0x3f6: {  	_ =	swait.ge [sflag:s23], $0x100  }
0x3f7: {  	s16 =	sld [smem:$0x7E2]  }
0x3f8: {  	[sflag:s23] =	ssyncset.done $0x0  }
0x3f9: {  	[sflag:s23] =	ssyncadd.s32 $0xFFFFFF00  }
0x3fa: {  	[hbm4b:s16+s2] =	stream.linear.scatter [tilespmem:s17], [sflag:$0x2], $0x100, $0x38;
	[tilespmem:$0x14300] =	vst v63  }
0x3fb: {  	_ =	swait.ge [sflag:s23], $0x100  }
0x3fc: {  	s1 =	sld [smem:$0x7E3]  }
0x3fd: {  	[sflag:s23] =	ssyncset.done $0x0  }
0x3fe: {  	s5 =	simm.s32 $0x11600;
	[sflag:s23] =	ssyncadd.s32 $0xFFFFFF00  }
0x3ff: {  	[hbm4b:s1+s2] =	stream.linear.scatter [tilespmem:s5], [sflag:$0x2], $0x100, $0x38;
	[tilespmem:$0x14300] =	vst v63  }
0x400: {  	_ =	swait.ge [sflag:s23], $0x100  }
0x401: {  	s15 =	sld [smem:$0x7E4]  }
0x402: {  	[sflag:s23] =	ssyncset.done $0x0  }
0x403: {  	[sflag:s23] =	ssyncadd.s32 $0xFFFFFF00  }
0x404: {  	[hbm4b:s15+s2] =	stream.linear.scatter [tilespmem:s6], [sflag:$0x2], $0x100, $0x38;
	[tilespmem:$0x14300] =	vst v63  }
0x405: {  	_ =	swait.ge [sflag:s23], $0x100  }
0x406: {  	s16 =	sld [smem:$0x7E5]  }
0x407: {  	[sflag:s23] =	ssyncset.done $0x0  }
0x408: {  	s17 =	simm.s32 $0x11700;
	[sflag:s23] =	ssyncadd.s32 $0xFFFFFF00  }
0x409: {  	[hbm4b:s16+s2] =	stream.linear.scatter [tilespmem:s17], [sflag:$0x2], $0x100, $0x38;
	[tilespmem:$0x14300] =	vst v63  }
0x40a: {  	_ =	swait.ge [sflag:s23], $0x100  }
0x40b: {  	s1 =	sld [smem:$0x7E6]  }
0x40c: {  	[sflag:s23] =	ssyncset.done $0x0  }
0x40d: {  	[sflag:s23] =	ssyncadd.s32 $0xFFFFFF00  }
0x40e: {  	[hbm4b:s1+s2] =	stream.linear.scatter [tilespmem:s18], [sflag:$0x2], $0x100, $0x38;
	[tilespmem:$0x14300] =	vst v63  }
0x40f: {  	_ =	swait.ge [sflag:s23], $0x100  }
0x410: {  	s5 =	sld [smem:$0x7E7]  }
0x411: {  	[sflag:s23] =	ssyncset.done $0x0  }
0x412: {  	s6 =	simm.s32 $0x11800;
	[sflag:s23] =	ssyncadd.s32 $0xFFFFFF00  }
0x413: {  	[hbm4b:s5+s2] =	stream.linear.scatter [tilespmem:s6], [sflag:$0x2], $0x100, $0x38;
	[tilespmem:$0x14300] =	vst v63  }
0x414: {  	_ =	swait.ge [sflag:s23], $0x100  }
0x415: {  	s15 =	sld [smem:$0x7E8]  }
0x416: {  	[sflag:s23] =	ssyncset.done $0x0  }
0x417: {  	[sflag:s23] =	ssyncadd.s32 $0xFFFFFF00  }
0x418: {  	[hbm4b:s15+s2] =	stream.linear.scatter [tilespmem:s7], [sflag:$0x2], $0x100, $0x38;
	[tilespmem:$0x14300] =	vst v63  }
0x419: {  	_ =	swait.ge [sflag:s23], $0x100  }
0x41a: {  	s16 =	sld [smem:$0x7E9]  }
0x41b: {  	[sflag:s23] =	ssyncset.done $0x0  }
0x41c: {  	s17 =	simm.s32 $0x11900;
	[sflag:s23] =	ssyncadd.s32 $0xFFFFFF00  }
0x41d: {  	[hbm4b:s16+s2] =	stream.linear.scatter [tilespmem:s17], [sflag:$0x2], $0x100, $0x38;
	[tilespmem:$0x14300] =	vst v63  }
0x41e: {  	_ =	swait.ge [sflag:s23], $0x100  }
0x41f: {  	s18 =	sld [smem:$0x7EA]  }
0x420: {  	[sflag:s23] =	ssyncset.done $0x0  }
0x421: {  	[sflag:s23] =	ssyncadd.s32 $0xFFFFFF00  }
0x422: {  	[hbm4b:s18+s2] =	stream.linear.scatter [tilespmem:s19], [sflag:$0x2], $0x100, $0x38;
	[tilespmem:$0x14300] =	vst v63  }
0x423: {  	_ =	swait.ge [sflag:s23], $0x100  }
0x424: {  	s1 =	sld [smem:$0x7EB]  }
0x425: {  	[sflag:s23] =	ssyncset.done $0x0  }
0x426: {  	s5 =	simm.s32 $0x11A00;
	[sflag:s23] =	ssyncadd.s32 $0xFFFFFF00  }
0x427: {  	[hbm4b:s1+s2] =	stream.linear.scatter [tilespmem:s5], [sflag:$0x2], $0x100, $0x38;
	[tilespmem:$0x14300] =	vst v63  }
0x428: {  	_ =	swait.ge [sflag:s23], $0x100  }
0x429: {  	s6 =	sld [smem:$0x7EC]  }
0x42a: {  	[sflag:s23] =	ssyncset.done $0x0  }
0x42b: {  	[sflag:s23] =	ssyncadd.s32 $0xFFFFFF00  }
0x42c: {  	[hbm4b:s6+s2] =	stream.linear.scatter [tilespmem:s24], [sflag:$0x2], $0x100, $0x38;
	[tilespmem:$0x14300] =	vst v63  }
0x42d: {  	_ =	swait.ge [sflag:s23], $0x100  }
0x42e: {  	s7 =	sld [smem:$0x7ED]  }
0x42f: {  	[sflag:s23] =	ssyncset.done $0x0  }
0x430: {  	s15 =	simm.s32 $0x11B00;
	[sflag:s23] =	ssyncadd.s32 $0xFFFFFF00  }
0x431: {  	[hbm4b:s7+s2] =	stream.linear.scatter [tilespmem:s15], [sflag:$0x2], $0x100, $0x38;
	[tilespmem:$0x14300] =	vst v63  }
0x432: {  	_ =	swait.ge [sflag:s23], $0x100  }
0x433: {  	s16 =	sld [smem:$0x7EE]  }
0x434: {  	[sflag:s23] =	ssyncset.done $0x0  }
0x435: {  	[sflag:s23] =	ssyncadd.s32 $0xFFFFFF00  }
0x436: {  	[hbm4b:s16+s2] =	stream.linear.scatter [tilespmem:s20], [sflag:$0x2], $0x100, $0x38;
	[tilespmem:$0x14300] =	vst v63  }
0x437: {  	_ =	swait.ge [sflag:s23], $0x100  }
0x438: {  	s17 =	sld [smem:$0x7EF]  }
0x439: {  	[sflag:s23] =	ssyncset.done $0x0  }
0x43a: {  	s18 =	simm.s32 $0x11C00;
	[sflag:s23] =	ssyncadd.s32 $0xFFFFFF00  }
0x43b: {  	[hbm4b:s17+s2] =	stream.linear.scatter [tilespmem:s18], [sflag:$0x2], $0x100, $0x38;
	[tilespmem:$0x14300] =	vst v63  }
0x43c: {  	_ =	swait.ge [sflag:s23], $0x100  }
0x43d: {  	s19 =	sld [smem:$0x7F0]  }
0x43e: {  	[sflag:s23] =	ssyncset.done $0x0  }
0x43f: {  	[sflag:s23] =	ssyncadd.s32 $0xFFFFFF00  }
0x440: {  	[hbm4b:s19+s2] =	stream.linear.scatter [tilespmem:s8], [sflag:$0x2], $0x100, $0x38;
	[tilespmem:$0x14300] =	vst v63  }
0x441: {  	_ =	swait.ge [sflag:s23], $0x100  }
0x442: {  	s20 =	sld [smem:$0x7F1]  }
0x443: {  	[sflag:s23] =	ssyncset.done $0x0  }
0x444: {  	s24 =	simm.s32 $0x11D00;
	[sflag:s23] =	ssyncadd.s32 $0xFFFFFF00  }
0x445: {  	[hbm4b:s20+s2] =	stream.linear.scatter [tilespmem:s24], [sflag:$0x2], $0x100, $0x38;
	[tilespmem:$0x14300] =	vst v63  }
0x446: {  	_ =	swait.ge [sflag:s23], $0x100  }
0x447: {  	s5 =	sld [smem:$0x7F2]  }
0x448: {  	[sflag:s23] =	ssyncset.done $0x0  }
0x449: {  	[sflag:s23] =	ssyncadd.s32 $0xFFFFFF00  }
0x44a: {  	[hbm4b:s5+s2] =	stream.linear.scatter [tilespmem:s21], [sflag:$0x2], $0x100, $0x38;
	[tilespmem:$0x14300] =	vst v63  }
0x44b: {  	_ =	swait.ge [sflag:s23], $0x100  }
0x44c: {  	s6 =	sld [smem:$0x7F3]  }
0x44d: {  	[sflag:s23] =	ssyncset.done $0x0  }
0x44e: {  	s7 =	simm.s32 $0x11E00;
	[sflag:s23] =	ssyncadd.s32 $0xFFFFFF00  }
0x44f: {  	[hbm4b:s6+s2] =	stream.linear.scatter [tilespmem:s7], [sflag:$0x2], $0x100, $0x38;
	[tilespmem:$0x14300] =	vst v63  }
0x450: {  	_ =	swait.ge [sflag:s23], $0x100  }
0x451: {  	s8 =	sld [smem:$0x7F4]  }
0x452: {  	[sflag:s23] =	ssyncset.done $0x0  }
0x453: {  	[sflag:s23] =	ssyncadd.s32 $0xFFFFFF00  }
0x454: {  	[hbm4b:s8+s2] =	stream.linear.scatter [tilespmem:s9], [sflag:$0x2], $0x100, $0x38;
	[tilespmem:$0x14300] =	vst v63  }
0x455: {  	_ =	swait.ge [sflag:s23], $0x100  }
0x456: {  	s9 =	sld [smem:$0x7F5]  }
0x457: {  	[sflag:s23] =	ssyncset.done $0x0  }
0x458: {  	s15 =	simm.s32 $0x11F00;
	[sflag:s23] =	ssyncadd.s32 $0xFFFFFF00  }
0x459: {  	[hbm4b:s9+s2] =	stream.linear.scatter [tilespmem:s15], [sflag:$0x2], $0x100, $0x38;
	[tilespmem:$0x14300] =	vst v63  }
0x45a: {  	_ =	swait.ge [sflag:s23], $0x100  }
0x45b: {  	s16 =	sld [smem:$0x7F6]  }
0x45c: {  	[sflag:s23] =	ssyncset.done $0x0  }
0x45d: {  	[sflag:s23] =	ssyncadd.s32 $0xFFFFFF00  }
0x45e: {  	[hbm4b:s16+s2] =	stream.linear.scatter [tilespmem:s22], [sflag:$0x2], $0x100, $0x38;
	[tilespmem:$0x14300] =	vst v63  }
0x45f: {  	_ =	swait.ge [sflag:s23], $0x100  }
0x460: {  	s17 =	sld [smem:$0x7F7]  }
0x461: {  	[sflag:s23] =	ssyncset.done $0x0  }
0x462: {  	[sflag:s23] =	ssyncadd.s32 $0xFFFFFF00  }
0x463: {  	[hbm4b:s17+s2] =	stream.linear.scatter [tilespmem:s10], [sflag:$0x2], $0x100, $0x38;
	[tilespmem:$0x14300] =	vst v63  }
0x464: {  	_ =	swait.ge [sflag:s23], $0x100  }
0x465: {  	s18 =	sld [smem:$0x7F8]  }
0x466: {  	[sflag:s23] =	ssyncset.done $0x0  }
0x467: {  	[sflag:s23] =	ssyncadd.s32 $0xFFFFFF00  }
0x468: {  	[hbm4b:s18+s2] =	stream.linear.scatter [tilespmem:s11], [sflag:$0x2], $0x100, $0x38;
	[tilespmem:$0x14300] =	vst v63  }
0x469: {  	_ =	swait.ge [sflag:s23], $0x100  }
0x46a: {  	s19 =	sld [smem:$0x7F9]  }
0x46b: {  	[sflag:s23] =	ssyncset.done $0x0  }
0x46c: {  	[sflag:s23] =	ssyncadd.s32 $0xFFFFFF00  }
0x46d: {  	[hbm4b:s19+s2] =	stream.linear.scatter [tilespmem:s12], [sflag:$0x2], $0x100, $0x38;
	[tilespmem:$0x14300] =	vst v63  }
0x46e: {  	_ =	swait.ge [sflag:s23], $0x100  }
0x46f: {  	s20 =	sld [smem:$0x7FA]  }
0x470: {  	[sflag:s23] =	ssyncset.done $0x0  }
0x471: {  	[sflag:s23] =	ssyncadd.s32 $0xFFFFFF00  }
0x472: {  	[hbm4b:s20+s2] =	stream.linear.scatter [tilespmem:s30], [sflag:$0x2], $0x100, $0x38;
	[tilespmem:$0x14300] =	vst v63  }
0x473: {  	_ =	swait.ge [sflag:s23], $0x100  }
0x474: {  	s21 =	sld [smem:$0x7FB]  }
0x475: {  	[sflag:s23] =	ssyncset.done $0x0  }
0x476: {  	[sflag:s23] =	ssyncadd.s32 $0xFFFFFF00  }
0x477: {  	[hbm4b:s21+s2] =	stream.linear.scatter [tilespmem:s13], [sflag:$0x2], $0x100, $0x38;
	[tilespmem:$0x14300] =	vst v63  }
0x478: {  	_ =	swait.ge [sflag:s23], $0x100  }
0x479: {  	s22 =	sld [smem:$0x7FC]  }
0x47a: {  	[sflag:s23] =	ssyncset.done $0x0  }
0x47b: {  	[sflag:s23] =	ssyncadd.s32 $0xFFFFFF00  }
0x47c: {  	[hbm4b:s22+s2] =	stream.linear.scatter [tilespmem:s31], [sflag:$0x2], $0x100, $0x38;
	[tilespmem:$0x14300] =	vst v63  }
0x47d: {  	_ =	swait.ge [sflag:s23], $0x100  }
0x47e: {  	s24 =	sld [smem:$0x7FD];
	_ =	sdelay $0x1  }
0x47f: {  	s14 =	sadd.s32 $0x1, s14  }
0x480: {  	p0 =	sne.s32 s14, s24  }
.Ltmp2:
0x481: {  	_ = 	snop;
	(pc) =	sbr.rel @p0 .LBB2_1-.Ltmp2, $3  }
0x482: {  	_ =	sdelay $0x1  }
0x483: {  	[sflag:s23] =	ssyncset.done $0x0  }
0x484: {  	[sflag:s23] =	ssyncadd.s32 $0xFFFFFF00  }
0x485: {  	_ =	sfence.sel $0x180000  }
0x486: {  	[bflag:$0x0] =	sbarrier.arrive $0xFFFF  }
0x487: {  	_ =	strace $0x90000047  }
0x488: {  	s0 =	stileid.u32;
	[bflag:$0x2] =	sbarrier.arrive $0xFFFF  }
0x489: {  	p0 =	sne.s32 s0, $0x0;
	s0 =	rddreg [dreg:$0x2]  }
0x48a: {  	s0 =	sadd.s32 @!p0 $0x100000, s0  }
0x48b: {  	[sflag:s0] =	ssyncadd.tile.s32 @!p0 $0x1;
	_ =	shalt  }
.Lfunc_end2:
_tile_overlayer_lowered:
.L_overlay_start_2:
0x48c: {  	(tag) =	ssettag $0x2  }
0x48d: {  	s0 =	rddreg [dreg:$0x0];
	s2 =	stileid.u32  }
0x48e: {  	s1 =	rddreg [dreg:$0x1];
	p0 =	sne.s32 s2, $0x0  }
0x48f: {  	s3 =	rddreg [dreg:$0x2];
	[bflag:$0x3] =	sbarrier.arrive $0xFFFF;
	s2 =	simm.s32 @!p0 $0x1C02  }
0x490: {  	[timem:s3], [sflag:s2] =	dma.local @!p0 [hbm:s0], s1  }
0x491: {  	s0 =	simm.s32 @!p0 $0x2  }
0x492: {  	_ =	swait.ge @!p0 [sflag:s0], s1  }
0x493: {  	s1 =	ssub.s32 @!p0 $0x0, s1;
	[sflag:s0] =	ssyncset.done @!p0 $0x0  }
0x494: {  	[sflag:s0] =	ssyncadd.s32 @!p0 s1  }
0x495: {  	[bflag:$0x3] =	sbarrier.arrive $0xFFFF  }
0x496: {  	_ =	shalt  }

</sc_bundles>
